<compile_context>
chip_gen: v7x
topology: tpu7x:2x2x1
jax: 0.10.2.dev20260603
libtpu: 0.0.44.dev20260713+nightly
codegen_flags: <defaults>
</compile_context>

<pallas_src>
import functools

import jax
import jax.numpy as jnp
from jax import lax
from jax.experimental import pallas as pl
from jax.experimental.pallas import tpu as pltpu
from jax.experimental.pallas import tpu_sc as plsc

ACT_DIM = 14
IN_CH = 128
HID = 64
HALF = IN_CH // 2
NC = 2
NS = 16
NT = NC * NS
KE = 128
LANES = 16
MAGIC = 74899


def _remap(idx, b):
    q = lax.shift_right_logical(idx * MAGIC, 20)
    return (idx - q * ACT_DIM) * b + q


def _deg_body(b, edge_ref, out_ref, idx_v, hist_v):
    wid = lax.axis_index("c") * NS + lax.axis_index("s")
    pltpu.sync_copy(edge_ref.at[1, wid], idx_v)
    zeros = jnp.zeros((LANES,), jnp.float32)
    n = hist_v.shape[0]

    @pl.loop(0, n // LANES, unroll=8)
    def _zero(i):
        hist_v[pl.ds(i * LANES, LANES)] = zeros

    ones = jnp.ones((LANES,), jnp.float32)

    @pl.loop(0, idx_v.shape[0], unroll=4)
    def _count(j):
        for l in range(KE // LANES):
            idx = _remap(idx_v[j, pl.ds(l * LANES, LANES)], b)
            plsc.addupdate_scatter(hist_v, [idx], ones)

    pltpu.sync_copy(hist_v, out_ref.at[wid])


def _make_deg(n, e, b):
    mesh = plsc.VectorSubcoreMesh(core_axis_name="c", subcore_axis_name="s")
    nchunk = e // (NT * KE)
    return functools.partial(
        pl.kernel,
        mesh=mesh,
        compiler_params=pltpu.CompilerParams(needs_layout_passes=False),
        out_type=jax.ShapeDtypeStruct((NT, n), jnp.float32),
        scratch_types=[
            pltpu.VMEM((nchunk, KE), jnp.int32),
            pltpu.VMEM((n,), jnp.float32),
        ],
    )(functools.partial(_deg_body, b))


def _conv_body(b, y0_ref, y1_ref, edge_ref, out_ref, src_v, dst_v, rows_v,
               agg_sh, gsem0, gsem1, gsem2, gsem3, ssem0, ssem1, ssem2,
               ssem3):
    c = lax.axis_index("c")
    s = lax.axis_index("s")
    wid = c * NS + s
    nchunk = src_v.shape[0]
    pltpu.sync_copy(edge_ref.at[0, wid], src_v)
    pltpu.sync_copy(edge_ref.at[1, wid], dst_v)

    @pl.loop(0, nchunk)
    def _rm(j):
        for v in (src_v, dst_v):
            for l in range(KE // LANES):
                v[j, pl.ds(l * LANES, LANES)] = _remap(
                    v[j, pl.ds(l * LANES, LANES)], b)

    zeros = jnp.zeros((LANES,), jnp.float32)
    stripe = agg_sh.shape[0] // NS
    base = s * stripe
    gsem = (gsem0, gsem1, gsem2, gsem3)
    ssem = (ssem0, ssem1, ssem2, ssem3)

    def gather(table, g, bf):
        return pltpu.make_async_copy(table.at[src_v.at[g]], rows_v.at[bf],
                                     gsem[bf])

    def scatter_start(g, bf):
        pltpu.async_copy(rows_v.at[bf], agg_sh.at[dst_v.at[g]], ssem[bf],
                         add=True)

    def scatter_wait(g, bf):
        pltpu.make_async_copy(rows_v.at[bf], agg_sh.at[dst_v.at[g]],
                              ssem[bf]).wait()

    for h in range(2):
        table = y0_ref if h == 0 else y1_ref

        @pl.loop(0, KE)
        def _z(j):
            for l in range(HALF // LANES):
                rows_v[0, j, pl.ds(l * LANES, LANES)] = zeros

        for j in range(stripe // KE):
            pltpu.sync_copy(rows_v.at[0], agg_sh.at[pl.ds(base + j * KE, KE)])
        plsc.subcore_barrier()

        gather(table, 0, 0).start()
        gather(table, 1, 1).start()

        @pl.loop(0, nchunk, step=4)
        def _main(g4):
            for p in range(4):
                g = g4 + p
                bf, nbf = p, (p + 2) % 4

                @pl.when(g + 2 < nchunk)
                def _():
                    @pl.when(g >= 2)
                    def _():
                        scatter_wait(g - 2, nbf)

                    gather(table, g + 2, nbf).start()

                gather(table, g, bf).wait()
                scatter_start(g, bf)

        scatter_wait(nchunk - 4, 0)
        scatter_wait(nchunk - 3, 1)
        scatter_wait(nchunk - 2, 2)
        scatter_wait(nchunk - 1, 3)
        plsc.subcore_barrier()
        pltpu.sync_copy(agg_sh.at[pl.ds(base, stripe)],
                        out_ref.at[h, c, pl.ds(base, stripe)])


def _make_conv(n, e, b):
    mesh = plsc.VectorSubcoreMesh(core_axis_name="c", subcore_axis_name="s")
    nchunk = e // (NT * KE)
    return functools.partial(
        pl.kernel,
        mesh=mesh,
        compiler_params=pltpu.CompilerParams(needs_layout_passes=False,
                                             use_tc_tiling_on_sc=False),
        out_type=jax.ShapeDtypeStruct((2, NC, n, HALF), jnp.float32),
        scratch_types=[
            pltpu.VMEM((nchunk, KE), jnp.int32),
            pltpu.VMEM((nchunk, KE), jnp.int32),
            pltpu.VMEM((4, KE, HALF), jnp.float32),
            pltpu.VMEM_SHARED((n, HALF), jnp.float32),
            pltpu.SemaphoreType.DMA,
            pltpu.SemaphoreType.DMA,
            pltpu.SemaphoreType.DMA,
            pltpu.SemaphoreType.DMA,
            pltpu.SemaphoreType.DMA,
            pltpu.SemaphoreType.DMA,
            pltpu.SemaphoreType.DMA,
            pltpu.SemaphoreType.DMA,
        ],
    )(functools.partial(_conv_body, b))


def _dot(a, b):
    return lax.dot_general(a, b, (((1,), (0,)), ((), ())),
                           preferred_element_type=jnp.float32)


def _dis(degp_blk):
    ones = jnp.ones((NT, 1), jnp.float32)
    deg = lax.dot_general(degp_blk, ones, (((0,), (0,)), ((), ())),
                          preferred_element_type=jnp.float32) + 1.0
    return lax.rsqrt(deg)


def _norm_body(degp_ref, state_ref, wc_ref, y0_ref, y1_ref):
    y = _dot(state_ref[...], wc_ref[...]) * _dis(degp_ref[...])
    y0_ref[...] = y[:, :HALF]
    y1_ref[...] = y[:, HALF:]


def _d1_body(agg_ref, degp_ref, y0_ref, y1_ref, state_ref, bc_ref, w_ref,
             pq_ref):
    ay = jnp.concatenate(
        [agg_ref[0, 0] + agg_ref[0, 1] + y0_ref[...],
         agg_ref[1, 0] + agg_ref[1, 1] + y1_ref[...]], axis=1)
    x = jnp.maximum(ay * _dis(degp_ref[...]) + bc_ref[...], 0.0) \
        + state_ref[...]
    pq_ref[...] = _dot(x, w_ref[...])


def _lrelu(v):
    return jnp.where(v >= 0, v, 0.01 * v)


def _d2_body(pq_ref, act_ref, w1c_ref, b1_ref, w2_ref, b2_ref, w3_ref,
             b3_ref, out_ref):
    w2 = w2_ref[...]
    b2 = b2_ref[...]
    acc = jnp.zeros((pq_ref.shape[1], HID), jnp.float32)
    for e in range(2 * ACT_DIM):
        sidx = e % ACT_DIM
        didx = (sidx + (1 if e < ACT_DIM else 2)) % ACT_DIM
        h = (pq_ref[sidx][:, :HID] + pq_ref[didx][:, HID:]
             + act_ref[:, e:e + 1] * w1c_ref[...] + b1_ref[...])
        h = _lrelu(_dot(_lrelu(h), w2) + b2)
        acc = acc + h
    out_ref[...] = _dot(acc, w3_ref[...]) + b3_ref[...]


def kernel(state, edge_index, action, Wc, bc, W1, b1, W2, b2, W3, b3):
    n = state.shape[0]
    e = edge_index.shape[1]
    bsz = action.shape[0]
    nchunk = e // (NT * KE)
    edge_r = edge_index.reshape(2, NT, nchunk, KE)

    state_t = state.reshape(bsz, ACT_DIM, IN_CH).transpose(1, 0, 2)
    state_t = state_t.reshape(n, IN_CH)

    deg_p = _make_deg(n, e, bsz)(edge_r)

    nb = 2048
    y0, y1 = pl.pallas_call(
        _norm_body,
        grid=(n // nb,),
        in_specs=[
            pl.BlockSpec((NT, nb), lambda i: (0, i)),
            pl.BlockSpec((nb, IN_CH), lambda i: (i, 0)),
            pl.BlockSpec((IN_CH, IN_CH), lambda i: (0, 0)),
        ],
        out_specs=[
            pl.BlockSpec((nb, HALF), lambda i: (i, 0)),
            pl.BlockSpec((nb, HALF), lambda i: (i, 0)),
        ],
        out_shape=[
            jax.ShapeDtypeStruct((n, HALF), jnp.float32),
            jax.ShapeDtypeStruct((n, HALF), jnp.float32),
        ],
    )(deg_p, state_t, Wc)

    agg0 = _make_conv(n, e, bsz)(y0, y1, edge_r)

    w1ab = jnp.concatenate([W1[:IN_CH], W1[IN_CH:2 * IN_CH]], axis=1)
    pq = pl.pallas_call(
        _d1_body,
        grid=(n // nb,),
        in_specs=[
            pl.BlockSpec((2, NC, nb, HALF), lambda i: (0, 0, i, 0)),
            pl.BlockSpec((NT, nb), lambda i: (0, i)),
            pl.BlockSpec((nb, HALF), lambda i: (i, 0)),
            pl.BlockSpec((nb, HALF), lambda i: (i, 0)),
            pl.BlockSpec((nb, IN_CH), lambda i: (i, 0)),
            pl.BlockSpec((1, IN_CH), lambda i: (0, 0)),
            pl.BlockSpec((IN_CH, 2 * HID), lambda i: (0, 0)),
        ],
        out_specs=pl.BlockSpec((nb, 2 * HID), lambda i: (i, 0)),
        out_shape=jax.ShapeDtypeStruct((n, 2 * HID), jnp.float32),
    )(agg0, deg_p, y0, y1, state_t, bc.reshape(1, IN_CH), w1ab)

    pq_t = pq.reshape(ACT_DIM, bsz, IN_CH)

    bb = 512
    out2 = pl.pallas_call(
        _d2_body,
        grid=(bsz // bb,),
        in_specs=[
            pl.BlockSpec((ACT_DIM, bb, IN_CH), lambda i: (0, i, 0)),
            pl.BlockSpec((bb, 2 * ACT_DIM), lambda i: (i, 0)),
            pl.BlockSpec((1, HID), lambda i: (0, 0)),
            pl.BlockSpec((1, HID), lambda i: (0, 0)),
            pl.BlockSpec((HID, HID), lambda i: (0, 0)),
            pl.BlockSpec((1, HID), lambda i: (0, 0)),
            pl.BlockSpec((HID, 1), lambda i: (0, 0)),
            pl.BlockSpec((1, 1), lambda i: (0, 0)),
        ],
        out_specs=pl.BlockSpec((bb, 1), lambda i: (i, 0)),
        out_shape=jax.ShapeDtypeStruct((bsz, 1), jnp.float32),
    )(pq_t, action, W1[2 * IN_CH].reshape(1, HID), b1.reshape(1, HID),
      W2, b2.reshape(1, HID), W3, b3.reshape(1, 1))

    return out2[:, 0]

# --- scband reference (transcript-rebuilt; emitter-appended) ---
"""Pipeline reference for scband-gnncritic-1752346657364 (READ-ONLY COPY).

The authoritative reference and input builder live on the scoring server;
editing this copy changes nothing except your own understanding.
"""

import jax, jax.numpy as jnp
import numpy as np

ACT_DIM = 14
IN_CH = 128
HID = 64
EDGES = np.array([[i, (i + 1) % ACT_DIM] for i in range(ACT_DIM)] + [[i, (i + 2) % ACT_DIM] for i in range(ACT_DIM)], dtype=np.int32)


def setup_inputs(seed: int = 0) -> dict:
    key = jax.random.key(seed)
    ks = jax.random.split(key, 12)
    N = 14336
    E = 458752
    B = 1024
    NE = EDGES.shape[0]
    state = jax.random.normal(ks[0], (N, IN_CH), dtype=jnp.float32)
    edge_index = jax.random.randint(ks[1], (2, E), 0, N, dtype=jnp.int32)
    action = jax.random.normal(ks[2], (B, NE), dtype=jnp.float32)
    Wc = jax.random.normal(ks[3], (IN_CH, IN_CH), dtype=jnp.float32) * (1.0 / np.sqrt(IN_CH))
    bc = jnp.zeros((IN_CH,), dtype=jnp.float32)
    W1 = jax.random.normal(ks[4], (2 * IN_CH + 1, HID), dtype=jnp.float32) * (1.0 / np.sqrt(2 * IN_CH + 1))
    b1 = jnp.zeros((HID,), dtype=jnp.float32)
    W2 = jax.random.normal(ks[5], (HID, HID), dtype=jnp.float32) * (1.0 / np.sqrt(HID))
    b2 = jnp.zeros((HID,), dtype=jnp.float32)
    W3 = jax.random.normal(ks[6], (HID, 1), dtype=jnp.float32) * (1.0 / np.sqrt(HID))
    b3 = jnp.zeros((1,), dtype=jnp.float32)
    return {"state": state, "edge_index": edge_index, "action": action, "Wc": Wc, "bc": bc, "W1": W1, "b1": b1, "W2": W2, "b2": b2, "W3": W3, "b3": b3}


def _gcn_conv(x, edge_index, Wc, bc):
    N = x.shape[0]
    src = edge_index[0]
    dst = edge_index[1]
    loop = jnp.arange(N, dtype=src.dtype)
    src = jnp.concatenate([src, loop])
    dst = jnp.concatenate([dst, loop])
    xw = x @ Wc
    deg = jnp.zeros((N,), x.dtype).at[dst].add(1.0)
    dis = jnp.where(deg > 0, jax.lax.rsqrt(jnp.maximum(deg, 1e-12)), 0.0)
    norm = dis[src] * dis[dst]
    msgs = jnp.take(xw, src, axis=0) * norm[:, None]
    agg = jax.ops.segment_sum(msgs, dst, num_segments=N)
    return agg + bc


def reference(state, edge_index, action, Wc, bc, W1, b1, W2, b2, W3, b3):
    out = jax.nn.relu(_gcn_conv(state, edge_index, Wc, bc))
    x = out + state
    x = x.reshape(-1, ACT_DIM, IN_CH)
    es = jnp.asarray(EDGES[:, 0])
    ed = jnp.asarray(EDGES[:, 1])
    e_src = jnp.take(x, es, axis=1)
    e_dst = jnp.take(x, ed, axis=1)
    edge_features = jnp.concatenate([e_src, e_dst], axis=2)
    concat = jnp.concatenate([edge_features, action[..., None]], axis=-1)
    h = jax.nn.leaky_relu(concat @ W1 + b1)
    h = jax.nn.leaky_relu(h @ W2 + b2)
    h = jnp.sum(h, axis=1)
    return (h @ W3 + b3).squeeze(-1)

if __name__ == "__main__":
    import jax
    _d = setup_inputs()
    print(jax.jit(kernel)(*tuple(_d.values())))

</pallas_src>

<mosaic_0001>
#map = affine_map<(d0, d1) -> (0, 0, 0, 0)>
#map1 = affine_map<(d0, d1) -> (0, 0)>
module attributes {stable_mosaic.version = 14 : i64} {
  func.func @_deg_body(%arg0: i32, %arg1: i32, %arg2: memref<2x32x112x128xi32, #tpu.memory_space<hbm>>, %arg3: memref<32x14336xf32, #tpu.memory_space<hbm>>, %arg4: memref<112x128xi32, #tpu.memory_space<vmem>>, %arg5: memref<14336xf32, #tpu.memory_space<vmem>>) attributes {dimension_semantics = [#tpu.dimension_semantics<core_parallel>, #tpu.dimension_semantics<subcore_parallel>], iteration_bounds = array<i64: 2, 16>, scalar_prefetch = 0 : i64, scratch_operands = 2 : i64, tpu.core_type = #tpu.core_type<sc_vector_subcore>, window_params = [{transform_indices = #map}, {transform_indices = #map1}]} {
    %mul3A = arith.constant 16 : i32
    %mul3A_0 = arith.muli %arg0, %mul3A : i32
    %add3A = arith.addi %mul3A_0, %arg1 : i32
    %run_scoped3A = arith.constant 1 : i32
    "tpu.region"() ({
      %run_scoped3A_13 = tpu.sem_alloc : memref<!tpu.dma_semaphore, #tpu.memory_space<semaphore_mem>>
      %dma_start3A = arith.constant 0 : i32
      %dma_start3A_14 = arith.constant 0 : i32
      %dma_start3A_15 = tpu.memref_slice %arg2[%run_scoped3A, %add3A, %dma_start3A, %dma_start3A_14] : memref<2x32x112x128xi32, #tpu.memory_space<hbm>> -> memref<1x1x112x128xi32, #tpu.memory_space<hbm>>
      %dma_start3A_16 = tpu.memref_squeeze %dma_start3A_15 : memref<1x1x112x128xi32, #tpu.memory_space<hbm>> -> memref<112x128xi32, #tpu.memory_space<hbm>>
      %dma_start3A_17 = arith.constant 0 : i32
      %dma_start3A_18 = arith.constant 0 : i32
      %dma_start3A_19 = tpu.memref_slice %arg2[%run_scoped3A, %add3A, %dma_start3A_17, %dma_start3A_18] : memref<2x32x112x128xi32, #tpu.memory_space<hbm>> -> memref<1x1x112x128xi32, #tpu.memory_space<hbm>>
      %dma_start3A_20 = tpu.memref_squeeze %dma_start3A_19 : memref<1x1x112x128xi32, #tpu.memory_space<hbm>> -> memref<112x128xi32, #tpu.memory_space<hbm>>
      tpu.enqueue_dma source(%dma_start3A_20 : memref<112x128xi32, #tpu.memory_space<hbm>>) target(%arg4 : memref<112x128xi32, #tpu.memory_space<vmem>>) target_semaphore(%run_scoped3A_13 : memref<!tpu.dma_semaphore, #tpu.memory_space<semaphore_mem>>)
      %dma_wait3A = arith.constant 0 : i32
      %dma_wait3A_21 = arith.constant 0 : i32
      %dma_wait3A_22 = tpu.memref_slice %arg2[%run_scoped3A, %add3A, %dma_wait3A, %dma_wait3A_21] : memref<2x32x112x128xi32, #tpu.memory_space<hbm>> -> memref<1x1x112x128xi32, #tpu.memory_space<hbm>>
      %dma_wait3A_23 = tpu.memref_squeeze %dma_wait3A_22 : memref<1x1x112x128xi32, #tpu.memory_space<hbm>> -> memref<112x128xi32, #tpu.memory_space<hbm>>
      %dma_wait3A_24 = arith.constant 0 : i32
      %dma_wait3A_25 = arith.constant 0 : i32
      %dma_wait3A_26 = tpu.memref_slice %arg2[%run_scoped3A, %add3A, %dma_wait3A_24, %dma_wait3A_25] : memref<2x32x112x128xi32, #tpu.memory_space<hbm>> -> memref<1x1x112x128xi32, #tpu.memory_space<hbm>>
      %dma_wait3A_27 = tpu.memref_squeeze %dma_wait3A_26 : memref<1x1x112x128xi32, #tpu.memory_space<hbm>> -> memref<112x128xi32, #tpu.memory_space<hbm>>
      tpu.wait_dma2 semaphore(%run_scoped3A_13 : memref<!tpu.dma_semaphore, #tpu.memory_space<semaphore_mem>>) src(%dma_wait3A_27 : memref<112x128xi32, #tpu.memory_space<hbm>>) dst(%arg4 : memref<112x128xi32, #tpu.memory_space<vmem>>)
      tpu.yield
    }) : () -> ()
    %broadcast_in_dim3A = arith.constant 0.000000e+00 : f32
    %broadcast_in_dim3A_1 = vector.broadcast %broadcast_in_dim3A : f32 to vector<16xf32>
    %scan3A = arith.constant 0 : i32
    %scan3A_2 = arith.constant 896 : i32
    %scan3A_3 = arith.addi %scan3A, %scan3A_2 : i32
    %scan3A_4 = arith.constant 8 : i32
    scf.for %scan3A_13 = %scan3A to %scan3A_3 step %scan3A_4  : i32 {
      %mul3A_14 = arith.constant 1 : i32
      %mul3A_15 = arith.muli %scan3A_13, %mul3A_14 : i32
      %add3A_16 = arith.constant 0 : i32
      %add3A_17 = arith.addi %add3A_16, %mul3A_15 : i32
      %mul3A_18 = arith.constant 16 : i32
      %mul3A_19 = arith.muli %add3A_17, %mul3A_18 : i32
      %swap3A = arith.index_cast %mul3A_19 : i32 to index
      %swap3A_20 = tpu.vector_load %arg5[%swap3A] {strides = array<i32>} : memref<14336xf32, #tpu.memory_space<vmem>>, vector<16xf32>,
      tpu.vector_store %arg5[%swap3A], %broadcast_in_dim3A_1 {strides = array<i32>} : memref<14336xf32, #tpu.memory_space<vmem>>, vector<16xf32>,
      %scan3A_21 = arith.constant 1 : i32
      %scan3A_22 = arith.addi %scan3A_13, %scan3A_21 : i32
      %mul3A_23 = arith.constant 1 : i32
      %mul3A_24 = arith.muli %scan3A_22, %mul3A_23 : i32
      %add3A_25 = arith.constant 0 : i32
      %add3A_26 = arith.addi %add3A_25, %mul3A_24 : i32
      %mul3A_27 = arith.constant 16 : i32
      %mul3A_28 = arith.muli %add3A_26, %mul3A_27 : i32
      %swap3A_29 = arith.index_cast %mul3A_28 : i32 to index
      %swap3A_30 = tpu.vector_load %arg5[%swap3A_29] {strides = array<i32>} : memref<14336xf32, #tpu.memory_space<vmem>>, vector<16xf32>,
      tpu.vector_store %arg5[%swap3A_29], %broadcast_in_dim3A_1 {strides = array<i32>} : memref<14336xf32, #tpu.memory_space<vmem>>, vector<16xf32>,
      %scan3A_31 = arith.constant 2 : i32
      %scan3A_32 = arith.addi %scan3A_13, %scan3A_31 : i32
      %mul3A_33 = arith.constant 1 : i32
      %mul3A_34 = arith.muli %scan3A_32, %mul3A_33 : i32
      %add3A_35 = arith.constant 0 : i32
      %add3A_36 = arith.addi %add3A_35, %mul3A_34 : i32
      %mul3A_37 = arith.constant 16 : i32
      %mul3A_38 = arith.muli %add3A_36, %mul3A_37 : i32
      %swap3A_39 = arith.index_cast %mul3A_38 : i32 to index
      %swap3A_40 = tpu.vector_load %arg5[%swap3A_39] {strides = array<i32>} : memref<14336xf32, #tpu.memory_space<vmem>>, vector<16xf32>,
      tpu.vector_store %arg5[%swap3A_39], %broadcast_in_dim3A_1 {strides = array<i32>} : memref<14336xf32, #tpu.memory_space<vmem>>, vector<16xf32>,
      %scan3A_41 = arith.constant 3 : i32
      %scan3A_42 = arith.addi %scan3A_13, %scan3A_41 : i32
      %mul3A_43 = arith.constant 1 : i32
      %mul3A_44 = arith.muli %scan3A_42, %mul3A_43 : i32
      %add3A_45 = arith.constant 0 : i32
      %add3A_46 = arith.addi %add3A_45, %mul3A_44 : i32
      %mul3A_47 = arith.constant 16 : i32
      %mul3A_48 = arith.muli %add3A_46, %mul3A_47 : i32
      %swap3A_49 = arith.index_cast %mul3A_48 : i32 to index
      %swap3A_50 = tpu.vector_load %arg5[%swap3A_49] {strides = array<i32>} : memref<14336xf32, #tpu.memory_space<vmem>>, vector<16xf32>,
      tpu.vector_store %arg5[%swap3A_49], %broadcast_in_dim3A_1 {strides = array<i32>} : memref<14336xf32, #tpu.memory_space<vmem>>, vector<16xf32>,
      %scan3A_51 = arith.constant 4 : i32
      %scan3A_52 = arith.addi %scan3A_13, %scan3A_51 : i32
      %mul3A_53 = arith.constant 1 : i32
      %mul3A_54 = arith.muli %scan3A_52, %mul3A_53 : i32
      %add3A_55 = arith.constant 0 : i32
      %add3A_56 = arith.addi %add3A_55, %mul3A_54 : i32
      %mul3A_57 = arith.constant 16 : i32
      %mul3A_58 = arith.muli %add3A_56, %mul3A_57 : i32
      %swap3A_59 = arith.index_cast %mul3A_58 : i32 to index
      %swap3A_60 = tpu.vector_load %arg5[%swap3A_59] {strides = array<i32>} : memref<14336xf32, #tpu.memory_space<vmem>>, vector<16xf32>,
      tpu.vector_store %arg5[%swap3A_59], %broadcast_in_dim3A_1 {strides = array<i32>} : memref<14336xf32, #tpu.memory_space<vmem>>, vector<16xf32>,
      %scan3A_61 = arith.constant 5 : i32
      %scan3A_62 = arith.addi %scan3A_13, %scan3A_61 : i32
      %mul3A_63 = arith.constant 1 : i32
      %mul3A_64 = arith.muli %scan3A_62, %mul3A_63 : i32
      %add3A_65 = arith.constant 0 : i32
      %add3A_66 = arith.addi %add3A_65, %mul3A_64 : i32
      %mul3A_67 = arith.constant 16 : i32
      %mul3A_68 = arith.muli %add3A_66, %mul3A_67 : i32
      %swap3A_69 = arith.index_cast %mul3A_68 : i32 to index
      %swap3A_70 = tpu.vector_load %arg5[%swap3A_69] {strides = array<i32>} : memref<14336xf32, #tpu.memory_space<vmem>>, vector<16xf32>,
      tpu.vector_store %arg5[%swap3A_69], %broadcast_in_dim3A_1 {strides = array<i32>} : memref<14336xf32, #tpu.memory_space<vmem>>, vector<16xf32>,
      %scan3A_71 = arith.constant 6 : i32
      %scan3A_72 = arith.addi %scan3A_13, %scan3A_71 : i32
      %mul3A_73 = arith.constant 1 : i32
      %mul3A_74 = arith.muli %scan3A_72, %mul3A_73 : i32
      %add3A_75 = arith.constant 0 : i32
      %add3A_76 = arith.addi %add3A_75, %mul3A_74 : i32
      %mul3A_77 = arith.constant 16 : i32
      %mul3A_78 = arith.muli %add3A_76, %mul3A_77 : i32
      %swap3A_79 = arith.index_cast %mul3A_78 : i32 to index
      %swap3A_80 = tpu.vector_load %arg5[%swap3A_79] {strides = array<i32>} : memref<14336xf32, #tpu.memory_space<vmem>>, vector<16xf32>,
      tpu.vector_store %arg5[%swap3A_79], %broadcast_in_dim3A_1 {strides = array<i32>} : memref<14336xf32, #tpu.memory_space<vmem>>, vector<16xf32>,
      %scan3A_81 = arith.constant 7 : i32
      %scan3A_82 = arith.addi %scan3A_13, %scan3A_81 : i32
      %mul3A_83 = arith.constant 1 : i32
      %mul3A_84 = arith.muli %scan3A_82, %mul3A_83 : i32
      %add3A_85 = arith.constant 0 : i32
      %add3A_86 = arith.addi %add3A_85, %mul3A_84 : i32
      %mul3A_87 = arith.constant 16 : i32
      %mul3A_88 = arith.muli %add3A_86, %mul3A_87 : i32
      %swap3A_89 = arith.index_cast %mul3A_88 : i32 to index
      %swap3A_90 = tpu.vector_load %arg5[%swap3A_89] {strides = array<i32>} : memref<14336xf32, #tpu.memory_space<vmem>>, vector<16xf32>,
      tpu.vector_store %arg5[%swap3A_89], %broadcast_in_dim3A_1 {strides = array<i32>} : memref<14336xf32, #tpu.memory_space<vmem>>, vector<16xf32>,
    }
    %scan3A_5 = arith.constant 896 : i32
    %broadcast_in_dim3A_6 = arith.constant 1.000000e+00 : f32
    %broadcast_in_dim3A_7 = vector.broadcast %broadcast_in_dim3A_6 : f32 to vector<16xf32>
    %scan3A_8 = arith.constant 0 : i32
    %scan3A_9 = arith.constant 112 : i32
    %scan3A_10 = arith.addi %scan3A_8, %scan3A_9 : i32
    %scan3A_11 = arith.constant 4 : i32
    scf.for %scan3A_13 = %scan3A_8 to %scan3A_10 step %scan3A_11  : i32 {
      %mul3A_14 = arith.constant 1 : i32
      %mul3A_15 = arith.muli %scan3A_13, %mul3A_14 : i32
      %add3A_16 = arith.constant 0 : i32
      %add3A_17 = arith.addi %add3A_16, %mul3A_15 : i32
      %get3A = arith.index_cast %add3A_17 : i32 to index
      %get3A_18 = arith.constant 0 : index
      %get3A_19 = tpu.vector_load %arg4[%get3A, %get3A_18] {strides = array<i32>} : memref<112x128xi32, #tpu.memory_space<vmem>>, vector<16xi32>,
      %mul3A_20 = arith.constant 74899 : i32
      %mul3A_21 = vector.broadcast %mul3A_20 : i32 to vector<16xi32>
      %mul3A_22 = arith.muli %get3A_19, %mul3A_21 : vector<16xi32>
      %shift_right_logical3A = arith.constant 20 : i32
      %shift_right_logical3A_23 = vector.broadcast %shift_right_logical3A : i32 to vector<16xi32>
      %shift_right_logical3A_24 = arith.shrui %mul3A_22, %shift_right_logical3A_23 : vector<16xi32>
      %mul3A_25 = arith.constant 14 : i32
      %mul3A_26 = vector.broadcast %mul3A_25 : i32 to vector<16xi32>
      %mul3A_27 = arith.muli %shift_right_logical3A_24, %mul3A_26 : vector<16xi32>
      %sub3A = arith.subi %get3A_19, %mul3A_27 : vector<16xi32>
      %mul3A_28 = arith.constant 1024 : i32
      %mul3A_29 = vector.broadcast %mul3A_28 : i32 to vector<16xi32>
      %mul3A_30 = arith.muli %sub3A, %mul3A_29 : vector<16xi32>
      %add3A_31 = arith.addi %mul3A_30, %shift_right_logical3A_24 : vector<16xi32>
      tpu.vector_store_idx %arg5[%add3A_31], %broadcast_in_dim3A_7 {add = true} : memref<14336xf32, #tpu.memory_space<vmem>>[vector<16xi32>], vector<16xf32>,
      %get3A_32 = arith.index_cast %add3A_17 : i32 to index
      %get3A_33 = arith.constant 16 : index
      %get3A_34 = tpu.vector_load %arg4[%get3A_32, %get3A_33] {strides = array<i32>} : memref<112x128xi32, #tpu.memory_space<vmem>>, vector<16xi32>,
      %mul3A_35 = arith.constant 74899 : i32
      %mul3A_36 = vector.broadcast %mul3A_35 : i32 to vector<16xi32>
      %mul3A_37 = arith.muli %get3A_34, %mul3A_36 : vector<16xi32>
      %shift_right_logical3A_38 = arith.constant 20 : i32
      %shift_right_logical3A_39 = vector.broadcast %shift_right_logical3A_38 : i32 to vector<16xi32>
      %shift_right_logical3A_40 = arith.shrui %mul3A_37, %shift_right_logical3A_39 : vector<16xi32>
      %mul3A_41 = arith.constant 14 : i32
      %mul3A_42 = vector.broadcast %mul3A_41 : i32 to vector<16xi32>
      %mul3A_43 = arith.muli %shift_right_logical3A_40, %mul3A_42 : vector<16xi32>
      %sub3A_44 = arith.subi %get3A_34, %mul3A_43 : vector<16xi32>
      %mul3A_45 = arith.constant 1024 : i32
      %mul3A_46 = vector.broadcast %mul3A_45 : i32 to vector<16xi32>
      %mul3A_47 = arith.muli %sub3A_44, %mul3A_46 : vector<16xi32>
      %add3A_48 = arith.addi %mul3A_47, %shift_right_logical3A_40 : vector<16xi32>
      tpu.vector_store_idx %arg5[%add3A_48], %broadcast_in_dim3A_7 {add = true} : memref<14336xf32, #tpu.memory_space<vmem>>[vector<16xi32>], vector<16xf32>,
      %get3A_49 = arith.index_cast %add3A_17 : i32 to index
      %get3A_50 = arith.constant 32 : index
      %get3A_51 = tpu.vector_load %arg4[%get3A_49, %get3A_50] {strides = array<i32>} : memref<112x128xi32, #tpu.memory_space<vmem>>, vector<16xi32>,
      %mul3A_52 = arith.constant 74899 : i32
      %mul3A_53 = vector.broadcast %mul3A_52 : i32 to vector<16xi32>
      %mul3A_54 = arith.muli %get3A_51, %mul3A_53 : vector<16xi32>
      %shift_right_logical3A_55 = arith.constant 20 : i32
      %shift_right_logical3A_56 = vector.broadcast %shift_right_logical3A_55 : i32 to vector<16xi32>
      %shift_right_logical3A_57 = arith.shrui %mul3A_54, %shift_right_logical3A_56 : vector<16xi32>
      %mul3A_58 = arith.constant 14 : i32
      %mul3A_59 = vector.broadcast %mul3A_58 : i32 to vector<16xi32>
      %mul3A_60 = arith.muli %shift_right_logical3A_57, %mul3A_59 : vector<16xi32>
      %sub3A_61 = arith.subi %get3A_51, %mul3A_60 : vector<16xi32>
      %mul3A_62 = arith.constant 1024 : i32
      %mul3A_63 = vector.broadcast %mul3A_62 : i32 to vector<16xi32>
      %mul3A_64 = arith.muli %sub3A_61, %mul3A_63 : vector<16xi32>
      %add3A_65 = arith.addi %mul3A_64, %shift_right_logical3A_57 : vector<16xi32>
      tpu.vector_store_idx %arg5[%add3A_65], %broadcast_in_dim3A_7 {add = true} : memref<14336xf32, #tpu.memory_space<vmem>>[vector<16xi32>], vector<16xf32>,
      %get3A_66 = arith.index_cast %add3A_17 : i32 to index
      %get3A_67 = arith.constant 48 : index
      %get3A_68 = tpu.vector_load %arg4[%get3A_66, %get3A_67] {strides = array<i32>} : memref<112x128xi32, #tpu.memory_space<vmem>>, vector<16xi32>,
      %mul3A_69 = arith.constant 74899 : i32
      %mul3A_70 = vector.broadcast %mul3A_69 : i32 to vector<16xi32>
      %mul3A_71 = arith.muli %get3A_68, %mul3A_70 : vector<16xi32>
      %shift_right_logical3A_72 = arith.constant 20 : i32
      %shift_right_logical3A_73 = vector.broadcast %shift_right_logical3A_72 : i32 to vector<16xi32>
      %shift_right_logical3A_74 = arith.shrui %mul3A_71, %shift_right_logical3A_73 : vector<16xi32>
      %mul3A_75 = arith.constant 14 : i32
      %mul3A_76 = vector.broadcast %mul3A_75 : i32 to vector<16xi32>
      %mul3A_77 = arith.muli %shift_right_logical3A_74, %mul3A_76 : vector<16xi32>
      %sub3A_78 = arith.subi %get3A_68, %mul3A_77 : vector<16xi32>
      %mul3A_79 = arith.constant 1024 : i32
      %mul3A_80 = vector.broadcast %mul3A_79 : i32 to vector<16xi32>
      %mul3A_81 = arith.muli %sub3A_78, %mul3A_80 : vector<16xi32>
      %add3A_82 = arith.addi %mul3A_81, %shift_right_logical3A_74 : vector<16xi32>
      tpu.vector_store_idx %arg5[%add3A_82], %broadcast_in_dim3A_7 {add = true} : memref<14336xf32, #tpu.memory_space<vmem>>[vector<16xi32>], vector<16xf32>,
      %get3A_83 = arith.index_cast %add3A_17 : i32 to index
      %get3A_84 = arith.constant 64 : index
      %get3A_85 = tpu.vector_load %arg4[%get3A_83, %get3A_84] {strides = array<i32>} : memref<112x128xi32, #tpu.memory_space<vmem>>, vector<16xi32>,
      %mul3A_86 = arith.constant 74899 : i32
      %mul3A_87 = vector.broadcast %mul3A_86 : i32 to vector<16xi32>
      %mul3A_88 = arith.muli %get3A_85, %mul3A_87 : vector<16xi32>
      %shift_right_logical3A_89 = arith.constant 20 : i32
      %shift_right_logical3A_90 = vector.broadcast %shift_right_logical3A_89 : i32 to vector<16xi32>
      %shift_right_logical3A_91 = arith.shrui %mul3A_88, %shift_right_logical3A_90 : vector<16xi32>
      %mul3A_92 = arith.constant 14 : i32
      %mul3A_93 = vector.broadcast %mul3A_92 : i32 to vector<16xi32>
      %mul3A_94 = arith.muli %shift_right_logical3A_91, %mul3A_93 : vector<16xi32>
      %sub3A_95 = arith.subi %get3A_85, %mul3A_94 : vector<16xi32>
      %mul3A_96 = arith.constant 1024 : i32
      %mul3A_97 = vector.broadcast %mul3A_96 : i32 to vector<16xi32>
      %mul3A_98 = arith.muli %sub3A_95, %mul3A_97 : vector<16xi32>
      %add3A_99 = arith.addi %mul3A_98, %shift_right_logical3A_91 : vector<16xi32>
      tpu.vector_store_idx %arg5[%add3A_99], %broadcast_in_dim3A_7 {add = true} : memref<14336xf32, #tpu.memory_space<vmem>>[vector<16xi32>], vector<16xf32>,
      %get3A_100 = arith.index_cast %add3A_17 : i32 to index
      %get3A_101 = arith.constant 80 : index
      %get3A_102 = tpu.vector_load %arg4[%get3A_100, %get3A_101] {strides = array<i32>} : memref<112x128xi32, #tpu.memory_space<vmem>>, vector<16xi32>,
      %mul3A_103 = arith.constant 74899 : i32
      %mul3A_104 = vector.broadcast %mul3A_103 : i32 to vector<16xi32>
      %mul3A_105 = arith.muli %get3A_102, %mul3A_104 : vector<16xi32>
      %shift_right_logical3A_106 = arith.constant 20 : i32
      %shift_right_logical3A_107 = vector.broadcast %shift_right_logical3A_106 : i32 to vector<16xi32>
      %shift_right_logical3A_108 = arith.shrui %mul3A_105, %shift_right_logical3A_107 : vector<16xi32>
      %mul3A_109 = arith.constant 14 : i32
      %mul3A_110 = vector.broadcast %mul3A_109 : i32 to vector<16xi32>
      %mul3A_111 = arith.muli %shift_right_logical3A_108, %mul3A_110 : vector<16xi32>
      %sub3A_112 = arith.subi %get3A_102, %mul3A_111 : vector<16xi32>
      %mul3A_113 = arith.constant 1024 : i32
      %mul3A_114 = vector.broadcast %mul3A_113 : i32 to vector<16xi32>
      %mul3A_115 = arith.muli %sub3A_112, %mul3A_114 : vector<16xi32>
      %add3A_116 = arith.addi %mul3A_115, %shift_right_logical3A_108 : vector<16xi32>
      tpu.vector_store_idx %arg5[%add3A_116], %broadcast_in_dim3A_7 {add = true} : memref<14336xf32, #tpu.memory_space<vmem>>[vector<16xi32>], vector<16xf32>,
      %get3A_117 = arith.index_cast %add3A_17 : i32 to index
      %get3A_118 = arith.constant 96 : index
      %get3A_119 = tpu.vector_load %arg4[%get3A_117, %get3A_118] {strides = array<i32>} : memref<112x128xi32, #tpu.memory_space<vmem>>, vector<16xi32>,
      %mul3A_120 = arith.constant 74899 : i32
      %mul3A_121 = vector.broadcast %mul3A_120 : i32 to vector<16xi32>
      %mul3A_122 = arith.muli %get3A_119, %mul3A_121 : vector<16xi32>
      %shift_right_logical3A_123 = arith.constant 20 : i32
      %shift_right_logical3A_124 = vector.broadcast %shift_right_logical3A_123 : i32 to vector<16xi32>
      %shift_right_logical3A_125 = arith.shrui %mul3A_122, %shift_right_logical3A_124 : vector<16xi32>
      %mul3A_126 = arith.constant 14 : i32
      %mul3A_127 = vector.broadcast %mul3A_126 : i32 to vector<16xi32>
      %mul3A_128 = arith.muli %shift_right_logical3A_125, %mul3A_127 : vector<16xi32>
      %sub3A_129 = arith.subi %get3A_119, %mul3A_128 : vector<16xi32>
      %mul3A_130 = arith.constant 1024 : i32
      %mul3A_131 = vector.broadcast %mul3A_130 : i32 to vector<16xi32>
      %mul3A_132 = arith.muli %sub3A_129, %mul3A_131 : vector<16xi32>
      %add3A_133 = arith.addi %mul3A_132, %shift_right_logical3A_125 : vector<16xi32>
      tpu.vector_store_idx %arg5[%add3A_133], %broadcast_in_dim3A_7 {add = true} : memref<14336xf32, #tpu.memory_space<vmem>>[vector<16xi32>], vector<16xf32>,
      %get3A_134 = arith.index_cast %add3A_17 : i32 to index
      %get3A_135 = arith.constant 112 : index
      %get3A_136 = tpu.vector_load %arg4[%get3A_134, %get3A_135] {strides = array<i32>} : memref<112x128xi32, #tpu.memory_space<vmem>>, vector<16xi32>,
      %mul3A_137 = arith.constant 74899 : i32
      %mul3A_138 = vector.broadcast %mul3A_137 : i32 to vector<16xi32>
      %mul3A_139 = arith.muli %get3A_136, %mul3A_138 : vector<16xi32>
      %shift_right_logical3A_140 = arith.constant 20 : i32
      %shift_right_logical3A_141 = vector.broadcast %shift_right_logical3A_140 : i32 to vector<16xi32>
      %shift_right_logical3A_142 = arith.shrui %mul3A_139, %shift_right_logical3A_141 : vector<16xi32>
      %mul3A_143 = arith.constant 14 : i32
      %mul3A_144 = vector.broadcast %mul3A_143 : i32 to vector<16xi32>
      %mul3A_145 = arith.muli %shift_right_logical3A_142, %mul3A_144 : vector<16xi32>
      %sub3A_146 = arith.subi %get3A_136, %mul3A_145 : vector<16xi32>
      %mul3A_147 = arith.constant 1024 : i32
      %mul3A_148 = vector.broadcast %mul3A_147 : i32 to vector<16xi32>
      %mul3A_149 = arith.muli %sub3A_146, %mul3A_148 : vector<16xi32>
      %add3A_150 = arith.addi %mul3A_149, %shift_right_logical3A_142 : vector<16xi32>
      tpu.vector_store_idx %arg5[%add3A_150], %broadcast_in_dim3A_7 {add = true} : memref<14336xf32, #tpu.memory_space<vmem>>[vector<16xi32>], vector<16xf32>,
      %scan3A_151 = arith.constant 1 : i32
      %scan3A_152 = arith.addi %scan3A_13, %scan3A_151 : i32
      %mul3A_153 = arith.constant 1 : i32
      %mul3A_154 = arith.muli %scan3A_152, %mul3A_153 : i32
      %add3A_155 = arith.constant 0 : i32
      %add3A_156 = arith.addi %add3A_155, %mul3A_154 : i32
      %get3A_157 = arith.index_cast %add3A_156 : i32 to index
      %get3A_158 = arith.constant 0 : index
      %get3A_159 = tpu.vector_load %arg4[%get3A_157, %get3A_158] {strides = array<i32>} : memref<112x128xi32, #tpu.memory_space<vmem>>, vector<16xi32>,
      %mul3A_160 = arith.constant 74899 : i32
      %mul3A_161 = vector.broadcast %mul3A_160 : i32 to vector<16xi32>
      %mul3A_162 = arith.muli %get3A_159, %mul3A_161 : vector<16xi32>
      %shift_right_logical3A_163 = arith.constant 20 : i32
      %shift_right_logical3A_164 = vector.broadcast %shift_right_logical3A_163 : i32 to vector<16xi32>
      %shift_right_logical3A_165 = arith.shrui %mul3A_162, %shift_right_logical3A_164 : vector<16xi32>
      %mul3A_166 = arith.constant 14 : i32
      %mul3A_167 = vector.broadcast %mul3A_166 : i32 to vector<16xi32>
      %mul3A_168 = arith.muli %shift_right_logical3A_165, %mul3A_167 : vector<16xi32>
      %sub3A_169 = arith.subi %get3A_159, %mul3A_168 : vector<16xi32>
      %mul3A_170 = arith.constant 1024 : i32
      %mul3A_171 = vector.broadcast %mul3A_170 : i32 to vector<16xi32>
      %mul3A_172 = arith.muli %sub3A_169, %mul3A_171 : vector<16xi32>
      %add3A_173 = arith.addi %mul3A_172, %shift_right_logical3A_165 : vector<16xi32>
      tpu.vector_store_idx %arg5[%add3A_173], %broadcast_in_dim3A_7 {add = true} : memref<14336xf32, #tpu.memory_space<vmem>>[vector<16xi32>], vector<16xf32>,
      %get3A_174 = arith.index_cast %add3A_156 : i32 to index
      %get3A_175 = arith.constant 16 : index
      %get3A_176 = tpu.vector_load %arg4[%get3A_174, %get3A_175] {strides = array<i32>} : memref<112x128xi32, #tpu.memory_space<vmem>>, vector<16xi32>,
      %mul3A_177 = arith.constant 74899 : i32
      %mul3A_178 = vector.broadcast %mul3A_177 : i32 to vector<16xi32>
      %mul3A_179 = arith.muli %get3A_176, %mul3A_178 : vector<16xi32>
      %shift_right_logical3A_180 = arith.constant 20 : i32
      %shift_right_logical3A_181 = vector.broadcast %shift_right_logical3A_180 : i32 to vector<16xi32>
      %shift_right_logical3A_182 = arith.shrui %mul3A_179, %shift_right_logical3A_181 : vector<16xi32>
      %mul3A_183 = arith.constant 14 : i32
      %mul3A_184 = vector.broadcast %mul3A_183 : i32 to vector<16xi32>
      %mul3A_185 = arith.muli %shift_right_logical3A_182, %mul3A_184 : vector<16xi32>
      %sub3A_186 = arith.subi %get3A_176, %mul3A_185 : vector<16xi32>
      %mul3A_187 = arith.constant 1024 : i32
      %mul3A_188 = vector.broadcast %mul3A_187 : i32 to vector<16xi32>
      %mul3A_189 = arith.muli %sub3A_186, %mul3A_188 : vector<16xi32>
      %add3A_190 = arith.addi %mul3A_189, %shift_right_logical3A_182 : vector<16xi32>
      tpu.vector_store_idx %arg5[%add3A_190], %broadcast_in_dim3A_7 {add = true} : memref<14336xf32, #tpu.memory_space<vmem>>[vector<16xi32>], vector<16xf32>,
      %get3A_191 = arith.index_cast %add3A_156 : i32 to index
      %get3A_192 = arith.constant 32 : index
      %get3A_193 = tpu.vector_load %arg4[%get3A_191, %get3A_192] {strides = array<i32>} : memref<112x128xi32, #tpu.memory_space<vmem>>, vector<16xi32>,
      %mul3A_194 = arith.constant 74899 : i32
      %mul3A_195 = vector.broadcast %mul3A_194 : i32 to vector<16xi32>
      %mul3A_196 = arith.muli %get3A_193, %mul3A_195 : vector<16xi32>
      %shift_right_logical3A_197 = arith.constant 20 : i32
      %shift_right_logical3A_198 = vector.broadcast %shift_right_logical3A_197 : i32 to vector<16xi32>
      %shift_right_logical3A_199 = arith.shrui %mul3A_196, %shift_right_logical3A_198 : vector<16xi32>
      %mul3A_200 = arith.constant 14 : i32
      %mul3A_201 = vector.broadcast %mul3A_200 : i32 to vector<16xi32>
      %mul3A_202 = arith.muli %shift_right_logical3A_199, %mul3A_201 : vector<16xi32>
      %sub3A_203 = arith.subi %get3A_193, %mul3A_202 : vector<16xi32>
      %mul3A_204 = arith.constant 1024 : i32
      %mul3A_205 = vector.broadcast %mul3A_204 : i32 to vector<16xi32>
      %mul3A_206 = arith.muli %sub3A_203, %mul3A_205 : vector<16xi32>
      %add3A_207 = arith.addi %mul3A_206, %shift_right_logical3A_199 : vector<16xi32>
      tpu.vector_store_idx %arg5[%add3A_207], %broadcast_in_dim3A_7 {add = true} : memref<14336xf32, #tpu.memory_space<vmem>>[vector<16xi32>], vector<16xf32>,
      %get3A_208 = arith.index_cast %add3A_156 : i32 to index
      %get3A_209 = arith.constant 48 : index
      %get3A_210 = tpu.vector_load %arg4[%get3A_208, %get3A_209] {strides = array<i32>} : memref<112x128xi32, #tpu.memory_space<vmem>>, vector<16xi32>,
      %mul3A_211 = arith.constant 74899 : i32
      %mul3A_212 = vector.broadcast %mul3A_211 : i32 to vector<16xi32>
      %mul3A_213 = arith.muli %get3A_210, %mul3A_212 : vector<16xi32>
      %shift_right_logical3A_214 = arith.constant 20 : i32
      %shift_right_logical3A_215 = vector.broadcast %shift_right_logical3A_214 : i32 to vector<16xi32>
      %shift_right_logical3A_216 = arith.shrui %mul3A_213, %shift_right_logical3A_215 : vector<16xi32>
      %mul3A_217 = arith.constant 14 : i32
      %mul3A_218 = vector.broadcast %mul3A_217 : i32 to vector<16xi32>
      %mul3A_219 = arith.muli %shift_right_logical3A_216, %mul3A_218 : vector<16xi32>
      %sub3A_220 = arith.subi %get3A_210, %mul3A_219 : vector<16xi32>
      %mul3A_221 = arith.constant 1024 : i32
      %mul3A_222 = vector.broadcast %mul3A_221 : i32 to vector<16xi32>
      %mul3A_223 = arith.muli %sub3A_220, %mul3A_222 : vector<16xi32>
      %add3A_224 = arith.addi %mul3A_223, %shift_right_logical3A_216 : vector<16xi32>
      tpu.vector_store_idx %arg5[%add3A_224], %broadcast_in_dim3A_7 {add = true} : memref<14336xf32, #tpu.memory_space<vmem>>[vector<16xi32>], vector<16xf32>,
      %get3A_225 = arith.index_cast %add3A_156 : i32 to index
      %get3A_226 = arith.constant 64 : index
      %get3A_227 = tpu.vector_load %arg4[%get3A_225, %get3A_226] {strides = array<i32>} : memref<112x128xi32, #tpu.memory_space<vmem>>, vector<16xi32>,
      %mul3A_228 = arith.constant 74899 : i32
      %mul3A_229 = vector.broadcast %mul3A_228 : i32 to vector<16xi32>
      %mul3A_230 = arith.muli %get3A_227, %mul3A_229 : vector<16xi32>
      %shift_right_logical3A_231 = arith.constant 20 : i32
      %shift_right_logical3A_232 = vector.broadcast %shift_right_logical3A_231 : i32 to vector<16xi32>
      %shift_right_logical3A_233 = arith.shrui %mul3A_230, %shift_right_logical3A_232 : vector<16xi32>
      %mul3A_234 = arith.constant 14 : i32
      %mul3A_235 = vector.broadcast %mul3A_234 : i32 to vector<16xi32>
      %mul3A_236 = arith.muli %shift_right_logical3A_233, %mul3A_235 : vector<16xi32>
      %sub3A_237 = arith.subi %get3A_227, %mul3A_236 : vector<16xi32>
      %mul3A_238 = arith.constant 1024 : i32
      %mul3A_239 = vector.broadcast %mul3A_238 : i32 to vector<16xi32>
      %mul3A_240 = arith.muli %sub3A_237, %mul3A_239 : vector<16xi32>
      %add3A_241 = arith.addi %mul3A_240, %shift_right_logical3A_233 : vector<16xi32>
      tpu.vector_store_idx %arg5[%add3A_241], %broadcast_in_dim3A_7 {add = true} : memref<14336xf32, #tpu.memory_space<vmem>>[vector<16xi32>], vector<16xf32>,
      %get3A_242 = arith.index_cast %add3A_156 : i32 to index
      %get3A_243 = arith.constant 80 : index
      %get3A_244 = tpu.vector_load %arg4[%get3A_242, %get3A_243] {strides = array<i32>} : memref<112x128xi32, #tpu.memory_space<vmem>>, vector<16xi32>,
      %mul3A_245 = arith.constant 74899 : i32
      %mul3A_246 = vector.broadcast %mul3A_245 : i32 to vector<16xi32>
      %mul3A_247 = arith.muli %get3A_244, %mul3A_246 : vector<16xi32>
      %shift_right_logical3A_248 = arith.constant 20 : i32
      %shift_right_logical3A_249 = vector.broadcast %shift_right_logical3A_248 : i32 to vector<16xi32>
      %shift_right_logical3A_250 = arith.shrui %mul3A_247, %shift_right_logical3A_249 : vector<16xi32>
      %mul3A_251 = arith.constant 14 : i32
      %mul3A_252 = vector.broadcast %mul3A_251 : i32 to vector<16xi32>
      %mul3A_253 = arith.muli %shift_right_logical3A_250, %mul3A_252 : vector<16xi32>
      %sub3A_254 = arith.subi %get3A_244, %mul3A_253 : vector<16xi32>
      %mul3A_255 = arith.constant 1024 : i32
      %mul3A_256 = vector.broadcast %mul3A_255 : i32 to vector<16xi32>
      %mul3A_257 = arith.muli %sub3A_254, %mul3A_256 : vector<16xi32>
      %add3A_258 = arith.addi %mul3A_257, %shift_right_logical3A_250 : vector<16xi32>
      tpu.vector_store_idx %arg5[%add3A_258], %broadcast_in_dim3A_7 {add = true} : memref<14336xf32, #tpu.memory_space<vmem>>[vector<16xi32>], vector<16xf32>,
      %get3A_259 = arith.index_cast %add3A_156 : i32 to index
      %get3A_260 = arith.constant 96 : index
      %get3A_261 = tpu.vector_load %arg4[%get3A_259, %get3A_260] {strides = array<i32>} : memref<112x128xi32, #tpu.memory_space<vmem>>, vector<16xi32>,
      %mul3A_262 = arith.constant 74899 : i32
      %mul3A_263 = vector.broadcast %mul3A_262 : i32 to vector<16xi32>
      %mul3A_264 = arith.muli %get3A_261, %mul3A_263 : vector<16xi32>
      %shift_right_logical3A_265 = arith.constant 20 : i32
      %shift_right_logical3A_266 = vector.broadcast %shift_right_logical3A_265 : i32 to vector<16xi32>
      %shift_right_logical3A_267 = arith.shrui %mul3A_264, %shift_right_logical3A_266 : vector<16xi32>
      %mul3A_268 = arith.constant 14 : i32
      %mul3A_269 = vector.broadcast %mul3A_268 : i32 to vector<16xi32>
      %mul3A_270 = arith.muli %shift_right_logical3A_267, %mul3A_269 : vector<16xi32>
      %sub3A_271 = arith.subi %get3A_261, %mul3A_270 : vector<16xi32>
      %mul3A_272 = arith.constant 1024 : i32
      %mul3A_273 = vector.broadcast %mul3A_272 : i32 to vector<16xi32>
      %mul3A_274 = arith.muli %sub3A_271, %mul3A_273 : vector<16xi32>
      %add3A_275 = arith.addi %mul3A_274, %shift_right_logical3A_267 : vector<16xi32>
      tpu.vector_store_idx %arg5[%add3A_275], %broadcast_in_dim3A_7 {add = true} : memref<14336xf32, #tpu.memory_space<vmem>>[vector<16xi32>], vector<16xf32>,
      %get3A_276 = arith.index_cast %add3A_156 : i32 to index
      %get3A_277 = arith.constant 112 : index
      %get3A_278 = tpu.vector_load %arg4[%get3A_276, %get3A_277] {strides = array<i32>} : memref<112x128xi32, #tpu.memory_space<vmem>>, vector<16xi32>,
      %mul3A_279 = arith.constant 74899 : i32
      %mul3A_280 = vector.broadcast %mul3A_279 : i32 to vector<16xi32>
      %mul3A_281 = arith.muli %get3A_278, %mul3A_280 : vector<16xi32>
      %shift_right_logical3A_282 = arith.constant 20 : i32
      %shift_right_logical3A_283 = vector.broadcast %shift_right_logical3A_282 : i32 to vector<16xi32>
      %shift_right_logical3A_284 = arith.shrui %mul3A_281, %shift_right_logical3A_283 : vector<16xi32>
      %mul3A_285 = arith.constant 14 : i32
      %mul3A_286 = vector.broadcast %mul3A_285 : i32 to vector<16xi32>
      %mul3A_287 = arith.muli %shift_right_logical3A_284, %mul3A_286 : vector<16xi32>
      %sub3A_288 = arith.subi %get3A_278, %mul3A_287 : vector<16xi32>
      %mul3A_289 = arith.constant 1024 : i32
      %mul3A_290 = vector.broadcast %mul3A_289 : i32 to vector<16xi32>
      %mul3A_291 = arith.muli %sub3A_288, %mul3A_290 : vector<16xi32>
      %add3A_292 = arith.addi %mul3A_291, %shift_right_logical3A_284 : vector<16xi32>
      tpu.vector_store_idx %arg5[%add3A_292], %broadcast_in_dim3A_7 {add = true} : memref<14336xf32, #tpu.memory_space<vmem>>[vector<16xi32>], vector<16xf32>,
      %scan3A_293 = arith.constant 2 : i32
      %scan3A_294 = arith.addi %scan3A_13, %scan3A_293 : i32
      %mul3A_295 = arith.constant 1 : i32
      %mul3A_296 = arith.muli %scan3A_294, %mul3A_295 : i32
      %add3A_297 = arith.constant 0 : i32
      %add3A_298 = arith.addi %add3A_297, %mul3A_296 : i32
      %get3A_299 = arith.index_cast %add3A_298 : i32 to index
      %get3A_300 = arith.constant 0 : index
      %get3A_301 = tpu.vector_load %arg4[%get3A_299, %get3A_300] {strides = array<i32>} : memref<112x128xi32, #tpu.memory_space<vmem>>, vector<16xi32>,
      %mul3A_302 = arith.constant 74899 : i32
      %mul3A_303 = vector.broadcast %mul3A_302 : i32 to vector<16xi32>
      %mul3A_304 = arith.muli %get3A_301, %mul3A_303 : vector<16xi32>
      %shift_right_logical3A_305 = arith.constant 20 : i32
      %shift_right_logical3A_306 = vector.broadcast %shift_right_logical3A_305 : i32 to vector<16xi32>
      %shift_right_logical3A_307 = arith.shrui %mul3A_304, %shift_right_logical3A_306 : vector<16xi32>
      %mul3A_308 = arith.constant 14 : i32
      %mul3A_309 = vector.broadcast %mul3A_308 : i32 to vector<16xi32>
      %mul3A_310 = arith.muli %shift_right_logical3A_307, %mul3A_309 : vector<16xi32>
      %sub3A_311 = arith.subi %get3A_301, %mul3A_310 : vector<16xi32>
      %mul3A_312 = arith.constant 1024 : i32
      %mul3A_313 = vector.broadcast %mul3A_312 : i32 to vector<16xi32>
      %mul3A_314 = arith.muli %sub3A_311, %mul3A_313 : vector<16xi32>
      %add3A_315 = arith.addi %mul3A_314, %shift_right_logical3A_307 : vector<16xi32>
      tpu.vector_store_idx %arg5[%add3A_315], %broadcast_in_dim3A_7 {add = true} : memref<14336xf32, #tpu.memory_space<vmem>>[vector<16xi32>], vector<16xf32>,
      %get3A_316 = arith.index_cast %add3A_298 : i32 to index
      %get3A_317 = arith.constant 16 : index
      %get3A_318 = tpu.vector_load %arg4[%get3A_316, %get3A_317] {strides = array<i32>} : memref<112x128xi32, #tpu.memory_space<vmem>>, vector<16xi32>,
      %mul3A_319 = arith.constant 74899 : i32
      %mul3A_320 = vector.broadcast %mul3A_319 : i32 to vector<16xi32>
      %mul3A_321 = arith.muli %get3A_318, %mul3A_320 : vector<16xi32>
      %shift_right_logical3A_322 = arith.constant 20 : i32
      %shift_right_logical3A_323 = vector.broadcast %shift_right_logical3A_322 : i32 to vector<16xi32>
      %shift_right_logical3A_324 = arith.shrui %mul3A_321, %shift_right_logical3A_323 : vector<16xi32>
      %mul3A_325 = arith.constant 14 : i32
      %mul3A_326 = vector.broadcast %mul3A_325 : i32 to vector<16xi32>
      %mul3A_327 = arith.muli %shift_right_logical3A_324, %mul3A_326 : vector<16xi32>
      %sub3A_328 = arith.subi %get3A_318, %mul3A_327 : vector<16xi32>
      %mul3A_329 = arith.constant 1024 : i32
      %mul3A_330 = vector.broadcast %mul3A_329 : i32 to vector<16xi32>
      %mul3A_331 = arith.muli %sub3A_328, %mul3A_330 : vector<16xi32>
      %add3A_332 = arith.addi %mul3A_331, %shift_right_logical3A_324 : vector<16xi32>
      tpu.vector_store_idx %arg5[%add3A_332], %broadcast_in_dim3A_7 {add = true} : memref<14336xf32, #tpu.memory_space<vmem>>[vector<16xi32>], vector<16xf32>,
      %get3A_333 = arith.index_cast %add3A_298 : i32 to index
      %get3A_334 = arith.constant 32 : index
      %get3A_335 = tpu.vector_load %arg4[%get3A_333, %get3A_334] {strides = array<i32>} : memref<112x128xi32, #tpu.memory_space<vmem>>, vector<16xi32>,
      %mul3A_336 = arith.constant 74899 : i32
      %mul3A_337 = vector.broadcast %mul3A_336 : i32 to vector<16xi32>
      %mul3A_338 = arith.muli %get3A_335, %mul3A_337 : vector<16xi32>
      %shift_right_logical3A_339 = arith.constant 20 : i32
      %shift_right_logical3A_340 = vector.broadcast %shift_right_logical3A_339 : i32 to vector<16xi32>
      %shift_right_logical3A_341 = arith.shrui %mul3A_338, %shift_right_logical3A_340 : vector<16xi32>
      %mul3A_342 = arith.constant 14 : i32
      %mul3A_343 = vector.broadcast %mul3A_342 : i32 to vector<16xi32>
      %mul3A_344 = arith.muli %shift_right_logical3A_341, %mul3A_343 : vector<16xi32>
      %sub3A_345 = arith.subi %get3A_335, %mul3A_344 : vector<16xi32>
      %mul3A_346 = arith.constant 1024 : i32
      %mul3A_347 = vector.broadcast %mul3A_346 : i32 to vector<16xi32>
      %mul3A_348 = arith.muli %sub3A_345, %mul3A_347 : vector<16xi32>
      %add3A_349 = arith.addi %mul3A_348, %shift_right_logical3A_341 : vector<16xi32>
      tpu.vector_store_idx %arg5[%add3A_349], %broadcast_in_dim3A_7 {add = true} : memref<14336xf32, #tpu.memory_space<vmem>>[vector<16xi32>], vector<16xf32>,
      %get3A_350 = arith.index_cast %add3A_298 : i32 to index
      %get3A_351 = arith.constant 48 : index
      %get3A_352 = tpu.vector_load %arg4[%get3A_350, %get3A_351] {strides = array<i32>} : memref<112x128xi32, #tpu.memory_space<vmem>>, vector<16xi32>,
      %mul3A_353 = arith.constant 74899 : i32
      %mul3A_354 = vector.broadcast %mul3A_353 : i32 to vector<16xi32>
      %mul3A_355 = arith.muli %get3A_352, %mul3A_354 : vector<16xi32>
      %shift_right_logical3A_356 = arith.constant 20 : i32
      %shift_right_logical3A_357 = vector.broadcast %shift_right_logical3A_356 : i32 to vector<16xi32>
      %shift_right_logical3A_358 = arith.shrui %mul3A_355, %shift_right_logical3A_357 : vector<16xi32>
      %mul3A_359 = arith.constant 14 : i32
      %mul3A_360 = vector.broadcast %mul3A_359 : i32 to vector<16xi32>
      %mul3A_361 = arith.muli %shift_right_logical3A_358, %mul3A_360 : vector<16xi32>
      %sub3A_362 = arith.subi %get3A_352, %mul3A_361 : vector<16xi32>
      %mul3A_363 = arith.constant 1024 : i32
      %mul3A_364 = vector.broadcast %mul3A_363 : i32 to vector<16xi32>
      %mul3A_365 = arith.muli %sub3A_362, %mul3A_364 : vector<16xi32>
      %add3A_366 = arith.addi %mul3A_365, %shift_right_logical3A_358 : vector<16xi32>
      tpu.vector_store_idx %arg5[%add3A_366], %broadcast_in_dim3A_7 {add = true} : memref<14336xf32, #tpu.memory_space<vmem>>[vector<16xi32>], vector<16xf32>,
      %get3A_367 = arith.index_cast %add3A_298 : i32 to index
      %get3A_368 = arith.constant 64 : index
      %get3A_369 = tpu.vector_load %arg4[%get3A_367, %get3A_368] {strides = array<i32>} : memref<112x128xi32, #tpu.memory_space<vmem>>, vector<16xi32>,
      %mul3A_370 = arith.constant 74899 : i32
      %mul3A_371 = vector.broadcast %mul3A_370 : i32 to vector<16xi32>
      %mul3A_372 = arith.muli %get3A_369, %mul3A_371 : vector<16xi32>
      %shift_right_logical3A_373 = arith.constant 20 : i32
      %shift_right_logical3A_374 = vector.broadcast %shift_right_logical3A_373 : i32 to vector<16xi32>
      %shift_right_logical3A_375 = arith.shrui %mul3A_372, %shift_right_logical3A_374 : vector<16xi32>
      %mul3A_376 = arith.constant 14 : i32
      %mul3A_377 = vector.broadcast %mul3A_376 : i32 to vector<16xi32>
      %mul3A_378 = arith.muli %shift_right_logical3A_375, %mul3A_377 : vector<16xi32>
      %sub3A_379 = arith.subi %get3A_369, %mul3A_378 : vector<16xi32>
      %mul3A_380 = arith.constant 1024 : i32
      %mul3A_381 = vector.broadcast %mul3A_380 : i32 to vector<16xi32>
      %mul3A_382 = arith.muli %sub3A_379, %mul3A_381 : vector<16xi32>
      %add3A_383 = arith.addi %mul3A_382, %shift_right_logical3A_375 : vector<16xi32>
      tpu.vector_store_idx %arg5[%add3A_383], %broadcast_in_dim3A_7 {add = true} : memref<14336xf32, #tpu.memory_space<vmem>>[vector<16xi32>], vector<16xf32>,
      %get3A_384 = arith.index_cast %add3A_298 : i32 to index
      %get3A_385 = arith.constant 80 : index
      %get3A_386 = tpu.vector_load %arg4[%get3A_384, %get3A_385] {strides = array<i32>} : memref<112x128xi32, #tpu.memory_space<vmem>>, vector<16xi32>,
      %mul3A_387 = arith.constant 74899 : i32
      %mul3A_388 = vector.broadcast %mul3A_387 : i32 to vector<16xi32>
      %mul3A_389 = arith.muli %get3A_386, %mul3A_388 : vector<16xi32>
      %shift_right_logical3A_390 = arith.constant 20 : i32
      %shift_right_logical3A_391 = vector.broadcast %shift_right_logical3A_390 : i32 to vector<16xi32>
      %shift_right_logical3A_392 = arith.shrui %mul3A_389, %shift_right_logical3A_391 : vector<16xi32>
      %mul3A_393 = arith.constant 14 : i32
      %mul3A_394 = vector.broadcast %mul3A_393 : i32 to vector<16xi32>
      %mul3A_395 = arith.muli %shift_right_logical3A_392, %mul3A_394 : vector<16xi32>
      %sub3A_396 = arith.subi %get3A_386, %mul3A_395 : vector<16xi32>
      %mul3A_397 = arith.constant 1024 : i32
      %mul3A_398 = vector.broadcast %mul3A_397 : i32 to vector<16xi32>
      %mul3A_399 = arith.muli %sub3A_396, %mul3A_398 : vector<16xi32>
      %add3A_400 = arith.addi %mul3A_399, %shift_right_logical3A_392 : vector<16xi32>
      tpu.vector_store_idx %arg5[%add3A_400], %broadcast_in_dim3A_7 {add = true} : memref<14336xf32, #tpu.memory_space<vmem>>[vector<16xi32>], vector<16xf32>,
      %get3A_401 = arith.index_cast %add3A_298 : i32 to index
      %get3A_402 = arith.constant 96 : index
      %get3A_403 = tpu.vector_load %arg4[%get3A_401, %get3A_402] {strides = array<i32>} : memref<112x128xi32, #tpu.memory_space<vmem>>, vector<16xi32>,
      %mul3A_404 = arith.constant 74899 : i32
      %mul3A_405 = vector.broadcast %mul3A_404 : i32 to vector<16xi32>
      %mul3A_406 = arith.muli %get3A_403, %mul3A_405 : vector<16xi32>
      %shift_right_logical3A_407 = arith.constant 20 : i32
      %shift_right_logical3A_408 = vector.broadcast %shift_right_logical3A_407 : i32 to vector<16xi32>
      %shift_right_logical3A_409 = arith.shrui %mul3A_406, %shift_right_logical3A_408 : vector<16xi32>
      %mul3A_410 = arith.constant 14 : i32
      %mul3A_411 = vector.broadcast %mul3A_410 : i32 to vector<16xi32>
      %mul3A_412 = arith.muli %shift_right_logical3A_409, %mul3A_411 : vector<16xi32>
      %sub3A_413 = arith.subi %get3A_403, %mul3A_412 : vector<16xi32>
      %mul3A_414 = arith.constant 1024 : i32
      %mul3A_415 = vector.broadcast %mul3A_414 : i32 to vector<16xi32>
      %mul3A_416 = arith.muli %sub3A_413, %mul3A_415 : vector<16xi32>
      %add3A_417 = arith.addi %mul3A_416, %shift_right_logical3A_409 : vector<16xi32>
      tpu.vector_store_idx %arg5[%add3A_417], %broadcast_in_dim3A_7 {add = true} : memref<14336xf32, #tpu.memory_space<vmem>>[vector<16xi32>], vector<16xf32>,
      %get3A_418 = arith.index_cast %add3A_298 : i32 to index
      %get3A_419 = arith.constant 112 : index
      %get3A_420 = tpu.vector_load %arg4[%get3A_418, %get3A_419] {strides = array<i32>} : memref<112x128xi32, #tpu.memory_space<vmem>>, vector<16xi32>,
      %mul3A_421 = arith.constant 74899 : i32
      %mul3A_422 = vector.broadcast %mul3A_421 : i32 to vector<16xi32>
      %mul3A_423 = arith.muli %get3A_420, %mul3A_422 : vector<16xi32>
      %shift_right_logical3A_424 = arith.constant 20 : i32
      %shift_right_logical3A_425 = vector.broadcast %shift_right_logical3A_424 : i32 to vector<16xi32>
      %shift_right_logical3A_426 = arith.shrui %mul3A_423, %shift_right_logical3A_425 : vector<16xi32>
      %mul3A_427 = arith.constant 14 : i32
      %mul3A_428 = vector.broadcast %mul3A_427 : i32 to vector<16xi32>
      %mul3A_429 = arith.muli %shift_right_logical3A_426, %mul3A_428 : vector<16xi32>
      %sub3A_430 = arith.subi %get3A_420, %mul3A_429 : vector<16xi32>
      %mul3A_431 = arith.constant 1024 : i32
      %mul3A_432 = vector.broadcast %mul3A_431 : i32 to vector<16xi32>
      %mul3A_433 = arith.muli %sub3A_430, %mul3A_432 : vector<16xi32>
      %add3A_434 = arith.addi %mul3A_433, %shift_right_logical3A_426 : vector<16xi32>
      tpu.vector_store_idx %arg5[%add3A_434], %broadcast_in_dim3A_7 {add = true} : memref<14336xf32, #tpu.memory_space<vmem>>[vector<16xi32>], vector<16xf32>,
      %scan3A_435 = arith.constant 3 : i32
      %scan3A_436 = arith.addi %scan3A_13, %scan3A_435 : i32
      %mul3A_437 = arith.constant 1 : i32
      %mul3A_438 = arith.muli %scan3A_436, %mul3A_437 : i32
      %add3A_439 = arith.constant 0 : i32
      %add3A_440 = arith.addi %add3A_439, %mul3A_438 : i32
      %get3A_441 = arith.index_cast %add3A_440 : i32 to index
      %get3A_442 = arith.constant 0 : index
      %get3A_443 = tpu.vector_load %arg4[%get3A_441, %get3A_442] {strides = array<i32>} : memref<112x128xi32, #tpu.memory_space<vmem>>, vector<16xi32>,
      %mul3A_444 = arith.constant 74899 : i32
      %mul3A_445 = vector.broadcast %mul3A_444 : i32 to vector<16xi32>
      %mul3A_446 = arith.muli %get3A_443, %mul3A_445 : vector<16xi32>
      %shift_right_logical3A_447 = arith.constant 20 : i32
      %shift_right_logical3A_448 = vector.broadcast %shift_right_logical3A_447 : i32 to vector<16xi32>
      %shift_right_logical3A_449 = arith.shrui %mul3A_446, %shift_right_logical3A_448 : vector<16xi32>
      %mul3A_450 = arith.constant 14 : i32
      %mul3A_451 = vector.broadcast %mul3A_450 : i32 to vector<16xi32>
      %mul3A_452 = arith.muli %shift_right_logical3A_449, %mul3A_451 : vector<16xi32>
      %sub3A_453 = arith.subi %get3A_443, %mul3A_452 : vector<16xi32>
      %mul3A_454 = arith.constant 1024 : i32
      %mul3A_455 = vector.broadcast %mul3A_454 : i32 to vector<16xi32>
      %mul3A_456 = arith.muli %sub3A_453, %mul3A_455 : vector<16xi32>
      %add3A_457 = arith.addi %mul3A_456, %shift_right_logical3A_449 : vector<16xi32>
      tpu.vector_store_idx %arg5[%add3A_457], %broadcast_in_dim3A_7 {add = true} : memref<14336xf32, #tpu.memory_space<vmem>>[vector<16xi32>], vector<16xf32>,
      %get3A_458 = arith.index_cast %add3A_440 : i32 to index
      %get3A_459 = arith.constant 16 : index
      %get3A_460 = tpu.vector_load %arg4[%get3A_458, %get3A_459] {strides = array<i32>} : memref<112x128xi32, #tpu.memory_space<vmem>>, vector<16xi32>,
      %mul3A_461 = arith.constant 74899 : i32
      %mul3A_462 = vector.broadcast %mul3A_461 : i32 to vector<16xi32>
      %mul3A_463 = arith.muli %get3A_460, %mul3A_462 : vector<16xi32>
      %shift_right_logical3A_464 = arith.constant 20 : i32
      %shift_right_logical3A_465 = vector.broadcast %shift_right_logical3A_464 : i32 to vector<16xi32>
      %shift_right_logical3A_466 = arith.shrui %mul3A_463, %shift_right_logical3A_465 : vector<16xi32>
      %mul3A_467 = arith.constant 14 : i32
      %mul3A_468 = vector.broadcast %mul3A_467 : i32 to vector<16xi32>
      %mul3A_469 = arith.muli %shift_right_logical3A_466, %mul3A_468 : vector<16xi32>
      %sub3A_470 = arith.subi %get3A_460, %mul3A_469 : vector<16xi32>
      %mul3A_471 = arith.constant 1024 : i32
      %mul3A_472 = vector.broadcast %mul3A_471 : i32 to vector<16xi32>
      %mul3A_473 = arith.muli %sub3A_470, %mul3A_472 : vector<16xi32>
      %add3A_474 = arith.addi %mul3A_473, %shift_right_logical3A_466 : vector<16xi32>
      tpu.vector_store_idx %arg5[%add3A_474], %broadcast_in_dim3A_7 {add = true} : memref<14336xf32, #tpu.memory_space<vmem>>[vector<16xi32>], vector<16xf32>,
      %get3A_475 = arith.index_cast %add3A_440 : i32 to index
      %get3A_476 = arith.constant 32 : index
      %get3A_477 = tpu.vector_load %arg4[%get3A_475, %get3A_476] {strides = array<i32>} : memref<112x128xi32, #tpu.memory_space<vmem>>, vector<16xi32>,
      %mul3A_478 = arith.constant 74899 : i32
      %mul3A_479 = vector.broadcast %mul3A_478 : i32 to vector<16xi32>
      %mul3A_480 = arith.muli %get3A_477, %mul3A_479 : vector<16xi32>
      %shift_right_logical3A_481 = arith.constant 20 : i32
      %shift_right_logical3A_482 = vector.broadcast %shift_right_logical3A_481 : i32 to vector<16xi32>
      %shift_right_logical3A_483 = arith.shrui %mul3A_480, %shift_right_logical3A_482 : vector<16xi32>
      %mul3A_484 = arith.constant 14 : i32
      %mul3A_485 = vector.broadcast %mul3A_484 : i32 to vector<16xi32>
      %mul3A_486 = arith.muli %shift_right_logical3A_483, %mul3A_485 : vector<16xi32>
      %sub3A_487 = arith.subi %get3A_477, %mul3A_486 : vector<16xi32>
      %mul3A_488 = arith.constant 1024 : i32
      %mul3A_489 = vector.broadcast %mul3A_488 : i32 to vector<16xi32>
      %mul3A_490 = arith.muli %sub3A_487, %mul3A_489 : vector<16xi32>
      %add3A_491 = arith.addi %mul3A_490, %shift_right_logical3A_483 : vector<16xi32>
      tpu.vector_store_idx %arg5[%add3A_491], %broadcast_in_dim3A_7 {add = true} : memref<14336xf32, #tpu.memory_space<vmem>>[vector<16xi32>], vector<16xf32>,
      %get3A_492 = arith.index_cast %add3A_440 : i32 to index
      %get3A_493 = arith.constant 48 : index
      %get3A_494 = tpu.vector_load %arg4[%get3A_492, %get3A_493] {strides = array<i32>} : memref<112x128xi32, #tpu.memory_space<vmem>>, vector<16xi32>,
      %mul3A_495 = arith.constant 74899 : i32
      %mul3A_496 = vector.broadcast %mul3A_495 : i32 to vector<16xi32>
      %mul3A_497 = arith.muli %get3A_494, %mul3A_496 : vector<16xi32>
      %shift_right_logical3A_498 = arith.constant 20 : i32
      %shift_right_logical3A_499 = vector.broadcast %shift_right_logical3A_498 : i32 to vector<16xi32>
      %shift_right_logical3A_500 = arith.shrui %mul3A_497, %shift_right_logical3A_499 : vector<16xi32>
      %mul3A_501 = arith.constant 14 : i32
      %mul3A_502 = vector.broadcast %mul3A_501 : i32 to vector<16xi32>
      %mul3A_503 = arith.muli %shift_right_logical3A_500, %mul3A_502 : vector<16xi32>
      %sub3A_504 = arith.subi %get3A_494, %mul3A_503 : vector<16xi32>
      %mul3A_505 = arith.constant 1024 : i32
      %mul3A_506 = vector.broadcast %mul3A_505 : i32 to vector<16xi32>
      %mul3A_507 = arith.muli %sub3A_504, %mul3A_506 : vector<16xi32>
      %add3A_508 = arith.addi %mul3A_507, %shift_right_logical3A_500 : vector<16xi32>
      tpu.vector_store_idx %arg5[%add3A_508], %broadcast_in_dim3A_7 {add = true} : memref<14336xf32, #tpu.memory_space<vmem>>[vector<16xi32>], vector<16xf32>,
      %get3A_509 = arith.index_cast %add3A_440 : i32 to index
      %get3A_510 = arith.constant 64 : index
      %get3A_511 = tpu.vector_load %arg4[%get3A_509, %get3A_510] {strides = array<i32>} : memref<112x128xi32, #tpu.memory_space<vmem>>, vector<16xi32>,
      %mul3A_512 = arith.constant 74899 : i32
      %mul3A_513 = vector.broadcast %mul3A_512 : i32 to vector<16xi32>
      %mul3A_514 = arith.muli %get3A_511, %mul3A_513 : vector<16xi32>
      %shift_right_logical3A_515 = arith.constant 20 : i32
      %shift_right_logical3A_516 = vector.broadcast %shift_right_logical3A_515 : i32 to vector<16xi32>
      %shift_right_logical3A_517 = arith.shrui %mul3A_514, %shift_right_logical3A_516 : vector<16xi32>
      %mul3A_518 = arith.constant 14 : i32
      %mul3A_519 = vector.broadcast %mul3A_518 : i32 to vector<16xi32>
      %mul3A_520 = arith.muli %shift_right_logical3A_517, %mul3A_519 : vector<16xi32>
      %sub3A_521 = arith.subi %get3A_511, %mul3A_520 : vector<16xi32>
      %mul3A_522 = arith.constant 1024 : i32
      %mul3A_523 = vector.broadcast %mul3A_522 : i32 to vector<16xi32>
      %mul3A_524 = arith.muli %sub3A_521, %mul3A_523 : vector<16xi32>
      %add3A_525 = arith.addi %mul3A_524, %shift_right_logical3A_517 : vector<16xi32>
      tpu.vector_store_idx %arg5[%add3A_525], %broadcast_in_dim3A_7 {add = true} : memref<14336xf32, #tpu.memory_space<vmem>>[vector<16xi32>], vector<16xf32>,
      %get3A_526 = arith.index_cast %add3A_440 : i32 to index
      %get3A_527 = arith.constant 80 : index
      %get3A_528 = tpu.vector_load %arg4[%get3A_526, %get3A_527] {strides = array<i32>} : memref<112x128xi32, #tpu.memory_space<vmem>>, vector<16xi32>,
      %mul3A_529 = arith.constant 74899 : i32
      %mul3A_530 = vector.broadcast %mul3A_529 : i32 to vector<16xi32>
      %mul3A_531 = arith.muli %get3A_528, %mul3A_530 : vector<16xi32>
      %shift_right_logical3A_532 = arith.constant 20 : i32
      %shift_right_logical3A_533 = vector.broadcast %shift_right_logical3A_532 : i32 to vector<16xi32>
      %shift_right_logical3A_534 = arith.shrui %mul3A_531, %shift_right_logical3A_533 : vector<16xi32>
      %mul3A_535 = arith.constant 14 : i32
      %mul3A_536 = vector.broadcast %mul3A_535 : i32 to vector<16xi32>
      %mul3A_537 = arith.muli %shift_right_logical3A_534, %mul3A_536 : vector<16xi32>
      %sub3A_538 = arith.subi %get3A_528, %mul3A_537 : vector<16xi32>
      %mul3A_539 = arith.constant 1024 : i32
      %mul3A_540 = vector.broadcast %mul3A_539 : i32 to vector<16xi32>
      %mul3A_541 = arith.muli %sub3A_538, %mul3A_540 : vector<16xi32>
      %add3A_542 = arith.addi %mul3A_541, %shift_right_logical3A_534 : vector<16xi32>
      tpu.vector_store_idx %arg5[%add3A_542], %broadcast_in_dim3A_7 {add = true} : memref<14336xf32, #tpu.memory_space<vmem>>[vector<16xi32>], vector<16xf32>,
      %get3A_543 = arith.index_cast %add3A_440 : i32 to index
      %get3A_544 = arith.constant 96 : index
      %get3A_545 = tpu.vector_load %arg4[%get3A_543, %get3A_544] {strides = array<i32>} : memref<112x128xi32, #tpu.memory_space<vmem>>, vector<16xi32>,
      %mul3A_546 = arith.constant 74899 : i32
      %mul3A_547 = vector.broadcast %mul3A_546 : i32 to vector<16xi32>
      %mul3A_548 = arith.muli %get3A_545, %mul3A_547 : vector<16xi32>
      %shift_right_logical3A_549 = arith.constant 20 : i32
      %shift_right_logical3A_550 = vector.broadcast %shift_right_logical3A_549 : i32 to vector<16xi32>
      %shift_right_logical3A_551 = arith.shrui %mul3A_548, %shift_right_logical3A_550 : vector<16xi32>
      %mul3A_552 = arith.constant 14 : i32
      %mul3A_553 = vector.broadcast %mul3A_552 : i32 to vector<16xi32>
      %mul3A_554 = arith.muli %shift_right_logical3A_551, %mul3A_553 : vector<16xi32>
      %sub3A_555 = arith.subi %get3A_545, %mul3A_554 : vector<16xi32>
      %mul3A_556 = arith.constant 1024 : i32
      %mul3A_557 = vector.broadcast %mul3A_556 : i32 to vector<16xi32>
      %mul3A_558 = arith.muli %sub3A_555, %mul3A_557 : vector<16xi32>
      %add3A_559 = arith.addi %mul3A_558, %shift_right_logical3A_551 : vector<16xi32>
      tpu.vector_store_idx %arg5[%add3A_559], %broadcast_in_dim3A_7 {add = true} : memref<14336xf32, #tpu.memory_space<vmem>>[vector<16xi32>], vector<16xf32>,
      %get3A_560 = arith.index_cast %add3A_440 : i32 to index
      %get3A_561 = arith.constant 112 : index
      %get3A_562 = tpu.vector_load %arg4[%get3A_560, %get3A_561] {strides = array<i32>} : memref<112x128xi32, #tpu.memory_space<vmem>>, vector<16xi32>,
      %mul3A_563 = arith.constant 74899 : i32
      %mul3A_564 = vector.broadcast %mul3A_563 : i32 to vector<16xi32>
      %mul3A_565 = arith.muli %get3A_562, %mul3A_564 : vector<16xi32>
      %shift_right_logical3A_566 = arith.constant 20 : i32
      %shift_right_logical3A_567 = vector.broadcast %shift_right_logical3A_566 : i32 to vector<16xi32>
      %shift_right_logical3A_568 = arith.shrui %mul3A_565, %shift_right_logical3A_567 : vector<16xi32>
      %mul3A_569 = arith.constant 14 : i32
      %mul3A_570 = vector.broadcast %mul3A_569 : i32 to vector<16xi32>
      %mul3A_571 = arith.muli %shift_right_logical3A_568, %mul3A_570 : vector<16xi32>
      %sub3A_572 = arith.subi %get3A_562, %mul3A_571 : vector<16xi32>
      %mul3A_573 = arith.constant 1024 : i32
      %mul3A_574 = vector.broadcast %mul3A_573 : i32 to vector<16xi32>
      %mul3A_575 = arith.muli %sub3A_572, %mul3A_574 : vector<16xi32>
      %add3A_576 = arith.addi %mul3A_575, %shift_right_logical3A_568 : vector<16xi32>
      tpu.vector_store_idx %arg5[%add3A_576], %broadcast_in_dim3A_7 {add = true} : memref<14336xf32, #tpu.memory_space<vmem>>[vector<16xi32>], vector<16xf32>,
    }
    %scan3A_12 = arith.constant 112 : i32
    "tpu.region"() ({
      %run_scoped3A_13 = tpu.sem_alloc : memref<!tpu.dma_semaphore, #tpu.memory_space<semaphore_mem>>
      %dma_start3A = arith.constant 0 : i32
      %dma_start3A_14 = tpu.memref_slice %arg3[%add3A, %dma_start3A] : memref<32x14336xf32, #tpu.memory_space<hbm>> -> memref<1x14336xf32, #tpu.memory_space<hbm>>
      %dma_start3A_15 = tpu.memref_squeeze %dma_start3A_14 : memref<1x14336xf32, #tpu.memory_space<hbm>> -> memref<14336xf32, #tpu.memory_space<hbm>>
      %dma_start3A_16 = arith.constant 0 : i32
      %dma_start3A_17 = tpu.memref_slice %arg3[%add3A, %dma_start3A_16] : memref<32x14336xf32, #tpu.memory_space<hbm>> -> memref<1x14336xf32, #tpu.memory_space<hbm>>
      %dma_start3A_18 = tpu.memref_squeeze %dma_start3A_17 : memref<1x14336xf32, #tpu.memory_space<hbm>> -> memref<14336xf32, #tpu.memory_space<hbm>>
      tpu.enqueue_dma source(%arg5 : memref<14336xf32, #tpu.memory_space<vmem>>) target(%dma_start3A_18 : memref<14336xf32, #tpu.memory_space<hbm>>) target_semaphore(%run_scoped3A_13 : memref<!tpu.dma_semaphore, #tpu.memory_space<semaphore_mem>>)
      %dma_wait3A = arith.constant 0 : i32
      %dma_wait3A_19 = tpu.memref_slice %arg3[%add3A, %dma_wait3A] : memref<32x14336xf32, #tpu.memory_space<hbm>> -> memref<1x14336xf32, #tpu.memory_space<hbm>>
      %dma_wait3A_20 = tpu.memref_squeeze %dma_wait3A_19 : memref<1x14336xf32, #tpu.memory_space<hbm>> -> memref<14336xf32, #tpu.memory_space<hbm>>
      %dma_wait3A_21 = arith.constant 0 : i32
      %dma_wait3A_22 = tpu.memref_slice %arg3[%add3A, %dma_wait3A_21] : memref<32x14336xf32, #tpu.memory_space<hbm>> -> memref<1x14336xf32, #tpu.memory_space<hbm>>
      %dma_wait3A_23 = tpu.memref_squeeze %dma_wait3A_22 : memref<1x14336xf32, #tpu.memory_space<hbm>> -> memref<14336xf32, #tpu.memory_space<hbm>>
      tpu.wait_dma2 semaphore(%run_scoped3A_13 : memref<!tpu.dma_semaphore, #tpu.memory_space<semaphore_mem>>) src(%arg5 : memref<14336xf32, #tpu.memory_space<vmem>>) dst(%dma_wait3A_23 : memref<14336xf32, #tpu.memory_space<hbm>>)
      tpu.yield
    }) : () -> ()
    return
  }
}

#map = affine_map<(d0, d1) -> (0, 0)>
#map1 = affine_map<(d0, d1) -> (0, 0, 0, 0)>
module attributes {stable_mosaic.version = 14 : i64} {
  func.func @_conv_body(%arg0: i32, %arg1: i32, %arg2: memref<14336x64xf32, #tpu.memory_space<hbm>>, %arg3: memref<14336x64xf32, #tpu.memory_space<hbm>>, %arg4: memref<2x32x112x128xi32, #tpu.memory_space<hbm>>, %arg5: memref<2x2x14336x64xf32, #tpu.memory_space<hbm>>, %arg6: memref<112x128xi32, #tpu.memory_space<vmem>>, %arg7: memref<112x128xi32, #tpu.memory_space<vmem>>, %arg8: memref<4x128x64xf32, #tpu.memory_space<vmem>>, %arg9: memref<14336x64xf32, #tpu.memory_space<vmem_shared>>, %arg10: memref<!tpu.dma_semaphore, #tpu.memory_space<semaphore_mem>>, %arg11: memref<!tpu.dma_semaphore, #tpu.memory_space<semaphore_mem>>, %arg12: memref<!tpu.dma_semaphore, #tpu.memory_space<semaphore_mem>>, %arg13: memref<!tpu.dma_semaphore, #tpu.memory_space<semaphore_mem>>, %arg14: memref<!tpu.dma_semaphore, #tpu.memory_space<semaphore_mem>>, %arg15: memref<!tpu.dma_semaphore, #tpu.memory_space<semaphore_mem>>, %arg16: memref<!tpu.dma_semaphore, #tpu.memory_space<semaphore_mem>>, %arg17: memref<!tpu.dma_semaphore, #tpu.memory_space<semaphore_mem>>) attributes {dimension_semantics = [#tpu.dimension_semantics<core_parallel>, #tpu.dimension_semantics<subcore_parallel>], iteration_bounds = array<i64: 2, 16>, scalar_prefetch = 0 : i64, scratch_operands = 12 : i64, tpu.core_type = #tpu.core_type<sc_vector_subcore>, window_params = [{transform_indices = #map}, {transform_indices = #map}, {transform_indices = #map1}, {transform_indices = #map1}]} {
    %mul3A = arith.constant 16 : i32
    %mul3A_0 = arith.muli %arg0, %mul3A : i32
    %add3A = arith.addi %mul3A_0, %arg1 : i32
    %run_scoped3A = arith.constant 0 : i32
    "tpu.region"() ({
      %run_scoped3A_218 = tpu.sem_alloc : memref<!tpu.dma_semaphore, #tpu.memory_space<semaphore_mem>>
      %dma_start3A_219 = arith.constant 0 : i32
      %dma_start3A_220 = arith.constant 0 : i32
      %dma_start3A_221 = tpu.memref_slice %arg4[%run_scoped3A, %add3A, %dma_start3A_219, %dma_start3A_220] : memref<2x32x112x128xi32, #tpu.memory_space<hbm>> -> memref<1x1x112x128xi32, #tpu.memory_space<hbm>>
      %dma_start3A_222 = tpu.memref_squeeze %dma_start3A_221 : memref<1x1x112x128xi32, #tpu.memory_space<hbm>> -> memref<112x128xi32, #tpu.memory_space<hbm>>
      %dma_start3A_223 = arith.constant 0 : i32
      %dma_start3A_224 = arith.constant 0 : i32
      %dma_start3A_225 = tpu.memref_slice %arg4[%run_scoped3A, %add3A, %dma_start3A_223, %dma_start3A_224] : memref<2x32x112x128xi32, #tpu.memory_space<hbm>> -> memref<1x1x112x128xi32, #tpu.memory_space<hbm>>
      %dma_start3A_226 = tpu.memref_squeeze %dma_start3A_225 : memref<1x1x112x128xi32, #tpu.memory_space<hbm>> -> memref<112x128xi32, #tpu.memory_space<hbm>>
      tpu.enqueue_dma source(%dma_start3A_226 : memref<112x128xi32, #tpu.memory_space<hbm>>) target(%arg6 : memref<112x128xi32, #tpu.memory_space<vmem>>) target_semaphore(%run_scoped3A_218 : memref<!tpu.dma_semaphore, #tpu.memory_space<semaphore_mem>>)
      %dma_wait3A_227 = arith.constant 0 : i32
      %dma_wait3A_228 = arith.constant 0 : i32
      %dma_wait3A_229 = tpu.memref_slice %arg4[%run_scoped3A, %add3A, %dma_wait3A_227, %dma_wait3A_228] : memref<2x32x112x128xi32, #tpu.memory_space<hbm>> -> memref<1x1x112x128xi32, #tpu.memory_space<hbm>>
      %dma_wait3A_230 = tpu.memref_squeeze %dma_wait3A_229 : memref<1x1x112x128xi32, #tpu.memory_space<hbm>> -> memref<112x128xi32, #tpu.memory_space<hbm>>
      %dma_wait3A_231 = arith.constant 0 : i32
      %dma_wait3A_232 = arith.constant 0 : i32
      %dma_wait3A_233 = tpu.memref_slice %arg4[%run_scoped3A, %add3A, %dma_wait3A_231, %dma_wait3A_232] : memref<2x32x112x128xi32, #tpu.memory_space<hbm>> -> memref<1x1x112x128xi32, #tpu.memory_space<hbm>>
      %dma_wait3A_234 = tpu.memref_squeeze %dma_wait3A_233 : memref<1x1x112x128xi32, #tpu.memory_space<hbm>> -> memref<112x128xi32, #tpu.memory_space<hbm>>
      tpu.wait_dma2 semaphore(%run_scoped3A_218 : memref<!tpu.dma_semaphore, #tpu.memory_space<semaphore_mem>>) src(%dma_wait3A_234 : memref<112x128xi32, #tpu.memory_space<hbm>>) dst(%arg6 : memref<112x128xi32, #tpu.memory_space<vmem>>)
      tpu.yield
    }) : () -> ()
    %run_scoped3A_1 = arith.constant 1 : i32
    "tpu.region"() ({
      %run_scoped3A_218 = tpu.sem_alloc : memref<!tpu.dma_semaphore, #tpu.memory_space<semaphore_mem>>
      %dma_start3A_219 = arith.constant 0 : i32
      %dma_start3A_220 = arith.constant 0 : i32
      %dma_start3A_221 = tpu.memref_slice %arg4[%run_scoped3A_1, %add3A, %dma_start3A_219, %dma_start3A_220] : memref<2x32x112x128xi32, #tpu.memory_space<hbm>> -> memref<1x1x112x128xi32, #tpu.memory_space<hbm>>
      %dma_start3A_222 = tpu.memref_squeeze %dma_start3A_221 : memref<1x1x112x128xi32, #tpu.memory_space<hbm>> -> memref<112x128xi32, #tpu.memory_space<hbm>>
      %dma_start3A_223 = arith.constant 0 : i32
      %dma_start3A_224 = arith.constant 0 : i32
      %dma_start3A_225 = tpu.memref_slice %arg4[%run_scoped3A_1, %add3A, %dma_start3A_223, %dma_start3A_224] : memref<2x32x112x128xi32, #tpu.memory_space<hbm>> -> memref<1x1x112x128xi32, #tpu.memory_space<hbm>>
      %dma_start3A_226 = tpu.memref_squeeze %dma_start3A_225 : memref<1x1x112x128xi32, #tpu.memory_space<hbm>> -> memref<112x128xi32, #tpu.memory_space<hbm>>
      tpu.enqueue_dma source(%dma_start3A_226 : memref<112x128xi32, #tpu.memory_space<hbm>>) target(%arg7 : memref<112x128xi32, #tpu.memory_space<vmem>>) target_semaphore(%run_scoped3A_218 : memref<!tpu.dma_semaphore, #tpu.memory_space<semaphore_mem>>)
      %dma_wait3A_227 = arith.constant 0 : i32
      %dma_wait3A_228 = arith.constant 0 : i32
      %dma_wait3A_229 = tpu.memref_slice %arg4[%run_scoped3A_1, %add3A, %dma_wait3A_227, %dma_wait3A_228] : memref<2x32x112x128xi32, #tpu.memory_space<hbm>> -> memref<1x1x112x128xi32, #tpu.memory_space<hbm>>
      %dma_wait3A_230 = tpu.memref_squeeze %dma_wait3A_229 : memref<1x1x112x128xi32, #tpu.memory_space<hbm>> -> memref<112x128xi32, #tpu.memory_space<hbm>>
      %dma_wait3A_231 = arith.constant 0 : i32
      %dma_wait3A_232 = arith.constant 0 : i32
      %dma_wait3A_233 = tpu.memref_slice %arg4[%run_scoped3A_1, %add3A, %dma_wait3A_231, %dma_wait3A_232] : memref<2x32x112x128xi32, #tpu.memory_space<hbm>> -> memref<1x1x112x128xi32, #tpu.memory_space<hbm>>
      %dma_wait3A_234 = tpu.memref_squeeze %dma_wait3A_233 : memref<1x1x112x128xi32, #tpu.memory_space<hbm>> -> memref<112x128xi32, #tpu.memory_space<hbm>>
      tpu.wait_dma2 semaphore(%run_scoped3A_218 : memref<!tpu.dma_semaphore, #tpu.memory_space<semaphore_mem>>) src(%dma_wait3A_234 : memref<112x128xi32, #tpu.memory_space<hbm>>) dst(%arg7 : memref<112x128xi32, #tpu.memory_space<vmem>>)
      tpu.yield
    }) : () -> ()
    %scan3A = arith.constant 0 : i32
    %scan3A_2 = arith.constant 112 : i32
    %scan3A_3 = arith.addi %scan3A, %scan3A_2 : i32
    %scan3A_4 = arith.constant 1 : i32
    scf.for %scan3A_218 = %scan3A to %scan3A_3 step %scan3A_4  : i32 {
      %mul3A_219 = arith.constant 1 : i32
      %mul3A_220 = arith.muli %scan3A_218, %mul3A_219 : i32
      %add3A_221 = arith.constant 0 : i32
      %add3A_222 = arith.addi %add3A_221, %mul3A_220 : i32
      %get3A = arith.index_cast %add3A_222 : i32 to index
      %get3A_223 = arith.constant 0 : index
      %get3A_224 = tpu.vector_load %arg6[%get3A, %get3A_223] {strides = array<i32>} : memref<112x128xi32, #tpu.memory_space<vmem>>, vector<16xi32>,
      %mul3A_225 = arith.constant 74899 : i32
      %mul3A_226 = vector.broadcast %mul3A_225 : i32 to vector<16xi32>
      %mul3A_227 = arith.muli %get3A_224, %mul3A_226 : vector<16xi32>
      %shift_right_logical3A = arith.constant 20 : i32
      %shift_right_logical3A_228 = vector.broadcast %shift_right_logical3A : i32 to vector<16xi32>
      %shift_right_logical3A_229 = arith.shrui %mul3A_227, %shift_right_logical3A_228 : vector<16xi32>
      %mul3A_230 = arith.constant 14 : i32
      %mul3A_231 = vector.broadcast %mul3A_230 : i32 to vector<16xi32>
      %mul3A_232 = arith.muli %shift_right_logical3A_229, %mul3A_231 : vector<16xi32>
      %sub3A = arith.subi %get3A_224, %mul3A_232 : vector<16xi32>
      %mul3A_233 = arith.constant 1024 : i32
      %mul3A_234 = vector.broadcast %mul3A_233 : i32 to vector<16xi32>
      %mul3A_235 = arith.muli %sub3A, %mul3A_234 : vector<16xi32>
      %add3A_236 = arith.addi %mul3A_235, %shift_right_logical3A_229 : vector<16xi32>
      %swap3A = arith.index_cast %add3A_222 : i32 to index
      %swap3A_237 = arith.constant 0 : index
      %swap3A_238 = tpu.vector_load %arg6[%swap3A, %swap3A_237] {strides = array<i32>} : memref<112x128xi32, #tpu.memory_space<vmem>>, vector<16xi32>,
      tpu.vector_store %arg6[%swap3A, %swap3A_237], %add3A_236 {strides = array<i32>} : memref<112x128xi32, #tpu.memory_space<vmem>>, vector<16xi32>,
      %get3A_239 = arith.index_cast %add3A_222 : i32 to index
      %get3A_240 = arith.constant 16 : index
      %get3A_241 = tpu.vector_load %arg6[%get3A_239, %get3A_240] {strides = array<i32>} : memref<112x128xi32, #tpu.memory_space<vmem>>, vector<16xi32>,
      %mul3A_242 = arith.constant 74899 : i32
      %mul3A_243 = vector.broadcast %mul3A_242 : i32 to vector<16xi32>
      %mul3A_244 = arith.muli %get3A_241, %mul3A_243 : vector<16xi32>
      %shift_right_logical3A_245 = arith.constant 20 : i32
      %shift_right_logical3A_246 = vector.broadcast %shift_right_logical3A_245 : i32 to vector<16xi32>
      %shift_right_logical3A_247 = arith.shrui %mul3A_244, %shift_right_logical3A_246 : vector<16xi32>
      %mul3A_248 = arith.constant 14 : i32
      %mul3A_249 = vector.broadcast %mul3A_248 : i32 to vector<16xi32>
      %mul3A_250 = arith.muli %shift_right_logical3A_247, %mul3A_249 : vector<16xi32>
      %sub3A_251 = arith.subi %get3A_241, %mul3A_250 : vector<16xi32>
      %mul3A_252 = arith.constant 1024 : i32
      %mul3A_253 = vector.broadcast %mul3A_252 : i32 to vector<16xi32>
      %mul3A_254 = arith.muli %sub3A_251, %mul3A_253 : vector<16xi32>
      %add3A_255 = arith.addi %mul3A_254, %shift_right_logical3A_247 : vector<16xi32>
      %swap3A_256 = arith.index_cast %add3A_222 : i32 to index
      %swap3A_257 = arith.constant 16 : index
      %swap3A_258 = tpu.vector_load %arg6[%swap3A_256, %swap3A_257] {strides = array<i32>} : memref<112x128xi32, #tpu.memory_space<vmem>>, vector<16xi32>,
      tpu.vector_store %arg6[%swap3A_256, %swap3A_257], %add3A_255 {strides = array<i32>} : memref<112x128xi32, #tpu.memory_space<vmem>>, vector<16xi32>,
      %get3A_259 = arith.index_cast %add3A_222 : i32 to index
      %get3A_260 = arith.constant 32 : index
      %get3A_261 = tpu.vector_load %arg6[%get3A_259, %get3A_260] {strides = array<i32>} : memref<112x128xi32, #tpu.memory_space<vmem>>, vector<16xi32>,
      %mul3A_262 = arith.constant 74899 : i32
      %mul3A_263 = vector.broadcast %mul3A_262 : i32 to vector<16xi32>
      %mul3A_264 = arith.muli %get3A_261, %mul3A_263 : vector<16xi32>
      %shift_right_logical3A_265 = arith.constant 20 : i32
      %shift_right_logical3A_266 = vector.broadcast %shift_right_logical3A_265 : i32 to vector<16xi32>
      %shift_right_logical3A_267 = arith.shrui %mul3A_264, %shift_right_logical3A_266 : vector<16xi32>
      %mul3A_268 = arith.constant 14 : i32
      %mul3A_269 = vector.broadcast %mul3A_268 : i32 to vector<16xi32>
      %mul3A_270 = arith.muli %shift_right_logical3A_267, %mul3A_269 : vector<16xi32>
      %sub3A_271 = arith.subi %get3A_261, %mul3A_270 : vector<16xi32>
      %mul3A_272 = arith.constant 1024 : i32
      %mul3A_273 = vector.broadcast %mul3A_272 : i32 to vector<16xi32>
      %mul3A_274 = arith.muli %sub3A_271, %mul3A_273 : vector<16xi32>
      %add3A_275 = arith.addi %mul3A_274, %shift_right_logical3A_267 : vector<16xi32>
      %swap3A_276 = arith.index_cast %add3A_222 : i32 to index
      %swap3A_277 = arith.constant 32 : index
      %swap3A_278 = tpu.vector_load %arg6[%swap3A_276, %swap3A_277] {strides = array<i32>} : memref<112x128xi32, #tpu.memory_space<vmem>>, vector<16xi32>,
      tpu.vector_store %arg6[%swap3A_276, %swap3A_277], %add3A_275 {strides = array<i32>} : memref<112x128xi32, #tpu.memory_space<vmem>>, vector<16xi32>,
      %get3A_279 = arith.index_cast %add3A_222 : i32 to index
      %get3A_280 = arith.constant 48 : index
      %get3A_281 = tpu.vector_load %arg6[%get3A_279, %get3A_280] {strides = array<i32>} : memref<112x128xi32, #tpu.memory_space<vmem>>, vector<16xi32>,
      %mul3A_282 = arith.constant 74899 : i32
      %mul3A_283 = vector.broadcast %mul3A_282 : i32 to vector<16xi32>
      %mul3A_284 = arith.muli %get3A_281, %mul3A_283 : vector<16xi32>
      %shift_right_logical3A_285 = arith.constant 20 : i32
      %shift_right_logical3A_286 = vector.broadcast %shift_right_logical3A_285 : i32 to vector<16xi32>
      %shift_right_logical3A_287 = arith.shrui %mul3A_284, %shift_right_logical3A_286 : vector<16xi32>
      %mul3A_288 = arith.constant 14 : i32
      %mul3A_289 = vector.broadcast %mul3A_288 : i32 to vector<16xi32>
      %mul3A_290 = arith.muli %shift_right_logical3A_287, %mul3A_289 : vector<16xi32>
      %sub3A_291 = arith.subi %get3A_281, %mul3A_290 : vector<16xi32>
      %mul3A_292 = arith.constant 1024 : i32
      %mul3A_293 = vector.broadcast %mul3A_292 : i32 to vector<16xi32>
      %mul3A_294 = arith.muli %sub3A_291, %mul3A_293 : vector<16xi32>
      %add3A_295 = arith.addi %mul3A_294, %shift_right_logical3A_287 : vector<16xi32>
      %swap3A_296 = arith.index_cast %add3A_222 : i32 to index
      %swap3A_297 = arith.constant 48 : index
      %swap3A_298 = tpu.vector_load %arg6[%swap3A_296, %swap3A_297] {strides = array<i32>} : memref<112x128xi32, #tpu.memory_space<vmem>>, vector<16xi32>,
      tpu.vector_store %arg6[%swap3A_296, %swap3A_297], %add3A_295 {strides = array<i32>} : memref<112x128xi32, #tpu.memory_space<vmem>>, vector<16xi32>,
      %get3A_299 = arith.index_cast %add3A_222 : i32 to index
      %get3A_300 = arith.constant 64 : index
      %get3A_301 = tpu.vector_load %arg6[%get3A_299, %get3A_300] {strides = array<i32>} : memref<112x128xi32, #tpu.memory_space<vmem>>, vector<16xi32>,
      %mul3A_302 = arith.constant 74899 : i32
      %mul3A_303 = vector.broadcast %mul3A_302 : i32 to vector<16xi32>
      %mul3A_304 = arith.muli %get3A_301, %mul3A_303 : vector<16xi32>
      %shift_right_logical3A_305 = arith.constant 20 : i32
      %shift_right_logical3A_306 = vector.broadcast %shift_right_logical3A_305 : i32 to vector<16xi32>
      %shift_right_logical3A_307 = arith.shrui %mul3A_304, %shift_right_logical3A_306 : vector<16xi32>
      %mul3A_308 = arith.constant 14 : i32
      %mul3A_309 = vector.broadcast %mul3A_308 : i32 to vector<16xi32>
      %mul3A_310 = arith.muli %shift_right_logical3A_307, %mul3A_309 : vector<16xi32>
      %sub3A_311 = arith.subi %get3A_301, %mul3A_310 : vector<16xi32>
      %mul3A_312 = arith.constant 1024 : i32
      %mul3A_313 = vector.broadcast %mul3A_312 : i32 to vector<16xi32>
      %mul3A_314 = arith.muli %sub3A_311, %mul3A_313 : vector<16xi32>
      %add3A_315 = arith.addi %mul3A_314, %shift_right_logical3A_307 : vector<16xi32>
      %swap3A_316 = arith.index_cast %add3A_222 : i32 to index
      %swap3A_317 = arith.constant 64 : index
      %swap3A_318 = tpu.vector_load %arg6[%swap3A_316, %swap3A_317] {strides = array<i32>} : memref<112x128xi32, #tpu.memory_space<vmem>>, vector<16xi32>,
      tpu.vector_store %arg6[%swap3A_316, %swap3A_317], %add3A_315 {strides = array<i32>} : memref<112x128xi32, #tpu.memory_space<vmem>>, vector<16xi32>,
      %get3A_319 = arith.index_cast %add3A_222 : i32 to index
      %get3A_320 = arith.constant 80 : index
      %get3A_321 = tpu.vector_load %arg6[%get3A_319, %get3A_320] {strides = array<i32>} : memref<112x128xi32, #tpu.memory_space<vmem>>, vector<16xi32>,
      %mul3A_322 = arith.constant 74899 : i32
      %mul3A_323 = vector.broadcast %mul3A_322 : i32 to vector<16xi32>
      %mul3A_324 = arith.muli %get3A_321, %mul3A_323 : vector<16xi32>
      %shift_right_logical3A_325 = arith.constant 20 : i32
      %shift_right_logical3A_326 = vector.broadcast %shift_right_logical3A_325 : i32 to vector<16xi32>
      %shift_right_logical3A_327 = arith.shrui %mul3A_324, %shift_right_logical3A_326 : vector<16xi32>
      %mul3A_328 = arith.constant 14 : i32
      %mul3A_329 = vector.broadcast %mul3A_328 : i32 to vector<16xi32>
      %mul3A_330 = arith.muli %shift_right_logical3A_327, %mul3A_329 : vector<16xi32>
      %sub3A_331 = arith.subi %get3A_321, %mul3A_330 : vector<16xi32>
      %mul3A_332 = arith.constant 1024 : i32
      %mul3A_333 = vector.broadcast %mul3A_332 : i32 to vector<16xi32>
      %mul3A_334 = arith.muli %sub3A_331, %mul3A_333 : vector<16xi32>
      %add3A_335 = arith.addi %mul3A_334, %shift_right_logical3A_327 : vector<16xi32>
      %swap3A_336 = arith.index_cast %add3A_222 : i32 to index
      %swap3A_337 = arith.constant 80 : index
      %swap3A_338 = tpu.vector_load %arg6[%swap3A_336, %swap3A_337] {strides = array<i32>} : memref<112x128xi32, #tpu.memory_space<vmem>>, vector<16xi32>,
      tpu.vector_store %arg6[%swap3A_336, %swap3A_337], %add3A_335 {strides = array<i32>} : memref<112x128xi32, #tpu.memory_space<vmem>>, vector<16xi32>,
      %get3A_339 = arith.index_cast %add3A_222 : i32 to index
      %get3A_340 = arith.constant 96 : index
      %get3A_341 = tpu.vector_load %arg6[%get3A_339, %get3A_340] {strides = array<i32>} : memref<112x128xi32, #tpu.memory_space<vmem>>, vector<16xi32>,
      %mul3A_342 = arith.constant 74899 : i32
      %mul3A_343 = vector.broadcast %mul3A_342 : i32 to vector<16xi32>
      %mul3A_344 = arith.muli %get3A_341, %mul3A_343 : vector<16xi32>
      %shift_right_logical3A_345 = arith.constant 20 : i32
      %shift_right_logical3A_346 = vector.broadcast %shift_right_logical3A_345 : i32 to vector<16xi32>
      %shift_right_logical3A_347 = arith.shrui %mul3A_344, %shift_right_logical3A_346 : vector<16xi32>
      %mul3A_348 = arith.constant 14 : i32
      %mul3A_349 = vector.broadcast %mul3A_348 : i32 to vector<16xi32>
      %mul3A_350 = arith.muli %shift_right_logical3A_347, %mul3A_349 : vector<16xi32>
      %sub3A_351 = arith.subi %get3A_341, %mul3A_350 : vector<16xi32>
      %mul3A_352 = arith.constant 1024 : i32
      %mul3A_353 = vector.broadcast %mul3A_352 : i32 to vector<16xi32>
      %mul3A_354 = arith.muli %sub3A_351, %mul3A_353 : vector<16xi32>
      %add3A_355 = arith.addi %mul3A_354, %shift_right_logical3A_347 : vector<16xi32>
      %swap3A_356 = arith.index_cast %add3A_222 : i32 to index
      %swap3A_357 = arith.constant 96 : index
      %swap3A_358 = tpu.vector_load %arg6[%swap3A_356, %swap3A_357] {strides = array<i32>} : memref<112x128xi32, #tpu.memory_space<vmem>>, vector<16xi32>,
      tpu.vector_store %arg6[%swap3A_356, %swap3A_357], %add3A_355 {strides = array<i32>} : memref<112x128xi32, #tpu.memory_space<vmem>>, vector<16xi32>,
      %get3A_359 = arith.index_cast %add3A_222 : i32 to index
      %get3A_360 = arith.constant 112 : index
      %get3A_361 = tpu.vector_load %arg6[%get3A_359, %get3A_360] {strides = array<i32>} : memref<112x128xi32, #tpu.memory_space<vmem>>, vector<16xi32>,
      %mul3A_362 = arith.constant 74899 : i32
      %mul3A_363 = vector.broadcast %mul3A_362 : i32 to vector<16xi32>
      %mul3A_364 = arith.muli %get3A_361, %mul3A_363 : vector<16xi32>
      %shift_right_logical3A_365 = arith.constant 20 : i32
      %shift_right_logical3A_366 = vector.broadcast %shift_right_logical3A_365 : i32 to vector<16xi32>
      %shift_right_logical3A_367 = arith.shrui %mul3A_364, %shift_right_logical3A_366 : vector<16xi32>
      %mul3A_368 = arith.constant 14 : i32
      %mul3A_369 = vector.broadcast %mul3A_368 : i32 to vector<16xi32>
      %mul3A_370 = arith.muli %shift_right_logical3A_367, %mul3A_369 : vector<16xi32>
      %sub3A_371 = arith.subi %get3A_361, %mul3A_370 : vector<16xi32>
      %mul3A_372 = arith.constant 1024 : i32
      %mul3A_373 = vector.broadcast %mul3A_372 : i32 to vector<16xi32>
      %mul3A_374 = arith.muli %sub3A_371, %mul3A_373 : vector<16xi32>
      %add3A_375 = arith.addi %mul3A_374, %shift_right_logical3A_367 : vector<16xi32>
      %swap3A_376 = arith.index_cast %add3A_222 : i32 to index
      %swap3A_377 = arith.constant 112 : index
      %swap3A_378 = tpu.vector_load %arg6[%swap3A_376, %swap3A_377] {strides = array<i32>} : memref<112x128xi32, #tpu.memory_space<vmem>>, vector<16xi32>,
      tpu.vector_store %arg6[%swap3A_376, %swap3A_377], %add3A_375 {strides = array<i32>} : memref<112x128xi32, #tpu.memory_space<vmem>>, vector<16xi32>,
      %get3A_379 = arith.index_cast %add3A_222 : i32 to index
      %get3A_380 = arith.constant 0 : index
      %get3A_381 = tpu.vector_load %arg7[%get3A_379, %get3A_380] {strides = array<i32>} : memref<112x128xi32, #tpu.memory_space<vmem>>, vector<16xi32>,
      %mul3A_382 = arith.constant 74899 : i32
      %mul3A_383 = vector.broadcast %mul3A_382 : i32 to vector<16xi32>
      %mul3A_384 = arith.muli %get3A_381, %mul3A_383 : vector<16xi32>
      %shift_right_logical3A_385 = arith.constant 20 : i32
      %shift_right_logical3A_386 = vector.broadcast %shift_right_logical3A_385 : i32 to vector<16xi32>
      %shift_right_logical3A_387 = arith.shrui %mul3A_384, %shift_right_logical3A_386 : vector<16xi32>
      %mul3A_388 = arith.constant 14 : i32
      %mul3A_389 = vector.broadcast %mul3A_388 : i32 to vector<16xi32>
      %mul3A_390 = arith.muli %shift_right_logical3A_387, %mul3A_389 : vector<16xi32>
      %sub3A_391 = arith.subi %get3A_381, %mul3A_390 : vector<16xi32>
      %mul3A_392 = arith.constant 1024 : i32
      %mul3A_393 = vector.broadcast %mul3A_392 : i32 to vector<16xi32>
      %mul3A_394 = arith.muli %sub3A_391, %mul3A_393 : vector<16xi32>
      %add3A_395 = arith.addi %mul3A_394, %shift_right_logical3A_387 : vector<16xi32>
      %swap3A_396 = arith.index_cast %add3A_222 : i32 to index
      %swap3A_397 = arith.constant 0 : index
      %swap3A_398 = tpu.vector_load %arg7[%swap3A_396, %swap3A_397] {strides = array<i32>} : memref<112x128xi32, #tpu.memory_space<vmem>>, vector<16xi32>,
      tpu.vector_store %arg7[%swap3A_396, %swap3A_397], %add3A_395 {strides = array<i32>} : memref<112x128xi32, #tpu.memory_space<vmem>>, vector<16xi32>,
      %get3A_399 = arith.index_cast %add3A_222 : i32 to index
      %get3A_400 = arith.constant 16 : index
      %get3A_401 = tpu.vector_load %arg7[%get3A_399, %get3A_400] {strides = array<i32>} : memref<112x128xi32, #tpu.memory_space<vmem>>, vector<16xi32>,
      %mul3A_402 = arith.constant 74899 : i32
      %mul3A_403 = vector.broadcast %mul3A_402 : i32 to vector<16xi32>
      %mul3A_404 = arith.muli %get3A_401, %mul3A_403 : vector<16xi32>
      %shift_right_logical3A_405 = arith.constant 20 : i32
      %shift_right_logical3A_406 = vector.broadcast %shift_right_logical3A_405 : i32 to vector<16xi32>
      %shift_right_logical3A_407 = arith.shrui %mul3A_404, %shift_right_logical3A_406 : vector<16xi32>
      %mul3A_408 = arith.constant 14 : i32
      %mul3A_409 = vector.broadcast %mul3A_408 : i32 to vector<16xi32>
      %mul3A_410 = arith.muli %shift_right_logical3A_407, %mul3A_409 : vector<16xi32>
      %sub3A_411 = arith.subi %get3A_401, %mul3A_410 : vector<16xi32>
      %mul3A_412 = arith.constant 1024 : i32
      %mul3A_413 = vector.broadcast %mul3A_412 : i32 to vector<16xi32>
      %mul3A_414 = arith.muli %sub3A_411, %mul3A_413 : vector<16xi32>
      %add3A_415 = arith.addi %mul3A_414, %shift_right_logical3A_407 : vector<16xi32>
      %swap3A_416 = arith.index_cast %add3A_222 : i32 to index
      %swap3A_417 = arith.constant 16 : index
      %swap3A_418 = tpu.vector_load %arg7[%swap3A_416, %swap3A_417] {strides = array<i32>} : memref<112x128xi32, #tpu.memory_space<vmem>>, vector<16xi32>,
      tpu.vector_store %arg7[%swap3A_416, %swap3A_417], %add3A_415 {strides = array<i32>} : memref<112x128xi32, #tpu.memory_space<vmem>>, vector<16xi32>,
      %get3A_419 = arith.index_cast %add3A_222 : i32 to index
      %get3A_420 = arith.constant 32 : index
      %get3A_421 = tpu.vector_load %arg7[%get3A_419, %get3A_420] {strides = array<i32>} : memref<112x128xi32, #tpu.memory_space<vmem>>, vector<16xi32>,
      %mul3A_422 = arith.constant 74899 : i32
      %mul3A_423 = vector.broadcast %mul3A_422 : i32 to vector<16xi32>
      %mul3A_424 = arith.muli %get3A_421, %mul3A_423 : vector<16xi32>
      %shift_right_logical3A_425 = arith.constant 20 : i32
      %shift_right_logical3A_426 = vector.broadcast %shift_right_logical3A_425 : i32 to vector<16xi32>
      %shift_right_logical3A_427 = arith.shrui %mul3A_424, %shift_right_logical3A_426 : vector<16xi32>
      %mul3A_428 = arith.constant 14 : i32
      %mul3A_429 = vector.broadcast %mul3A_428 : i32 to vector<16xi32>
      %mul3A_430 = arith.muli %shift_right_logical3A_427, %mul3A_429 : vector<16xi32>
      %sub3A_431 = arith.subi %get3A_421, %mul3A_430 : vector<16xi32>
      %mul3A_432 = arith.constant 1024 : i32
      %mul3A_433 = vector.broadcast %mul3A_432 : i32 to vector<16xi32>
      %mul3A_434 = arith.muli %sub3A_431, %mul3A_433 : vector<16xi32>
      %add3A_435 = arith.addi %mul3A_434, %shift_right_logical3A_427 : vector<16xi32>
      %swap3A_436 = arith.index_cast %add3A_222 : i32 to index
      %swap3A_437 = arith.constant 32 : index
      %swap3A_438 = tpu.vector_load %arg7[%swap3A_436, %swap3A_437] {strides = array<i32>} : memref<112x128xi32, #tpu.memory_space<vmem>>, vector<16xi32>,
      tpu.vector_store %arg7[%swap3A_436, %swap3A_437], %add3A_435 {strides = array<i32>} : memref<112x128xi32, #tpu.memory_space<vmem>>, vector<16xi32>,
      %get3A_439 = arith.index_cast %add3A_222 : i32 to index
      %get3A_440 = arith.constant 48 : index
      %get3A_441 = tpu.vector_load %arg7[%get3A_439, %get3A_440] {strides = array<i32>} : memref<112x128xi32, #tpu.memory_space<vmem>>, vector<16xi32>,
      %mul3A_442 = arith.constant 74899 : i32
      %mul3A_443 = vector.broadcast %mul3A_442 : i32 to vector<16xi32>
      %mul3A_444 = arith.muli %get3A_441, %mul3A_443 : vector<16xi32>
      %shift_right_logical3A_445 = arith.constant 20 : i32
      %shift_right_logical3A_446 = vector.broadcast %shift_right_logical3A_445 : i32 to vector<16xi32>
      %shift_right_logical3A_447 = arith.shrui %mul3A_444, %shift_right_logical3A_446 : vector<16xi32>
      %mul3A_448 = arith.constant 14 : i32
      %mul3A_449 = vector.broadcast %mul3A_448 : i32 to vector<16xi32>
      %mul3A_450 = arith.muli %shift_right_logical3A_447, %mul3A_449 : vector<16xi32>
      %sub3A_451 = arith.subi %get3A_441, %mul3A_450 : vector<16xi32>
      %mul3A_452 = arith.constant 1024 : i32
      %mul3A_453 = vector.broadcast %mul3A_452 : i32 to vector<16xi32>
      %mul3A_454 = arith.muli %sub3A_451, %mul3A_453 : vector<16xi32>
      %add3A_455 = arith.addi %mul3A_454, %shift_right_logical3A_447 : vector<16xi32>
      %swap3A_456 = arith.index_cast %add3A_222 : i32 to index
      %swap3A_457 = arith.constant 48 : index
      %swap3A_458 = tpu.vector_load %arg7[%swap3A_456, %swap3A_457] {strides = array<i32>} : memref<112x128xi32, #tpu.memory_space<vmem>>, vector<16xi32>,
      tpu.vector_store %arg7[%swap3A_456, %swap3A_457], %add3A_455 {strides = array<i32>} : memref<112x128xi32, #tpu.memory_space<vmem>>, vector<16xi32>,
      %get3A_459 = arith.index_cast %add3A_222 : i32 to index
      %get3A_460 = arith.constant 64 : index
      %get3A_461 = tpu.vector_load %arg7[%get3A_459, %get3A_460] {strides = array<i32>} : memref<112x128xi32, #tpu.memory_space<vmem>>, vector<16xi32>,
      %mul3A_462 = arith.constant 74899 : i32
      %mul3A_463 = vector.broadcast %mul3A_462 : i32 to vector<16xi32>
      %mul3A_464 = arith.muli %get3A_461, %mul3A_463 : vector<16xi32>
      %shift_right_logical3A_465 = arith.constant 20 : i32
      %shift_right_logical3A_466 = vector.broadcast %shift_right_logical3A_465 : i32 to vector<16xi32>
      %shift_right_logical3A_467 = arith.shrui %mul3A_464, %shift_right_logical3A_466 : vector<16xi32>
      %mul3A_468 = arith.constant 14 : i32
      %mul3A_469 = vector.broadcast %mul3A_468 : i32 to vector<16xi32>
      %mul3A_470 = arith.muli %shift_right_logical3A_467, %mul3A_469 : vector<16xi32>
      %sub3A_471 = arith.subi %get3A_461, %mul3A_470 : vector<16xi32>
      %mul3A_472 = arith.constant 1024 : i32
      %mul3A_473 = vector.broadcast %mul3A_472 : i32 to vector<16xi32>
      %mul3A_474 = arith.muli %sub3A_471, %mul3A_473 : vector<16xi32>
      %add3A_475 = arith.addi %mul3A_474, %shift_right_logical3A_467 : vector<16xi32>
      %swap3A_476 = arith.index_cast %add3A_222 : i32 to index
      %swap3A_477 = arith.constant 64 : index
      %swap3A_478 = tpu.vector_load %arg7[%swap3A_476, %swap3A_477] {strides = array<i32>} : memref<112x128xi32, #tpu.memory_space<vmem>>, vector<16xi32>,
      tpu.vector_store %arg7[%swap3A_476, %swap3A_477], %add3A_475 {strides = array<i32>} : memref<112x128xi32, #tpu.memory_space<vmem>>, vector<16xi32>,
      %get3A_479 = arith.index_cast %add3A_222 : i32 to index
      %get3A_480 = arith.constant 80 : index
      %get3A_481 = tpu.vector_load %arg7[%get3A_479, %get3A_480] {strides = array<i32>} : memref<112x128xi32, #tpu.memory_space<vmem>>, vector<16xi32>,
      %mul3A_482 = arith.constant 74899 : i32
      %mul3A_483 = vector.broadcast %mul3A_482 : i32 to vector<16xi32>
      %mul3A_484 = arith.muli %get3A_481, %mul3A_483 : vector<16xi32>
      %shift_right_logical3A_485 = arith.constant 20 : i32
      %shift_right_logical3A_486 = vector.broadcast %shift_right_logical3A_485 : i32 to vector<16xi32>
      %shift_right_logical3A_487 = arith.shrui %mul3A_484, %shift_right_logical3A_486 : vector<16xi32>
      %mul3A_488 = arith.constant 14 : i32
      %mul3A_489 = vector.broadcast %mul3A_488 : i32 to vector<16xi32>
      %mul3A_490 = arith.muli %shift_right_logical3A_487, %mul3A_489 : vector<16xi32>
      %sub3A_491 = arith.subi %get3A_481, %mul3A_490 : vector<16xi32>
      %mul3A_492 = arith.constant 1024 : i32
      %mul3A_493 = vector.broadcast %mul3A_492 : i32 to vector<16xi32>
      %mul3A_494 = arith.muli %sub3A_491, %mul3A_493 : vector<16xi32>
      %add3A_495 = arith.addi %mul3A_494, %shift_right_logical3A_487 : vector<16xi32>
      %swap3A_496 = arith.index_cast %add3A_222 : i32 to index
      %swap3A_497 = arith.constant 80 : index
      %swap3A_498 = tpu.vector_load %arg7[%swap3A_496, %swap3A_497] {strides = array<i32>} : memref<112x128xi32, #tpu.memory_space<vmem>>, vector<16xi32>,
      tpu.vector_store %arg7[%swap3A_496, %swap3A_497], %add3A_495 {strides = array<i32>} : memref<112x128xi32, #tpu.memory_space<vmem>>, vector<16xi32>,
      %get3A_499 = arith.index_cast %add3A_222 : i32 to index
      %get3A_500 = arith.constant 96 : index
      %get3A_501 = tpu.vector_load %arg7[%get3A_499, %get3A_500] {strides = array<i32>} : memref<112x128xi32, #tpu.memory_space<vmem>>, vector<16xi32>,
      %mul3A_502 = arith.constant 74899 : i32
      %mul3A_503 = vector.broadcast %mul3A_502 : i32 to vector<16xi32>
      %mul3A_504 = arith.muli %get3A_501, %mul3A_503 : vector<16xi32>
      %shift_right_logical3A_505 = arith.constant 20 : i32
      %shift_right_logical3A_506 = vector.broadcast %shift_right_logical3A_505 : i32 to vector<16xi32>
      %shift_right_logical3A_507 = arith.shrui %mul3A_504, %shift_right_logical3A_506 : vector<16xi32>
      %mul3A_508 = arith.constant 14 : i32
      %mul3A_509 = vector.broadcast %mul3A_508 : i32 to vector<16xi32>
      %mul3A_510 = arith.muli %shift_right_logical3A_507, %mul3A_509 : vector<16xi32>
      %sub3A_511 = arith.subi %get3A_501, %mul3A_510 : vector<16xi32>
      %mul3A_512 = arith.constant 1024 : i32
      %mul3A_513 = vector.broadcast %mul3A_512 : i32 to vector<16xi32>
      %mul3A_514 = arith.muli %sub3A_511, %mul3A_513 : vector<16xi32>
      %add3A_515 = arith.addi %mul3A_514, %shift_right_logical3A_507 : vector<16xi32>
      %swap3A_516 = arith.index_cast %add3A_222 : i32 to index
      %swap3A_517 = arith.constant 96 : index
      %swap3A_518 = tpu.vector_load %arg7[%swap3A_516, %swap3A_517] {strides = array<i32>} : memref<112x128xi32, #tpu.memory_space<vmem>>, vector<16xi32>,
      tpu.vector_store %arg7[%swap3A_516, %swap3A_517], %add3A_515 {strides = array<i32>} : memref<112x128xi32, #tpu.memory_space<vmem>>, vector<16xi32>,
      %get3A_519 = arith.index_cast %add3A_222 : i32 to index
      %get3A_520 = arith.constant 112 : index
      %get3A_521 = tpu.vector_load %arg7[%get3A_519, %get3A_520] {strides = array<i32>} : memref<112x128xi32, #tpu.memory_space<vmem>>, vector<16xi32>,
      %mul3A_522 = arith.constant 74899 : i32
      %mul3A_523 = vector.broadcast %mul3A_522 : i32 to vector<16xi32>
      %mul3A_524 = arith.muli %get3A_521, %mul3A_523 : vector<16xi32>
      %shift_right_logical3A_525 = arith.constant 20 : i32
      %shift_right_logical3A_526 = vector.broadcast %shift_right_logical3A_525 : i32 to vector<16xi32>
      %shift_right_logical3A_527 = arith.shrui %mul3A_524, %shift_right_logical3A_526 : vector<16xi32>
      %mul3A_528 = arith.constant 14 : i32
      %mul3A_529 = vector.broadcast %mul3A_528 : i32 to vector<16xi32>
      %mul3A_530 = arith.muli %shift_right_logical3A_527, %mul3A_529 : vector<16xi32>
      %sub3A_531 = arith.subi %get3A_521, %mul3A_530 : vector<16xi32>
      %mul3A_532 = arith.constant 1024 : i32
      %mul3A_533 = vector.broadcast %mul3A_532 : i32 to vector<16xi32>
      %mul3A_534 = arith.muli %sub3A_531, %mul3A_533 : vector<16xi32>
      %add3A_535 = arith.addi %mul3A_534, %shift_right_logical3A_527 : vector<16xi32>
      %swap3A_536 = arith.index_cast %add3A_222 : i32 to index
      %swap3A_537 = arith.constant 112 : index
      %swap3A_538 = tpu.vector_load %arg7[%swap3A_536, %swap3A_537] {strides = array<i32>} : memref<112x128xi32, #tpu.memory_space<vmem>>, vector<16xi32>,
      tpu.vector_store %arg7[%swap3A_536, %swap3A_537], %add3A_535 {strides = array<i32>} : memref<112x128xi32, #tpu.memory_space<vmem>>, vector<16xi32>,
    }
    %scan3A_5 = arith.constant 112 : i32
    %broadcast_in_dim3A = arith.constant 0.000000e+00 : f32
    %broadcast_in_dim3A_6 = vector.broadcast %broadcast_in_dim3A : f32 to vector<16xf32>
    %mul3A_7 = arith.constant 896 : i32
    %mul3A_8 = arith.muli %arg1, %mul3A_7 : i32
    %scan3A_9 = arith.constant 0 : i32
    %scan3A_10 = arith.constant 128 : i32
    %scan3A_11 = arith.addi %scan3A_9, %scan3A_10 : i32
    %scan3A_12 = arith.constant 1 : i32
    scf.for %scan3A_218 = %scan3A_9 to %scan3A_11 step %scan3A_12  : i32 {
      %mul3A_219 = arith.constant 1 : i32
      %mul3A_220 = arith.muli %scan3A_218, %mul3A_219 : i32
      %add3A_221 = arith.constant 0 : i32
      %add3A_222 = arith.addi %add3A_221, %mul3A_220 : i32
      %swap3A = arith.constant 0 : i32
      %swap3A_223 = arith.index_cast %swap3A : i32 to index
      %swap3A_224 = arith.index_cast %add3A_222 : i32 to index
      %swap3A_225 = arith.constant 0 : index
      %swap3A_226 = tpu.vector_load %arg8[%swap3A_223, %swap3A_224, %swap3A_225] {strides = array<i32>} : memref<4x128x64xf32, #tpu.memory_space<vmem>>, vector<16xf32>,
      tpu.vector_store %arg8[%swap3A_223, %swap3A_224, %swap3A_225], %broadcast_in_dim3A_6 {strides = array<i32>} : memref<4x128x64xf32, #tpu.memory_space<vmem>>, vector<16xf32>,
      %swap3A_227 = arith.constant 0 : i32
      %swap3A_228 = arith.index_cast %swap3A_227 : i32 to index
      %swap3A_229 = arith.index_cast %add3A_222 : i32 to index
      %swap3A_230 = arith.constant 16 : index
      %swap3A_231 = tpu.vector_load %arg8[%swap3A_228, %swap3A_229, %swap3A_230] {strides = array<i32>} : memref<4x128x64xf32, #tpu.memory_space<vmem>>, vector<16xf32>,
      tpu.vector_store %arg8[%swap3A_228, %swap3A_229, %swap3A_230], %broadcast_in_dim3A_6 {strides = array<i32>} : memref<4x128x64xf32, #tpu.memory_space<vmem>>, vector<16xf32>,
      %swap3A_232 = arith.constant 0 : i32
      %swap3A_233 = arith.index_cast %swap3A_232 : i32 to index
      %swap3A_234 = arith.index_cast %add3A_222 : i32 to index
      %swap3A_235 = arith.constant 32 : index
      %swap3A_236 = tpu.vector_load %arg8[%swap3A_233, %swap3A_234, %swap3A_235] {strides = array<i32>} : memref<4x128x64xf32, #tpu.memory_space<vmem>>, vector<16xf32>,
      tpu.vector_store %arg8[%swap3A_233, %swap3A_234, %swap3A_235], %broadcast_in_dim3A_6 {strides = array<i32>} : memref<4x128x64xf32, #tpu.memory_space<vmem>>, vector<16xf32>,
      %swap3A_237 = arith.constant 0 : i32
      %swap3A_238 = arith.index_cast %swap3A_237 : i32 to index
      %swap3A_239 = arith.index_cast %add3A_222 : i32 to index
      %swap3A_240 = arith.constant 48 : index
      %swap3A_241 = tpu.vector_load %arg8[%swap3A_238, %swap3A_239, %swap3A_240] {strides = array<i32>} : memref<4x128x64xf32, #tpu.memory_space<vmem>>, vector<16xf32>,
      tpu.vector_store %arg8[%swap3A_238, %swap3A_239, %swap3A_240], %broadcast_in_dim3A_6 {strides = array<i32>} : memref<4x128x64xf32, #tpu.memory_space<vmem>>, vector<16xf32>,
    }
    %scan3A_13 = arith.constant 128 : i32
    %add3A_14 = arith.constant 0 : i32
    %add3A_15 = arith.addi %mul3A_8, %add3A_14 : i32
    %run_scoped3A_16 = arith.constant 0 : i32
    "tpu.region"() ({
      %run_scoped3A_218 = tpu.sem_alloc : memref<!tpu.dma_semaphore, #tpu.memory_space<semaphore_mem>>
      %dma_start3A_219 = arith.constant 0 : i32
      %dma_start3A_220 = arith.constant 0 : i32
      %dma_start3A_221 = tpu.memref_slice %arg8[%run_scoped3A_16, %dma_start3A_219, %dma_start3A_220] : memref<4x128x64xf32, #tpu.memory_space<vmem>> -> memref<1x128x64xf32, #tpu.memory_space<vmem>>
      %dma_start3A_222 = tpu.memref_squeeze %dma_start3A_221 : memref<1x128x64xf32, #tpu.memory_space<vmem>> -> memref<128x64xf32, #tpu.memory_space<vmem>>
      %dma_start3A_223 = arith.constant 0 : i32
      %dma_start3A_224 = tpu.memref_slice %arg9[%add3A_15, %dma_start3A_223] : memref<14336x64xf32, #tpu.memory_space<vmem_shared>> -> memref<128x64xf32, #tpu.memory_space<vmem_shared>>
      %dma_start3A_225 = arith.constant 0 : i32
      %dma_start3A_226 = tpu.memref_slice %arg9[%add3A_15, %dma_start3A_225] : memref<14336x64xf32, #tpu.memory_space<vmem_shared>> -> memref<128x64xf32, #tpu.memory_space<vmem_shared>>
      %dma_start3A_227 = arith.constant 0 : i32
      %dma_start3A_228 = arith.constant 0 : i32
      %dma_start3A_229 = tpu.memref_slice %arg8[%run_scoped3A_16, %dma_start3A_227, %dma_start3A_228] : memref<4x128x64xf32, #tpu.memory_space<vmem>> -> memref<1x128x64xf32, #tpu.memory_space<vmem>>
      %dma_start3A_230 = tpu.memref_squeeze %dma_start3A_229 : memref<1x128x64xf32, #tpu.memory_space<vmem>> -> memref<128x64xf32, #tpu.memory_space<vmem>>
      tpu.enqueue_dma source(%dma_start3A_230 : memref<128x64xf32, #tpu.memory_space<vmem>>) target(%dma_start3A_226 : memref<128x64xf32, #tpu.memory_space<vmem_shared>>) target_semaphore(%run_scoped3A_218 : memref<!tpu.dma_semaphore, #tpu.memory_space<semaphore_mem>>)
      %dma_wait3A_231 = arith.constant 0 : i32
      %dma_wait3A_232 = arith.constant 0 : i32
      %dma_wait3A_233 = tpu.memref_slice %arg8[%run_scoped3A_16, %dma_wait3A_231, %dma_wait3A_232] : memref<4x128x64xf32, #tpu.memory_space<vmem>> -> memref<1x128x64xf32, #tpu.memory_space<vmem>>
      %dma_wait3A_234 = tpu.memref_squeeze %dma_wait3A_233 : memref<1x128x64xf32, #tpu.memory_space<vmem>> -> memref<128x64xf32, #tpu.memory_space<vmem>>
      %dma_wait3A_235 = arith.constant 0 : i32
      %dma_wait3A_236 = tpu.memref_slice %arg9[%add3A_15, %dma_wait3A_235] : memref<14336x64xf32, #tpu.memory_space<vmem_shared>> -> memref<128x64xf32, #tpu.memory_space<vmem_shared>>
      %dma_wait3A_237 = arith.constant 0 : i32
      %dma_wait3A_238 = tpu.memref_slice %arg9[%add3A_15, %dma_wait3A_237] : memref<14336x64xf32, #tpu.memory_space<vmem_shared>> -> memref<128x64xf32, #tpu.memory_space<vmem_shared>>
      %dma_wait3A_239 = arith.constant 0 : i32
      %dma_wait3A_240 = arith.constant 0 : i32
      %dma_wait3A_241 = tpu.memref_slice %arg8[%run_scoped3A_16, %dma_wait3A_239, %dma_wait3A_240] : memref<4x128x64xf32, #tpu.memory_space<vmem>> -> memref<1x128x64xf32, #tpu.memory_space<vmem>>
      %dma_wait3A_242 = tpu.memref_squeeze %dma_wait3A_241 : memref<1x128x64xf32, #tpu.memory_space<vmem>> -> memref<128x64xf32, #tpu.memory_space<vmem>>
      tpu.wait_dma2 semaphore(%run_scoped3A_218 : memref<!tpu.dma_semaphore, #tpu.memory_space<semaphore_mem>>) src(%dma_wait3A_242 : memref<128x64xf32, #tpu.memory_space<vmem>>) dst(%dma_wait3A_238 : memref<128x64xf32, #tpu.memory_space<vmem_shared>>)
      tpu.yield
    }) : () -> ()
    %add3A_17 = arith.constant 128 : i32
    %add3A_18 = arith.addi %mul3A_8, %add3A_17 : i32
    %run_scoped3A_19 = arith.constant 0 : i32
    "tpu.region"() ({
      %run_scoped3A_218 = tpu.sem_alloc : memref<!tpu.dma_semaphore, #tpu.memory_space<semaphore_mem>>
      %dma_start3A_219 = arith.constant 0 : i32
      %dma_start3A_220 = arith.constant 0 : i32
      %dma_start3A_221 = tpu.memref_slice %arg8[%run_scoped3A_19, %dma_start3A_219, %dma_start3A_220] : memref<4x128x64xf32, #tpu.memory_space<vmem>> -> memref<1x128x64xf32, #tpu.memory_space<vmem>>
      %dma_start3A_222 = tpu.memref_squeeze %dma_start3A_221 : memref<1x128x64xf32, #tpu.memory_space<vmem>> -> memref<128x64xf32, #tpu.memory_space<vmem>>
      %dma_start3A_223 = arith.constant 0 : i32
      %dma_start3A_224 = tpu.memref_slice %arg9[%add3A_18, %dma_start3A_223] : memref<14336x64xf32, #tpu.memory_space<vmem_shared>> -> memref<128x64xf32, #tpu.memory_space<vmem_shared>>
      %dma_start3A_225 = arith.constant 0 : i32
      %dma_start3A_226 = tpu.memref_slice %arg9[%add3A_18, %dma_start3A_225] : memref<14336x64xf32, #tpu.memory_space<vmem_shared>> -> memref<128x64xf32, #tpu.memory_space<vmem_shared>>
      %dma_start3A_227 = arith.constant 0 : i32
      %dma_start3A_228 = arith.constant 0 : i32
      %dma_start3A_229 = tpu.memref_slice %arg8[%run_scoped3A_19, %dma_start3A_227, %dma_start3A_228] : memref<4x128x64xf32, #tpu.memory_space<vmem>> -> memref<1x128x64xf32, #tpu.memory_space<vmem>>
      %dma_start3A_230 = tpu.memref_squeeze %dma_start3A_229 : memref<1x128x64xf32, #tpu.memory_space<vmem>> -> memref<128x64xf32, #tpu.memory_space<vmem>>
      tpu.enqueue_dma source(%dma_start3A_230 : memref<128x64xf32, #tpu.memory_space<vmem>>) target(%dma_start3A_226 : memref<128x64xf32, #tpu.memory_space<vmem_shared>>) target_semaphore(%run_scoped3A_218 : memref<!tpu.dma_semaphore, #tpu.memory_space<semaphore_mem>>)
      %dma_wait3A_231 = arith.constant 0 : i32
      %dma_wait3A_232 = arith.constant 0 : i32
      %dma_wait3A_233 = tpu.memref_slice %arg8[%run_scoped3A_19, %dma_wait3A_231, %dma_wait3A_232] : memref<4x128x64xf32, #tpu.memory_space<vmem>> -> memref<1x128x64xf32, #tpu.memory_space<vmem>>
      %dma_wait3A_234 = tpu.memref_squeeze %dma_wait3A_233 : memref<1x128x64xf32, #tpu.memory_space<vmem>> -> memref<128x64xf32, #tpu.memory_space<vmem>>
      %dma_wait3A_235 = arith.constant 0 : i32
      %dma_wait3A_236 = tpu.memref_slice %arg9[%add3A_18, %dma_wait3A_235] : memref<14336x64xf32, #tpu.memory_space<vmem_shared>> -> memref<128x64xf32, #tpu.memory_space<vmem_shared>>
      %dma_wait3A_237 = arith.constant 0 : i32
      %dma_wait3A_238 = tpu.memref_slice %arg9[%add3A_18, %dma_wait3A_237] : memref<14336x64xf32, #tpu.memory_space<vmem_shared>> -> memref<128x64xf32, #tpu.memory_space<vmem_shared>>
      %dma_wait3A_239 = arith.constant 0 : i32
      %dma_wait3A_240 = arith.constant 0 : i32
      %dma_wait3A_241 = tpu.memref_slice %arg8[%run_scoped3A_19, %dma_wait3A_239, %dma_wait3A_240] : memref<4x128x64xf32, #tpu.memory_space<vmem>> -> memref<1x128x64xf32, #tpu.memory_space<vmem>>
      %dma_wait3A_242 = tpu.memref_squeeze %dma_wait3A_241 : memref<1x128x64xf32, #tpu.memory_space<vmem>> -> memref<128x64xf32, #tpu.memory_space<vmem>>
      tpu.wait_dma2 semaphore(%run_scoped3A_218 : memref<!tpu.dma_semaphore, #tpu.memory_space<semaphore_mem>>) src(%dma_wait3A_242 : memref<128x64xf32, #tpu.memory_space<vmem>>) dst(%dma_wait3A_238 : memref<128x64xf32, #tpu.memory_space<vmem_shared>>)
      tpu.yield
    }) : () -> ()
    %add3A_20 = arith.constant 256 : i32
    %add3A_21 = arith.addi %mul3A_8, %add3A_20 : i32
    %run_scoped3A_22 = arith.constant 0 : i32
    "tpu.region"() ({
      %run_scoped3A_218 = tpu.sem_alloc : memref<!tpu.dma_semaphore, #tpu.memory_space<semaphore_mem>>
      %dma_start3A_219 = arith.constant 0 : i32
      %dma_start3A_220 = arith.constant 0 : i32
      %dma_start3A_221 = tpu.memref_slice %arg8[%run_scoped3A_22, %dma_start3A_219, %dma_start3A_220] : memref<4x128x64xf32, #tpu.memory_space<vmem>> -> memref<1x128x64xf32, #tpu.memory_space<vmem>>
      %dma_start3A_222 = tpu.memref_squeeze %dma_start3A_221 : memref<1x128x64xf32, #tpu.memory_space<vmem>> -> memref<128x64xf32, #tpu.memory_space<vmem>>
      %dma_start3A_223 = arith.constant 0 : i32
      %dma_start3A_224 = tpu.memref_slice %arg9[%add3A_21, %dma_start3A_223] : memref<14336x64xf32, #tpu.memory_space<vmem_shared>> -> memref<128x64xf32, #tpu.memory_space<vmem_shared>>
      %dma_start3A_225 = arith.constant 0 : i32
      %dma_start3A_226 = tpu.memref_slice %arg9[%add3A_21, %dma_start3A_225] : memref<14336x64xf32, #tpu.memory_space<vmem_shared>> -> memref<128x64xf32, #tpu.memory_space<vmem_shared>>
      %dma_start3A_227 = arith.constant 0 : i32
      %dma_start3A_228 = arith.constant 0 : i32
      %dma_start3A_229 = tpu.memref_slice %arg8[%run_scoped3A_22, %dma_start3A_227, %dma_start3A_228] : memref<4x128x64xf32, #tpu.memory_space<vmem>> -> memref<1x128x64xf32, #tpu.memory_space<vmem>>
      %dma_start3A_230 = tpu.memref_squeeze %dma_start3A_229 : memref<1x128x64xf32, #tpu.memory_space<vmem>> -> memref<128x64xf32, #tpu.memory_space<vmem>>
      tpu.enqueue_dma source(%dma_start3A_230 : memref<128x64xf32, #tpu.memory_space<vmem>>) target(%dma_start3A_226 : memref<128x64xf32, #tpu.memory_space<vmem_shared>>) target_semaphore(%run_scoped3A_218 : memref<!tpu.dma_semaphore, #tpu.memory_space<semaphore_mem>>)
      %dma_wait3A_231 = arith.constant 0 : i32
      %dma_wait3A_232 = arith.constant 0 : i32
      %dma_wait3A_233 = tpu.memref_slice %arg8[%run_scoped3A_22, %dma_wait3A_231, %dma_wait3A_232] : memref<4x128x64xf32, #tpu.memory_space<vmem>> -> memref<1x128x64xf32, #tpu.memory_space<vmem>>
      %dma_wait3A_234 = tpu.memref_squeeze %dma_wait3A_233 : memref<1x128x64xf32, #tpu.memory_space<vmem>> -> memref<128x64xf32, #tpu.memory_space<vmem>>
      %dma_wait3A_235 = arith.constant 0 : i32
      %dma_wait3A_236 = tpu.memref_slice %arg9[%add3A_21, %dma_wait3A_235] : memref<14336x64xf32, #tpu.memory_space<vmem_shared>> -> memref<128x64xf32, #tpu.memory_space<vmem_shared>>
      %dma_wait3A_237 = arith.constant 0 : i32
      %dma_wait3A_238 = tpu.memref_slice %arg9[%add3A_21, %dma_wait3A_237] : memref<14336x64xf32, #tpu.memory_space<vmem_shared>> -> memref<128x64xf32, #tpu.memory_space<vmem_shared>>
      %dma_wait3A_239 = arith.constant 0 : i32
      %dma_wait3A_240 = arith.constant 0 : i32
      %dma_wait3A_241 = tpu.memref_slice %arg8[%run_scoped3A_22, %dma_wait3A_239, %dma_wait3A_240] : memref<4x128x64xf32, #tpu.memory_space<vmem>> -> memref<1x128x64xf32, #tpu.memory_space<vmem>>
      %dma_wait3A_242 = tpu.memref_squeeze %dma_wait3A_241 : memref<1x128x64xf32, #tpu.memory_space<vmem>> -> memref<128x64xf32, #tpu.memory_space<vmem>>
      tpu.wait_dma2 semaphore(%run_scoped3A_218 : memref<!tpu.dma_semaphore, #tpu.memory_space<semaphore_mem>>) src(%dma_wait3A_242 : memref<128x64xf32, #tpu.memory_space<vmem>>) dst(%dma_wait3A_238 : memref<128x64xf32, #tpu.memory_space<vmem_shared>>)
      tpu.yield
    }) : () -> ()
    %add3A_23 = arith.constant 384 : i32
    %add3A_24 = arith.addi %mul3A_8, %add3A_23 : i32
    %run_scoped3A_25 = arith.constant 0 : i32
    "tpu.region"() ({
      %run_scoped3A_218 = tpu.sem_alloc : memref<!tpu.dma_semaphore, #tpu.memory_space<semaphore_mem>>
      %dma_start3A_219 = arith.constant 0 : i32
      %dma_start3A_220 = arith.constant 0 : i32
      %dma_start3A_221 = tpu.memref_slice %arg8[%run_scoped3A_25, %dma_start3A_219, %dma_start3A_220] : memref<4x128x64xf32, #tpu.memory_space<vmem>> -> memref<1x128x64xf32, #tpu.memory_space<vmem>>
      %dma_start3A_222 = tpu.memref_squeeze %dma_start3A_221 : memref<1x128x64xf32, #tpu.memory_space<vmem>> -> memref<128x64xf32, #tpu.memory_space<vmem>>
      %dma_start3A_223 = arith.constant 0 : i32
      %dma_start3A_224 = tpu.memref_slice %arg9[%add3A_24, %dma_start3A_223] : memref<14336x64xf32, #tpu.memory_space<vmem_shared>> -> memref<128x64xf32, #tpu.memory_space<vmem_shared>>
      %dma_start3A_225 = arith.constant 0 : i32
      %dma_start3A_226 = tpu.memref_slice %arg9[%add3A_24, %dma_start3A_225] : memref<14336x64xf32, #tpu.memory_space<vmem_shared>> -> memref<128x64xf32, #tpu.memory_space<vmem_shared>>
      %dma_start3A_227 = arith.constant 0 : i32
      %dma_start3A_228 = arith.constant 0 : i32
      %dma_start3A_229 = tpu.memref_slice %arg8[%run_scoped3A_25, %dma_start3A_227, %dma_start3A_228] : memref<4x128x64xf32, #tpu.memory_space<vmem>> -> memref<1x128x64xf32, #tpu.memory_space<vmem>>
      %dma_start3A_230 = tpu.memref_squeeze %dma_start3A_229 : memref<1x128x64xf32, #tpu.memory_space<vmem>> -> memref<128x64xf32, #tpu.memory_space<vmem>>
      tpu.enqueue_dma source(%dma_start3A_230 : memref<128x64xf32, #tpu.memory_space<vmem>>) target(%dma_start3A_226 : memref<128x64xf32, #tpu.memory_space<vmem_shared>>) target_semaphore(%run_scoped3A_218 : memref<!tpu.dma_semaphore, #tpu.memory_space<semaphore_mem>>)
      %dma_wait3A_231 = arith.constant 0 : i32
      %dma_wait3A_232 = arith.constant 0 : i32
      %dma_wait3A_233 = tpu.memref_slice %arg8[%run_scoped3A_25, %dma_wait3A_231, %dma_wait3A_232] : memref<4x128x64xf32, #tpu.memory_space<vmem>> -> memref<1x128x64xf32, #tpu.memory_space<vmem>>
      %dma_wait3A_234 = tpu.memref_squeeze %dma_wait3A_233 : memref<1x128x64xf32, #tpu.memory_space<vmem>> -> memref<128x64xf32, #tpu.memory_space<vmem>>
      %dma_wait3A_235 = arith.constant 0 : i32
      %dma_wait3A_236 = tpu.memref_slice %arg9[%add3A_24, %dma_wait3A_235] : memref<14336x64xf32, #tpu.memory_space<vmem_shared>> -> memref<128x64xf32, #tpu.memory_space<vmem_shared>>
      %dma_wait3A_237 = arith.constant 0 : i32
      %dma_wait3A_238 = tpu.memref_slice %arg9[%add3A_24, %dma_wait3A_237] : memref<14336x64xf32, #tpu.memory_space<vmem_shared>> -> memref<128x64xf32, #tpu.memory_space<vmem_shared>>
      %dma_wait3A_239 = arith.constant 0 : i32
      %dma_wait3A_240 = arith.constant 0 : i32
      %dma_wait3A_241 = tpu.memref_slice %arg8[%run_scoped3A_25, %dma_wait3A_239, %dma_wait3A_240] : memref<4x128x64xf32, #tpu.memory_space<vmem>> -> memref<1x128x64xf32, #tpu.memory_space<vmem>>
      %dma_wait3A_242 = tpu.memref_squeeze %dma_wait3A_241 : memref<1x128x64xf32, #tpu.memory_space<vmem>> -> memref<128x64xf32, #tpu.memory_space<vmem>>
      tpu.wait_dma2 semaphore(%run_scoped3A_218 : memref<!tpu.dma_semaphore, #tpu.memory_space<semaphore_mem>>) src(%dma_wait3A_242 : memref<128x64xf32, #tpu.memory_space<vmem>>) dst(%dma_wait3A_238 : memref<128x64xf32, #tpu.memory_space<vmem_shared>>)
      tpu.yield
    }) : () -> ()
    %add3A_26 = arith.constant 512 : i32
    %add3A_27 = arith.addi %mul3A_8, %add3A_26 : i32
    %run_scoped3A_28 = arith.constant 0 : i32
    "tpu.region"() ({
      %run_scoped3A_218 = tpu.sem_alloc : memref<!tpu.dma_semaphore, #tpu.memory_space<semaphore_mem>>
      %dma_start3A_219 = arith.constant 0 : i32
      %dma_start3A_220 = arith.constant 0 : i32
      %dma_start3A_221 = tpu.memref_slice %arg8[%run_scoped3A_28, %dma_start3A_219, %dma_start3A_220] : memref<4x128x64xf32, #tpu.memory_space<vmem>> -> memref<1x128x64xf32, #tpu.memory_space<vmem>>
      %dma_start3A_222 = tpu.memref_squeeze %dma_start3A_221 : memref<1x128x64xf32, #tpu.memory_space<vmem>> -> memref<128x64xf32, #tpu.memory_space<vmem>>
      %dma_start3A_223 = arith.constant 0 : i32
      %dma_start3A_224 = tpu.memref_slice %arg9[%add3A_27, %dma_start3A_223] : memref<14336x64xf32, #tpu.memory_space<vmem_shared>> -> memref<128x64xf32, #tpu.memory_space<vmem_shared>>
      %dma_start3A_225 = arith.constant 0 : i32
      %dma_start3A_226 = tpu.memref_slice %arg9[%add3A_27, %dma_start3A_225] : memref<14336x64xf32, #tpu.memory_space<vmem_shared>> -> memref<128x64xf32, #tpu.memory_space<vmem_shared>>
      %dma_start3A_227 = arith.constant 0 : i32
      %dma_start3A_228 = arith.constant 0 : i32
      %dma_start3A_229 = tpu.memref_slice %arg8[%run_scoped3A_28, %dma_start3A_227, %dma_start3A_228] : memref<4x128x64xf32, #tpu.memory_space<vmem>> -> memref<1x128x64xf32, #tpu.memory_space<vmem>>
      %dma_start3A_230 = tpu.memref_squeeze %dma_start3A_229 : memref<1x128x64xf32, #tpu.memory_space<vmem>> -> memref<128x64xf32, #tpu.memory_space<vmem>>
      tpu.enqueue_dma source(%dma_start3A_230 : memref<128x64xf32, #tpu.memory_space<vmem>>) target(%dma_start3A_226 : memref<128x64xf32, #tpu.memory_space<vmem_shared>>) target_semaphore(%run_scoped3A_218 : memref<!tpu.dma_semaphore, #tpu.memory_space<semaphore_mem>>)
      %dma_wait3A_231 = arith.constant 0 : i32
      %dma_wait3A_232 = arith.constant 0 : i32
      %dma_wait3A_233 = tpu.memref_slice %arg8[%run_scoped3A_28, %dma_wait3A_231, %dma_wait3A_232] : memref<4x128x64xf32, #tpu.memory_space<vmem>> -> memref<1x128x64xf32, #tpu.memory_space<vmem>>
      %dma_wait3A_234 = tpu.memref_squeeze %dma_wait3A_233 : memref<1x128x64xf32, #tpu.memory_space<vmem>> -> memref<128x64xf32, #tpu.memory_space<vmem>>
      %dma_wait3A_235 = arith.constant 0 : i32
      %dma_wait3A_236 = tpu.memref_slice %arg9[%add3A_27, %dma_wait3A_235] : memref<14336x64xf32, #tpu.memory_space<vmem_shared>> -> memref<128x64xf32, #tpu.memory_space<vmem_shared>>
      %dma_wait3A_237 = arith.constant 0 : i32
      %dma_wait3A_238 = tpu.memref_slice %arg9[%add3A_27, %dma_wait3A_237] : memref<14336x64xf32, #tpu.memory_space<vmem_shared>> -> memref<128x64xf32, #tpu.memory_space<vmem_shared>>
      %dma_wait3A_239 = arith.constant 0 : i32
      %dma_wait3A_240 = arith.constant 0 : i32
      %dma_wait3A_241 = tpu.memref_slice %arg8[%run_scoped3A_28, %dma_wait3A_239, %dma_wait3A_240] : memref<4x128x64xf32, #tpu.memory_space<vmem>> -> memref<1x128x64xf32, #tpu.memory_space<vmem>>
      %dma_wait3A_242 = tpu.memref_squeeze %dma_wait3A_241 : memref<1x128x64xf32, #tpu.memory_space<vmem>> -> memref<128x64xf32, #tpu.memory_space<vmem>>
      tpu.wait_dma2 semaphore(%run_scoped3A_218 : memref<!tpu.dma_semaphore, #tpu.memory_space<semaphore_mem>>) src(%dma_wait3A_242 : memref<128x64xf32, #tpu.memory_space<vmem>>) dst(%dma_wait3A_238 : memref<128x64xf32, #tpu.memory_space<vmem_shared>>)
      tpu.yield
    }) : () -> ()
    %add3A_29 = arith.constant 640 : i32
    %add3A_30 = arith.addi %mul3A_8, %add3A_29 : i32
    %run_scoped3A_31 = arith.constant 0 : i32
    "tpu.region"() ({
      %run_scoped3A_218 = tpu.sem_alloc : memref<!tpu.dma_semaphore, #tpu.memory_space<semaphore_mem>>
      %dma_start3A_219 = arith.constant 0 : i32
      %dma_start3A_220 = arith.constant 0 : i32
      %dma_start3A_221 = tpu.memref_slice %arg8[%run_scoped3A_31, %dma_start3A_219, %dma_start3A_220] : memref<4x128x64xf32, #tpu.memory_space<vmem>> -> memref<1x128x64xf32, #tpu.memory_space<vmem>>
      %dma_start3A_222 = tpu.memref_squeeze %dma_start3A_221 : memref<1x128x64xf32, #tpu.memory_space<vmem>> -> memref<128x64xf32, #tpu.memory_space<vmem>>
      %dma_start3A_223 = arith.constant 0 : i32
      %dma_start3A_224 = tpu.memref_slice %arg9[%add3A_30, %dma_start3A_223] : memref<14336x64xf32, #tpu.memory_space<vmem_shared>> -> memref<128x64xf32, #tpu.memory_space<vmem_shared>>
      %dma_start3A_225 = arith.constant 0 : i32
      %dma_start3A_226 = tpu.memref_slice %arg9[%add3A_30, %dma_start3A_225] : memref<14336x64xf32, #tpu.memory_space<vmem_shared>> -> memref<128x64xf32, #tpu.memory_space<vmem_shared>>
      %dma_start3A_227 = arith.constant 0 : i32
      %dma_start3A_228 = arith.constant 0 : i32
      %dma_start3A_229 = tpu.memref_slice %arg8[%run_scoped3A_31, %dma_start3A_227, %dma_start3A_228] : memref<4x128x64xf32, #tpu.memory_space<vmem>> -> memref<1x128x64xf32, #tpu.memory_space<vmem>>
      %dma_start3A_230 = tpu.memref_squeeze %dma_start3A_229 : memref<1x128x64xf32, #tpu.memory_space<vmem>> -> memref<128x64xf32, #tpu.memory_space<vmem>>
      tpu.enqueue_dma source(%dma_start3A_230 : memref<128x64xf32, #tpu.memory_space<vmem>>) target(%dma_start3A_226 : memref<128x64xf32, #tpu.memory_space<vmem_shared>>) target_semaphore(%run_scoped3A_218 : memref<!tpu.dma_semaphore, #tpu.memory_space<semaphore_mem>>)
      %dma_wait3A_231 = arith.constant 0 : i32
      %dma_wait3A_232 = arith.constant 0 : i32
      %dma_wait3A_233 = tpu.memref_slice %arg8[%run_scoped3A_31, %dma_wait3A_231, %dma_wait3A_232] : memref<4x128x64xf32, #tpu.memory_space<vmem>> -> memref<1x128x64xf32, #tpu.memory_space<vmem>>
      %dma_wait3A_234 = tpu.memref_squeeze %dma_wait3A_233 : memref<1x128x64xf32, #tpu.memory_space<vmem>> -> memref<128x64xf32, #tpu.memory_space<vmem>>
      %dma_wait3A_235 = arith.constant 0 : i32
      %dma_wait3A_236 = tpu.memref_slice %arg9[%add3A_30, %dma_wait3A_235] : memref<14336x64xf32, #tpu.memory_space<vmem_shared>> -> memref<128x64xf32, #tpu.memory_space<vmem_shared>>
      %dma_wait3A_237 = arith.constant 0 : i32
      %dma_wait3A_238 = tpu.memref_slice %arg9[%add3A_30, %dma_wait3A_237] : memref<14336x64xf32, #tpu.memory_space<vmem_shared>> -> memref<128x64xf32, #tpu.memory_space<vmem_shared>>
      %dma_wait3A_239 = arith.constant 0 : i32
      %dma_wait3A_240 = arith.constant 0 : i32
      %dma_wait3A_241 = tpu.memref_slice %arg8[%run_scoped3A_31, %dma_wait3A_239, %dma_wait3A_240] : memref<4x128x64xf32, #tpu.memory_space<vmem>> -> memref<1x128x64xf32, #tpu.memory_space<vmem>>
      %dma_wait3A_242 = tpu.memref_squeeze %dma_wait3A_241 : memref<1x128x64xf32, #tpu.memory_space<vmem>> -> memref<128x64xf32, #tpu.memory_space<vmem>>
      tpu.wait_dma2 semaphore(%run_scoped3A_218 : memref<!tpu.dma_semaphore, #tpu.memory_space<semaphore_mem>>) src(%dma_wait3A_242 : memref<128x64xf32, #tpu.memory_space<vmem>>) dst(%dma_wait3A_238 : memref<128x64xf32, #tpu.memory_space<vmem_shared>>)
      tpu.yield
    }) : () -> ()
    %add3A_32 = arith.constant 768 : i32
    %add3A_33 = arith.addi %mul3A_8, %add3A_32 : i32
    %run_scoped3A_34 = arith.constant 0 : i32
    "tpu.region"() ({
      %run_scoped3A_218 = tpu.sem_alloc : memref<!tpu.dma_semaphore, #tpu.memory_space<semaphore_mem>>
      %dma_start3A_219 = arith.constant 0 : i32
      %dma_start3A_220 = arith.constant 0 : i32
      %dma_start3A_221 = tpu.memref_slice %arg8[%run_scoped3A_34, %dma_start3A_219, %dma_start3A_220] : memref<4x128x64xf32, #tpu.memory_space<vmem>> -> memref<1x128x64xf32, #tpu.memory_space<vmem>>
      %dma_start3A_222 = tpu.memref_squeeze %dma_start3A_221 : memref<1x128x64xf32, #tpu.memory_space<vmem>> -> memref<128x64xf32, #tpu.memory_space<vmem>>
      %dma_start3A_223 = arith.constant 0 : i32
      %dma_start3A_224 = tpu.memref_slice %arg9[%add3A_33, %dma_start3A_223] : memref<14336x64xf32, #tpu.memory_space<vmem_shared>> -> memref<128x64xf32, #tpu.memory_space<vmem_shared>>
      %dma_start3A_225 = arith.constant 0 : i32
      %dma_start3A_226 = tpu.memref_slice %arg9[%add3A_33, %dma_start3A_225] : memref<14336x64xf32, #tpu.memory_space<vmem_shared>> -> memref<128x64xf32, #tpu.memory_space<vmem_shared>>
      %dma_start3A_227 = arith.constant 0 : i32
      %dma_start3A_228 = arith.constant 0 : i32
      %dma_start3A_229 = tpu.memref_slice %arg8[%run_scoped3A_34, %dma_start3A_227, %dma_start3A_228] : memref<4x128x64xf32, #tpu.memory_space<vmem>> -> memref<1x128x64xf32, #tpu.memory_space<vmem>>
      %dma_start3A_230 = tpu.memref_squeeze %dma_start3A_229 : memref<1x128x64xf32, #tpu.memory_space<vmem>> -> memref<128x64xf32, #tpu.memory_space<vmem>>
      tpu.enqueue_dma source(%dma_start3A_230 : memref<128x64xf32, #tpu.memory_space<vmem>>) target(%dma_start3A_226 : memref<128x64xf32, #tpu.memory_space<vmem_shared>>) target_semaphore(%run_scoped3A_218 : memref<!tpu.dma_semaphore, #tpu.memory_space<semaphore_mem>>)
      %dma_wait3A_231 = arith.constant 0 : i32
      %dma_wait3A_232 = arith.constant 0 : i32
      %dma_wait3A_233 = tpu.memref_slice %arg8[%run_scoped3A_34, %dma_wait3A_231, %dma_wait3A_232] : memref<4x128x64xf32, #tpu.memory_space<vmem>> -> memref<1x128x64xf32, #tpu.memory_space<vmem>>
      %dma_wait3A_234 = tpu.memref_squeeze %dma_wait3A_233 : memref<1x128x64xf32, #tpu.memory_space<vmem>> -> memref<128x64xf32, #tpu.memory_space<vmem>>
      %dma_wait3A_235 = arith.constant 0 : i32
      %dma_wait3A_236 = tpu.memref_slice %arg9[%add3A_33, %dma_wait3A_235] : memref<14336x64xf32, #tpu.memory_space<vmem_shared>> -> memref<128x64xf32, #tpu.memory_space<vmem_shared>>
      %dma_wait3A_237 = arith.constant 0 : i32
      %dma_wait3A_238 = tpu.memref_slice %arg9[%add3A_33, %dma_wait3A_237] : memref<14336x64xf32, #tpu.memory_space<vmem_shared>> -> memref<128x64xf32, #tpu.memory_space<vmem_shared>>
      %dma_wait3A_239 = arith.constant 0 : i32
      %dma_wait3A_240 = arith.constant 0 : i32
      %dma_wait3A_241 = tpu.memref_slice %arg8[%run_scoped3A_34, %dma_wait3A_239, %dma_wait3A_240] : memref<4x128x64xf32, #tpu.memory_space<vmem>> -> memref<1x128x64xf32, #tpu.memory_space<vmem>>
      %dma_wait3A_242 = tpu.memref_squeeze %dma_wait3A_241 : memref<1x128x64xf32, #tpu.memory_space<vmem>> -> memref<128x64xf32, #tpu.memory_space<vmem>>
      tpu.wait_dma2 semaphore(%run_scoped3A_218 : memref<!tpu.dma_semaphore, #tpu.memory_space<semaphore_mem>>) src(%dma_wait3A_242 : memref<128x64xf32, #tpu.memory_space<vmem>>) dst(%dma_wait3A_238 : memref<128x64xf32, #tpu.memory_space<vmem_shared>>)
      tpu.yield
    }) : () -> ()
    %barrier3A = arith.constant 0 : index
    tpu.barrier barrier_id(%barrier3A)
    %dma_start3A = arith.constant 0 : i32
    %dma_start3A_35 = arith.constant 0 : i32
    %dma_start3A_36 = arith.constant 0 : i32
    %dma_start3A_37 = arith.constant 0 : i32
    %dma_start3A_38 = tpu.memref_slice %arg8[%dma_start3A_35, %dma_start3A_36, %dma_start3A_37] : memref<4x128x64xf32, #tpu.memory_space<vmem>> -> memref<1x128x64xf32, #tpu.memory_space<vmem>>
    %dma_start3A_39 = tpu.memref_squeeze %dma_start3A_38 : memref<1x128x64xf32, #tpu.memory_space<vmem>> -> memref<128x64xf32, #tpu.memory_space<vmem>>
    %dma_start3A_40 = arith.constant 0 : i32
    %dma_start3A_41 = tpu.memref_slice %arg6[%dma_start3A, %dma_start3A_40] : memref<112x128xi32, #tpu.memory_space<vmem>> -> memref<1x128xi32, #tpu.memory_space<vmem>>
    %dma_start3A_42 = tpu.memref_squeeze %dma_start3A_41 : memref<1x128xi32, #tpu.memory_space<vmem>> -> memref<128xi32, #tpu.memory_space<vmem>>
    %dma_start3A_43 = arith.constant 0 : i32
    %dma_start3A_44 = arith.constant 0 : i32
    %dma_start3A_45 = tpu.memref_slice %arg2[%dma_start3A_43, %dma_start3A_44] : memref<14336x64xf32, #tpu.memory_space<hbm>> -> memref<14336x64xf32, #tpu.memory_space<hbm>>
    tpu.enqueue_indirect_dma source(%dma_start3A_45 : memref<14336x64xf32, #tpu.memory_space<hbm>>) target(%dma_start3A_39 : memref<128x64xf32, #tpu.memory_space<vmem>>) offsets(%dma_start3A_42 : memref<128xi32, #tpu.memory_space<vmem>>) semaphore(%arg10 : memref<!tpu.dma_semaphore, #tpu.memory_space<semaphore_mem>>)
    %dma_start3A_46 = arith.constant 1 : i32
    %dma_start3A_47 = arith.constant 1 : i32
    %dma_start3A_48 = arith.constant 0 : i32
    %dma_start3A_49 = arith.constant 0 : i32
    %dma_start3A_50 = tpu.memref_slice %arg8[%dma_start3A_47, %dma_start3A_48, %dma_start3A_49] : memref<4x128x64xf32, #tpu.memory_space<vmem>> -> memref<1x128x64xf32, #tpu.memory_space<vmem>>
    %dma_start3A_51 = tpu.memref_squeeze %dma_start3A_50 : memref<1x128x64xf32, #tpu.memory_space<vmem>> -> memref<128x64xf32, #tpu.memory_space<vmem>>
    %dma_start3A_52 = arith.constant 0 : i32
    %dma_start3A_53 = tpu.memref_slice %arg6[%dma_start3A_46, %dma_start3A_52] : memref<112x128xi32, #tpu.memory_space<vmem>> -> memref<1x128xi32, #tpu.memory_space<vmem>>
    %dma_start3A_54 = tpu.memref_squeeze %dma_start3A_53 : memref<1x128xi32, #tpu.memory_space<vmem>> -> memref<128xi32, #tpu.memory_space<vmem>>
    %dma_start3A_55 = arith.constant 0 : i32
    %dma_start3A_56 = arith.constant 0 : i32
    %dma_start3A_57 = tpu.memref_slice %arg2[%dma_start3A_55, %dma_start3A_56] : memref<14336x64xf32, #tpu.memory_space<hbm>> -> memref<14336x64xf32, #tpu.memory_space<hbm>>
    tpu.enqueue_indirect_dma source(%dma_start3A_57 : memref<14336x64xf32, #tpu.memory_space<hbm>>) target(%dma_start3A_51 : memref<128x64xf32, #tpu.memory_space<vmem>>) offsets(%dma_start3A_54 : memref<128xi32, #tpu.memory_space<vmem>>) semaphore(%arg11 : memref<!tpu.dma_semaphore, #tpu.memory_space<semaphore_mem>>)
    %scan3A_58 = arith.constant 0 : i32
    %scan3A_59 = arith.constant 28 : i32
    %scan3A_60 = arith.addi %scan3A_58, %scan3A_59 : i32
    %scan3A_61 = arith.constant 1 : i32
    scf.for %scan3A_218 = %scan3A_58 to %scan3A_60 step %scan3A_61  : i32 {
      %mul3A_219 = arith.constant 4 : i32
      %mul3A_220 = arith.muli %scan3A_218, %mul3A_219 : i32
      %add3A_221 = arith.constant 0 : i32
      %add3A_222 = arith.addi %add3A_221, %mul3A_220 : i32
      %add3A_223 = arith.constant 0 : i32
      %add3A_224 = arith.addi %add3A_222, %add3A_223 : i32
      %add3A_225 = arith.constant 2 : i32
      %add3A_226 = arith.addi %add3A_224, %add3A_225 : i32
      %lt3A = arith.constant 112 : i32
      %lt3A_227 = arith.cmpi slt, %add3A_226, %lt3A : i32
      %convert_element_type3A = arith.extui %lt3A_227 : i1 to i32
      %cond3A = arith.constant 0 : i32
      %cond3A_228 = arith.cmpi ne, %convert_element_type3A, %cond3A : i32
      scf.if %cond3A_228 {
        %ge3A = arith.constant 2 : i32
        %ge3A_344 = arith.cmpi sge, %add3A_224, %ge3A : i32
        %convert_element_type3A_345 = arith.extui %ge3A_344 : i1 to i32
        %cond3A_346 = arith.constant 0 : i32
        %cond3A_347 = arith.cmpi ne, %convert_element_type3A_345, %cond3A_346 : i32
        scf.if %cond3A_347 {
          %sub3A = arith.constant 2 : i32
          %sub3A_361 = arith.subi %add3A_224, %sub3A : i32
          %dma_wait3A_362 = arith.constant 2 : i32
          %dma_wait3A_363 = arith.constant 0 : i32
          %dma_wait3A_364 = arith.constant 0 : i32
          %dma_wait3A_365 = tpu.memref_slice %arg8[%dma_wait3A_362, %dma_wait3A_363, %dma_wait3A_364] : memref<4x128x64xf32, #tpu.memory_space<vmem>> -> memref<1x128x64xf32, #tpu.memory_space<vmem>>
          %dma_wait3A_366 = tpu.memref_squeeze %dma_wait3A_365 : memref<1x128x64xf32, #tpu.memory_space<vmem>> -> memref<128x64xf32, #tpu.memory_space<vmem>>
          %dma_wait3A_367 = arith.constant 0 : i32
          %dma_wait3A_368 = tpu.memref_slice %arg7[%sub3A_361, %dma_wait3A_367] : memref<112x128xi32, #tpu.memory_space<vmem>> -> memref<1x128xi32, #tpu.memory_space<vmem>>
          %dma_wait3A_369 = tpu.memref_squeeze %dma_wait3A_368 : memref<1x128xi32, #tpu.memory_space<vmem>> -> memref<128xi32, #tpu.memory_space<vmem>>
          %dma_wait3A_370 = arith.constant 0 : i32
          %dma_wait3A_371 = arith.constant 0 : i32
          %dma_wait3A_372 = tpu.memref_slice %arg9[%dma_wait3A_370, %dma_wait3A_371] : memref<14336x64xf32, #tpu.memory_space<vmem_shared>> -> memref<14336x64xf32, #tpu.memory_space<vmem_shared>>
          tpu.wait_indirect_dma semaphore(%arg16 : memref<!tpu.dma_semaphore, #tpu.memory_space<semaphore_mem>>) src(%dma_wait3A_366 : memref<128x64xf32, #tpu.memory_space<vmem>>) dst(%dma_wait3A_372 : memref<14336x64xf32, #tpu.memory_space<vmem_shared>>)
        } else {
        }
        %add3A_348 = arith.constant 2 : i32
        %add3A_349 = arith.addi %add3A_224, %add3A_348 : i32
        %dma_start3A_350 = arith.constant 2 : i32
        %dma_start3A_351 = arith.constant 0 : i32
        %dma_start3A_352 = arith.constant 0 : i32
        %dma_start3A_353 = tpu.memref_slice %arg8[%dma_start3A_350, %dma_start3A_351, %dma_start3A_352] : memref<4x128x64xf32, #tpu.memory_space<vmem>> -> memref<1x128x64xf32, #tpu.memory_space<vmem>>
        %dma_start3A_354 = tpu.memref_squeeze %dma_start3A_353 : memref<1x128x64xf32, #tpu.memory_space<vmem>> -> memref<128x64xf32, #tpu.memory_space<vmem>>
        %dma_start3A_355 = arith.constant 0 : i32
        %dma_start3A_356 = tpu.memref_slice %arg6[%add3A_349, %dma_start3A_355] : memref<112x128xi32, #tpu.memory_space<vmem>> -> memref<1x128xi32, #tpu.memory_space<vmem>>
        %dma_start3A_357 = tpu.memref_squeeze %dma_start3A_356 : memref<1x128xi32, #tpu.memory_space<vmem>> -> memref<128xi32, #tpu.memory_space<vmem>>
        %dma_start3A_358 = arith.constant 0 : i32
        %dma_start3A_359 = arith.constant 0 : i32
        %dma_start3A_360 = tpu.memref_slice %arg2[%dma_start3A_358, %dma_start3A_359] : memref<14336x64xf32, #tpu.memory_space<hbm>> -> memref<14336x64xf32, #tpu.memory_space<hbm>>
        tpu.enqueue_indirect_dma source(%dma_start3A_360 : memref<14336x64xf32, #tpu.memory_space<hbm>>) target(%dma_start3A_354 : memref<128x64xf32, #tpu.memory_space<vmem>>) offsets(%dma_start3A_357 : memref<128xi32, #tpu.memory_space<vmem>>) semaphore(%arg12 : memref<!tpu.dma_semaphore, #tpu.memory_space<semaphore_mem>>)
      } else {
      }
      %dma_wait3A_229 = arith.constant 0 : i32
      %dma_wait3A_230 = arith.constant 0 : i32
      %dma_wait3A_231 = arith.constant 0 : i32
      %dma_wait3A_232 = tpu.memref_slice %arg8[%dma_wait3A_229, %dma_wait3A_230, %dma_wait3A_231] : memref<4x128x64xf32, #tpu.memory_space<vmem>> -> memref<1x128x64xf32, #tpu.memory_space<vmem>>
      %dma_wait3A_233 = tpu.memref_squeeze %dma_wait3A_232 : memref<1x128x64xf32, #tpu.memory_space<vmem>> -> memref<128x64xf32, #tpu.memory_space<vmem>>
      %dma_wait3A_234 = arith.constant 0 : i32
      %dma_wait3A_235 = tpu.memref_slice %arg6[%add3A_224, %dma_wait3A_234] : memref<112x128xi32, #tpu.memory_space<vmem>> -> memref<1x128xi32, #tpu.memory_space<vmem>>
      %dma_wait3A_236 = tpu.memref_squeeze %dma_wait3A_235 : memref<1x128xi32, #tpu.memory_space<vmem>> -> memref<128xi32, #tpu.memory_space<vmem>>
      %dma_wait3A_237 = arith.constant 0 : i32
      %dma_wait3A_238 = arith.constant 0 : i32
      %dma_wait3A_239 = tpu.memref_slice %arg2[%dma_wait3A_237, %dma_wait3A_238] : memref<14336x64xf32, #tpu.memory_space<hbm>> -> memref<14336x64xf32, #tpu.memory_space<hbm>>
      tpu.wait_indirect_dma semaphore(%arg10 : memref<!tpu.dma_semaphore, #tpu.memory_space<semaphore_mem>>) src(%dma_wait3A_239 : memref<14336x64xf32, #tpu.memory_space<hbm>>) dst(%dma_wait3A_233 : memref<128x64xf32, #tpu.memory_space<vmem>>)
      %dma_start3A_240 = arith.constant 0 : i32
      %dma_start3A_241 = arith.constant 0 : i32
      %dma_start3A_242 = arith.constant 0 : i32
      %dma_start3A_243 = tpu.memref_slice %arg8[%dma_start3A_240, %dma_start3A_241, %dma_start3A_242] : memref<4x128x64xf32, #tpu.memory_space<vmem>> -> memref<1x128x64xf32, #tpu.memory_space<vmem>>
      %dma_start3A_244 = tpu.memref_squeeze %dma_start3A_243 : memref<1x128x64xf32, #tpu.memory_space<vmem>> -> memref<128x64xf32, #tpu.memory_space<vmem>>
      %dma_start3A_245 = arith.constant 0 : i32
      %dma_start3A_246 = tpu.memref_slice %arg7[%add3A_224, %dma_start3A_245] : memref<112x128xi32, #tpu.memory_space<vmem>> -> memref<1x128xi32, #tpu.memory_space<vmem>>
      %dma_start3A_247 = tpu.memref_squeeze %dma_start3A_246 : memref<1x128xi32, #tpu.memory_space<vmem>> -> memref<128xi32, #tpu.memory_space<vmem>>
      %dma_start3A_248 = arith.constant 0 : i32
      %dma_start3A_249 = arith.constant 0 : i32
      %dma_start3A_250 = tpu.memref_slice %arg9[%dma_start3A_248, %dma_start3A_249] : memref<14336x64xf32, #tpu.memory_space<vmem_shared>> -> memref<14336x64xf32, #tpu.memory_space<vmem_shared>>
      tpu.enqueue_indirect_dma source(%dma_start3A_244 : memref<128x64xf32, #tpu.memory_space<vmem>>) target(%dma_start3A_250 : memref<14336x64xf32, #tpu.memory_space<vmem_shared>>) offsets(%dma_start3A_247 : memref<128xi32, #tpu.memory_space<vmem>>) semaphore(%arg14 : memref<!tpu.dma_semaphore, #tpu.memory_space<semaphore_mem>>) {add = true}
      %add3A_251 = arith.constant 1 : i32
      %add3A_252 = arith.addi %add3A_222, %add3A_251 : i32
      %add3A_253 = arith.constant 2 : i32
      %add3A_254 = arith.addi %add3A_252, %add3A_253 : i32
      %lt3A_255 = arith.constant 112 : i32
      %lt3A_256 = arith.cmpi slt, %add3A_254, %lt3A_255 : i32
      %convert_element_type3A_257 = arith.extui %lt3A_256 : i1 to i32
      %cond3A_258 = arith.constant 0 : i32
      %cond3A_259 = arith.cmpi ne, %convert_element_type3A_257, %cond3A_258 : i32
      scf.if %cond3A_259 {
        %ge3A = arith.constant 2 : i32
        %ge3A_344 = arith.cmpi sge, %add3A_252, %ge3A : i32
        %convert_element_type3A_345 = arith.extui %ge3A_344 : i1 to i32
        %cond3A_346 = arith.constant 0 : i32
        %cond3A_347 = arith.cmpi ne, %convert_element_type3A_345, %cond3A_346 : i32
        scf.if %cond3A_347 {
          %sub3A = arith.constant 2 : i32
          %sub3A_361 = arith.subi %add3A_252, %sub3A : i32
          %dma_wait3A_362 = arith.constant 3 : i32
          %dma_wait3A_363 = arith.constant 0 : i32
          %dma_wait3A_364 = arith.constant 0 : i32
          %dma_wait3A_365 = tpu.memref_slice %arg8[%dma_wait3A_362, %dma_wait3A_363, %dma_wait3A_364] : memref<4x128x64xf32, #tpu.memory_space<vmem>> -> memref<1x128x64xf32, #tpu.memory_space<vmem>>
          %dma_wait3A_366 = tpu.memref_squeeze %dma_wait3A_365 : memref<1x128x64xf32, #tpu.memory_space<vmem>> -> memref<128x64xf32, #tpu.memory_space<vmem>>
          %dma_wait3A_367 = arith.constant 0 : i32
          %dma_wait3A_368 = tpu.memref_slice %arg7[%sub3A_361, %dma_wait3A_367] : memref<112x128xi32, #tpu.memory_space<vmem>> -> memref<1x128xi32, #tpu.memory_space<vmem>>
          %dma_wait3A_369 = tpu.memref_squeeze %dma_wait3A_368 : memref<1x128xi32, #tpu.memory_space<vmem>> -> memref<128xi32, #tpu.memory_space<vmem>>
          %dma_wait3A_370 = arith.constant 0 : i32
          %dma_wait3A_371 = arith.constant 0 : i32
          %dma_wait3A_372 = tpu.memref_slice %arg9[%dma_wait3A_370, %dma_wait3A_371] : memref<14336x64xf32, #tpu.memory_space<vmem_shared>> -> memref<14336x64xf32, #tpu.memory_space<vmem_shared>>
          tpu.wait_indirect_dma semaphore(%arg17 : memref<!tpu.dma_semaphore, #tpu.memory_space<semaphore_mem>>) src(%dma_wait3A_366 : memref<128x64xf32, #tpu.memory_space<vmem>>) dst(%dma_wait3A_372 : memref<14336x64xf32, #tpu.memory_space<vmem_shared>>)
        } else {
        }
        %add3A_348 = arith.constant 2 : i32
        %add3A_349 = arith.addi %add3A_252, %add3A_348 : i32
        %dma_start3A_350 = arith.constant 3 : i32
        %dma_start3A_351 = arith.constant 0 : i32
        %dma_start3A_352 = arith.constant 0 : i32
        %dma_start3A_353 = tpu.memref_slice %arg8[%dma_start3A_350, %dma_start3A_351, %dma_start3A_352] : memref<4x128x64xf32, #tpu.memory_space<vmem>> -> memref<1x128x64xf32, #tpu.memory_space<vmem>>
        %dma_start3A_354 = tpu.memref_squeeze %dma_start3A_353 : memref<1x128x64xf32, #tpu.memory_space<vmem>> -> memref<128x64xf32, #tpu.memory_space<vmem>>
        %dma_start3A_355 = arith.constant 0 : i32
        %dma_start3A_356 = tpu.memref_slice %arg6[%add3A_349, %dma_start3A_355] : memref<112x128xi32, #tpu.memory_space<vmem>> -> memref<1x128xi32, #tpu.memory_space<vmem>>
        %dma_start3A_357 = tpu.memref_squeeze %dma_start3A_356 : memref<1x128xi32, #tpu.memory_space<vmem>> -> memref<128xi32, #tpu.memory_space<vmem>>
        %dma_start3A_358 = arith.constant 0 : i32
        %dma_start3A_359 = arith.constant 0 : i32
        %dma_start3A_360 = tpu.memref_slice %arg2[%dma_start3A_358, %dma_start3A_359] : memref<14336x64xf32, #tpu.memory_space<hbm>> -> memref<14336x64xf32, #tpu.memory_space<hbm>>
        tpu.enqueue_indirect_dma source(%dma_start3A_360 : memref<14336x64xf32, #tpu.memory_space<hbm>>) target(%dma_start3A_354 : memref<128x64xf32, #tpu.memory_space<vmem>>) offsets(%dma_start3A_357 : memref<128xi32, #tpu.memory_space<vmem>>) semaphore(%arg13 : memref<!tpu.dma_semaphore, #tpu.memory_space<semaphore_mem>>)
      } else {
      }
      %dma_wait3A_260 = arith.constant 1 : i32
      %dma_wait3A_261 = arith.constant 0 : i32
      %dma_wait3A_262 = arith.constant 0 : i32
      %dma_wait3A_263 = tpu.memref_slice %arg8[%dma_wait3A_260, %dma_wait3A_261, %dma_wait3A_262] : memref<4x128x64xf32, #tpu.memory_space<vmem>> -> memref<1x128x64xf32, #tpu.memory_space<vmem>>
      %dma_wait3A_264 = tpu.memref_squeeze %dma_wait3A_263 : memref<1x128x64xf32, #tpu.memory_space<vmem>> -> memref<128x64xf32, #tpu.memory_space<vmem>>
      %dma_wait3A_265 = arith.constant 0 : i32
      %dma_wait3A_266 = tpu.memref_slice %arg6[%add3A_252, %dma_wait3A_265] : memref<112x128xi32, #tpu.memory_space<vmem>> -> memref<1x128xi32, #tpu.memory_space<vmem>>
      %dma_wait3A_267 = tpu.memref_squeeze %dma_wait3A_266 : memref<1x128xi32, #tpu.memory_space<vmem>> -> memref<128xi32, #tpu.memory_space<vmem>>
      %dma_wait3A_268 = arith.constant 0 : i32
      %dma_wait3A_269 = arith.constant 0 : i32
      %dma_wait3A_270 = tpu.memref_slice %arg2[%dma_wait3A_268, %dma_wait3A_269] : memref<14336x64xf32, #tpu.memory_space<hbm>> -> memref<14336x64xf32, #tpu.memory_space<hbm>>
      tpu.wait_indirect_dma semaphore(%arg11 : memref<!tpu.dma_semaphore, #tpu.memory_space<semaphore_mem>>) src(%dma_wait3A_270 : memref<14336x64xf32, #tpu.memory_space<hbm>>) dst(%dma_wait3A_264 : memref<128x64xf32, #tpu.memory_space<vmem>>)
      %dma_start3A_271 = arith.constant 1 : i32
      %dma_start3A_272 = arith.constant 0 : i32
      %dma_start3A_273 = arith.constant 0 : i32
      %dma_start3A_274 = tpu.memref_slice %arg8[%dma_start3A_271, %dma_start3A_272, %dma_start3A_273] : memref<4x128x64xf32, #tpu.memory_space<vmem>> -> memref<1x128x64xf32, #tpu.memory_space<vmem>>
      %dma_start3A_275 = tpu.memref_squeeze %dma_start3A_274 : memref<1x128x64xf32, #tpu.memory_space<vmem>> -> memref<128x64xf32, #tpu.memory_space<vmem>>
      %dma_start3A_276 = arith.constant 0 : i32
      %dma_start3A_277 = tpu.memref_slice %arg7[%add3A_252, %dma_start3A_276] : memref<112x128xi32, #tpu.memory_space<vmem>> -> memref<1x128xi32, #tpu.memory_space<vmem>>
      %dma_start3A_278 = tpu.memref_squeeze %dma_start3A_277 : memref<1x128xi32, #tpu.memory_space<vmem>> -> memref<128xi32, #tpu.memory_space<vmem>>
      %dma_start3A_279 = arith.constant 0 : i32
      %dma_start3A_280 = arith.constant 0 : i32
      %dma_start3A_281 = tpu.memref_slice %arg9[%dma_start3A_279, %dma_start3A_280] : memref<14336x64xf32, #tpu.memory_space<vmem_shared>> -> memref<14336x64xf32, #tpu.memory_space<vmem_shared>>
      tpu.enqueue_indirect_dma source(%dma_start3A_275 : memref<128x64xf32, #tpu.memory_space<vmem>>) target(%dma_start3A_281 : memref<14336x64xf32, #tpu.memory_space<vmem_shared>>) offsets(%dma_start3A_278 : memref<128xi32, #tpu.memory_space<vmem>>) semaphore(%arg15 : memref<!tpu.dma_semaphore, #tpu.memory_space<semaphore_mem>>) {add = true}
      %add3A_282 = arith.constant 2 : i32
      %add3A_283 = arith.addi %add3A_222, %add3A_282 : i32
      %add3A_284 = arith.constant 2 : i32
      %add3A_285 = arith.addi %add3A_283, %add3A_284 : i32
      %lt3A_286 = arith.constant 112 : i32
      %lt3A_287 = arith.cmpi slt, %add3A_285, %lt3A_286 : i32
      %convert_element_type3A_288 = arith.extui %lt3A_287 : i1 to i32
      %cond3A_289 = arith.constant 0 : i32
      %cond3A_290 = arith.cmpi ne, %convert_element_type3A_288, %cond3A_289 : i32
      scf.if %cond3A_290 {
        %ge3A = arith.constant 2 : i32
        %ge3A_344 = arith.cmpi sge, %add3A_283, %ge3A : i32
        %convert_element_type3A_345 = arith.extui %ge3A_344 : i1 to i32
        %cond3A_346 = arith.constant 0 : i32
        %cond3A_347 = arith.cmpi ne, %convert_element_type3A_345, %cond3A_346 : i32
        scf.if %cond3A_347 {
          %sub3A = arith.constant 2 : i32
          %sub3A_361 = arith.subi %add3A_283, %sub3A : i32
          %dma_wait3A_362 = arith.constant 0 : i32
          %dma_wait3A_363 = arith.constant 0 : i32
          %dma_wait3A_364 = arith.constant 0 : i32
          %dma_wait3A_365 = tpu.memref_slice %arg8[%dma_wait3A_362, %dma_wait3A_363, %dma_wait3A_364] : memref<4x128x64xf32, #tpu.memory_space<vmem>> -> memref<1x128x64xf32, #tpu.memory_space<vmem>>
          %dma_wait3A_366 = tpu.memref_squeeze %dma_wait3A_365 : memref<1x128x64xf32, #tpu.memory_space<vmem>> -> memref<128x64xf32, #tpu.memory_space<vmem>>
          %dma_wait3A_367 = arith.constant 0 : i32
          %dma_wait3A_368 = tpu.memref_slice %arg7[%sub3A_361, %dma_wait3A_367] : memref<112x128xi32, #tpu.memory_space<vmem>> -> memref<1x128xi32, #tpu.memory_space<vmem>>
          %dma_wait3A_369 = tpu.memref_squeeze %dma_wait3A_368 : memref<1x128xi32, #tpu.memory_space<vmem>> -> memref<128xi32, #tpu.memory_space<vmem>>
          %dma_wait3A_370 = arith.constant 0 : i32
          %dma_wait3A_371 = arith.constant 0 : i32
          %dma_wait3A_372 = tpu.memref_slice %arg9[%dma_wait3A_370, %dma_wait3A_371] : memref<14336x64xf32, #tpu.memory_space<vmem_shared>> -> memref<14336x64xf32, #tpu.memory_space<vmem_shared>>
          tpu.wait_indirect_dma semaphore(%arg14 : memref<!tpu.dma_semaphore, #tpu.memory_space<semaphore_mem>>) src(%dma_wait3A_366 : memref<128x64xf32, #tpu.memory_space<vmem>>) dst(%dma_wait3A_372 : memref<14336x64xf32, #tpu.memory_space<vmem_shared>>)
        } else {
        }
        %add3A_348 = arith.constant 2 : i32
        %add3A_349 = arith.addi %add3A_283, %add3A_348 : i32
        %dma_start3A_350 = arith.constant 0 : i32
        %dma_start3A_351 = arith.constant 0 : i32
        %dma_start3A_352 = arith.constant 0 : i32
        %dma_start3A_353 = tpu.memref_slice %arg8[%dma_start3A_350, %dma_start3A_351, %dma_start3A_352] : memref<4x128x64xf32, #tpu.memory_space<vmem>> -> memref<1x128x64xf32, #tpu.memory_space<vmem>>
        %dma_start3A_354 = tpu.memref_squeeze %dma_start3A_353 : memref<1x128x64xf32, #tpu.memory_space<vmem>> -> memref<128x64xf32, #tpu.memory_space<vmem>>
        %dma_start3A_355 = arith.constant 0 : i32
        %dma_start3A_356 = tpu.memref_slice %arg6[%add3A_349, %dma_start3A_355] : memref<112x128xi32, #tpu.memory_space<vmem>> -> memref<1x128xi32, #tpu.memory_space<vmem>>
        %dma_start3A_357 = tpu.memref_squeeze %dma_start3A_356 : memref<1x128xi32, #tpu.memory_space<vmem>> -> memref<128xi32, #tpu.memory_space<vmem>>
        %dma_start3A_358 = arith.constant 0 : i32
        %dma_start3A_359 = arith.constant 0 : i32
        %dma_start3A_360 = tpu.memref_slice %arg2[%dma_start3A_358, %dma_start3A_359] : memref<14336x64xf32, #tpu.memory_space<hbm>> -> memref<14336x64xf32, #tpu.memory_space<hbm>>
        tpu.enqueue_indirect_dma source(%dma_start3A_360 : memref<14336x64xf32, #tpu.memory_space<hbm>>) target(%dma_start3A_354 : memref<128x64xf32, #tpu.memory_space<vmem>>) offsets(%dma_start3A_357 : memref<128xi32, #tpu.memory_space<vmem>>) semaphore(%arg10 : memref<!tpu.dma_semaphore, #tpu.memory_space<semaphore_mem>>)
      } else {
      }
      %dma_wait3A_291 = arith.constant 2 : i32
      %dma_wait3A_292 = arith.constant 0 : i32
      %dma_wait3A_293 = arith.constant 0 : i32
      %dma_wait3A_294 = tpu.memref_slice %arg8[%dma_wait3A_291, %dma_wait3A_292, %dma_wait3A_293] : memref<4x128x64xf32, #tpu.memory_space<vmem>> -> memref<1x128x64xf32, #tpu.memory_space<vmem>>
      %dma_wait3A_295 = tpu.memref_squeeze %dma_wait3A_294 : memref<1x128x64xf32, #tpu.memory_space<vmem>> -> memref<128x64xf32, #tpu.memory_space<vmem>>
      %dma_wait3A_296 = arith.constant 0 : i32
      %dma_wait3A_297 = tpu.memref_slice %arg6[%add3A_283, %dma_wait3A_296] : memref<112x128xi32, #tpu.memory_space<vmem>> -> memref<1x128xi32, #tpu.memory_space<vmem>>
      %dma_wait3A_298 = tpu.memref_squeeze %dma_wait3A_297 : memref<1x128xi32, #tpu.memory_space<vmem>> -> memref<128xi32, #tpu.memory_space<vmem>>
      %dma_wait3A_299 = arith.constant 0 : i32
      %dma_wait3A_300 = arith.constant 0 : i32
      %dma_wait3A_301 = tpu.memref_slice %arg2[%dma_wait3A_299, %dma_wait3A_300] : memref<14336x64xf32, #tpu.memory_space<hbm>> -> memref<14336x64xf32, #tpu.memory_space<hbm>>
      tpu.wait_indirect_dma semaphore(%arg12 : memref<!tpu.dma_semaphore, #tpu.memory_space<semaphore_mem>>) src(%dma_wait3A_301 : memref<14336x64xf32, #tpu.memory_space<hbm>>) dst(%dma_wait3A_295 : memref<128x64xf32, #tpu.memory_space<vmem>>)
      %dma_start3A_302 = arith.constant 2 : i32
      %dma_start3A_303 = arith.constant 0 : i32
      %dma_start3A_304 = arith.constant 0 : i32
      %dma_start3A_305 = tpu.memref_slice %arg8[%dma_start3A_302, %dma_start3A_303, %dma_start3A_304] : memref<4x128x64xf32, #tpu.memory_space<vmem>> -> memref<1x128x64xf32, #tpu.memory_space<vmem>>
      %dma_start3A_306 = tpu.memref_squeeze %dma_start3A_305 : memref<1x128x64xf32, #tpu.memory_space<vmem>> -> memref<128x64xf32, #tpu.memory_space<vmem>>
      %dma_start3A_307 = arith.constant 0 : i32
      %dma_start3A_308 = tpu.memref_slice %arg7[%add3A_283, %dma_start3A_307] : memref<112x128xi32, #tpu.memory_space<vmem>> -> memref<1x128xi32, #tpu.memory_space<vmem>>
      %dma_start3A_309 = tpu.memref_squeeze %dma_start3A_308 : memref<1x128xi32, #tpu.memory_space<vmem>> -> memref<128xi32, #tpu.memory_space<vmem>>
      %dma_start3A_310 = arith.constant 0 : i32
      %dma_start3A_311 = arith.constant 0 : i32
      %dma_start3A_312 = tpu.memref_slice %arg9[%dma_start3A_310, %dma_start3A_311] : memref<14336x64xf32, #tpu.memory_space<vmem_shared>> -> memref<14336x64xf32, #tpu.memory_space<vmem_shared>>
      tpu.enqueue_indirect_dma source(%dma_start3A_306 : memref<128x64xf32, #tpu.memory_space<vmem>>) target(%dma_start3A_312 : memref<14336x64xf32, #tpu.memory_space<vmem_shared>>) offsets(%dma_start3A_309 : memref<128xi32, #tpu.memory_space<vmem>>) semaphore(%arg16 : memref<!tpu.dma_semaphore, #tpu.memory_space<semaphore_mem>>) {add = true}
      %add3A_313 = arith.constant 3 : i32
      %add3A_314 = arith.addi %add3A_222, %add3A_313 : i32
      %add3A_315 = arith.constant 2 : i32
      %add3A_316 = arith.addi %add3A_314, %add3A_315 : i32
      %lt3A_317 = arith.constant 112 : i32
      %lt3A_318 = arith.cmpi slt, %add3A_316, %lt3A_317 : i32
      %convert_element_type3A_319 = arith.extui %lt3A_318 : i1 to i32
      %cond3A_320 = arith.constant 0 : i32
      %cond3A_321 = arith.cmpi ne, %convert_element_type3A_319, %cond3A_320 : i32
      scf.if %cond3A_321 {
        %ge3A = arith.constant 2 : i32
        %ge3A_344 = arith.cmpi sge, %add3A_314, %ge3A : i32
        %convert_element_type3A_345 = arith.extui %ge3A_344 : i1 to i32
        %cond3A_346 = arith.constant 0 : i32
        %cond3A_347 = arith.cmpi ne, %convert_element_type3A_345, %cond3A_346 : i32
        scf.if %cond3A_347 {
          %sub3A = arith.constant 2 : i32
          %sub3A_361 = arith.subi %add3A_314, %sub3A : i32
          %dma_wait3A_362 = arith.constant 1 : i32
          %dma_wait3A_363 = arith.constant 0 : i32
          %dma_wait3A_364 = arith.constant 0 : i32
          %dma_wait3A_365 = tpu.memref_slice %arg8[%dma_wait3A_362, %dma_wait3A_363, %dma_wait3A_364] : memref<4x128x64xf32, #tpu.memory_space<vmem>> -> memref<1x128x64xf32, #tpu.memory_space<vmem>>
          %dma_wait3A_366 = tpu.memref_squeeze %dma_wait3A_365 : memref<1x128x64xf32, #tpu.memory_space<vmem>> -> memref<128x64xf32, #tpu.memory_space<vmem>>
          %dma_wait3A_367 = arith.constant 0 : i32
          %dma_wait3A_368 = tpu.memref_slice %arg7[%sub3A_361, %dma_wait3A_367] : memref<112x128xi32, #tpu.memory_space<vmem>> -> memref<1x128xi32, #tpu.memory_space<vmem>>
          %dma_wait3A_369 = tpu.memref_squeeze %dma_wait3A_368 : memref<1x128xi32, #tpu.memory_space<vmem>> -> memref<128xi32, #tpu.memory_space<vmem>>
          %dma_wait3A_370 = arith.constant 0 : i32
          %dma_wait3A_371 = arith.constant 0 : i32
          %dma_wait3A_372 = tpu.memref_slice %arg9[%dma_wait3A_370, %dma_wait3A_371] : memref<14336x64xf32, #tpu.memory_space<vmem_shared>> -> memref<14336x64xf32, #tpu.memory_space<vmem_shared>>
          tpu.wait_indirect_dma semaphore(%arg15 : memref<!tpu.dma_semaphore, #tpu.memory_space<semaphore_mem>>) src(%dma_wait3A_366 : memref<128x64xf32, #tpu.memory_space<vmem>>) dst(%dma_wait3A_372 : memref<14336x64xf32, #tpu.memory_space<vmem_shared>>)
        } else {
        }
        %add3A_348 = arith.constant 2 : i32
        %add3A_349 = arith.addi %add3A_314, %add3A_348 : i32
        %dma_start3A_350 = arith.constant 1 : i32
        %dma_start3A_351 = arith.constant 0 : i32
        %dma_start3A_352 = arith.constant 0 : i32
        %dma_start3A_353 = tpu.memref_slice %arg8[%dma_start3A_350, %dma_start3A_351, %dma_start3A_352] : memref<4x128x64xf32, #tpu.memory_space<vmem>> -> memref<1x128x64xf32, #tpu.memory_space<vmem>>
        %dma_start3A_354 = tpu.memref_squeeze %dma_start3A_353 : memref<1x128x64xf32, #tpu.memory_space<vmem>> -> memref<128x64xf32, #tpu.memory_space<vmem>>
        %dma_start3A_355 = arith.constant 0 : i32
        %dma_start3A_356 = tpu.memref_slice %arg6[%add3A_349, %dma_start3A_355] : memref<112x128xi32, #tpu.memory_space<vmem>> -> memref<1x128xi32, #tpu.memory_space<vmem>>
        %dma_start3A_357 = tpu.memref_squeeze %dma_start3A_356 : memref<1x128xi32, #tpu.memory_space<vmem>> -> memref<128xi32, #tpu.memory_space<vmem>>
        %dma_start3A_358 = arith.constant 0 : i32
        %dma_start3A_359 = arith.constant 0 : i32
        %dma_start3A_360 = tpu.memref_slice %arg2[%dma_start3A_358, %dma_start3A_359] : memref<14336x64xf32, #tpu.memory_space<hbm>> -> memref<14336x64xf32, #tpu.memory_space<hbm>>
        tpu.enqueue_indirect_dma source(%dma_start3A_360 : memref<14336x64xf32, #tpu.memory_space<hbm>>) target(%dma_start3A_354 : memref<128x64xf32, #tpu.memory_space<vmem>>) offsets(%dma_start3A_357 : memref<128xi32, #tpu.memory_space<vmem>>) semaphore(%arg11 : memref<!tpu.dma_semaphore, #tpu.memory_space<semaphore_mem>>)
      } else {
      }
      %dma_wait3A_322 = arith.constant 3 : i32
      %dma_wait3A_323 = arith.constant 0 : i32
      %dma_wait3A_324 = arith.constant 0 : i32
      %dma_wait3A_325 = tpu.memref_slice %arg8[%dma_wait3A_322, %dma_wait3A_323, %dma_wait3A_324] : memref<4x128x64xf32, #tpu.memory_space<vmem>> -> memref<1x128x64xf32, #tpu.memory_space<vmem>>
      %dma_wait3A_326 = tpu.memref_squeeze %dma_wait3A_325 : memref<1x128x64xf32, #tpu.memory_space<vmem>> -> memref<128x64xf32, #tpu.memory_space<vmem>>
      %dma_wait3A_327 = arith.constant 0 : i32
      %dma_wait3A_328 = tpu.memref_slice %arg6[%add3A_314, %dma_wait3A_327] : memref<112x128xi32, #tpu.memory_space<vmem>> -> memref<1x128xi32, #tpu.memory_space<vmem>>
      %dma_wait3A_329 = tpu.memref_squeeze %dma_wait3A_328 : memref<1x128xi32, #tpu.memory_space<vmem>> -> memref<128xi32, #tpu.memory_space<vmem>>
      %dma_wait3A_330 = arith.constant 0 : i32
      %dma_wait3A_331 = arith.constant 0 : i32
      %dma_wait3A_332 = tpu.memref_slice %arg2[%dma_wait3A_330, %dma_wait3A_331] : memref<14336x64xf32, #tpu.memory_space<hbm>> -> memref<14336x64xf32, #tpu.memory_space<hbm>>
      tpu.wait_indirect_dma semaphore(%arg13 : memref<!tpu.dma_semaphore, #tpu.memory_space<semaphore_mem>>) src(%dma_wait3A_332 : memref<14336x64xf32, #tpu.memory_space<hbm>>) dst(%dma_wait3A_326 : memref<128x64xf32, #tpu.memory_space<vmem>>)
      %dma_start3A_333 = arith.constant 3 : i32
      %dma_start3A_334 = arith.constant 0 : i32
      %dma_start3A_335 = arith.constant 0 : i32
      %dma_start3A_336 = tpu.memref_slice %arg8[%dma_start3A_333, %dma_start3A_334, %dma_start3A_335] : memref<4x128x64xf32, #tpu.memory_space<vmem>> -> memref<1x128x64xf32, #tpu.memory_space<vmem>>
      %dma_start3A_337 = tpu.memref_squeeze %dma_start3A_336 : memref<1x128x64xf32, #tpu.memory_space<vmem>> -> memref<128x64xf32, #tpu.memory_space<vmem>>
      %dma_start3A_338 = arith.constant 0 : i32
      %dma_start3A_339 = tpu.memref_slice %arg7[%add3A_314, %dma_start3A_338] : memref<112x128xi32, #tpu.memory_space<vmem>> -> memref<1x128xi32, #tpu.memory_space<vmem>>
      %dma_start3A_340 = tpu.memref_squeeze %dma_start3A_339 : memref<1x128xi32, #tpu.memory_space<vmem>> -> memref<128xi32, #tpu.memory_space<vmem>>
      %dma_start3A_341 = arith.constant 0 : i32
      %dma_start3A_342 = arith.constant 0 : i32
      %dma_start3A_343 = tpu.memref_slice %arg9[%dma_start3A_341, %dma_start3A_342] : memref<14336x64xf32, #tpu.memory_space<vmem_shared>> -> memref<14336x64xf32, #tpu.memory_space<vmem_shared>>
      tpu.enqueue_indirect_dma source(%dma_start3A_337 : memref<128x64xf32, #tpu.memory_space<vmem>>) target(%dma_start3A_343 : memref<14336x64xf32, #tpu.memory_space<vmem_shared>>) offsets(%dma_start3A_340 : memref<128xi32, #tpu.memory_space<vmem>>) semaphore(%arg17 : memref<!tpu.dma_semaphore, #tpu.memory_space<semaphore_mem>>) {add = true}
    }
    %scan3A_62 = arith.constant 28 : i32
    %dma_wait3A = arith.constant 0 : i32
    %dma_wait3A_63 = arith.constant 108 : i32
    %dma_wait3A_64 = arith.constant 0 : i32
    %dma_wait3A_65 = arith.constant 0 : i32
    %dma_wait3A_66 = tpu.memref_slice %arg8[%dma_wait3A, %dma_wait3A_64, %dma_wait3A_65] : memref<4x128x64xf32, #tpu.memory_space<vmem>> -> memref<1x128x64xf32, #tpu.memory_space<vmem>>
    %dma_wait3A_67 = tpu.memref_squeeze %dma_wait3A_66 : memref<1x128x64xf32, #tpu.memory_space<vmem>> -> memref<128x64xf32, #tpu.memory_space<vmem>>
    %dma_wait3A_68 = arith.constant 0 : i32
    %dma_wait3A_69 = tpu.memref_slice %arg7[%dma_wait3A_63, %dma_wait3A_68] : memref<112x128xi32, #tpu.memory_space<vmem>> -> memref<1x128xi32, #tpu.memory_space<vmem>>
    %dma_wait3A_70 = tpu.memref_squeeze %dma_wait3A_69 : memref<1x128xi32, #tpu.memory_space<vmem>> -> memref<128xi32, #tpu.memory_space<vmem>>
    %dma_wait3A_71 = arith.constant 0 : i32
    %dma_wait3A_72 = arith.constant 0 : i32
    %dma_wait3A_73 = tpu.memref_slice %arg9[%dma_wait3A_71, %dma_wait3A_72] : memref<14336x64xf32, #tpu.memory_space<vmem_shared>> -> memref<14336x64xf32, #tpu.memory_space<vmem_shared>>
    tpu.wait_indirect_dma semaphore(%arg14 : memref<!tpu.dma_semaphore, #tpu.memory_space<semaphore_mem>>) src(%dma_wait3A_67 : memref<128x64xf32, #tpu.memory_space<vmem>>) dst(%dma_wait3A_73 : memref<14336x64xf32, #tpu.memory_space<vmem_shared>>)
    %dma_wait3A_74 = arith.constant 1 : i32
    %dma_wait3A_75 = arith.constant 109 : i32
    %dma_wait3A_76 = arith.constant 0 : i32
    %dma_wait3A_77 = arith.constant 0 : i32
    %dma_wait3A_78 = tpu.memref_slice %arg8[%dma_wait3A_74, %dma_wait3A_76, %dma_wait3A_77] : memref<4x128x64xf32, #tpu.memory_space<vmem>> -> memref<1x128x64xf32, #tpu.memory_space<vmem>>
    %dma_wait3A_79 = tpu.memref_squeeze %dma_wait3A_78 : memref<1x128x64xf32, #tpu.memory_space<vmem>> -> memref<128x64xf32, #tpu.memory_space<vmem>>
    %dma_wait3A_80 = arith.constant 0 : i32
    %dma_wait3A_81 = tpu.memref_slice %arg7[%dma_wait3A_75, %dma_wait3A_80] : memref<112x128xi32, #tpu.memory_space<vmem>> -> memref<1x128xi32, #tpu.memory_space<vmem>>
    %dma_wait3A_82 = tpu.memref_squeeze %dma_wait3A_81 : memref<1x128xi32, #tpu.memory_space<vmem>> -> memref<128xi32, #tpu.memory_space<vmem>>
    %dma_wait3A_83 = arith.constant 0 : i32
    %dma_wait3A_84 = arith.constant 0 : i32
    %dma_wait3A_85 = tpu.memref_slice %arg9[%dma_wait3A_83, %dma_wait3A_84] : memref<14336x64xf32, #tpu.memory_space<vmem_shared>> -> memref<14336x64xf32, #tpu.memory_space<vmem_shared>>
    tpu.wait_indirect_dma semaphore(%arg15 : memref<!tpu.dma_semaphore, #tpu.memory_space<semaphore_mem>>) src(%dma_wait3A_79 : memref<128x64xf32, #tpu.memory_space<vmem>>) dst(%dma_wait3A_85 : memref<14336x64xf32, #tpu.memory_space<vmem_shared>>)
    %dma_wait3A_86 = arith.constant 2 : i32
    %dma_wait3A_87 = arith.constant 110 : i32
    %dma_wait3A_88 = arith.constant 0 : i32
    %dma_wait3A_89 = arith.constant 0 : i32
    %dma_wait3A_90 = tpu.memref_slice %arg8[%dma_wait3A_86, %dma_wait3A_88, %dma_wait3A_89] : memref<4x128x64xf32, #tpu.memory_space<vmem>> -> memref<1x128x64xf32, #tpu.memory_space<vmem>>
    %dma_wait3A_91 = tpu.memref_squeeze %dma_wait3A_90 : memref<1x128x64xf32, #tpu.memory_space<vmem>> -> memref<128x64xf32, #tpu.memory_space<vmem>>
    %dma_wait3A_92 = arith.constant 0 : i32
    %dma_wait3A_93 = tpu.memref_slice %arg7[%dma_wait3A_87, %dma_wait3A_92] : memref<112x128xi32, #tpu.memory_space<vmem>> -> memref<1x128xi32, #tpu.memory_space<vmem>>
    %dma_wait3A_94 = tpu.memref_squeeze %dma_wait3A_93 : memref<1x128xi32, #tpu.memory_space<vmem>> -> memref<128xi32, #tpu.memory_space<vmem>>
    %dma_wait3A_95 = arith.constant 0 : i32
    %dma_wait3A_96 = arith.constant 0 : i32
    %dma_wait3A_97 = tpu.memref_slice %arg9[%dma_wait3A_95, %dma_wait3A_96] : memref<14336x64xf32, #tpu.memory_space<vmem_shared>> -> memref<14336x64xf32, #tpu.memory_space<vmem_shared>>
    tpu.wait_indirect_dma semaphore(%arg16 : memref<!tpu.dma_semaphore, #tpu.memory_space<semaphore_mem>>) src(%dma_wait3A_91 : memref<128x64xf32, #tpu.memory_space<vmem>>) dst(%dma_wait3A_97 : memref<14336x64xf32, #tpu.memory_space<vmem_shared>>)
    %dma_wait3A_98 = arith.constant 3 : i32
    %dma_wait3A_99 = arith.constant 111 : i32
    %dma_wait3A_100 = arith.constant 0 : i32
    %dma_wait3A_101 = arith.constant 0 : i32
    %dma_wait3A_102 = tpu.memref_slice %arg8[%dma_wait3A_98, %dma_wait3A_100, %dma_wait3A_101] : memref<4x128x64xf32, #tpu.memory_space<vmem>> -> memref<1x128x64xf32, #tpu.memory_space<vmem>>
    %dma_wait3A_103 = tpu.memref_squeeze %dma_wait3A_102 : memref<1x128x64xf32, #tpu.memory_space<vmem>> -> memref<128x64xf32, #tpu.memory_space<vmem>>
    %dma_wait3A_104 = arith.constant 0 : i32
    %dma_wait3A_105 = tpu.memref_slice %arg7[%dma_wait3A_99, %dma_wait3A_104] : memref<112x128xi32, #tpu.memory_space<vmem>> -> memref<1x128xi32, #tpu.memory_space<vmem>>
    %dma_wait3A_106 = tpu.memref_squeeze %dma_wait3A_105 : memref<1x128xi32, #tpu.memory_space<vmem>> -> memref<128xi32, #tpu.memory_space<vmem>>
    %dma_wait3A_107 = arith.constant 0 : i32
    %dma_wait3A_108 = arith.constant 0 : i32
    %dma_wait3A_109 = tpu.memref_slice %arg9[%dma_wait3A_107, %dma_wait3A_108] : memref<14336x64xf32, #tpu.memory_space<vmem_shared>> -> memref<14336x64xf32, #tpu.memory_space<vmem_shared>>
    tpu.wait_indirect_dma semaphore(%arg17 : memref<!tpu.dma_semaphore, #tpu.memory_space<semaphore_mem>>) src(%dma_wait3A_103 : memref<128x64xf32, #tpu.memory_space<vmem>>) dst(%dma_wait3A_109 : memref<14336x64xf32, #tpu.memory_space<vmem_shared>>)
    %barrier3A_110 = arith.constant 0 : index
    tpu.barrier barrier_id(%barrier3A_110)
    %run_scoped3A_111 = arith.constant 0 : i32
    "tpu.region"() ({
      %run_scoped3A_218 = tpu.sem_alloc : memref<!tpu.dma_semaphore, #tpu.memory_space<semaphore_mem>>
      %dma_start3A_219 = arith.constant 0 : i32
      %dma_start3A_220 = tpu.memref_slice %arg5[%run_scoped3A_111, %arg0, %mul3A_8, %dma_start3A_219] : memref<2x2x14336x64xf32, #tpu.memory_space<hbm>> -> memref<1x1x896x64xf32, #tpu.memory_space<hbm>>
      %dma_start3A_221 = tpu.memref_squeeze %dma_start3A_220 : memref<1x1x896x64xf32, #tpu.memory_space<hbm>> -> memref<896x64xf32, #tpu.memory_space<hbm>>
      %dma_start3A_222 = arith.constant 0 : i32
      %dma_start3A_223 = tpu.memref_slice %arg9[%mul3A_8, %dma_start3A_222] : memref<14336x64xf32, #tpu.memory_space<vmem_shared>> -> memref<896x64xf32, #tpu.memory_space<vmem_shared>>
      tpu.enqueue_dma source(%dma_start3A_223 : memref<896x64xf32, #tpu.memory_space<vmem_shared>>) target(%dma_start3A_221 : memref<896x64xf32, #tpu.memory_space<hbm>>) target_semaphore(%run_scoped3A_218 : memref<!tpu.dma_semaphore, #tpu.memory_space<semaphore_mem>>)
      %dma_wait3A_224 = arith.constant 0 : i32
      %dma_wait3A_225 = tpu.memref_slice %arg5[%run_scoped3A_111, %arg0, %mul3A_8, %dma_wait3A_224] : memref<2x2x14336x64xf32, #tpu.memory_space<hbm>> -> memref<1x1x896x64xf32, #tpu.memory_space<hbm>>
      %dma_wait3A_226 = tpu.memref_squeeze %dma_wait3A_225 : memref<1x1x896x64xf32, #tpu.memory_space<hbm>> -> memref<896x64xf32, #tpu.memory_space<hbm>>
      %dma_wait3A_227 = arith.constant 0 : i32
      %dma_wait3A_228 = tpu.memref_slice %arg9[%mul3A_8, %dma_wait3A_227] : memref<14336x64xf32, #tpu.memory_space<vmem_shared>> -> memref<896x64xf32, #tpu.memory_space<vmem_shared>>
      tpu.wait_dma2 semaphore(%run_scoped3A_218 : memref<!tpu.dma_semaphore, #tpu.memory_space<semaphore_mem>>) src(%dma_wait3A_228 : memref<896x64xf32, #tpu.memory_space<vmem_shared>>) dst(%dma_wait3A_226 : memref<896x64xf32, #tpu.memory_space<hbm>>)
      tpu.yield
    }) : () -> ()
    %scan3A_112 = arith.constant 0 : i32
    %scan3A_113 = arith.constant 128 : i32
    %scan3A_114 = arith.addi %scan3A_112, %scan3A_113 : i32
    %scan3A_115 = arith.constant 1 : i32
    scf.for %scan3A_218 = %scan3A_112 to %scan3A_114 step %scan3A_115  : i32 {
      %mul3A_219 = arith.constant 1 : i32
      %mul3A_220 = arith.muli %scan3A_218, %mul3A_219 : i32
      %add3A_221 = arith.constant 0 : i32
      %add3A_222 = arith.addi %add3A_221, %mul3A_220 : i32
      %swap3A = arith.constant 0 : i32
      %swap3A_223 = arith.index_cast %swap3A : i32 to index
      %swap3A_224 = arith.index_cast %add3A_222 : i32 to index
      %swap3A_225 = arith.constant 0 : index
      %swap3A_226 = tpu.vector_load %arg8[%swap3A_223, %swap3A_224, %swap3A_225] {strides = array<i32>} : memref<4x128x64xf32, #tpu.memory_space<vmem>>, vector<16xf32>,
      tpu.vector_store %arg8[%swap3A_223, %swap3A_224, %swap3A_225], %broadcast_in_dim3A_6 {strides = array<i32>} : memref<4x128x64xf32, #tpu.memory_space<vmem>>, vector<16xf32>,
      %swap3A_227 = arith.constant 0 : i32
      %swap3A_228 = arith.index_cast %swap3A_227 : i32 to index
      %swap3A_229 = arith.index_cast %add3A_222 : i32 to index
      %swap3A_230 = arith.constant 16 : index
      %swap3A_231 = tpu.vector_load %arg8[%swap3A_228, %swap3A_229, %swap3A_230] {strides = array<i32>} : memref<4x128x64xf32, #tpu.memory_space<vmem>>, vector<16xf32>,
      tpu.vector_store %arg8[%swap3A_228, %swap3A_229, %swap3A_230], %broadcast_in_dim3A_6 {strides = array<i32>} : memref<4x128x64xf32, #tpu.memory_space<vmem>>, vector<16xf32>,
      %swap3A_232 = arith.constant 0 : i32
      %swap3A_233 = arith.index_cast %swap3A_232 : i32 to index
      %swap3A_234 = arith.index_cast %add3A_222 : i32 to index
      %swap3A_235 = arith.constant 32 : index
      %swap3A_236 = tpu.vector_load %arg8[%swap3A_233, %swap3A_234, %swap3A_235] {strides = array<i32>} : memref<4x128x64xf32, #tpu.memory_space<vmem>>, vector<16xf32>,
      tpu.vector_store %arg8[%swap3A_233, %swap3A_234, %swap3A_235], %broadcast_in_dim3A_6 {strides = array<i32>} : memref<4x128x64xf32, #tpu.memory_space<vmem>>, vector<16xf32>,
      %swap3A_237 = arith.constant 0 : i32
      %swap3A_238 = arith.index_cast %swap3A_237 : i32 to index
      %swap3A_239 = arith.index_cast %add3A_222 : i32 to index
      %swap3A_240 = arith.constant 48 : index
      %swap3A_241 = tpu.vector_load %arg8[%swap3A_238, %swap3A_239, %swap3A_240] {strides = array<i32>} : memref<4x128x64xf32, #tpu.memory_space<vmem>>, vector<16xf32>,
      tpu.vector_store %arg8[%swap3A_238, %swap3A_239, %swap3A_240], %broadcast_in_dim3A_6 {strides = array<i32>} : memref<4x128x64xf32, #tpu.memory_space<vmem>>, vector<16xf32>,
    }
    %scan3A_116 = arith.constant 128 : i32
    %add3A_117 = arith.constant 0 : i32
    %add3A_118 = arith.addi %mul3A_8, %add3A_117 : i32
    %run_scoped3A_119 = arith.constant 0 : i32
    "tpu.region"() ({
      %run_scoped3A_218 = tpu.sem_alloc : memref<!tpu.dma_semaphore, #tpu.memory_space<semaphore_mem>>
      %dma_start3A_219 = arith.constant 0 : i32
      %dma_start3A_220 = arith.constant 0 : i32
      %dma_start3A_221 = tpu.memref_slice %arg8[%run_scoped3A_119, %dma_start3A_219, %dma_start3A_220] : memref<4x128x64xf32, #tpu.memory_space<vmem>> -> memref<1x128x64xf32, #tpu.memory_space<vmem>>
      %dma_start3A_222 = tpu.memref_squeeze %dma_start3A_221 : memref<1x128x64xf32, #tpu.memory_space<vmem>> -> memref<128x64xf32, #tpu.memory_space<vmem>>
      %dma_start3A_223 = arith.constant 0 : i32
      %dma_start3A_224 = tpu.memref_slice %arg9[%add3A_118, %dma_start3A_223] : memref<14336x64xf32, #tpu.memory_space<vmem_shared>> -> memref<128x64xf32, #tpu.memory_space<vmem_shared>>
      %dma_start3A_225 = arith.constant 0 : i32
      %dma_start3A_226 = tpu.memref_slice %arg9[%add3A_118, %dma_start3A_225] : memref<14336x64xf32, #tpu.memory_space<vmem_shared>> -> memref<128x64xf32, #tpu.memory_space<vmem_shared>>
      %dma_start3A_227 = arith.constant 0 : i32
      %dma_start3A_228 = arith.constant 0 : i32
      %dma_start3A_229 = tpu.memref_slice %arg8[%run_scoped3A_119, %dma_start3A_227, %dma_start3A_228] : memref<4x128x64xf32, #tpu.memory_space<vmem>> -> memref<1x128x64xf32, #tpu.memory_space<vmem>>
      %dma_start3A_230 = tpu.memref_squeeze %dma_start3A_229 : memref<1x128x64xf32, #tpu.memory_space<vmem>> -> memref<128x64xf32, #tpu.memory_space<vmem>>
      tpu.enqueue_dma source(%dma_start3A_230 : memref<128x64xf32, #tpu.memory_space<vmem>>) target(%dma_start3A_226 : memref<128x64xf32, #tpu.memory_space<vmem_shared>>) target_semaphore(%run_scoped3A_218 : memref<!tpu.dma_semaphore, #tpu.memory_space<semaphore_mem>>)
      %dma_wait3A_231 = arith.constant 0 : i32
      %dma_wait3A_232 = arith.constant 0 : i32
      %dma_wait3A_233 = tpu.memref_slice %arg8[%run_scoped3A_119, %dma_wait3A_231, %dma_wait3A_232] : memref<4x128x64xf32, #tpu.memory_space<vmem>> -> memref<1x128x64xf32, #tpu.memory_space<vmem>>
      %dma_wait3A_234 = tpu.memref_squeeze %dma_wait3A_233 : memref<1x128x64xf32, #tpu.memory_space<vmem>> -> memref<128x64xf32, #tpu.memory_space<vmem>>
      %dma_wait3A_235 = arith.constant 0 : i32
      %dma_wait3A_236 = tpu.memref_slice %arg9[%add3A_118, %dma_wait3A_235] : memref<14336x64xf32, #tpu.memory_space<vmem_shared>> -> memref<128x64xf32, #tpu.memory_space<vmem_shared>>
      %dma_wait3A_237 = arith.constant 0 : i32
      %dma_wait3A_238 = tpu.memref_slice %arg9[%add3A_118, %dma_wait3A_237] : memref<14336x64xf32, #tpu.memory_space<vmem_shared>> -> memref<128x64xf32, #tpu.memory_space<vmem_shared>>
      %dma_wait3A_239 = arith.constant 0 : i32
      %dma_wait3A_240 = arith.constant 0 : i32
      %dma_wait3A_241 = tpu.memref_slice %arg8[%run_scoped3A_119, %dma_wait3A_239, %dma_wait3A_240] : memref<4x128x64xf32, #tpu.memory_space<vmem>> -> memref<1x128x64xf32, #tpu.memory_space<vmem>>
      %dma_wait3A_242 = tpu.memref_squeeze %dma_wait3A_241 : memref<1x128x64xf32, #tpu.memory_space<vmem>> -> memref<128x64xf32, #tpu.memory_space<vmem>>
      tpu.wait_dma2 semaphore(%run_scoped3A_218 : memref<!tpu.dma_semaphore, #tpu.memory_space<semaphore_mem>>) src(%dma_wait3A_242 : memref<128x64xf32, #tpu.memory_space<vmem>>) dst(%dma_wait3A_238 : memref<128x64xf32, #tpu.memory_space<vmem_shared>>)
      tpu.yield
    }) : () -> ()
    %add3A_120 = arith.constant 128 : i32
    %add3A_121 = arith.addi %mul3A_8, %add3A_120 : i32
    %run_scoped3A_122 = arith.constant 0 : i32
    "tpu.region"() ({
      %run_scoped3A_218 = tpu.sem_alloc : memref<!tpu.dma_semaphore, #tpu.memory_space<semaphore_mem>>
      %dma_start3A_219 = arith.constant 0 : i32
      %dma_start3A_220 = arith.constant 0 : i32
      %dma_start3A_221 = tpu.memref_slice %arg8[%run_scoped3A_122, %dma_start3A_219, %dma_start3A_220] : memref<4x128x64xf32, #tpu.memory_space<vmem>> -> memref<1x128x64xf32, #tpu.memory_space<vmem>>
      %dma_start3A_222 = tpu.memref_squeeze %dma_start3A_221 : memref<1x128x64xf32, #tpu.memory_space<vmem>> -> memref<128x64xf32, #tpu.memory_space<vmem>>
      %dma_start3A_223 = arith.constant 0 : i32
      %dma_start3A_224 = tpu.memref_slice %arg9[%add3A_121, %dma_start3A_223] : memref<14336x64xf32, #tpu.memory_space<vmem_shared>> -> memref<128x64xf32, #tpu.memory_space<vmem_shared>>
      %dma_start3A_225 = arith.constant 0 : i32
      %dma_start3A_226 = tpu.memref_slice %arg9[%add3A_121, %dma_start3A_225] : memref<14336x64xf32, #tpu.memory_space<vmem_shared>> -> memref<128x64xf32, #tpu.memory_space<vmem_shared>>
      %dma_start3A_227 = arith.constant 0 : i32
      %dma_start3A_228 = arith.constant 0 : i32
      %dma_start3A_229 = tpu.memref_slice %arg8[%run_scoped3A_122, %dma_start3A_227, %dma_start3A_228] : memref<4x128x64xf32, #tpu.memory_space<vmem>> -> memref<1x128x64xf32, #tpu.memory_space<vmem>>
      %dma_start3A_230 = tpu.memref_squeeze %dma_start3A_229 : memref<1x128x64xf32, #tpu.memory_space<vmem>> -> memref<128x64xf32, #tpu.memory_space<vmem>>
      tpu.enqueue_dma source(%dma_start3A_230 : memref<128x64xf32, #tpu.memory_space<vmem>>) target(%dma_start3A_226 : memref<128x64xf32, #tpu.memory_space<vmem_shared>>) target_semaphore(%run_scoped3A_218 : memref<!tpu.dma_semaphore, #tpu.memory_space<semaphore_mem>>)
      %dma_wait3A_231 = arith.constant 0 : i32
      %dma_wait3A_232 = arith.constant 0 : i32
      %dma_wait3A_233 = tpu.memref_slice %arg8[%run_scoped3A_122, %dma_wait3A_231, %dma_wait3A_232] : memref<4x128x64xf32, #tpu.memory_space<vmem>> -> memref<1x128x64xf32, #tpu.memory_space<vmem>>
      %dma_wait3A_234 = tpu.memref_squeeze %dma_wait3A_233 : memref<1x128x64xf32, #tpu.memory_space<vmem>> -> memref<128x64xf32, #tpu.memory_space<vmem>>
      %dma_wait3A_235 = arith.constant 0 : i32
      %dma_wait3A_236 = tpu.memref_slice %arg9[%add3A_121, %dma_wait3A_235] : memref<14336x64xf32, #tpu.memory_space<vmem_shared>> -> memref<128x64xf32, #tpu.memory_space<vmem_shared>>
      %dma_wait3A_237 = arith.constant 0 : i32
      %dma_wait3A_238 = tpu.memref_slice %arg9[%add3A_121, %dma_wait3A_237] : memref<14336x64xf32, #tpu.memory_space<vmem_shared>> -> memref<128x64xf32, #tpu.memory_space<vmem_shared>>
      %dma_wait3A_239 = arith.constant 0 : i32
      %dma_wait3A_240 = arith.constant 0 : i32
      %dma_wait3A_241 = tpu.memref_slice %arg8[%run_scoped3A_122, %dma_wait3A_239, %dma_wait3A_240] : memref<4x128x64xf32, #tpu.memory_space<vmem>> -> memref<1x128x64xf32, #tpu.memory_space<vmem>>
      %dma_wait3A_242 = tpu.memref_squeeze %dma_wait3A_241 : memref<1x128x64xf32, #tpu.memory_space<vmem>> -> memref<128x64xf32, #tpu.memory_space<vmem>>
      tpu.wait_dma2 semaphore(%run_scoped3A_218 : memref<!tpu.dma_semaphore, #tpu.memory_space<semaphore_mem>>) src(%dma_wait3A_242 : memref<128x64xf32, #tpu.memory_space<vmem>>) dst(%dma_wait3A_238 : memref<128x64xf32, #tpu.memory_space<vmem_shared>>)
      tpu.yield
    }) : () -> ()
    %add3A_123 = arith.constant 256 : i32
    %add3A_124 = arith.addi %mul3A_8, %add3A_123 : i32
    %run_scoped3A_125 = arith.constant 0 : i32
    "tpu.region"() ({
      %run_scoped3A_218 = tpu.sem_alloc : memref<!tpu.dma_semaphore, #tpu.memory_space<semaphore_mem>>
      %dma_start3A_219 = arith.constant 0 : i32
      %dma_start3A_220 = arith.constant 0 : i32
      %dma_start3A_221 = tpu.memref_slice %arg8[%run_scoped3A_125, %dma_start3A_219, %dma_start3A_220] : memref<4x128x64xf32, #tpu.memory_space<vmem>> -> memref<1x128x64xf32, #tpu.memory_space<vmem>>
      %dma_start3A_222 = tpu.memref_squeeze %dma_start3A_221 : memref<1x128x64xf32, #tpu.memory_space<vmem>> -> memref<128x64xf32, #tpu.memory_space<vmem>>
      %dma_start3A_223 = arith.constant 0 : i32
      %dma_start3A_224 = tpu.memref_slice %arg9[%add3A_124, %dma_start3A_223] : memref<14336x64xf32, #tpu.memory_space<vmem_shared>> -> memref<128x64xf32, #tpu.memory_space<vmem_shared>>
      %dma_start3A_225 = arith.constant 0 : i32
      %dma_start3A_226 = tpu.memref_slice %arg9[%add3A_124, %dma_start3A_225] : memref<14336x64xf32, #tpu.memory_space<vmem_shared>> -> memref<128x64xf32, #tpu.memory_space<vmem_shared>>
      %dma_start3A_227 = arith.constant 0 : i32
      %dma_start3A_228 = arith.constant 0 : i32
      %dma_start3A_229 = tpu.memref_slice %arg8[%run_scoped3A_125, %dma_start3A_227, %dma_start3A_228] : memref<4x128x64xf32, #tpu.memory_space<vmem>> -> memref<1x128x64xf32, #tpu.memory_space<vmem>>
      %dma_start3A_230 = tpu.memref_squeeze %dma_start3A_229 : memref<1x128x64xf32, #tpu.memory_space<vmem>> -> memref<128x64xf32, #tpu.memory_space<vmem>>
      tpu.enqueue_dma source(%dma_start3A_230 : memref<128x64xf32, #tpu.memory_space<vmem>>) target(%dma_start3A_226 : memref<128x64xf32, #tpu.memory_space<vmem_shared>>) target_semaphore(%run_scoped3A_218 : memref<!tpu.dma_semaphore, #tpu.memory_space<semaphore_mem>>)
      %dma_wait3A_231 = arith.constant 0 : i32
      %dma_wait3A_232 = arith.constant 0 : i32
      %dma_wait3A_233 = tpu.memref_slice %arg8[%run_scoped3A_125, %dma_wait3A_231, %dma_wait3A_232] : memref<4x128x64xf32, #tpu.memory_space<vmem>> -> memref<1x128x64xf32, #tpu.memory_space<vmem>>
      %dma_wait3A_234 = tpu.memref_squeeze %dma_wait3A_233 : memref<1x128x64xf32, #tpu.memory_space<vmem>> -> memref<128x64xf32, #tpu.memory_space<vmem>>
      %dma_wait3A_235 = arith.constant 0 : i32
      %dma_wait3A_236 = tpu.memref_slice %arg9[%add3A_124, %dma_wait3A_235] : memref<14336x64xf32, #tpu.memory_space<vmem_shared>> -> memref<128x64xf32, #tpu.memory_space<vmem_shared>>
      %dma_wait3A_237 = arith.constant 0 : i32
      %dma_wait3A_238 = tpu.memref_slice %arg9[%add3A_124, %dma_wait3A_237] : memref<14336x64xf32, #tpu.memory_space<vmem_shared>> -> memref<128x64xf32, #tpu.memory_space<vmem_shared>>
      %dma_wait3A_239 = arith.constant 0 : i32
      %dma_wait3A_240 = arith.constant 0 : i32
      %dma_wait3A_241 = tpu.memref_slice %arg8[%run_scoped3A_125, %dma_wait3A_239, %dma_wait3A_240] : memref<4x128x64xf32, #tpu.memory_space<vmem>> -> memref<1x128x64xf32, #tpu.memory_space<vmem>>
      %dma_wait3A_242 = tpu.memref_squeeze %dma_wait3A_241 : memref<1x128x64xf32, #tpu.memory_space<vmem>> -> memref<128x64xf32, #tpu.memory_space<vmem>>
      tpu.wait_dma2 semaphore(%run_scoped3A_218 : memref<!tpu.dma_semaphore, #tpu.memory_space<semaphore_mem>>) src(%dma_wait3A_242 : memref<128x64xf32, #tpu.memory_space<vmem>>) dst(%dma_wait3A_238 : memref<128x64xf32, #tpu.memory_space<vmem_shared>>)
      tpu.yield
    }) : () -> ()
    %add3A_126 = arith.constant 384 : i32
    %add3A_127 = arith.addi %mul3A_8, %add3A_126 : i32
    %run_scoped3A_128 = arith.constant 0 : i32
    "tpu.region"() ({
      %run_scoped3A_218 = tpu.sem_alloc : memref<!tpu.dma_semaphore, #tpu.memory_space<semaphore_mem>>
      %dma_start3A_219 = arith.constant 0 : i32
      %dma_start3A_220 = arith.constant 0 : i32
      %dma_start3A_221 = tpu.memref_slice %arg8[%run_scoped3A_128, %dma_start3A_219, %dma_start3A_220] : memref<4x128x64xf32, #tpu.memory_space<vmem>> -> memref<1x128x64xf32, #tpu.memory_space<vmem>>
      %dma_start3A_222 = tpu.memref_squeeze %dma_start3A_221 : memref<1x128x64xf32, #tpu.memory_space<vmem>> -> memref<128x64xf32, #tpu.memory_space<vmem>>
      %dma_start3A_223 = arith.constant 0 : i32
      %dma_start3A_224 = tpu.memref_slice %arg9[%add3A_127, %dma_start3A_223] : memref<14336x64xf32, #tpu.memory_space<vmem_shared>> -> memref<128x64xf32, #tpu.memory_space<vmem_shared>>
      %dma_start3A_225 = arith.constant 0 : i32
      %dma_start3A_226 = tpu.memref_slice %arg9[%add3A_127, %dma_start3A_225] : memref<14336x64xf32, #tpu.memory_space<vmem_shared>> -> memref<128x64xf32, #tpu.memory_space<vmem_shared>>
      %dma_start3A_227 = arith.constant 0 : i32
      %dma_start3A_228 = arith.constant 0 : i32
      %dma_start3A_229 = tpu.memref_slice %arg8[%run_scoped3A_128, %dma_start3A_227, %dma_start3A_228] : memref<4x128x64xf32, #tpu.memory_space<vmem>> -> memref<1x128x64xf32, #tpu.memory_space<vmem>>
      %dma_start3A_230 = tpu.memref_squeeze %dma_start3A_229 : memref<1x128x64xf32, #tpu.memory_space<vmem>> -> memref<128x64xf32, #tpu.memory_space<vmem>>
      tpu.enqueue_dma source(%dma_start3A_230 : memref<128x64xf32, #tpu.memory_space<vmem>>) target(%dma_start3A_226 : memref<128x64xf32, #tpu.memory_space<vmem_shared>>) target_semaphore(%run_scoped3A_218 : memref<!tpu.dma_semaphore, #tpu.memory_space<semaphore_mem>>)
      %dma_wait3A_231 = arith.constant 0 : i32
      %dma_wait3A_232 = arith.constant 0 : i32
      %dma_wait3A_233 = tpu.memref_slice %arg8[%run_scoped3A_128, %dma_wait3A_231, %dma_wait3A_232] : memref<4x128x64xf32, #tpu.memory_space<vmem>> -> memref<1x128x64xf32, #tpu.memory_space<vmem>>
      %dma_wait3A_234 = tpu.memref_squeeze %dma_wait3A_233 : memref<1x128x64xf32, #tpu.memory_space<vmem>> -> memref<128x64xf32, #tpu.memory_space<vmem>>
      %dma_wait3A_235 = arith.constant 0 : i32
      %dma_wait3A_236 = tpu.memref_slice %arg9[%add3A_127, %dma_wait3A_235] : memref<14336x64xf32, #tpu.memory_space<vmem_shared>> -> memref<128x64xf32, #tpu.memory_space<vmem_shared>>
      %dma_wait3A_237 = arith.constant 0 : i32
      %dma_wait3A_238 = tpu.memref_slice %arg9[%add3A_127, %dma_wait3A_237] : memref<14336x64xf32, #tpu.memory_space<vmem_shared>> -> memref<128x64xf32, #tpu.memory_space<vmem_shared>>
      %dma_wait3A_239 = arith.constant 0 : i32
      %dma_wait3A_240 = arith.constant 0 : i32
      %dma_wait3A_241 = tpu.memref_slice %arg8[%run_scoped3A_128, %dma_wait3A_239, %dma_wait3A_240] : memref<4x128x64xf32, #tpu.memory_space<vmem>> -> memref<1x128x64xf32, #tpu.memory_space<vmem>>
      %dma_wait3A_242 = tpu.memref_squeeze %dma_wait3A_241 : memref<1x128x64xf32, #tpu.memory_space<vmem>> -> memref<128x64xf32, #tpu.memory_space<vmem>>
      tpu.wait_dma2 semaphore(%run_scoped3A_218 : memref<!tpu.dma_semaphore, #tpu.memory_space<semaphore_mem>>) src(%dma_wait3A_242 : memref<128x64xf32, #tpu.memory_space<vmem>>) dst(%dma_wait3A_238 : memref<128x64xf32, #tpu.memory_space<vmem_shared>>)
      tpu.yield
    }) : () -> ()
    %add3A_129 = arith.constant 512 : i32
    %add3A_130 = arith.addi %mul3A_8, %add3A_129 : i32
    %run_scoped3A_131 = arith.constant 0 : i32
    "tpu.region"() ({
      %run_scoped3A_218 = tpu.sem_alloc : memref<!tpu.dma_semaphore, #tpu.memory_space<semaphore_mem>>
      %dma_start3A_219 = arith.constant 0 : i32
      %dma_start3A_220 = arith.constant 0 : i32
      %dma_start3A_221 = tpu.memref_slice %arg8[%run_scoped3A_131, %dma_start3A_219, %dma_start3A_220] : memref<4x128x64xf32, #tpu.memory_space<vmem>> -> memref<1x128x64xf32, #tpu.memory_space<vmem>>
      %dma_start3A_222 = tpu.memref_squeeze %dma_start3A_221 : memref<1x128x64xf32, #tpu.memory_space<vmem>> -> memref<128x64xf32, #tpu.memory_space<vmem>>
      %dma_start3A_223 = arith.constant 0 : i32
      %dma_start3A_224 = tpu.memref_slice %arg9[%add3A_130, %dma_start3A_223] : memref<14336x64xf32, #tpu.memory_space<vmem_shared>> -> memref<128x64xf32, #tpu.memory_space<vmem_shared>>
      %dma_start3A_225 = arith.constant 0 : i32
      %dma_start3A_226 = tpu.memref_slice %arg9[%add3A_130, %dma_start3A_225] : memref<14336x64xf32, #tpu.memory_space<vmem_shared>> -> memref<128x64xf32, #tpu.memory_space<vmem_shared>>
      %dma_start3A_227 = arith.constant 0 : i32
      %dma_start3A_228 = arith.constant 0 : i32
      %dma_start3A_229 = tpu.memref_slice %arg8[%run_scoped3A_131, %dma_start3A_227, %dma_start3A_228] : memref<4x128x64xf32, #tpu.memory_space<vmem>> -> memref<1x128x64xf32, #tpu.memory_space<vmem>>
      %dma_start3A_230 = tpu.memref_squeeze %dma_start3A_229 : memref<1x128x64xf32, #tpu.memory_space<vmem>> -> memref<128x64xf32, #tpu.memory_space<vmem>>
      tpu.enqueue_dma source(%dma_start3A_230 : memref<128x64xf32, #tpu.memory_space<vmem>>) target(%dma_start3A_226 : memref<128x64xf32, #tpu.memory_space<vmem_shared>>) target_semaphore(%run_scoped3A_218 : memref<!tpu.dma_semaphore, #tpu.memory_space<semaphore_mem>>)
      %dma_wait3A_231 = arith.constant 0 : i32
      %dma_wait3A_232 = arith.constant 0 : i32
      %dma_wait3A_233 = tpu.memref_slice %arg8[%run_scoped3A_131, %dma_wait3A_231, %dma_wait3A_232] : memref<4x128x64xf32, #tpu.memory_space<vmem>> -> memref<1x128x64xf32, #tpu.memory_space<vmem>>
      %dma_wait3A_234 = tpu.memref_squeeze %dma_wait3A_233 : memref<1x128x64xf32, #tpu.memory_space<vmem>> -> memref<128x64xf32, #tpu.memory_space<vmem>>
      %dma_wait3A_235 = arith.constant 0 : i32
      %dma_wait3A_236 = tpu.memref_slice %arg9[%add3A_130, %dma_wait3A_235] : memref<14336x64xf32, #tpu.memory_space<vmem_shared>> -> memref<128x64xf32, #tpu.memory_space<vmem_shared>>
      %dma_wait3A_237 = arith.constant 0 : i32
      %dma_wait3A_238 = tpu.memref_slice %arg9[%add3A_130, %dma_wait3A_237] : memref<14336x64xf32, #tpu.memory_space<vmem_shared>> -> memref<128x64xf32, #tpu.memory_space<vmem_shared>>
      %dma_wait3A_239 = arith.constant 0 : i32
      %dma_wait3A_240 = arith.constant 0 : i32
      %dma_wait3A_241 = tpu.memref_slice %arg8[%run_scoped3A_131, %dma_wait3A_239, %dma_wait3A_240] : memref<4x128x64xf32, #tpu.memory_space<vmem>> -> memref<1x128x64xf32, #tpu.memory_space<vmem>>
      %dma_wait3A_242 = tpu.memref_squeeze %dma_wait3A_241 : memref<1x128x64xf32, #tpu.memory_space<vmem>> -> memref<128x64xf32, #tpu.memory_space<vmem>>
      tpu.wait_dma2 semaphore(%run_scoped3A_218 : memref<!tpu.dma_semaphore, #tpu.memory_space<semaphore_mem>>) src(%dma_wait3A_242 : memref<128x64xf32, #tpu.memory_space<vmem>>) dst(%dma_wait3A_238 : memref<128x64xf32, #tpu.memory_space<vmem_shared>>)
      tpu.yield
    }) : () -> ()
    %add3A_132 = arith.constant 640 : i32
    %add3A_133 = arith.addi %mul3A_8, %add3A_132 : i32
    %run_scoped3A_134 = arith.constant 0 : i32
    "tpu.region"() ({
      %run_scoped3A_218 = tpu.sem_alloc : memref<!tpu.dma_semaphore, #tpu.memory_space<semaphore_mem>>
      %dma_start3A_219 = arith.constant 0 : i32
      %dma_start3A_220 = arith.constant 0 : i32
      %dma_start3A_221 = tpu.memref_slice %arg8[%run_scoped3A_134, %dma_start3A_219, %dma_start3A_220] : memref<4x128x64xf32, #tpu.memory_space<vmem>> -> memref<1x128x64xf32, #tpu.memory_space<vmem>>
      %dma_start3A_222 = tpu.memref_squeeze %dma_start3A_221 : memref<1x128x64xf32, #tpu.memory_space<vmem>> -> memref<128x64xf32, #tpu.memory_space<vmem>>
      %dma_start3A_223 = arith.constant 0 : i32
      %dma_start3A_224 = tpu.memref_slice %arg9[%add3A_133, %dma_start3A_223] : memref<14336x64xf32, #tpu.memory_space<vmem_shared>> -> memref<128x64xf32, #tpu.memory_space<vmem_shared>>
      %dma_start3A_225 = arith.constant 0 : i32
      %dma_start3A_226 = tpu.memref_slice %arg9[%add3A_133, %dma_start3A_225] : memref<14336x64xf32, #tpu.memory_space<vmem_shared>> -> memref<128x64xf32, #tpu.memory_space<vmem_shared>>
      %dma_start3A_227 = arith.constant 0 : i32
      %dma_start3A_228 = arith.constant 0 : i32
      %dma_start3A_229 = tpu.memref_slice %arg8[%run_scoped3A_134, %dma_start3A_227, %dma_start3A_228] : memref<4x128x64xf32, #tpu.memory_space<vmem>> -> memref<1x128x64xf32, #tpu.memory_space<vmem>>
      %dma_start3A_230 = tpu.memref_squeeze %dma_start3A_229 : memref<1x128x64xf32, #tpu.memory_space<vmem>> -> memref<128x64xf32, #tpu.memory_space<vmem>>
      tpu.enqueue_dma source(%dma_start3A_230 : memref<128x64xf32, #tpu.memory_space<vmem>>) target(%dma_start3A_226 : memref<128x64xf32, #tpu.memory_space<vmem_shared>>) target_semaphore(%run_scoped3A_218 : memref<!tpu.dma_semaphore, #tpu.memory_space<semaphore_mem>>)
      %dma_wait3A_231 = arith.constant 0 : i32
      %dma_wait3A_232 = arith.constant 0 : i32
      %dma_wait3A_233 = tpu.memref_slice %arg8[%run_scoped3A_134, %dma_wait3A_231, %dma_wait3A_232] : memref<4x128x64xf32, #tpu.memory_space<vmem>> -> memref<1x128x64xf32, #tpu.memory_space<vmem>>
      %dma_wait3A_234 = tpu.memref_squeeze %dma_wait3A_233 : memref<1x128x64xf32, #tpu.memory_space<vmem>> -> memref<128x64xf32, #tpu.memory_space<vmem>>
      %dma_wait3A_235 = arith.constant 0 : i32
      %dma_wait3A_236 = tpu.memref_slice %arg9[%add3A_133, %dma_wait3A_235] : memref<14336x64xf32, #tpu.memory_space<vmem_shared>> -> memref<128x64xf32, #tpu.memory_space<vmem_shared>>
      %dma_wait3A_237 = arith.constant 0 : i32
      %dma_wait3A_238 = tpu.memref_slice %arg9[%add3A_133, %dma_wait3A_237] : memref<14336x64xf32, #tpu.memory_space<vmem_shared>> -> memref<128x64xf32, #tpu.memory_space<vmem_shared>>
      %dma_wait3A_239 = arith.constant 0 : i32
      %dma_wait3A_240 = arith.constant 0 : i32
      %dma_wait3A_241 = tpu.memref_slice %arg8[%run_scoped3A_134, %dma_wait3A_239, %dma_wait3A_240] : memref<4x128x64xf32, #tpu.memory_space<vmem>> -> memref<1x128x64xf32, #tpu.memory_space<vmem>>
      %dma_wait3A_242 = tpu.memref_squeeze %dma_wait3A_241 : memref<1x128x64xf32, #tpu.memory_space<vmem>> -> memref<128x64xf32, #tpu.memory_space<vmem>>
      tpu.wait_dma2 semaphore(%run_scoped3A_218 : memref<!tpu.dma_semaphore, #tpu.memory_space<semaphore_mem>>) src(%dma_wait3A_242 : memref<128x64xf32, #tpu.memory_space<vmem>>) dst(%dma_wait3A_238 : memref<128x64xf32, #tpu.memory_space<vmem_shared>>)
      tpu.yield
    }) : () -> ()
    %add3A_135 = arith.constant 768 : i32
    %add3A_136 = arith.addi %mul3A_8, %add3A_135 : i32
    %run_scoped3A_137 = arith.constant 0 : i32
    "tpu.region"() ({
      %run_scoped3A_218 = tpu.sem_alloc : memref<!tpu.dma_semaphore, #tpu.memory_space<semaphore_mem>>
      %dma_start3A_219 = arith.constant 0 : i32
      %dma_start3A_220 = arith.constant 0 : i32
      %dma_start3A_221 = tpu.memref_slice %arg8[%run_scoped3A_137, %dma_start3A_219, %dma_start3A_220] : memref<4x128x64xf32, #tpu.memory_space<vmem>> -> memref<1x128x64xf32, #tpu.memory_space<vmem>>
      %dma_start3A_222 = tpu.memref_squeeze %dma_start3A_221 : memref<1x128x64xf32, #tpu.memory_space<vmem>> -> memref<128x64xf32, #tpu.memory_space<vmem>>
      %dma_start3A_223 = arith.constant 0 : i32
      %dma_start3A_224 = tpu.memref_slice %arg9[%add3A_136, %dma_start3A_223] : memref<14336x64xf32, #tpu.memory_space<vmem_shared>> -> memref<128x64xf32, #tpu.memory_space<vmem_shared>>
      %dma_start3A_225 = arith.constant 0 : i32
      %dma_start3A_226 = tpu.memref_slice %arg9[%add3A_136, %dma_start3A_225] : memref<14336x64xf32, #tpu.memory_space<vmem_shared>> -> memref<128x64xf32, #tpu.memory_space<vmem_shared>>
      %dma_start3A_227 = arith.constant 0 : i32
      %dma_start3A_228 = arith.constant 0 : i32
      %dma_start3A_229 = tpu.memref_slice %arg8[%run_scoped3A_137, %dma_start3A_227, %dma_start3A_228] : memref<4x128x64xf32, #tpu.memory_space<vmem>> -> memref<1x128x64xf32, #tpu.memory_space<vmem>>
      %dma_start3A_230 = tpu.memref_squeeze %dma_start3A_229 : memref<1x128x64xf32, #tpu.memory_space<vmem>> -> memref<128x64xf32, #tpu.memory_space<vmem>>
      tpu.enqueue_dma source(%dma_start3A_230 : memref<128x64xf32, #tpu.memory_space<vmem>>) target(%dma_start3A_226 : memref<128x64xf32, #tpu.memory_space<vmem_shared>>) target_semaphore(%run_scoped3A_218 : memref<!tpu.dma_semaphore, #tpu.memory_space<semaphore_mem>>)
      %dma_wait3A_231 = arith.constant 0 : i32
      %dma_wait3A_232 = arith.constant 0 : i32
      %dma_wait3A_233 = tpu.memref_slice %arg8[%run_scoped3A_137, %dma_wait3A_231, %dma_wait3A_232] : memref<4x128x64xf32, #tpu.memory_space<vmem>> -> memref<1x128x64xf32, #tpu.memory_space<vmem>>
      %dma_wait3A_234 = tpu.memref_squeeze %dma_wait3A_233 : memref<1x128x64xf32, #tpu.memory_space<vmem>> -> memref<128x64xf32, #tpu.memory_space<vmem>>
      %dma_wait3A_235 = arith.constant 0 : i32
      %dma_wait3A_236 = tpu.memref_slice %arg9[%add3A_136, %dma_wait3A_235] : memref<14336x64xf32, #tpu.memory_space<vmem_shared>> -> memref<128x64xf32, #tpu.memory_space<vmem_shared>>
      %dma_wait3A_237 = arith.constant 0 : i32
      %dma_wait3A_238 = tpu.memref_slice %arg9[%add3A_136, %dma_wait3A_237] : memref<14336x64xf32, #tpu.memory_space<vmem_shared>> -> memref<128x64xf32, #tpu.memory_space<vmem_shared>>
      %dma_wait3A_239 = arith.constant 0 : i32
      %dma_wait3A_240 = arith.constant 0 : i32
      %dma_wait3A_241 = tpu.memref_slice %arg8[%run_scoped3A_137, %dma_wait3A_239, %dma_wait3A_240] : memref<4x128x64xf32, #tpu.memory_space<vmem>> -> memref<1x128x64xf32, #tpu.memory_space<vmem>>
      %dma_wait3A_242 = tpu.memref_squeeze %dma_wait3A_241 : memref<1x128x64xf32, #tpu.memory_space<vmem>> -> memref<128x64xf32, #tpu.memory_space<vmem>>
      tpu.wait_dma2 semaphore(%run_scoped3A_218 : memref<!tpu.dma_semaphore, #tpu.memory_space<semaphore_mem>>) src(%dma_wait3A_242 : memref<128x64xf32, #tpu.memory_space<vmem>>) dst(%dma_wait3A_238 : memref<128x64xf32, #tpu.memory_space<vmem_shared>>)
      tpu.yield
    }) : () -> ()
    %barrier3A_138 = arith.constant 0 : index
    tpu.barrier barrier_id(%barrier3A_138)
    %dma_start3A_139 = arith.constant 0 : i32
    %dma_start3A_140 = arith.constant 0 : i32
    %dma_start3A_141 = arith.constant 0 : i32
    %dma_start3A_142 = arith.constant 0 : i32
    %dma_start3A_143 = tpu.memref_slice %arg8[%dma_start3A_140, %dma_start3A_141, %dma_start3A_142] : memref<4x128x64xf32, #tpu.memory_space<vmem>> -> memref<1x128x64xf32, #tpu.memory_space<vmem>>
    %dma_start3A_144 = tpu.memref_squeeze %dma_start3A_143 : memref<1x128x64xf32, #tpu.memory_space<vmem>> -> memref<128x64xf32, #tpu.memory_space<vmem>>
    %dma_start3A_145 = arith.constant 0 : i32
    %dma_start3A_146 = tpu.memref_slice %arg6[%dma_start3A_139, %dma_start3A_145] : memref<112x128xi32, #tpu.memory_space<vmem>> -> memref<1x128xi32, #tpu.memory_space<vmem>>
    %dma_start3A_147 = tpu.memref_squeeze %dma_start3A_146 : memref<1x128xi32, #tpu.memory_space<vmem>> -> memref<128xi32, #tpu.memory_space<vmem>>
    %dma_start3A_148 = arith.constant 0 : i32
    %dma_start3A_149 = arith.constant 0 : i32
    %dma_start3A_150 = tpu.memref_slice %arg3[%dma_start3A_148, %dma_start3A_149] : memref<14336x64xf32, #tpu.memory_space<hbm>> -> memref<14336x64xf32, #tpu.memory_space<hbm>>
    tpu.enqueue_indirect_dma source(%dma_start3A_150 : memref<14336x64xf32, #tpu.memory_space<hbm>>) target(%dma_start3A_144 : memref<128x64xf32, #tpu.memory_space<vmem>>) offsets(%dma_start3A_147 : memref<128xi32, #tpu.memory_space<vmem>>) semaphore(%arg10 : memref<!tpu.dma_semaphore, #tpu.memory_space<semaphore_mem>>)
    %dma_start3A_151 = arith.constant 1 : i32
    %dma_start3A_152 = arith.constant 1 : i32
    %dma_start3A_153 = arith.constant 0 : i32
    %dma_start3A_154 = arith.constant 0 : i32
    %dma_start3A_155 = tpu.memref_slice %arg8[%dma_start3A_152, %dma_start3A_153, %dma_start3A_154] : memref<4x128x64xf32, #tpu.memory_space<vmem>> -> memref<1x128x64xf32, #tpu.memory_space<vmem>>
    %dma_start3A_156 = tpu.memref_squeeze %dma_start3A_155 : memref<1x128x64xf32, #tpu.memory_space<vmem>> -> memref<128x64xf32, #tpu.memory_space<vmem>>
    %dma_start3A_157 = arith.constant 0 : i32
    %dma_start3A_158 = tpu.memref_slice %arg6[%dma_start3A_151, %dma_start3A_157] : memref<112x128xi32, #tpu.memory_space<vmem>> -> memref<1x128xi32, #tpu.memory_space<vmem>>
    %dma_start3A_159 = tpu.memref_squeeze %dma_start3A_158 : memref<1x128xi32, #tpu.memory_space<vmem>> -> memref<128xi32, #tpu.memory_space<vmem>>
    %dma_start3A_160 = arith.constant 0 : i32
    %dma_start3A_161 = arith.constant 0 : i32
    %dma_start3A_162 = tpu.memref_slice %arg3[%dma_start3A_160, %dma_start3A_161] : memref<14336x64xf32, #tpu.memory_space<hbm>> -> memref<14336x64xf32, #tpu.memory_space<hbm>>
    tpu.enqueue_indirect_dma source(%dma_start3A_162 : memref<14336x64xf32, #tpu.memory_space<hbm>>) target(%dma_start3A_156 : memref<128x64xf32, #tpu.memory_space<vmem>>) offsets(%dma_start3A_159 : memref<128xi32, #tpu.memory_space<vmem>>) semaphore(%arg11 : memref<!tpu.dma_semaphore, #tpu.memory_space<semaphore_mem>>)
    %scan3A_163 = arith.constant 0 : i32
    %scan3A_164 = arith.constant 28 : i32
    %scan3A_165 = arith.addi %scan3A_163, %scan3A_164 : i32
    %scan3A_166 = arith.constant 1 : i32
    scf.for %scan3A_218 = %scan3A_163 to %scan3A_165 step %scan3A_166  : i32 {
      %mul3A_219 = arith.constant 4 : i32
      %mul3A_220 = arith.muli %scan3A_218, %mul3A_219 : i32
      %add3A_221 = arith.constant 0 : i32
      %add3A_222 = arith.addi %add3A_221, %mul3A_220 : i32
      %add3A_223 = arith.constant 0 : i32
      %add3A_224 = arith.addi %add3A_222, %add3A_223 : i32
      %add3A_225 = arith.constant 2 : i32
      %add3A_226 = arith.addi %add3A_224, %add3A_225 : i32
      %lt3A = arith.constant 112 : i32
      %lt3A_227 = arith.cmpi slt, %add3A_226, %lt3A : i32
      %convert_element_type3A = arith.extui %lt3A_227 : i1 to i32
      %cond3A = arith.constant 0 : i32
      %cond3A_228 = arith.cmpi ne, %convert_element_type3A, %cond3A : i32
      scf.if %cond3A_228 {
        %ge3A = arith.constant 2 : i32
        %ge3A_344 = arith.cmpi sge, %add3A_224, %ge3A : i32
        %convert_element_type3A_345 = arith.extui %ge3A_344 : i1 to i32
        %cond3A_346 = arith.constant 0 : i32
        %cond3A_347 = arith.cmpi ne, %convert_element_type3A_345, %cond3A_346 : i32
        scf.if %cond3A_347 {
          %sub3A = arith.constant 2 : i32
          %sub3A_361 = arith.subi %add3A_224, %sub3A : i32
          %dma_wait3A_362 = arith.constant 2 : i32
          %dma_wait3A_363 = arith.constant 0 : i32
          %dma_wait3A_364 = arith.constant 0 : i32
          %dma_wait3A_365 = tpu.memref_slice %arg8[%dma_wait3A_362, %dma_wait3A_363, %dma_wait3A_364] : memref<4x128x64xf32, #tpu.memory_space<vmem>> -> memref<1x128x64xf32, #tpu.memory_space<vmem>>
          %dma_wait3A_366 = tpu.memref_squeeze %dma_wait3A_365 : memref<1x128x64xf32, #tpu.memory_space<vmem>> -> memref<128x64xf32, #tpu.memory_space<vmem>>
          %dma_wait3A_367 = arith.constant 0 : i32
          %dma_wait3A_368 = tpu.memref_slice %arg7[%sub3A_361, %dma_wait3A_367] : memref<112x128xi32, #tpu.memory_space<vmem>> -> memref<1x128xi32, #tpu.memory_space<vmem>>
          %dma_wait3A_369 = tpu.memref_squeeze %dma_wait3A_368 : memref<1x128xi32, #tpu.memory_space<vmem>> -> memref<128xi32, #tpu.memory_space<vmem>>
          %dma_wait3A_370 = arith.constant 0 : i32
          %dma_wait3A_371 = arith.constant 0 : i32
          %dma_wait3A_372 = tpu.memref_slice %arg9[%dma_wait3A_370, %dma_wait3A_371] : memref<14336x64xf32, #tpu.memory_space<vmem_shared>> -> memref<14336x64xf32, #tpu.memory_space<vmem_shared>>
          tpu.wait_indirect_dma semaphore(%arg16 : memref<!tpu.dma_semaphore, #tpu.memory_space<semaphore_mem>>) src(%dma_wait3A_366 : memref<128x64xf32, #tpu.memory_space<vmem>>) dst(%dma_wait3A_372 : memref<14336x64xf32, #tpu.memory_space<vmem_shared>>)
        } else {
        }
        %add3A_348 = arith.constant 2 : i32
        %add3A_349 = arith.addi %add3A_224, %add3A_348 : i32
        %dma_start3A_350 = arith.constant 2 : i32
        %dma_start3A_351 = arith.constant 0 : i32
        %dma_start3A_352 = arith.constant 0 : i32
        %dma_start3A_353 = tpu.memref_slice %arg8[%dma_start3A_350, %dma_start3A_351, %dma_start3A_352] : memref<4x128x64xf32, #tpu.memory_space<vmem>> -> memref<1x128x64xf32, #tpu.memory_space<vmem>>
        %dma_start3A_354 = tpu.memref_squeeze %dma_start3A_353 : memref<1x128x64xf32, #tpu.memory_space<vmem>> -> memref<128x64xf32, #tpu.memory_space<vmem>>
        %dma_start3A_355 = arith.constant 0 : i32
        %dma_start3A_356 = tpu.memref_slice %arg6[%add3A_349, %dma_start3A_355] : memref<112x128xi32, #tpu.memory_space<vmem>> -> memref<1x128xi32, #tpu.memory_space<vmem>>
        %dma_start3A_357 = tpu.memref_squeeze %dma_start3A_356 : memref<1x128xi32, #tpu.memory_space<vmem>> -> memref<128xi32, #tpu.memory_space<vmem>>
        %dma_start3A_358 = arith.constant 0 : i32
        %dma_start3A_359 = arith.constant 0 : i32
        %dma_start3A_360 = tpu.memref_slice %arg3[%dma_start3A_358, %dma_start3A_359] : memref<14336x64xf32, #tpu.memory_space<hbm>> -> memref<14336x64xf32, #tpu.memory_space<hbm>>
        tpu.enqueue_indirect_dma source(%dma_start3A_360 : memref<14336x64xf32, #tpu.memory_space<hbm>>) target(%dma_start3A_354 : memref<128x64xf32, #tpu.memory_space<vmem>>) offsets(%dma_start3A_357 : memref<128xi32, #tpu.memory_space<vmem>>) semaphore(%arg12 : memref<!tpu.dma_semaphore, #tpu.memory_space<semaphore_mem>>)
      } else {
      }
      %dma_wait3A_229 = arith.constant 0 : i32
      %dma_wait3A_230 = arith.constant 0 : i32
      %dma_wait3A_231 = arith.constant 0 : i32
      %dma_wait3A_232 = tpu.memref_slice %arg8[%dma_wait3A_229, %dma_wait3A_230, %dma_wait3A_231] : memref<4x128x64xf32, #tpu.memory_space<vmem>> -> memref<1x128x64xf32, #tpu.memory_space<vmem>>
      %dma_wait3A_233 = tpu.memref_squeeze %dma_wait3A_232 : memref<1x128x64xf32, #tpu.memory_space<vmem>> -> memref<128x64xf32, #tpu.memory_space<vmem>>
      %dma_wait3A_234 = arith.constant 0 : i32
      %dma_wait3A_235 = tpu.memref_slice %arg6[%add3A_224, %dma_wait3A_234] : memref<112x128xi32, #tpu.memory_space<vmem>> -> memref<1x128xi32, #tpu.memory_space<vmem>>
      %dma_wait3A_236 = tpu.memref_squeeze %dma_wait3A_235 : memref<1x128xi32, #tpu.memory_space<vmem>> -> memref<128xi32, #tpu.memory_space<vmem>>
      %dma_wait3A_237 = arith.constant 0 : i32
      %dma_wait3A_238 = arith.constant 0 : i32
      %dma_wait3A_239 = tpu.memref_slice %arg3[%dma_wait3A_237, %dma_wait3A_238] : memref<14336x64xf32, #tpu.memory_space<hbm>> -> memref<14336x64xf32, #tpu.memory_space<hbm>>
      tpu.wait_indirect_dma semaphore(%arg10 : memref<!tpu.dma_semaphore, #tpu.memory_space<semaphore_mem>>) src(%dma_wait3A_239 : memref<14336x64xf32, #tpu.memory_space<hbm>>) dst(%dma_wait3A_233 : memref<128x64xf32, #tpu.memory_space<vmem>>)
      %dma_start3A_240 = arith.constant 0 : i32
      %dma_start3A_241 = arith.constant 0 : i32
      %dma_start3A_242 = arith.constant 0 : i32
      %dma_start3A_243 = tpu.memref_slice %arg8[%dma_start3A_240, %dma_start3A_241, %dma_start3A_242] : memref<4x128x64xf32, #tpu.memory_space<vmem>> -> memref<1x128x64xf32, #tpu.memory_space<vmem>>
      %dma_start3A_244 = tpu.memref_squeeze %dma_start3A_243 : memref<1x128x64xf32, #tpu.memory_space<vmem>> -> memref<128x64xf32, #tpu.memory_space<vmem>>
      %dma_start3A_245 = arith.constant 0 : i32
      %dma_start3A_246 = tpu.memref_slice %arg7[%add3A_224, %dma_start3A_245] : memref<112x128xi32, #tpu.memory_space<vmem>> -> memref<1x128xi32, #tpu.memory_space<vmem>>
      %dma_start3A_247 = tpu.memref_squeeze %dma_start3A_246 : memref<1x128xi32, #tpu.memory_space<vmem>> -> memref<128xi32, #tpu.memory_space<vmem>>
      %dma_start3A_248 = arith.constant 0 : i32
      %dma_start3A_249 = arith.constant 0 : i32
      %dma_start3A_250 = tpu.memref_slice %arg9[%dma_start3A_248, %dma_start3A_249] : memref<14336x64xf32, #tpu.memory_space<vmem_shared>> -> memref<14336x64xf32, #tpu.memory_space<vmem_shared>>
      tpu.enqueue_indirect_dma source(%dma_start3A_244 : memref<128x64xf32, #tpu.memory_space<vmem>>) target(%dma_start3A_250 : memref<14336x64xf32, #tpu.memory_space<vmem_shared>>) offsets(%dma_start3A_247 : memref<128xi32, #tpu.memory_space<vmem>>) semaphore(%arg14 : memref<!tpu.dma_semaphore, #tpu.memory_space<semaphore_mem>>) {add = true}
      %add3A_251 = arith.constant 1 : i32
      %add3A_252 = arith.addi %add3A_222, %add3A_251 : i32
      %add3A_253 = arith.constant 2 : i32
      %add3A_254 = arith.addi %add3A_252, %add3A_253 : i32
      %lt3A_255 = arith.constant 112 : i32
      %lt3A_256 = arith.cmpi slt, %add3A_254, %lt3A_255 : i32
      %convert_element_type3A_257 = arith.extui %lt3A_256 : i1 to i32
      %cond3A_258 = arith.constant 0 : i32
      %cond3A_259 = arith.cmpi ne, %convert_element_type3A_257, %cond3A_258 : i32
      scf.if %cond3A_259 {
        %ge3A = arith.constant 2 : i32
        %ge3A_344 = arith.cmpi sge, %add3A_252, %ge3A : i32
        %convert_element_type3A_345 = arith.extui %ge3A_344 : i1 to i32
        %cond3A_346 = arith.constant 0 : i32
        %cond3A_347 = arith.cmpi ne, %convert_element_type3A_345, %cond3A_346 : i32
        scf.if %cond3A_347 {
          %sub3A = arith.constant 2 : i32
          %sub3A_361 = arith.subi %add3A_252, %sub3A : i32
          %dma_wait3A_362 = arith.constant 3 : i32
          %dma_wait3A_363 = arith.constant 0 : i32
          %dma_wait3A_364 = arith.constant 0 : i32
          %dma_wait3A_365 = tpu.memref_slice %arg8[%dma_wait3A_362, %dma_wait3A_363, %dma_wait3A_364] : memref<4x128x64xf32, #tpu.memory_space<vmem>> -> memref<1x128x64xf32, #tpu.memory_space<vmem>>
          %dma_wait3A_366 = tpu.memref_squeeze %dma_wait3A_365 : memref<1x128x64xf32, #tpu.memory_space<vmem>> -> memref<128x64xf32, #tpu.memory_space<vmem>>
          %dma_wait3A_367 = arith.constant 0 : i32
          %dma_wait3A_368 = tpu.memref_slice %arg7[%sub3A_361, %dma_wait3A_367] : memref<112x128xi32, #tpu.memory_space<vmem>> -> memref<1x128xi32, #tpu.memory_space<vmem>>
          %dma_wait3A_369 = tpu.memref_squeeze %dma_wait3A_368 : memref<1x128xi32, #tpu.memory_space<vmem>> -> memref<128xi32, #tpu.memory_space<vmem>>
          %dma_wait3A_370 = arith.constant 0 : i32
          %dma_wait3A_371 = arith.constant 0 : i32
          %dma_wait3A_372 = tpu.memref_slice %arg9[%dma_wait3A_370, %dma_wait3A_371] : memref<14336x64xf32, #tpu.memory_space<vmem_shared>> -> memref<14336x64xf32, #tpu.memory_space<vmem_shared>>
          tpu.wait_indirect_dma semaphore(%arg17 : memref<!tpu.dma_semaphore, #tpu.memory_space<semaphore_mem>>) src(%dma_wait3A_366 : memref<128x64xf32, #tpu.memory_space<vmem>>) dst(%dma_wait3A_372 : memref<14336x64xf32, #tpu.memory_space<vmem_shared>>)
        } else {
        }
        %add3A_348 = arith.constant 2 : i32
        %add3A_349 = arith.addi %add3A_252, %add3A_348 : i32
        %dma_start3A_350 = arith.constant 3 : i32
        %dma_start3A_351 = arith.constant 0 : i32
        %dma_start3A_352 = arith.constant 0 : i32
        %dma_start3A_353 = tpu.memref_slice %arg8[%dma_start3A_350, %dma_start3A_351, %dma_start3A_352] : memref<4x128x64xf32, #tpu.memory_space<vmem>> -> memref<1x128x64xf32, #tpu.memory_space<vmem>>
        %dma_start3A_354 = tpu.memref_squeeze %dma_start3A_353 : memref<1x128x64xf32, #tpu.memory_space<vmem>> -> memref<128x64xf32, #tpu.memory_space<vmem>>
        %dma_start3A_355 = arith.constant 0 : i32
        %dma_start3A_356 = tpu.memref_slice %arg6[%add3A_349, %dma_start3A_355] : memref<112x128xi32, #tpu.memory_space<vmem>> -> memref<1x128xi32, #tpu.memory_space<vmem>>
        %dma_start3A_357 = tpu.memref_squeeze %dma_start3A_356 : memref<1x128xi32, #tpu.memory_space<vmem>> -> memref<128xi32, #tpu.memory_space<vmem>>
        %dma_start3A_358 = arith.constant 0 : i32
        %dma_start3A_359 = arith.constant 0 : i32
        %dma_start3A_360 = tpu.memref_slice %arg3[%dma_start3A_358, %dma_start3A_359] : memref<14336x64xf32, #tpu.memory_space<hbm>> -> memref<14336x64xf32, #tpu.memory_space<hbm>>
        tpu.enqueue_indirect_dma source(%dma_start3A_360 : memref<14336x64xf32, #tpu.memory_space<hbm>>) target(%dma_start3A_354 : memref<128x64xf32, #tpu.memory_space<vmem>>) offsets(%dma_start3A_357 : memref<128xi32, #tpu.memory_space<vmem>>) semaphore(%arg13 : memref<!tpu.dma_semaphore, #tpu.memory_space<semaphore_mem>>)
      } else {
      }
      %dma_wait3A_260 = arith.constant 1 : i32
      %dma_wait3A_261 = arith.constant 0 : i32
      %dma_wait3A_262 = arith.constant 0 : i32
      %dma_wait3A_263 = tpu.memref_slice %arg8[%dma_wait3A_260, %dma_wait3A_261, %dma_wait3A_262] : memref<4x128x64xf32, #tpu.memory_space<vmem>> -> memref<1x128x64xf32, #tpu.memory_space<vmem>>
      %dma_wait3A_264 = tpu.memref_squeeze %dma_wait3A_263 : memref<1x128x64xf32, #tpu.memory_space<vmem>> -> memref<128x64xf32, #tpu.memory_space<vmem>>
      %dma_wait3A_265 = arith.constant 0 : i32
      %dma_wait3A_266 = tpu.memref_slice %arg6[%add3A_252, %dma_wait3A_265] : memref<112x128xi32, #tpu.memory_space<vmem>> -> memref<1x128xi32, #tpu.memory_space<vmem>>
      %dma_wait3A_267 = tpu.memref_squeeze %dma_wait3A_266 : memref<1x128xi32, #tpu.memory_space<vmem>> -> memref<128xi32, #tpu.memory_space<vmem>>
      %dma_wait3A_268 = arith.constant 0 : i32
      %dma_wait3A_269 = arith.constant 0 : i32
      %dma_wait3A_270 = tpu.memref_slice %arg3[%dma_wait3A_268, %dma_wait3A_269] : memref<14336x64xf32, #tpu.memory_space<hbm>> -> memref<14336x64xf32, #tpu.memory_space<hbm>>
      tpu.wait_indirect_dma semaphore(%arg11 : memref<!tpu.dma_semaphore, #tpu.memory_space<semaphore_mem>>) src(%dma_wait3A_270 : memref<14336x64xf32, #tpu.memory_space<hbm>>) dst(%dma_wait3A_264 : memref<128x64xf32, #tpu.memory_space<vmem>>)
      %dma_start3A_271 = arith.constant 1 : i32
      %dma_start3A_272 = arith.constant 0 : i32
      %dma_start3A_273 = arith.constant 0 : i32
      %dma_start3A_274 = tpu.memref_slice %arg8[%dma_start3A_271, %dma_start3A_272, %dma_start3A_273] : memref<4x128x64xf32, #tpu.memory_space<vmem>> -> memref<1x128x64xf32, #tpu.memory_space<vmem>>
      %dma_start3A_275 = tpu.memref_squeeze %dma_start3A_274 : memref<1x128x64xf32, #tpu.memory_space<vmem>> -> memref<128x64xf32, #tpu.memory_space<vmem>>
      %dma_start3A_276 = arith.constant 0 : i32
      %dma_start3A_277 = tpu.memref_slice %arg7[%add3A_252, %dma_start3A_276] : memref<112x128xi32, #tpu.memory_space<vmem>> -> memref<1x128xi32, #tpu.memory_space<vmem>>
      %dma_start3A_278 = tpu.memref_squeeze %dma_start3A_277 : memref<1x128xi32, #tpu.memory_space<vmem>> -> memref<128xi32, #tpu.memory_space<vmem>>
      %dma_start3A_279 = arith.constant 0 : i32
      %dma_start3A_280 = arith.constant 0 : i32
      %dma_start3A_281 = tpu.memref_slice %arg9[%dma_start3A_279, %dma_start3A_280] : memref<14336x64xf32, #tpu.memory_space<vmem_shared>> -> memref<14336x64xf32, #tpu.memory_space<vmem_shared>>
      tpu.enqueue_indirect_dma source(%dma_start3A_275 : memref<128x64xf32, #tpu.memory_space<vmem>>) target(%dma_start3A_281 : memref<14336x64xf32, #tpu.memory_space<vmem_shared>>) offsets(%dma_start3A_278 : memref<128xi32, #tpu.memory_space<vmem>>) semaphore(%arg15 : memref<!tpu.dma_semaphore, #tpu.memory_space<semaphore_mem>>) {add = true}
      %add3A_282 = arith.constant 2 : i32
      %add3A_283 = arith.addi %add3A_222, %add3A_282 : i32
      %add3A_284 = arith.constant 2 : i32
      %add3A_285 = arith.addi %add3A_283, %add3A_284 : i32
      %lt3A_286 = arith.constant 112 : i32
      %lt3A_287 = arith.cmpi slt, %add3A_285, %lt3A_286 : i32
      %convert_element_type3A_288 = arith.extui %lt3A_287 : i1 to i32
      %cond3A_289 = arith.constant 0 : i32
      %cond3A_290 = arith.cmpi ne, %convert_element_type3A_288, %cond3A_289 : i32
      scf.if %cond3A_290 {
        %ge3A = arith.constant 2 : i32
        %ge3A_344 = arith.cmpi sge, %add3A_283, %ge3A : i32
        %convert_element_type3A_345 = arith.extui %ge3A_344 : i1 to i32
        %cond3A_346 = arith.constant 0 : i32
        %cond3A_347 = arith.cmpi ne, %convert_element_type3A_345, %cond3A_346 : i32
        scf.if %cond3A_347 {
          %sub3A = arith.constant 2 : i32
          %sub3A_361 = arith.subi %add3A_283, %sub3A : i32
          %dma_wait3A_362 = arith.constant 0 : i32
          %dma_wait3A_363 = arith.constant 0 : i32
          %dma_wait3A_364 = arith.constant 0 : i32
          %dma_wait3A_365 = tpu.memref_slice %arg8[%dma_wait3A_362, %dma_wait3A_363, %dma_wait3A_364] : memref<4x128x64xf32, #tpu.memory_space<vmem>> -> memref<1x128x64xf32, #tpu.memory_space<vmem>>
          %dma_wait3A_366 = tpu.memref_squeeze %dma_wait3A_365 : memref<1x128x64xf32, #tpu.memory_space<vmem>> -> memref<128x64xf32, #tpu.memory_space<vmem>>
          %dma_wait3A_367 = arith.constant 0 : i32
          %dma_wait3A_368 = tpu.memref_slice %arg7[%sub3A_361, %dma_wait3A_367] : memref<112x128xi32, #tpu.memory_space<vmem>> -> memref<1x128xi32, #tpu.memory_space<vmem>>
          %dma_wait3A_369 = tpu.memref_squeeze %dma_wait3A_368 : memref<1x128xi32, #tpu.memory_space<vmem>> -> memref<128xi32, #tpu.memory_space<vmem>>
          %dma_wait3A_370 = arith.constant 0 : i32
          %dma_wait3A_371 = arith.constant 0 : i32
          %dma_wait3A_372 = tpu.memref_slice %arg9[%dma_wait3A_370, %dma_wait3A_371] : memref<14336x64xf32, #tpu.memory_space<vmem_shared>> -> memref<14336x64xf32, #tpu.memory_space<vmem_shared>>
          tpu.wait_indirect_dma semaphore(%arg14 : memref<!tpu.dma_semaphore, #tpu.memory_space<semaphore_mem>>) src(%dma_wait3A_366 : memref<128x64xf32, #tpu.memory_space<vmem>>) dst(%dma_wait3A_372 : memref<14336x64xf32, #tpu.memory_space<vmem_shared>>)
        } else {
        }
        %add3A_348 = arith.constant 2 : i32
        %add3A_349 = arith.addi %add3A_283, %add3A_348 : i32
        %dma_start3A_350 = arith.constant 0 : i32
        %dma_start3A_351 = arith.constant 0 : i32
        %dma_start3A_352 = arith.constant 0 : i32
        %dma_start3A_353 = tpu.memref_slice %arg8[%dma_start3A_350, %dma_start3A_351, %dma_start3A_352] : memref<4x128x64xf32, #tpu.memory_space<vmem>> -> memref<1x128x64xf32, #tpu.memory_space<vmem>>
        %dma_start3A_354 = tpu.memref_squeeze %dma_start3A_353 : memref<1x128x64xf32, #tpu.memory_space<vmem>> -> memref<128x64xf32, #tpu.memory_space<vmem>>
        %dma_start3A_355 = arith.constant 0 : i32
        %dma_start3A_356 = tpu.memref_slice %arg6[%add3A_349, %dma_start3A_355] : memref<112x128xi32, #tpu.memory_space<vmem>> -> memref<1x128xi32, #tpu.memory_space<vmem>>
        %dma_start3A_357 = tpu.memref_squeeze %dma_start3A_356 : memref<1x128xi32, #tpu.memory_space<vmem>> -> memref<128xi32, #tpu.memory_space<vmem>>
        %dma_start3A_358 = arith.constant 0 : i32
        %dma_start3A_359 = arith.constant 0 : i32
        %dma_start3A_360 = tpu.memref_slice %arg3[%dma_start3A_358, %dma_start3A_359] : memref<14336x64xf32, #tpu.memory_space<hbm>> -> memref<14336x64xf32, #tpu.memory_space<hbm>>
        tpu.enqueue_indirect_dma source(%dma_start3A_360 : memref<14336x64xf32, #tpu.memory_space<hbm>>) target(%dma_start3A_354 : memref<128x64xf32, #tpu.memory_space<vmem>>) offsets(%dma_start3A_357 : memref<128xi32, #tpu.memory_space<vmem>>) semaphore(%arg10 : memref<!tpu.dma_semaphore, #tpu.memory_space<semaphore_mem>>)
      } else {
      }
      %dma_wait3A_291 = arith.constant 2 : i32
      %dma_wait3A_292 = arith.constant 0 : i32
      %dma_wait3A_293 = arith.constant 0 : i32
      %dma_wait3A_294 = tpu.memref_slice %arg8[%dma_wait3A_291, %dma_wait3A_292, %dma_wait3A_293] : memref<4x128x64xf32, #tpu.memory_space<vmem>> -> memref<1x128x64xf32, #tpu.memory_space<vmem>>
      %dma_wait3A_295 = tpu.memref_squeeze %dma_wait3A_294 : memref<1x128x64xf32, #tpu.memory_space<vmem>> -> memref<128x64xf32, #tpu.memory_space<vmem>>
      %dma_wait3A_296 = arith.constant 0 : i32
      %dma_wait3A_297 = tpu.memref_slice %arg6[%add3A_283, %dma_wait3A_296] : memref<112x128xi32, #tpu.memory_space<vmem>> -> memref<1x128xi32, #tpu.memory_space<vmem>>
      %dma_wait3A_298 = tpu.memref_squeeze %dma_wait3A_297 : memref<1x128xi32, #tpu.memory_space<vmem>> -> memref<128xi32, #tpu.memory_space<vmem>>
      %dma_wait3A_299 = arith.constant 0 : i32
      %dma_wait3A_300 = arith.constant 0 : i32
      %dma_wait3A_301 = tpu.memref_slice %arg3[%dma_wait3A_299, %dma_wait3A_300] : memref<14336x64xf32, #tpu.memory_space<hbm>> -> memref<14336x64xf32, #tpu.memory_space<hbm>>
      tpu.wait_indirect_dma semaphore(%arg12 : memref<!tpu.dma_semaphore, #tpu.memory_space<semaphore_mem>>) src(%dma_wait3A_301 : memref<14336x64xf32, #tpu.memory_space<hbm>>) dst(%dma_wait3A_295 : memref<128x64xf32, #tpu.memory_space<vmem>>)
      %dma_start3A_302 = arith.constant 2 : i32
      %dma_start3A_303 = arith.constant 0 : i32
      %dma_start3A_304 = arith.constant 0 : i32
      %dma_start3A_305 = tpu.memref_slice %arg8[%dma_start3A_302, %dma_start3A_303, %dma_start3A_304] : memref<4x128x64xf32, #tpu.memory_space<vmem>> -> memref<1x128x64xf32, #tpu.memory_space<vmem>>
      %dma_start3A_306 = tpu.memref_squeeze %dma_start3A_305 : memref<1x128x64xf32, #tpu.memory_space<vmem>> -> memref<128x64xf32, #tpu.memory_space<vmem>>
      %dma_start3A_307 = arith.constant 0 : i32
      %dma_start3A_308 = tpu.memref_slice %arg7[%add3A_283, %dma_start3A_307] : memref<112x128xi32, #tpu.memory_space<vmem>> -> memref<1x128xi32, #tpu.memory_space<vmem>>
      %dma_start3A_309 = tpu.memref_squeeze %dma_start3A_308 : memref<1x128xi32, #tpu.memory_space<vmem>> -> memref<128xi32, #tpu.memory_space<vmem>>
      %dma_start3A_310 = arith.constant 0 : i32
      %dma_start3A_311 = arith.constant 0 : i32
      %dma_start3A_312 = tpu.memref_slice %arg9[%dma_start3A_310, %dma_start3A_311] : memref<14336x64xf32, #tpu.memory_space<vmem_shared>> -> memref<14336x64xf32, #tpu.memory_space<vmem_shared>>
      tpu.enqueue_indirect_dma source(%dma_start3A_306 : memref<128x64xf32, #tpu.memory_space<vmem>>) target(%dma_start3A_312 : memref<14336x64xf32, #tpu.memory_space<vmem_shared>>) offsets(%dma_start3A_309 : memref<128xi32, #tpu.memory_space<vmem>>) semaphore(%arg16 : memref<!tpu.dma_semaphore, #tpu.memory_space<semaphore_mem>>) {add = true}
      %add3A_313 = arith.constant 3 : i32
      %add3A_314 = arith.addi %add3A_222, %add3A_313 : i32
      %add3A_315 = arith.constant 2 : i32
      %add3A_316 = arith.addi %add3A_314, %add3A_315 : i32
      %lt3A_317 = arith.constant 112 : i32
      %lt3A_318 = arith.cmpi slt, %add3A_316, %lt3A_317 : i32
      %convert_element_type3A_319 = arith.extui %lt3A_318 : i1 to i32
      %cond3A_320 = arith.constant 0 : i32
      %cond3A_321 = arith.cmpi ne, %convert_element_type3A_319, %cond3A_320 : i32
      scf.if %cond3A_321 {
        %ge3A = arith.constant 2 : i32
        %ge3A_344 = arith.cmpi sge, %add3A_314, %ge3A : i32
        %convert_element_type3A_345 = arith.extui %ge3A_344 : i1 to i32
        %cond3A_346 = arith.constant 0 : i32
        %cond3A_347 = arith.cmpi ne, %convert_element_type3A_345, %cond3A_346 : i32
        scf.if %cond3A_347 {
          %sub3A = arith.constant 2 : i32
          %sub3A_361 = arith.subi %add3A_314, %sub3A : i32
          %dma_wait3A_362 = arith.constant 1 : i32
          %dma_wait3A_363 = arith.constant 0 : i32
          %dma_wait3A_364 = arith.constant 0 : i32
          %dma_wait3A_365 = tpu.memref_slice %arg8[%dma_wait3A_362, %dma_wait3A_363, %dma_wait3A_364] : memref<4x128x64xf32, #tpu.memory_space<vmem>> -> memref<1x128x64xf32, #tpu.memory_space<vmem>>
          %dma_wait3A_366 = tpu.memref_squeeze %dma_wait3A_365 : memref<1x128x64xf32, #tpu.memory_space<vmem>> -> memref<128x64xf32, #tpu.memory_space<vmem>>
          %dma_wait3A_367 = arith.constant 0 : i32
          %dma_wait3A_368 = tpu.memref_slice %arg7[%sub3A_361, %dma_wait3A_367] : memref<112x128xi32, #tpu.memory_space<vmem>> -> memref<1x128xi32, #tpu.memory_space<vmem>>
          %dma_wait3A_369 = tpu.memref_squeeze %dma_wait3A_368 : memref<1x128xi32, #tpu.memory_space<vmem>> -> memref<128xi32, #tpu.memory_space<vmem>>
          %dma_wait3A_370 = arith.constant 0 : i32
          %dma_wait3A_371 = arith.constant 0 : i32
          %dma_wait3A_372 = tpu.memref_slice %arg9[%dma_wait3A_370, %dma_wait3A_371] : memref<14336x64xf32, #tpu.memory_space<vmem_shared>> -> memref<14336x64xf32, #tpu.memory_space<vmem_shared>>
          tpu.wait_indirect_dma semaphore(%arg15 : memref<!tpu.dma_semaphore, #tpu.memory_space<semaphore_mem>>) src(%dma_wait3A_366 : memref<128x64xf32, #tpu.memory_space<vmem>>) dst(%dma_wait3A_372 : memref<14336x64xf32, #tpu.memory_space<vmem_shared>>)
        } else {
        }
        %add3A_348 = arith.constant 2 : i32
        %add3A_349 = arith.addi %add3A_314, %add3A_348 : i32
        %dma_start3A_350 = arith.constant 1 : i32
        %dma_start3A_351 = arith.constant 0 : i32
        %dma_start3A_352 = arith.constant 0 : i32
        %dma_start3A_353 = tpu.memref_slice %arg8[%dma_start3A_350, %dma_start3A_351, %dma_start3A_352] : memref<4x128x64xf32, #tpu.memory_space<vmem>> -> memref<1x128x64xf32, #tpu.memory_space<vmem>>
        %dma_start3A_354 = tpu.memref_squeeze %dma_start3A_353 : memref<1x128x64xf32, #tpu.memory_space<vmem>> -> memref<128x64xf32, #tpu.memory_space<vmem>>
        %dma_start3A_355 = arith.constant 0 : i32
        %dma_start3A_356 = tpu.memref_slice %arg6[%add3A_349, %dma_start3A_355] : memref<112x128xi32, #tpu.memory_space<vmem>> -> memref<1x128xi32, #tpu.memory_space<vmem>>
        %dma_start3A_357 = tpu.memref_squeeze %dma_start3A_356 : memref<1x128xi32, #tpu.memory_space<vmem>> -> memref<128xi32, #tpu.memory_space<vmem>>
        %dma_start3A_358 = arith.constant 0 : i32
        %dma_start3A_359 = arith.constant 0 : i32
        %dma_start3A_360 = tpu.memref_slice %arg3[%dma_start3A_358, %dma_start3A_359] : memref<14336x64xf32, #tpu.memory_space<hbm>> -> memref<14336x64xf32, #tpu.memory_space<hbm>>
        tpu.enqueue_indirect_dma source(%dma_start3A_360 : memref<14336x64xf32, #tpu.memory_space<hbm>>) target(%dma_start3A_354 : memref<128x64xf32, #tpu.memory_space<vmem>>) offsets(%dma_start3A_357 : memref<128xi32, #tpu.memory_space<vmem>>) semaphore(%arg11 : memref<!tpu.dma_semaphore, #tpu.memory_space<semaphore_mem>>)
      } else {
      }
      %dma_wait3A_322 = arith.constant 3 : i32
      %dma_wait3A_323 = arith.constant 0 : i32
      %dma_wait3A_324 = arith.constant 0 : i32
      %dma_wait3A_325 = tpu.memref_slice %arg8[%dma_wait3A_322, %dma_wait3A_323, %dma_wait3A_324] : memref<4x128x64xf32, #tpu.memory_space<vmem>> -> memref<1x128x64xf32, #tpu.memory_space<vmem>>
      %dma_wait3A_326 = tpu.memref_squeeze %dma_wait3A_325 : memref<1x128x64xf32, #tpu.memory_space<vmem>> -> memref<128x64xf32, #tpu.memory_space<vmem>>
      %dma_wait3A_327 = arith.constant 0 : i32
      %dma_wait3A_328 = tpu.memref_slice %arg6[%add3A_314, %dma_wait3A_327] : memref<112x128xi32, #tpu.memory_space<vmem>> -> memref<1x128xi32, #tpu.memory_space<vmem>>
      %dma_wait3A_329 = tpu.memref_squeeze %dma_wait3A_328 : memref<1x128xi32, #tpu.memory_space<vmem>> -> memref<128xi32, #tpu.memory_space<vmem>>
      %dma_wait3A_330 = arith.constant 0 : i32
      %dma_wait3A_331 = arith.constant 0 : i32
      %dma_wait3A_332 = tpu.memref_slice %arg3[%dma_wait3A_330, %dma_wait3A_331] : memref<14336x64xf32, #tpu.memory_space<hbm>> -> memref<14336x64xf32, #tpu.memory_space<hbm>>
      tpu.wait_indirect_dma semaphore(%arg13 : memref<!tpu.dma_semaphore, #tpu.memory_space<semaphore_mem>>) src(%dma_wait3A_332 : memref<14336x64xf32, #tpu.memory_space<hbm>>) dst(%dma_wait3A_326 : memref<128x64xf32, #tpu.memory_space<vmem>>)
      %dma_start3A_333 = arith.constant 3 : i32
      %dma_start3A_334 = arith.constant 0 : i32
      %dma_start3A_335 = arith.constant 0 : i32
      %dma_start3A_336 = tpu.memref_slice %arg8[%dma_start3A_333, %dma_start3A_334, %dma_start3A_335] : memref<4x128x64xf32, #tpu.memory_space<vmem>> -> memref<1x128x64xf32, #tpu.memory_space<vmem>>
      %dma_start3A_337 = tpu.memref_squeeze %dma_start3A_336 : memref<1x128x64xf32, #tpu.memory_space<vmem>> -> memref<128x64xf32, #tpu.memory_space<vmem>>
      %dma_start3A_338 = arith.constant 0 : i32
      %dma_start3A_339 = tpu.memref_slice %arg7[%add3A_314, %dma_start3A_338] : memref<112x128xi32, #tpu.memory_space<vmem>> -> memref<1x128xi32, #tpu.memory_space<vmem>>
      %dma_start3A_340 = tpu.memref_squeeze %dma_start3A_339 : memref<1x128xi32, #tpu.memory_space<vmem>> -> memref<128xi32, #tpu.memory_space<vmem>>
      %dma_start3A_341 = arith.constant 0 : i32
      %dma_start3A_342 = arith.constant 0 : i32
      %dma_start3A_343 = tpu.memref_slice %arg9[%dma_start3A_341, %dma_start3A_342] : memref<14336x64xf32, #tpu.memory_space<vmem_shared>> -> memref<14336x64xf32, #tpu.memory_space<vmem_shared>>
      tpu.enqueue_indirect_dma source(%dma_start3A_337 : memref<128x64xf32, #tpu.memory_space<vmem>>) target(%dma_start3A_343 : memref<14336x64xf32, #tpu.memory_space<vmem_shared>>) offsets(%dma_start3A_340 : memref<128xi32, #tpu.memory_space<vmem>>) semaphore(%arg17 : memref<!tpu.dma_semaphore, #tpu.memory_space<semaphore_mem>>) {add = true}
    }
    %scan3A_167 = arith.constant 28 : i32
    %dma_wait3A_168 = arith.constant 0 : i32
    %dma_wait3A_169 = arith.constant 108 : i32
    %dma_wait3A_170 = arith.constant 0 : i32
    %dma_wait3A_171 = arith.constant 0 : i32
    %dma_wait3A_172 = tpu.memref_slice %arg8[%dma_wait3A_168, %dma_wait3A_170, %dma_wait3A_171] : memref<4x128x64xf32, #tpu.memory_space<vmem>> -> memref<1x128x64xf32, #tpu.memory_space<vmem>>
    %dma_wait3A_173 = tpu.memref_squeeze %dma_wait3A_172 : memref<1x128x64xf32, #tpu.memory_space<vmem>> -> memref<128x64xf32, #tpu.memory_space<vmem>>
    %dma_wait3A_174 = arith.constant 0 : i32
    %dma_wait3A_175 = tpu.memref_slice %arg7[%dma_wait3A_169, %dma_wait3A_174] : memref<112x128xi32, #tpu.memory_space<vmem>> -> memref<1x128xi32, #tpu.memory_space<vmem>>
    %dma_wait3A_176 = tpu.memref_squeeze %dma_wait3A_175 : memref<1x128xi32, #tpu.memory_space<vmem>> -> memref<128xi32, #tpu.memory_space<vmem>>
    %dma_wait3A_177 = arith.constant 0 : i32
    %dma_wait3A_178 = arith.constant 0 : i32
    %dma_wait3A_179 = tpu.memref_slice %arg9[%dma_wait3A_177, %dma_wait3A_178] : memref<14336x64xf32, #tpu.memory_space<vmem_shared>> -> memref<14336x64xf32, #tpu.memory_space<vmem_shared>>
    tpu.wait_indirect_dma semaphore(%arg14 : memref<!tpu.dma_semaphore, #tpu.memory_space<semaphore_mem>>) src(%dma_wait3A_173 : memref<128x64xf32, #tpu.memory_space<vmem>>) dst(%dma_wait3A_179 : memref<14336x64xf32, #tpu.memory_space<vmem_shared>>)
    %dma_wait3A_180 = arith.constant 1 : i32
    %dma_wait3A_181 = arith.constant 109 : i32
    %dma_wait3A_182 = arith.constant 0 : i32
    %dma_wait3A_183 = arith.constant 0 : i32
    %dma_wait3A_184 = tpu.memref_slice %arg8[%dma_wait3A_180, %dma_wait3A_182, %dma_wait3A_183] : memref<4x128x64xf32, #tpu.memory_space<vmem>> -> memref<1x128x64xf32, #tpu.memory_space<vmem>>
    %dma_wait3A_185 = tpu.memref_squeeze %dma_wait3A_184 : memref<1x128x64xf32, #tpu.memory_space<vmem>> -> memref<128x64xf32, #tpu.memory_space<vmem>>
    %dma_wait3A_186 = arith.constant 0 : i32
    %dma_wait3A_187 = tpu.memref_slice %arg7[%dma_wait3A_181, %dma_wait3A_186] : memref<112x128xi32, #tpu.memory_space<vmem>> -> memref<1x128xi32, #tpu.memory_space<vmem>>
    %dma_wait3A_188 = tpu.memref_squeeze %dma_wait3A_187 : memref<1x128xi32, #tpu.memory_space<vmem>> -> memref<128xi32, #tpu.memory_space<vmem>>
    %dma_wait3A_189 = arith.constant 0 : i32
    %dma_wait3A_190 = arith.constant 0 : i32
    %dma_wait3A_191 = tpu.memref_slice %arg9[%dma_wait3A_189, %dma_wait3A_190] : memref<14336x64xf32, #tpu.memory_space<vmem_shared>> -> memref<14336x64xf32, #tpu.memory_space<vmem_shared>>
    tpu.wait_indirect_dma semaphore(%arg15 : memref<!tpu.dma_semaphore, #tpu.memory_space<semaphore_mem>>) src(%dma_wait3A_185 : memref<128x64xf32, #tpu.memory_space<vmem>>) dst(%dma_wait3A_191 : memref<14336x64xf32, #tpu.memory_space<vmem_shared>>)
    %dma_wait3A_192 = arith.constant 2 : i32
    %dma_wait3A_193 = arith.constant 110 : i32
    %dma_wait3A_194 = arith.constant 0 : i32
    %dma_wait3A_195 = arith.constant 0 : i32
    %dma_wait3A_196 = tpu.memref_slice %arg8[%dma_wait3A_192, %dma_wait3A_194, %dma_wait3A_195] : memref<4x128x64xf32, #tpu.memory_space<vmem>> -> memref<1x128x64xf32, #tpu.memory_space<vmem>>
    %dma_wait3A_197 = tpu.memref_squeeze %dma_wait3A_196 : memref<1x128x64xf32, #tpu.memory_space<vmem>> -> memref<128x64xf32, #tpu.memory_space<vmem>>
    %dma_wait3A_198 = arith.constant 0 : i32
    %dma_wait3A_199 = tpu.memref_slice %arg7[%dma_wait3A_193, %dma_wait3A_198] : memref<112x128xi32, #tpu.memory_space<vmem>> -> memref<1x128xi32, #tpu.memory_space<vmem>>
    %dma_wait3A_200 = tpu.memref_squeeze %dma_wait3A_199 : memref<1x128xi32, #tpu.memory_space<vmem>> -> memref<128xi32, #tpu.memory_space<vmem>>
    %dma_wait3A_201 = arith.constant 0 : i32
    %dma_wait3A_202 = arith.constant 0 : i32
    %dma_wait3A_203 = tpu.memref_slice %arg9[%dma_wait3A_201, %dma_wait3A_202] : memref<14336x64xf32, #tpu.memory_space<vmem_shared>> -> memref<14336x64xf32, #tpu.memory_space<vmem_shared>>
    tpu.wait_indirect_dma semaphore(%arg16 : memref<!tpu.dma_semaphore, #tpu.memory_space<semaphore_mem>>) src(%dma_wait3A_197 : memref<128x64xf32, #tpu.memory_space<vmem>>) dst(%dma_wait3A_203 : memref<14336x64xf32, #tpu.memory_space<vmem_shared>>)
    %dma_wait3A_204 = arith.constant 3 : i32
    %dma_wait3A_205 = arith.constant 111 : i32
    %dma_wait3A_206 = arith.constant 0 : i32
    %dma_wait3A_207 = arith.constant 0 : i32
    %dma_wait3A_208 = tpu.memref_slice %arg8[%dma_wait3A_204, %dma_wait3A_206, %dma_wait3A_207] : memref<4x128x64xf32, #tpu.memory_space<vmem>> -> memref<1x128x64xf32, #tpu.memory_space<vmem>>
    %dma_wait3A_209 = tpu.memref_squeeze %dma_wait3A_208 : memref<1x128x64xf32, #tpu.memory_space<vmem>> -> memref<128x64xf32, #tpu.memory_space<vmem>>
    %dma_wait3A_210 = arith.constant 0 : i32
    %dma_wait3A_211 = tpu.memref_slice %arg7[%dma_wait3A_205, %dma_wait3A_210] : memref<112x128xi32, #tpu.memory_space<vmem>> -> memref<1x128xi32, #tpu.memory_space<vmem>>
    %dma_wait3A_212 = tpu.memref_squeeze %dma_wait3A_211 : memref<1x128xi32, #tpu.memory_space<vmem>> -> memref<128xi32, #tpu.memory_space<vmem>>
    %dma_wait3A_213 = arith.constant 0 : i32
    %dma_wait3A_214 = arith.constant 0 : i32
    %dma_wait3A_215 = tpu.memref_slice %arg9[%dma_wait3A_213, %dma_wait3A_214] : memref<14336x64xf32, #tpu.memory_space<vmem_shared>> -> memref<14336x64xf32, #tpu.memory_space<vmem_shared>>
    tpu.wait_indirect_dma semaphore(%arg17 : memref<!tpu.dma_semaphore, #tpu.memory_space<semaphore_mem>>) src(%dma_wait3A_209 : memref<128x64xf32, #tpu.memory_space<vmem>>) dst(%dma_wait3A_215 : memref<14336x64xf32, #tpu.memory_space<vmem_shared>>)
    %barrier3A_216 = arith.constant 0 : index
    tpu.barrier barrier_id(%barrier3A_216)
    %run_scoped3A_217 = arith.constant 1 : i32
    "tpu.region"() ({
      %run_scoped3A_218 = tpu.sem_alloc : memref<!tpu.dma_semaphore, #tpu.memory_space<semaphore_mem>>
      %dma_start3A_219 = arith.constant 0 : i32
      %dma_start3A_220 = tpu.memref_slice %arg5[%run_scoped3A_217, %arg0, %mul3A_8, %dma_start3A_219] : memref<2x2x14336x64xf32, #tpu.memory_space<hbm>> -> memref<1x1x896x64xf32, #tpu.memory_space<hbm>>
      %dma_start3A_221 = tpu.memref_squeeze %dma_start3A_220 : memref<1x1x896x64xf32, #tpu.memory_space<hbm>> -> memref<896x64xf32, #tpu.memory_space<hbm>>
      %dma_start3A_222 = arith.constant 0 : i32
      %dma_start3A_223 = tpu.memref_slice %arg9[%mul3A_8, %dma_start3A_222] : memref<14336x64xf32, #tpu.memory_space<vmem_shared>> -> memref<896x64xf32, #tpu.memory_space<vmem_shared>>
      tpu.enqueue_dma source(%dma_start3A_223 : memref<896x64xf32, #tpu.memory_space<vmem_shared>>) target(%dma_start3A_221 : memref<896x64xf32, #tpu.memory_space<hbm>>) target_semaphore(%run_scoped3A_218 : memref<!tpu.dma_semaphore, #tpu.memory_space<semaphore_mem>>)
      %dma_wait3A_224 = arith.constant 0 : i32
      %dma_wait3A_225 = tpu.memref_slice %arg5[%run_scoped3A_217, %arg0, %mul3A_8, %dma_wait3A_224] : memref<2x2x14336x64xf32, #tpu.memory_space<hbm>> -> memref<1x1x896x64xf32, #tpu.memory_space<hbm>>
      %dma_wait3A_226 = tpu.memref_squeeze %dma_wait3A_225 : memref<1x1x896x64xf32, #tpu.memory_space<hbm>> -> memref<896x64xf32, #tpu.memory_space<hbm>>
      %dma_wait3A_227 = arith.constant 0 : i32
      %dma_wait3A_228 = tpu.memref_slice %arg9[%mul3A_8, %dma_wait3A_227] : memref<14336x64xf32, #tpu.memory_space<vmem_shared>> -> memref<896x64xf32, #tpu.memory_space<vmem_shared>>
      tpu.wait_dma2 semaphore(%run_scoped3A_218 : memref<!tpu.dma_semaphore, #tpu.memory_space<semaphore_mem>>) src(%dma_wait3A_228 : memref<896x64xf32, #tpu.memory_space<vmem_shared>>) dst(%dma_wait3A_226 : memref<896x64xf32, #tpu.memory_space<hbm>>)
      tpu.yield
    }) : () -> ()
    return
  }
}

module attributes {stable_mosaic.version = 14 : i64} {
  func.func @_norm_body(%arg0: i32, %arg1: memref<32x2048xf32, #tpu.memory_space<vmem>>, %arg2: memref<2048x128xf32, #tpu.memory_space<vmem>>, %arg3: memref<128x128xf32, #tpu.memory_space<vmem>>, %arg4: memref<2048x64xf32, #tpu.memory_space<vmem>>, %arg5: memref<2048x64xf32, #tpu.memory_space<vmem>>) attributes {dimension_semantics = [#tpu.dimension_semantics<arbitrary>], iteration_bounds = array<i64: 7>, scalar_prefetch = 0 : i64, scratch_operands = 0 : i64, tpu.core_type = #tpu.core_type<tc>, window_params = [{transform_indices = @transform_0, window_bounds = array<i64: 32, 2048>}, {transform_indices = @transform_1, window_bounds = array<i64: 2048, 128>}, {pipeline_mode = #tpu.pipeline_mode<synchronous>, transform_indices = @transform_2, window_bounds = array<i64: 128, 128>}, {transform_indices = @transform_3, window_bounds = array<i64: 2048, 64>}, {transform_indices = @transform_4, window_bounds = array<i64: 2048, 64>}]} {
    %get3A = arith.constant 0 : index
    %get3A_0 = arith.constant 0 : index
    %get3A_1 = vector.load %arg2[%get3A, %get3A_0] : memref<2048x128xf32, #tpu.memory_space<vmem>>, vector<2048x128xf32>
    %get3A_2 = arith.constant 0 : index
    %get3A_3 = arith.constant 0 : index
    %get3A_4 = vector.load %arg3[%get3A_2, %get3A_3] : memref<128x128xf32, #tpu.memory_space<vmem>>, vector<128x128xf32>
    %dot_general3A = arith.constant dense<0.000000e+00> : vector<2048x128xf32>
    %dot_general3A_5 = tpu.matmul %get3A_1, %get3A_4, %dot_general3A {dimension_numbers = #tpu.dot_dimension_numbers<[1], [0], [0], [1], [0, 0, 1, 1], [], []>, transpose_lhs_hint = false} : vector<2048x128xf32>, vector<128x128xf32>, vector<2048x128xf32> -> vector<2048x128xf32>
    %get3A_6 = arith.constant 0 : index
    %get3A_7 = arith.constant 0 : index
    %get3A_8 = vector.load %arg1[%get3A_6, %get3A_7] : memref<32x2048xf32, #tpu.memory_space<vmem>>, vector<32x2048xf32>
    %broadcast_in_dim3A = arith.constant 1.000000e+00 : f32
    %broadcast_in_dim3A_9 = vector.broadcast %broadcast_in_dim3A : f32 to vector<32x1xf32>
    %dot_general3A_10 = arith.constant dense<0.000000e+00> : vector<2048x1xf32>
    %dot_general3A_11 = tpu.matmul %get3A_8, %broadcast_in_dim3A_9, %dot_general3A_10 {dimension_numbers = #tpu.dot_dimension_numbers<[0], [0], [1], [1], [0, 1, 1, 1], [], []>, transpose_lhs_hint = false} : vector<32x2048xf32>, vector<32x1xf32>, vector<2048x1xf32> -> vector<2048x1xf32>
    %add3A = arith.constant 1.000000e+00 : f32
    %add3A_12 = vector.broadcast %add3A : f32 to vector<2048x1xf32>
    %add3A_13 = arith.addf %dot_general3A_11, %add3A_12 : vector<2048x1xf32>
    %rsqrt3A = math.rsqrt %add3A_13 : vector<2048x1xf32>
    %mul3A = vector.broadcast %rsqrt3A : vector<2048x1xf32> to vector<2048x128xf32>
    %mul3A_14 = arith.mulf %dot_general3A_5, %mul3A : vector<2048x128xf32>
    %slice3A = vector.extract_strided_slice %mul3A_14 {offsets = [0, 0], sizes = [2048, 64], strides = [1, 1]} : vector<2048x128xf32> to vector<2048x64xf32>
    %swap3A = arith.constant 0 : index
    %swap3A_15 = arith.constant 0 : index
    %swap3A_16 = vector.load %arg4[%swap3A, %swap3A_15] : memref<2048x64xf32, #tpu.memory_space<vmem>>, vector<2048x64xf32>
    tpu.vector_store %arg4[%swap3A, %swap3A_15], %slice3A {strides = array<i32>} : memref<2048x64xf32, #tpu.memory_space<vmem>>, vector<2048x64xf32>,
    %slice3A_17 = vector.extract_strided_slice %mul3A_14 {offsets = [0, 64], sizes = [2048, 64], strides = [1, 1]} : vector<2048x128xf32> to vector<2048x64xf32>
    %swap3A_18 = arith.constant 0 : index
    %swap3A_19 = arith.constant 0 : index
    %swap3A_20 = vector.load %arg5[%swap3A_18, %swap3A_19] : memref<2048x64xf32, #tpu.memory_space<vmem>>, vector<2048x64xf32>
    tpu.vector_store %arg5[%swap3A_18, %swap3A_19], %slice3A_17 {strides = array<i32>} : memref<2048x64xf32, #tpu.memory_space<vmem>>, vector<2048x64xf32>,
    return
  }
  func.func @transform_0(%arg0: i32) -> (i32, i32) {
    %c0_i32 = arith.constant 0 : i32
    %c0_i32_0 = arith.constant 0 : i32
    return %c0_i32, %arg0 : i32, i32
  }
  func.func @transform_1(%arg0: i32) -> (i32, i32) {
    %c0_i32 = arith.constant 0 : i32
    %c0_i32_0 = arith.constant 0 : i32
    return %arg0, %c0_i32 : i32, i32
  }
  func.func @transform_2(%arg0: i32) -> (i32, i32) {
    %c0_i32 = arith.constant 0 : i32
    %c0_i32_0 = arith.constant 0 : i32
    %c0_i32_1 = arith.constant 0 : i32
    return %c0_i32, %c0_i32_0 : i32, i32
  }
  func.func @transform_3(%arg0: i32) -> (i32, i32) {
    %c0_i32 = arith.constant 0 : i32
    %c0_i32_0 = arith.constant 0 : i32
    return %arg0, %c0_i32 : i32, i32
  }
  func.func @transform_4(%arg0: i32) -> (i32, i32) {
    %c0_i32 = arith.constant 0 : i32
    %c0_i32_0 = arith.constant 0 : i32
    return %arg0, %c0_i32 : i32, i32
  }
}

module attributes {stable_mosaic.version = 14 : i64} {
  func.func @_d1_body(%arg0: i32, %arg1: memref<2x2x2048x64xf32, #tpu.memory_space<vmem>>, %arg2: memref<32x2048xf32, #tpu.memory_space<vmem>>, %arg3: memref<2048x64xf32, #tpu.memory_space<vmem>>, %arg4: memref<2048x64xf32, #tpu.memory_space<vmem>>, %arg5: memref<2048x128xf32, #tpu.memory_space<vmem>>, %arg6: memref<1x128xf32, #tpu.memory_space<vmem>>, %arg7: memref<128x128xf32, #tpu.memory_space<vmem>>, %arg8: memref<2048x128xf32, #tpu.memory_space<vmem>>) attributes {dimension_semantics = [#tpu.dimension_semantics<arbitrary>], iteration_bounds = array<i64: 7>, scalar_prefetch = 0 : i64, scratch_operands = 0 : i64, tpu.core_type = #tpu.core_type<tc>, window_params = [{transform_indices = @transform_0, window_bounds = array<i64: 2, 2, 2048, 64>}, {transform_indices = @transform_1, window_bounds = array<i64: 32, 2048>}, {transform_indices = @transform_2, window_bounds = array<i64: 2048, 64>}, {transform_indices = @transform_3, window_bounds = array<i64: 2048, 64>}, {transform_indices = @transform_4, window_bounds = array<i64: 2048, 128>}, {pipeline_mode = #tpu.pipeline_mode<synchronous>, transform_indices = @transform_5, window_bounds = array<i64: 1, 128>}, {pipeline_mode = #tpu.pipeline_mode<synchronous>, transform_indices = @transform_6, window_bounds = array<i64: 128, 128>}, {transform_indices = @transform_7, window_bounds = array<i64: 2048, 128>}]} {
    %get3A = arith.constant 0 : index
    %get3A_0 = arith.constant 0 : index
    %get3A_1 = arith.constant 0 : index
    %get3A_2 = arith.constant 0 : index
    %get3A_3 = vector.load %arg1[%get3A, %get3A_0, %get3A_1, %get3A_2] : memref<2x2x2048x64xf32, #tpu.memory_space<vmem>>, vector<1x1x2048x64xf32>
    %get3A_4 = vector.shape_cast %get3A_3 : vector<1x1x2048x64xf32> to vector<2048x64xf32>
    %get3A_5 = arith.constant 0 : index
    %get3A_6 = arith.constant 1 : index
    %get3A_7 = arith.constant 0 : index
    %get3A_8 = arith.constant 0 : index
    %get3A_9 = vector.load %arg1[%get3A_5, %get3A_6, %get3A_7, %get3A_8] : memref<2x2x2048x64xf32, #tpu.memory_space<vmem>>, vector<1x1x2048x64xf32>
    %get3A_10 = vector.shape_cast %get3A_9 : vector<1x1x2048x64xf32> to vector<2048x64xf32>
    %add3A = arith.addf %get3A_4, %get3A_10 : vector<2048x64xf32>
    %get3A_11 = arith.constant 0 : index
    %get3A_12 = arith.constant 0 : index
    %get3A_13 = vector.load %arg3[%get3A_11, %get3A_12] : memref<2048x64xf32, #tpu.memory_space<vmem>>, vector<2048x64xf32>
    %add3A_14 = arith.addf %add3A, %get3A_13 : vector<2048x64xf32>
    %get3A_15 = arith.constant 1 : index
    %get3A_16 = arith.constant 0 : index
    %get3A_17 = arith.constant 0 : index
    %get3A_18 = arith.constant 0 : index
    %get3A_19 = vector.load %arg1[%get3A_15, %get3A_16, %get3A_17, %get3A_18] : memref<2x2x2048x64xf32, #tpu.memory_space<vmem>>, vector<1x1x2048x64xf32>
    %get3A_20 = vector.shape_cast %get3A_19 : vector<1x1x2048x64xf32> to vector<2048x64xf32>
    %get3A_21 = arith.constant 1 : index
    %get3A_22 = arith.constant 1 : index
    %get3A_23 = arith.constant 0 : index
    %get3A_24 = arith.constant 0 : index
    %get3A_25 = vector.load %arg1[%get3A_21, %get3A_22, %get3A_23, %get3A_24] : memref<2x2x2048x64xf32, #tpu.memory_space<vmem>>, vector<1x1x2048x64xf32>
    %get3A_26 = vector.shape_cast %get3A_25 : vector<1x1x2048x64xf32> to vector<2048x64xf32>
    %add3A_27 = arith.addf %get3A_20, %get3A_26 : vector<2048x64xf32>
    %get3A_28 = arith.constant 0 : index
    %get3A_29 = arith.constant 0 : index
    %get3A_30 = vector.load %arg4[%get3A_28, %get3A_29] : memref<2048x64xf32, #tpu.memory_space<vmem>>, vector<2048x64xf32>
    %add3A_31 = arith.addf %add3A_27, %get3A_30 : vector<2048x64xf32>
    %concatenate3A = tpu.concatenate %add3A_14, %add3A_31 in 1 : vector<2048x64xf32>, vector<2048x64xf32> -> vector<2048x128xf32>
    %get3A_32 = arith.constant 0 : index
    %get3A_33 = arith.constant 0 : index
    %get3A_34 = vector.load %arg2[%get3A_32, %get3A_33] : memref<32x2048xf32, #tpu.memory_space<vmem>>, vector<32x2048xf32>
    %broadcast_in_dim3A = arith.constant 1.000000e+00 : f32
    %broadcast_in_dim3A_35 = vector.broadcast %broadcast_in_dim3A : f32 to vector<32x1xf32>
    %dot_general3A = arith.constant dense<0.000000e+00> : vector<2048x1xf32>
    %dot_general3A_36 = tpu.matmul %get3A_34, %broadcast_in_dim3A_35, %dot_general3A {dimension_numbers = #tpu.dot_dimension_numbers<[0], [0], [1], [1], [0, 1, 1, 1], [], []>, transpose_lhs_hint = false} : vector<32x2048xf32>, vector<32x1xf32>, vector<2048x1xf32> -> vector<2048x1xf32>
    %add3A_37 = arith.constant 1.000000e+00 : f32
    %add3A_38 = vector.broadcast %add3A_37 : f32 to vector<2048x1xf32>
    %add3A_39 = arith.addf %dot_general3A_36, %add3A_38 : vector<2048x1xf32>
    %rsqrt3A = math.rsqrt %add3A_39 : vector<2048x1xf32>
    %mul3A = vector.broadcast %rsqrt3A : vector<2048x1xf32> to vector<2048x128xf32>
    %mul3A_40 = arith.mulf %concatenate3A, %mul3A : vector<2048x128xf32>
    %get3A_41 = arith.constant 0 : index
    %get3A_42 = arith.constant 0 : index
    %get3A_43 = vector.load %arg6[%get3A_41, %get3A_42] : memref<1x128xf32, #tpu.memory_space<vmem>>, vector<1x128xf32>
    %add3A_44 = vector.broadcast %get3A_43 : vector<1x128xf32> to vector<2048x128xf32>
    %add3A_45 = arith.addf %mul3A_40, %add3A_44 : vector<2048x128xf32>
    %max3A = arith.constant 0.000000e+00 : f32
    %max3A_46 = vector.broadcast %max3A : f32 to vector<2048x128xf32>
    %max3A_47 = arith.maximumf %add3A_45, %max3A_46 : vector<2048x128xf32>
    %get3A_48 = arith.constant 0 : index
    %get3A_49 = arith.constant 0 : index
    %get3A_50 = vector.load %arg5[%get3A_48, %get3A_49] : memref<2048x128xf32, #tpu.memory_space<vmem>>, vector<2048x128xf32>
    %add3A_51 = arith.addf %max3A_47, %get3A_50 : vector<2048x128xf32>
    %get3A_52 = arith.constant 0 : index
    %get3A_53 = arith.constant 0 : index
    %get3A_54 = vector.load %arg7[%get3A_52, %get3A_53] : memref<128x128xf32, #tpu.memory_space<vmem>>, vector<128x128xf32>
    %dot_general3A_55 = arith.constant dense<0.000000e+00> : vector<2048x128xf32>
    %dot_general3A_56 = tpu.matmul %add3A_51, %get3A_54, %dot_general3A_55 {dimension_numbers = #tpu.dot_dimension_numbers<[1], [0], [0], [1], [0, 0, 1, 1], [], []>, transpose_lhs_hint = false} : vector<2048x128xf32>, vector<128x128xf32>, vector<2048x128xf32> -> vector<2048x128xf32>
    %swap3A = arith.constant 0 : index
    %swap3A_57 = arith.constant 0 : index
    %swap3A_58 = vector.load %arg8[%swap3A, %swap3A_57] : memref<2048x128xf32, #tpu.memory_space<vmem>>, vector<2048x128xf32>
    tpu.vector_store %arg8[%swap3A, %swap3A_57], %dot_general3A_56 {strides = array<i32>} : memref<2048x128xf32, #tpu.memory_space<vmem>>, vector<2048x128xf32>,
    return
  }
  func.func @transform_0(%arg0: i32) -> (i32, i32, i32, i32) {
    %c0_i32 = arith.constant 0 : i32
    %c0_i32_0 = arith.constant 0 : i32
    %c0_i32_1 = arith.constant 0 : i32
    %c0_i32_2 = arith.constant 0 : i32
    return %c0_i32, %c0_i32_0, %arg0, %c0_i32_1 : i32, i32, i32, i32
  }
  func.func @transform_1(%arg0: i32) -> (i32, i32) {
    %c0_i32 = arith.constant 0 : i32
    %c0_i32_0 = arith.constant 0 : i32
    return %c0_i32, %arg0 : i32, i32
  }
  func.func @transform_2(%arg0: i32) -> (i32, i32) {
    %c0_i32 = arith.constant 0 : i32
    %c0_i32_0 = arith.constant 0 : i32
    return %arg0, %c0_i32 : i32, i32
  }
  func.func @transform_3(%arg0: i32) -> (i32, i32) {
    %c0_i32 = arith.constant 0 : i32
    %c0_i32_0 = arith.constant 0 : i32
    return %arg0, %c0_i32 : i32, i32
  }
  func.func @transform_4(%arg0: i32) -> (i32, i32) {
    %c0_i32 = arith.constant 0 : i32
    %c0_i32_0 = arith.constant 0 : i32
    return %arg0, %c0_i32 : i32, i32
  }
  func.func @transform_5(%arg0: i32) -> (i32, i32) {
    %c0_i32 = arith.constant 0 : i32
    %c0_i32_0 = arith.constant 0 : i32
    %c0_i32_1 = arith.constant 0 : i32
    return %c0_i32, %c0_i32_0 : i32, i32
  }
  func.func @transform_6(%arg0: i32) -> (i32, i32) {
    %c0_i32 = arith.constant 0 : i32
    %c0_i32_0 = arith.constant 0 : i32
    %c0_i32_1 = arith.constant 0 : i32
    return %c0_i32, %c0_i32_0 : i32, i32
  }
  func.func @transform_7(%arg0: i32) -> (i32, i32) {
    %c0_i32 = arith.constant 0 : i32
    %c0_i32_0 = arith.constant 0 : i32
    return %arg0, %c0_i32 : i32, i32
  }
}

module attributes {stable_mosaic.version = 14 : i64} {
  func.func @_d2_body(%arg0: i32, %arg1: memref<14x512x128xf32, #tpu.memory_space<vmem>>, %arg2: memref<512x28xf32, #tpu.memory_space<vmem>>, %arg3: memref<1x64xf32, #tpu.memory_space<vmem>>, %arg4: memref<1x64xf32, #tpu.memory_space<vmem>>, %arg5: memref<64x64xf32, #tpu.memory_space<vmem>>, %arg6: memref<1x64xf32, #tpu.memory_space<vmem>>, %arg7: memref<64x1xf32, #tpu.memory_space<vmem>>, %arg8: memref<1x1xf32, #tpu.memory_space<vmem>>, %arg9: memref<512x1xf32, #tpu.memory_space<vmem>>) attributes {dimension_semantics = [#tpu.dimension_semantics<arbitrary>], iteration_bounds = array<i64: 2>, scalar_prefetch = 0 : i64, scratch_operands = 0 : i64, tpu.core_type = #tpu.core_type<tc>, window_params = [{transform_indices = @transform_0, window_bounds = array<i64: 14, 512, 128>}, {transform_indices = @transform_1, window_bounds = array<i64: 512, 28>}, {pipeline_mode = #tpu.pipeline_mode<synchronous>, transform_indices = @transform_2, window_bounds = array<i64: 1, 64>}, {pipeline_mode = #tpu.pipeline_mode<synchronous>, transform_indices = @transform_3, window_bounds = array<i64: 1, 64>}, {pipeline_mode = #tpu.pipeline_mode<synchronous>, transform_indices = @transform_4, window_bounds = array<i64: 64, 64>}, {pipeline_mode = #tpu.pipeline_mode<synchronous>, transform_indices = @transform_5, window_bounds = array<i64: 1, 64>}, {pipeline_mode = #tpu.pipeline_mode<synchronous>, transform_indices = @transform_6, window_bounds = array<i64: 64, 1>}, {pipeline_mode = #tpu.pipeline_mode<synchronous>, transform_indices = @transform_7, window_bounds = array<i64: 1, 1>}, {transform_indices = @transform_8, window_bounds = array<i64: 512, 1>}]} {
    %get3A = arith.constant 0 : index
    %get3A_0 = arith.constant 0 : index
    %get3A_1 = vector.load %arg5[%get3A, %get3A_0] : memref<64x64xf32, #tpu.memory_space<vmem>>, vector<64x64xf32>
    %get3A_2 = arith.constant 0 : index
    %get3A_3 = arith.constant 0 : index
    %get3A_4 = vector.load %arg6[%get3A_2, %get3A_3] : memref<1x64xf32, #tpu.memory_space<vmem>>, vector<1x64xf32>
    %broadcast_in_dim3A = arith.constant 0.000000e+00 : f32
    %broadcast_in_dim3A_5 = vector.broadcast %broadcast_in_dim3A : f32 to vector<512x64xf32>
    %get3A_6 = arith.constant 0 : index
    %get3A_7 = arith.constant 0 : index
    %get3A_8 = arith.constant 0 : index
    %get3A_9 = vector.load %arg1[%get3A_6, %get3A_7, %get3A_8] : memref<14x512x128xf32, #tpu.memory_space<vmem>>, vector<1x512x128xf32>
    %get3A_10 = vector.shape_cast %get3A_9 : vector<1x512x128xf32> to vector<512x128xf32>
    %slice3A = vector.extract_strided_slice %get3A_10 {offsets = [0, 0], sizes = [512, 64], strides = [1, 1]} : vector<512x128xf32> to vector<512x64xf32>
    %get3A_11 = arith.constant 1 : index
    %get3A_12 = arith.constant 0 : index
    %get3A_13 = arith.constant 0 : index
    %get3A_14 = vector.load %arg1[%get3A_11, %get3A_12, %get3A_13] : memref<14x512x128xf32, #tpu.memory_space<vmem>>, vector<1x512x128xf32>
    %get3A_15 = vector.shape_cast %get3A_14 : vector<1x512x128xf32> to vector<512x128xf32>
    %slice3A_16 = vector.extract_strided_slice %get3A_15 {offsets = [0, 64], sizes = [512, 64], strides = [1, 1]} : vector<512x128xf32> to vector<512x64xf32>
    %add3A = arith.addf %slice3A, %slice3A_16 : vector<512x64xf32>
    %get3A_17 = arith.constant 0 : index
    %get3A_18 = arith.constant 0 : index
    %get3A_19 = vector.load %arg2[%get3A_17, %get3A_18] : memref<512x28xf32, #tpu.memory_space<vmem>>, vector<512x1xf32>
    %get3A_20 = arith.constant 0 : index
    %get3A_21 = arith.constant 0 : index
    %get3A_22 = vector.load %arg3[%get3A_20, %get3A_21] : memref<1x64xf32, #tpu.memory_space<vmem>>, vector<1x64xf32>
    %mul3A = vector.broadcast %get3A_19 : vector<512x1xf32> to vector<512x64xf32>
    %mul3A_23 = vector.broadcast %get3A_22 : vector<1x64xf32> to vector<512x64xf32>
    %mul3A_24 = arith.mulf %mul3A, %mul3A_23 : vector<512x64xf32>
    %add3A_25 = arith.addf %add3A, %mul3A_24 : vector<512x64xf32>
    %get3A_26 = arith.constant 0 : index
    %get3A_27 = arith.constant 0 : index
    %get3A_28 = vector.load %arg4[%get3A_26, %get3A_27] : memref<1x64xf32, #tpu.memory_space<vmem>>, vector<1x64xf32>
    %add3A_29 = vector.broadcast %get3A_28 : vector<1x64xf32> to vector<512x64xf32>
    %add3A_30 = arith.addf %add3A_25, %add3A_29 : vector<512x64xf32>
    %ge3A = arith.constant 0.000000e+00 : f32
    %ge3A_31 = vector.broadcast %ge3A : f32 to vector<512x64xf32>
    %ge3A_32 = arith.cmpf oge, %add3A_30, %ge3A_31 : vector<512x64xf32>
    %mul3A_33 = arith.constant 0.00999999977 : f32
    %mul3A_34 = vector.broadcast %mul3A_33 : f32 to vector<512x64xf32>
    %mul3A_35 = arith.mulf %mul3A_34, %add3A_30 : vector<512x64xf32>
    %select_n3A = arith.select %ge3A_32, %add3A_30, %mul3A_35 : vector<512x64xi1>, vector<512x64xf32>
    %dot_general3A = arith.constant dense<0.000000e+00> : vector<512x64xf32>
    %dot_general3A_36 = tpu.matmul %select_n3A, %get3A_1, %dot_general3A {dimension_numbers = #tpu.dot_dimension_numbers<[1], [0], [0], [1], [0, 0, 1, 1], [], []>, transpose_lhs_hint = false} : vector<512x64xf32>, vector<64x64xf32>, vector<512x64xf32> -> vector<512x64xf32>
    %add3A_37 = vector.broadcast %get3A_4 : vector<1x64xf32> to vector<512x64xf32>
    %add3A_38 = arith.addf %dot_general3A_36, %add3A_37 : vector<512x64xf32>
    %ge3A_39 = arith.constant 0.000000e+00 : f32
    %ge3A_40 = vector.broadcast %ge3A_39 : f32 to vector<512x64xf32>
    %ge3A_41 = arith.cmpf oge, %add3A_38, %ge3A_40 : vector<512x64xf32>
    %mul3A_42 = arith.constant 0.00999999977 : f32
    %mul3A_43 = vector.broadcast %mul3A_42 : f32 to vector<512x64xf32>
    %mul3A_44 = arith.mulf %mul3A_43, %add3A_38 : vector<512x64xf32>
    %select_n3A_45 = arith.select %ge3A_41, %add3A_38, %mul3A_44 : vector<512x64xi1>, vector<512x64xf32>
    %add3A_46 = arith.addf %broadcast_in_dim3A_5, %select_n3A_45 : vector<512x64xf32>
    %get3A_47 = arith.constant 1 : index
    %get3A_48 = arith.constant 0 : index
    %get3A_49 = arith.constant 0 : index
    %get3A_50 = vector.load %arg1[%get3A_47, %get3A_48, %get3A_49] : memref<14x512x128xf32, #tpu.memory_space<vmem>>, vector<1x512x128xf32>
    %get3A_51 = vector.shape_cast %get3A_50 : vector<1x512x128xf32> to vector<512x128xf32>
    %slice3A_52 = vector.extract_strided_slice %get3A_51 {offsets = [0, 0], sizes = [512, 64], strides = [1, 1]} : vector<512x128xf32> to vector<512x64xf32>
    %get3A_53 = arith.constant 2 : index
    %get3A_54 = arith.constant 0 : index
    %get3A_55 = arith.constant 0 : index
    %get3A_56 = vector.load %arg1[%get3A_53, %get3A_54, %get3A_55] : memref<14x512x128xf32, #tpu.memory_space<vmem>>, vector<1x512x128xf32>
    %get3A_57 = vector.shape_cast %get3A_56 : vector<1x512x128xf32> to vector<512x128xf32>
    %slice3A_58 = vector.extract_strided_slice %get3A_57 {offsets = [0, 64], sizes = [512, 64], strides = [1, 1]} : vector<512x128xf32> to vector<512x64xf32>
    %add3A_59 = arith.addf %slice3A_52, %slice3A_58 : vector<512x64xf32>
    %get3A_60 = arith.constant 0 : index
    %get3A_61 = arith.constant 1 : index
    %get3A_62 = vector.load %arg2[%get3A_60, %get3A_61] : memref<512x28xf32, #tpu.memory_space<vmem>>, vector<512x1xf32>
    %get3A_63 = arith.constant 0 : index
    %get3A_64 = arith.constant 0 : index
    %get3A_65 = vector.load %arg3[%get3A_63, %get3A_64] : memref<1x64xf32, #tpu.memory_space<vmem>>, vector<1x64xf32>
    %mul3A_66 = vector.broadcast %get3A_62 : vector<512x1xf32> to vector<512x64xf32>
    %mul3A_67 = vector.broadcast %get3A_65 : vector<1x64xf32> to vector<512x64xf32>
    %mul3A_68 = arith.mulf %mul3A_66, %mul3A_67 : vector<512x64xf32>
    %add3A_69 = arith.addf %add3A_59, %mul3A_68 : vector<512x64xf32>
    %get3A_70 = arith.constant 0 : index
    %get3A_71 = arith.constant 0 : index
    %get3A_72 = vector.load %arg4[%get3A_70, %get3A_71] : memref<1x64xf32, #tpu.memory_space<vmem>>, vector<1x64xf32>
    %add3A_73 = vector.broadcast %get3A_72 : vector<1x64xf32> to vector<512x64xf32>
    %add3A_74 = arith.addf %add3A_69, %add3A_73 : vector<512x64xf32>
    %ge3A_75 = arith.constant 0.000000e+00 : f32
    %ge3A_76 = vector.broadcast %ge3A_75 : f32 to vector<512x64xf32>
    %ge3A_77 = arith.cmpf oge, %add3A_74, %ge3A_76 : vector<512x64xf32>
    %mul3A_78 = arith.constant 0.00999999977 : f32
    %mul3A_79 = vector.broadcast %mul3A_78 : f32 to vector<512x64xf32>
    %mul3A_80 = arith.mulf %mul3A_79, %add3A_74 : vector<512x64xf32>
    %select_n3A_81 = arith.select %ge3A_77, %add3A_74, %mul3A_80 : vector<512x64xi1>, vector<512x64xf32>
    %dot_general3A_82 = arith.constant dense<0.000000e+00> : vector<512x64xf32>
    %dot_general3A_83 = tpu.matmul %select_n3A_81, %get3A_1, %dot_general3A_82 {dimension_numbers = #tpu.dot_dimension_numbers<[1], [0], [0], [1], [0, 0, 1, 1], [], []>, transpose_lhs_hint = false} : vector<512x64xf32>, vector<64x64xf32>, vector<512x64xf32> -> vector<512x64xf32>
    %add3A_84 = vector.broadcast %get3A_4 : vector<1x64xf32> to vector<512x64xf32>
    %add3A_85 = arith.addf %dot_general3A_83, %add3A_84 : vector<512x64xf32>
    %ge3A_86 = arith.constant 0.000000e+00 : f32
    %ge3A_87 = vector.broadcast %ge3A_86 : f32 to vector<512x64xf32>
    %ge3A_88 = arith.cmpf oge, %add3A_85, %ge3A_87 : vector<512x64xf32>
    %mul3A_89 = arith.constant 0.00999999977 : f32
    %mul3A_90 = vector.broadcast %mul3A_89 : f32 to vector<512x64xf32>
    %mul3A_91 = arith.mulf %mul3A_90, %add3A_85 : vector<512x64xf32>
    %select_n3A_92 = arith.select %ge3A_88, %add3A_85, %mul3A_91 : vector<512x64xi1>, vector<512x64xf32>
    %add3A_93 = arith.addf %add3A_46, %select_n3A_92 : vector<512x64xf32>
    %get3A_94 = arith.constant 2 : index
    %get3A_95 = arith.constant 0 : index
    %get3A_96 = arith.constant 0 : index
    %get3A_97 = vector.load %arg1[%get3A_94, %get3A_95, %get3A_96] : memref<14x512x128xf32, #tpu.memory_space<vmem>>, vector<1x512x128xf32>
    %get3A_98 = vector.shape_cast %get3A_97 : vector<1x512x128xf32> to vector<512x128xf32>
    %slice3A_99 = vector.extract_strided_slice %get3A_98 {offsets = [0, 0], sizes = [512, 64], strides = [1, 1]} : vector<512x128xf32> to vector<512x64xf32>
    %get3A_100 = arith.constant 3 : index
    %get3A_101 = arith.constant 0 : index
    %get3A_102 = arith.constant 0 : index
    %get3A_103 = vector.load %arg1[%get3A_100, %get3A_101, %get3A_102] : memref<14x512x128xf32, #tpu.memory_space<vmem>>, vector<1x512x128xf32>
    %get3A_104 = vector.shape_cast %get3A_103 : vector<1x512x128xf32> to vector<512x128xf32>
    %slice3A_105 = vector.extract_strided_slice %get3A_104 {offsets = [0, 64], sizes = [512, 64], strides = [1, 1]} : vector<512x128xf32> to vector<512x64xf32>
    %add3A_106 = arith.addf %slice3A_99, %slice3A_105 : vector<512x64xf32>
    %get3A_107 = arith.constant 0 : index
    %get3A_108 = arith.constant 2 : index
    %get3A_109 = vector.load %arg2[%get3A_107, %get3A_108] : memref<512x28xf32, #tpu.memory_space<vmem>>, vector<512x1xf32>
    %get3A_110 = arith.constant 0 : index
    %get3A_111 = arith.constant 0 : index
    %get3A_112 = vector.load %arg3[%get3A_110, %get3A_111] : memref<1x64xf32, #tpu.memory_space<vmem>>, vector<1x64xf32>
    %mul3A_113 = vector.broadcast %get3A_109 : vector<512x1xf32> to vector<512x64xf32>
    %mul3A_114 = vector.broadcast %get3A_112 : vector<1x64xf32> to vector<512x64xf32>
    %mul3A_115 = arith.mulf %mul3A_113, %mul3A_114 : vector<512x64xf32>
    %add3A_116 = arith.addf %add3A_106, %mul3A_115 : vector<512x64xf32>
    %get3A_117 = arith.constant 0 : index
    %get3A_118 = arith.constant 0 : index
    %get3A_119 = vector.load %arg4[%get3A_117, %get3A_118] : memref<1x64xf32, #tpu.memory_space<vmem>>, vector<1x64xf32>
    %add3A_120 = vector.broadcast %get3A_119 : vector<1x64xf32> to vector<512x64xf32>
    %add3A_121 = arith.addf %add3A_116, %add3A_120 : vector<512x64xf32>
    %ge3A_122 = arith.constant 0.000000e+00 : f32
    %ge3A_123 = vector.broadcast %ge3A_122 : f32 to vector<512x64xf32>
    %ge3A_124 = arith.cmpf oge, %add3A_121, %ge3A_123 : vector<512x64xf32>
    %mul3A_125 = arith.constant 0.00999999977 : f32
    %mul3A_126 = vector.broadcast %mul3A_125 : f32 to vector<512x64xf32>
    %mul3A_127 = arith.mulf %mul3A_126, %add3A_121 : vector<512x64xf32>
    %select_n3A_128 = arith.select %ge3A_124, %add3A_121, %mul3A_127 : vector<512x64xi1>, vector<512x64xf32>
    %dot_general3A_129 = arith.constant dense<0.000000e+00> : vector<512x64xf32>
    %dot_general3A_130 = tpu.matmul %select_n3A_128, %get3A_1, %dot_general3A_129 {dimension_numbers = #tpu.dot_dimension_numbers<[1], [0], [0], [1], [0, 0, 1, 1], [], []>, transpose_lhs_hint = false} : vector<512x64xf32>, vector<64x64xf32>, vector<512x64xf32> -> vector<512x64xf32>
    %add3A_131 = vector.broadcast %get3A_4 : vector<1x64xf32> to vector<512x64xf32>
    %add3A_132 = arith.addf %dot_general3A_130, %add3A_131 : vector<512x64xf32>
    %ge3A_133 = arith.constant 0.000000e+00 : f32
    %ge3A_134 = vector.broadcast %ge3A_133 : f32 to vector<512x64xf32>
    %ge3A_135 = arith.cmpf oge, %add3A_132, %ge3A_134 : vector<512x64xf32>
    %mul3A_136 = arith.constant 0.00999999977 : f32
    %mul3A_137 = vector.broadcast %mul3A_136 : f32 to vector<512x64xf32>
    %mul3A_138 = arith.mulf %mul3A_137, %add3A_132 : vector<512x64xf32>
    %select_n3A_139 = arith.select %ge3A_135, %add3A_132, %mul3A_138 : vector<512x64xi1>, vector<512x64xf32>
    %add3A_140 = arith.addf %add3A_93, %select_n3A_139 : vector<512x64xf32>
    %get3A_141 = arith.constant 3 : index
    %get3A_142 = arith.constant 0 : index
    %get3A_143 = arith.constant 0 : index
    %get3A_144 = vector.load %arg1[%get3A_141, %get3A_142, %get3A_143] : memref<14x512x128xf32, #tpu.memory_space<vmem>>, vector<1x512x128xf32>
    %get3A_145 = vector.shape_cast %get3A_144 : vector<1x512x128xf32> to vector<512x128xf32>
    %slice3A_146 = vector.extract_strided_slice %get3A_145 {offsets = [0, 0], sizes = [512, 64], strides = [1, 1]} : vector<512x128xf32> to vector<512x64xf32>
    %get3A_147 = arith.constant 4 : index
    %get3A_148 = arith.constant 0 : index
    %get3A_149 = arith.constant 0 : index
    %get3A_150 = vector.load %arg1[%get3A_147, %get3A_148, %get3A_149] : memref<14x512x128xf32, #tpu.memory_space<vmem>>, vector<1x512x128xf32>
    %get3A_151 = vector.shape_cast %get3A_150 : vector<1x512x128xf32> to vector<512x128xf32>
    %slice3A_152 = vector.extract_strided_slice %get3A_151 {offsets = [0, 64], sizes = [512, 64], strides = [1, 1]} : vector<512x128xf32> to vector<512x64xf32>
    %add3A_153 = arith.addf %slice3A_146, %slice3A_152 : vector<512x64xf32>
    %get3A_154 = arith.constant 0 : index
    %get3A_155 = arith.constant 3 : index
    %get3A_156 = vector.load %arg2[%get3A_154, %get3A_155] : memref<512x28xf32, #tpu.memory_space<vmem>>, vector<512x1xf32>
    %get3A_157 = arith.constant 0 : index
    %get3A_158 = arith.constant 0 : index
    %get3A_159 = vector.load %arg3[%get3A_157, %get3A_158] : memref<1x64xf32, #tpu.memory_space<vmem>>, vector<1x64xf32>
    %mul3A_160 = vector.broadcast %get3A_156 : vector<512x1xf32> to vector<512x64xf32>
    %mul3A_161 = vector.broadcast %get3A_159 : vector<1x64xf32> to vector<512x64xf32>
    %mul3A_162 = arith.mulf %mul3A_160, %mul3A_161 : vector<512x64xf32>
    %add3A_163 = arith.addf %add3A_153, %mul3A_162 : vector<512x64xf32>
    %get3A_164 = arith.constant 0 : index
    %get3A_165 = arith.constant 0 : index
    %get3A_166 = vector.load %arg4[%get3A_164, %get3A_165] : memref<1x64xf32, #tpu.memory_space<vmem>>, vector<1x64xf32>
    %add3A_167 = vector.broadcast %get3A_166 : vector<1x64xf32> to vector<512x64xf32>
    %add3A_168 = arith.addf %add3A_163, %add3A_167 : vector<512x64xf32>
    %ge3A_169 = arith.constant 0.000000e+00 : f32
    %ge3A_170 = vector.broadcast %ge3A_169 : f32 to vector<512x64xf32>
    %ge3A_171 = arith.cmpf oge, %add3A_168, %ge3A_170 : vector<512x64xf32>
    %mul3A_172 = arith.constant 0.00999999977 : f32
    %mul3A_173 = vector.broadcast %mul3A_172 : f32 to vector<512x64xf32>
    %mul3A_174 = arith.mulf %mul3A_173, %add3A_168 : vector<512x64xf32>
    %select_n3A_175 = arith.select %ge3A_171, %add3A_168, %mul3A_174 : vector<512x64xi1>, vector<512x64xf32>
    %dot_general3A_176 = arith.constant dense<0.000000e+00> : vector<512x64xf32>
    %dot_general3A_177 = tpu.matmul %select_n3A_175, %get3A_1, %dot_general3A_176 {dimension_numbers = #tpu.dot_dimension_numbers<[1], [0], [0], [1], [0, 0, 1, 1], [], []>, transpose_lhs_hint = false} : vector<512x64xf32>, vector<64x64xf32>, vector<512x64xf32> -> vector<512x64xf32>
    %add3A_178 = vector.broadcast %get3A_4 : vector<1x64xf32> to vector<512x64xf32>
    %add3A_179 = arith.addf %dot_general3A_177, %add3A_178 : vector<512x64xf32>
    %ge3A_180 = arith.constant 0.000000e+00 : f32
    %ge3A_181 = vector.broadcast %ge3A_180 : f32 to vector<512x64xf32>
    %ge3A_182 = arith.cmpf oge, %add3A_179, %ge3A_181 : vector<512x64xf32>
    %mul3A_183 = arith.constant 0.00999999977 : f32
    %mul3A_184 = vector.broadcast %mul3A_183 : f32 to vector<512x64xf32>
    %mul3A_185 = arith.mulf %mul3A_184, %add3A_179 : vector<512x64xf32>
    %select_n3A_186 = arith.select %ge3A_182, %add3A_179, %mul3A_185 : vector<512x64xi1>, vector<512x64xf32>
    %add3A_187 = arith.addf %add3A_140, %select_n3A_186 : vector<512x64xf32>
    %get3A_188 = arith.constant 4 : index
    %get3A_189 = arith.constant 0 : index
    %get3A_190 = arith.constant 0 : index
    %get3A_191 = vector.load %arg1[%get3A_188, %get3A_189, %get3A_190] : memref<14x512x128xf32, #tpu.memory_space<vmem>>, vector<1x512x128xf32>
    %get3A_192 = vector.shape_cast %get3A_191 : vector<1x512x128xf32> to vector<512x128xf32>
    %slice3A_193 = vector.extract_strided_slice %get3A_192 {offsets = [0, 0], sizes = [512, 64], strides = [1, 1]} : vector<512x128xf32> to vector<512x64xf32>
    %get3A_194 = arith.constant 5 : index
    %get3A_195 = arith.constant 0 : index
    %get3A_196 = arith.constant 0 : index
    %get3A_197 = vector.load %arg1[%get3A_194, %get3A_195, %get3A_196] : memref<14x512x128xf32, #tpu.memory_space<vmem>>, vector<1x512x128xf32>
    %get3A_198 = vector.shape_cast %get3A_197 : vector<1x512x128xf32> to vector<512x128xf32>
    %slice3A_199 = vector.extract_strided_slice %get3A_198 {offsets = [0, 64], sizes = [512, 64], strides = [1, 1]} : vector<512x128xf32> to vector<512x64xf32>
    %add3A_200 = arith.addf %slice3A_193, %slice3A_199 : vector<512x64xf32>
    %get3A_201 = arith.constant 0 : index
    %get3A_202 = arith.constant 4 : index
    %get3A_203 = vector.load %arg2[%get3A_201, %get3A_202] : memref<512x28xf32, #tpu.memory_space<vmem>>, vector<512x1xf32>
    %get3A_204 = arith.constant 0 : index
    %get3A_205 = arith.constant 0 : index
    %get3A_206 = vector.load %arg3[%get3A_204, %get3A_205] : memref<1x64xf32, #tpu.memory_space<vmem>>, vector<1x64xf32>
    %mul3A_207 = vector.broadcast %get3A_203 : vector<512x1xf32> to vector<512x64xf32>
    %mul3A_208 = vector.broadcast %get3A_206 : vector<1x64xf32> to vector<512x64xf32>
    %mul3A_209 = arith.mulf %mul3A_207, %mul3A_208 : vector<512x64xf32>
    %add3A_210 = arith.addf %add3A_200, %mul3A_209 : vector<512x64xf32>
    %get3A_211 = arith.constant 0 : index
    %get3A_212 = arith.constant 0 : index
    %get3A_213 = vector.load %arg4[%get3A_211, %get3A_212] : memref<1x64xf32, #tpu.memory_space<vmem>>, vector<1x64xf32>
    %add3A_214 = vector.broadcast %get3A_213 : vector<1x64xf32> to vector<512x64xf32>
    %add3A_215 = arith.addf %add3A_210, %add3A_214 : vector<512x64xf32>
    %ge3A_216 = arith.constant 0.000000e+00 : f32
    %ge3A_217 = vector.broadcast %ge3A_216 : f32 to vector<512x64xf32>
    %ge3A_218 = arith.cmpf oge, %add3A_215, %ge3A_217 : vector<512x64xf32>
    %mul3A_219 = arith.constant 0.00999999977 : f32
    %mul3A_220 = vector.broadcast %mul3A_219 : f32 to vector<512x64xf32>
    %mul3A_221 = arith.mulf %mul3A_220, %add3A_215 : vector<512x64xf32>
    %select_n3A_222 = arith.select %ge3A_218, %add3A_215, %mul3A_221 : vector<512x64xi1>, vector<512x64xf32>
    %dot_general3A_223 = arith.constant dense<0.000000e+00> : vector<512x64xf32>
    %dot_general3A_224 = tpu.matmul %select_n3A_222, %get3A_1, %dot_general3A_223 {dimension_numbers = #tpu.dot_dimension_numbers<[1], [0], [0], [1], [0, 0, 1, 1], [], []>, transpose_lhs_hint = false} : vector<512x64xf32>, vector<64x64xf32>, vector<512x64xf32> -> vector<512x64xf32>
    %add3A_225 = vector.broadcast %get3A_4 : vector<1x64xf32> to vector<512x64xf32>
    %add3A_226 = arith.addf %dot_general3A_224, %add3A_225 : vector<512x64xf32>
    %ge3A_227 = arith.constant 0.000000e+00 : f32
    %ge3A_228 = vector.broadcast %ge3A_227 : f32 to vector<512x64xf32>
    %ge3A_229 = arith.cmpf oge, %add3A_226, %ge3A_228 : vector<512x64xf32>
    %mul3A_230 = arith.constant 0.00999999977 : f32
    %mul3A_231 = vector.broadcast %mul3A_230 : f32 to vector<512x64xf32>
    %mul3A_232 = arith.mulf %mul3A_231, %add3A_226 : vector<512x64xf32>
    %select_n3A_233 = arith.select %ge3A_229, %add3A_226, %mul3A_232 : vector<512x64xi1>, vector<512x64xf32>
    %add3A_234 = arith.addf %add3A_187, %select_n3A_233 : vector<512x64xf32>
    %get3A_235 = arith.constant 5 : index
    %get3A_236 = arith.constant 0 : index
    %get3A_237 = arith.constant 0 : index
    %get3A_238 = vector.load %arg1[%get3A_235, %get3A_236, %get3A_237] : memref<14x512x128xf32, #tpu.memory_space<vmem>>, vector<1x512x128xf32>
    %get3A_239 = vector.shape_cast %get3A_238 : vector<1x512x128xf32> to vector<512x128xf32>
    %slice3A_240 = vector.extract_strided_slice %get3A_239 {offsets = [0, 0], sizes = [512, 64], strides = [1, 1]} : vector<512x128xf32> to vector<512x64xf32>
    %get3A_241 = arith.constant 6 : index
    %get3A_242 = arith.constant 0 : index
    %get3A_243 = arith.constant 0 : index
    %get3A_244 = vector.load %arg1[%get3A_241, %get3A_242, %get3A_243] : memref<14x512x128xf32, #tpu.memory_space<vmem>>, vector<1x512x128xf32>
    %get3A_245 = vector.shape_cast %get3A_244 : vector<1x512x128xf32> to vector<512x128xf32>
    %slice3A_246 = vector.extract_strided_slice %get3A_245 {offsets = [0, 64], sizes = [512, 64], strides = [1, 1]} : vector<512x128xf32> to vector<512x64xf32>
    %add3A_247 = arith.addf %slice3A_240, %slice3A_246 : vector<512x64xf32>
    %get3A_248 = arith.constant 0 : index
    %get3A_249 = arith.constant 5 : index
    %get3A_250 = vector.load %arg2[%get3A_248, %get3A_249] : memref<512x28xf32, #tpu.memory_space<vmem>>, vector<512x1xf32>
    %get3A_251 = arith.constant 0 : index
    %get3A_252 = arith.constant 0 : index
    %get3A_253 = vector.load %arg3[%get3A_251, %get3A_252] : memref<1x64xf32, #tpu.memory_space<vmem>>, vector<1x64xf32>
    %mul3A_254 = vector.broadcast %get3A_250 : vector<512x1xf32> to vector<512x64xf32>
    %mul3A_255 = vector.broadcast %get3A_253 : vector<1x64xf32> to vector<512x64xf32>
    %mul3A_256 = arith.mulf %mul3A_254, %mul3A_255 : vector<512x64xf32>
    %add3A_257 = arith.addf %add3A_247, %mul3A_256 : vector<512x64xf32>
    %get3A_258 = arith.constant 0 : index
    %get3A_259 = arith.constant 0 : index
    %get3A_260 = vector.load %arg4[%get3A_258, %get3A_259] : memref<1x64xf32, #tpu.memory_space<vmem>>, vector<1x64xf32>
    %add3A_261 = vector.broadcast %get3A_260 : vector<1x64xf32> to vector<512x64xf32>
    %add3A_262 = arith.addf %add3A_257, %add3A_261 : vector<512x64xf32>
    %ge3A_263 = arith.constant 0.000000e+00 : f32
    %ge3A_264 = vector.broadcast %ge3A_263 : f32 to vector<512x64xf32>
    %ge3A_265 = arith.cmpf oge, %add3A_262, %ge3A_264 : vector<512x64xf32>
    %mul3A_266 = arith.constant 0.00999999977 : f32
    %mul3A_267 = vector.broadcast %mul3A_266 : f32 to vector<512x64xf32>
    %mul3A_268 = arith.mulf %mul3A_267, %add3A_262 : vector<512x64xf32>
    %select_n3A_269 = arith.select %ge3A_265, %add3A_262, %mul3A_268 : vector<512x64xi1>, vector<512x64xf32>
    %dot_general3A_270 = arith.constant dense<0.000000e+00> : vector<512x64xf32>
    %dot_general3A_271 = tpu.matmul %select_n3A_269, %get3A_1, %dot_general3A_270 {dimension_numbers = #tpu.dot_dimension_numbers<[1], [0], [0], [1], [0, 0, 1, 1], [], []>, transpose_lhs_hint = false} : vector<512x64xf32>, vector<64x64xf32>, vector<512x64xf32> -> vector<512x64xf32>
    %add3A_272 = vector.broadcast %get3A_4 : vector<1x64xf32> to vector<512x64xf32>
    %add3A_273 = arith.addf %dot_general3A_271, %add3A_272 : vector<512x64xf32>
    %ge3A_274 = arith.constant 0.000000e+00 : f32
    %ge3A_275 = vector.broadcast %ge3A_274 : f32 to vector<512x64xf32>
    %ge3A_276 = arith.cmpf oge, %add3A_273, %ge3A_275 : vector<512x64xf32>
    %mul3A_277 = arith.constant 0.00999999977 : f32
    %mul3A_278 = vector.broadcast %mul3A_277 : f32 to vector<512x64xf32>
    %mul3A_279 = arith.mulf %mul3A_278, %add3A_273 : vector<512x64xf32>
    %select_n3A_280 = arith.select %ge3A_276, %add3A_273, %mul3A_279 : vector<512x64xi1>, vector<512x64xf32>
    %add3A_281 = arith.addf %add3A_234, %select_n3A_280 : vector<512x64xf32>
    %get3A_282 = arith.constant 6 : index
    %get3A_283 = arith.constant 0 : index
    %get3A_284 = arith.constant 0 : index
    %get3A_285 = vector.load %arg1[%get3A_282, %get3A_283, %get3A_284] : memref<14x512x128xf32, #tpu.memory_space<vmem>>, vector<1x512x128xf32>
    %get3A_286 = vector.shape_cast %get3A_285 : vector<1x512x128xf32> to vector<512x128xf32>
    %slice3A_287 = vector.extract_strided_slice %get3A_286 {offsets = [0, 0], sizes = [512, 64], strides = [1, 1]} : vector<512x128xf32> to vector<512x64xf32>
    %get3A_288 = arith.constant 7 : index
    %get3A_289 = arith.constant 0 : index
    %get3A_290 = arith.constant 0 : index
    %get3A_291 = vector.load %arg1[%get3A_288, %get3A_289, %get3A_290] : memref<14x512x128xf32, #tpu.memory_space<vmem>>, vector<1x512x128xf32>
    %get3A_292 = vector.shape_cast %get3A_291 : vector<1x512x128xf32> to vector<512x128xf32>
    %slice3A_293 = vector.extract_strided_slice %get3A_292 {offsets = [0, 64], sizes = [512, 64], strides = [1, 1]} : vector<512x128xf32> to vector<512x64xf32>
    %add3A_294 = arith.addf %slice3A_287, %slice3A_293 : vector<512x64xf32>
    %get3A_295 = arith.constant 0 : index
    %get3A_296 = arith.constant 6 : index
    %get3A_297 = vector.load %arg2[%get3A_295, %get3A_296] : memref<512x28xf32, #tpu.memory_space<vmem>>, vector<512x1xf32>
    %get3A_298 = arith.constant 0 : index
    %get3A_299 = arith.constant 0 : index
    %get3A_300 = vector.load %arg3[%get3A_298, %get3A_299] : memref<1x64xf32, #tpu.memory_space<vmem>>, vector<1x64xf32>
    %mul3A_301 = vector.broadcast %get3A_297 : vector<512x1xf32> to vector<512x64xf32>
    %mul3A_302 = vector.broadcast %get3A_300 : vector<1x64xf32> to vector<512x64xf32>
    %mul3A_303 = arith.mulf %mul3A_301, %mul3A_302 : vector<512x64xf32>
    %add3A_304 = arith.addf %add3A_294, %mul3A_303 : vector<512x64xf32>
    %get3A_305 = arith.constant 0 : index
    %get3A_306 = arith.constant 0 : index
    %get3A_307 = vector.load %arg4[%get3A_305, %get3A_306] : memref<1x64xf32, #tpu.memory_space<vmem>>, vector<1x64xf32>
    %add3A_308 = vector.broadcast %get3A_307 : vector<1x64xf32> to vector<512x64xf32>
    %add3A_309 = arith.addf %add3A_304, %add3A_308 : vector<512x64xf32>
    %ge3A_310 = arith.constant 0.000000e+00 : f32
    %ge3A_311 = vector.broadcast %ge3A_310 : f32 to vector<512x64xf32>
    %ge3A_312 = arith.cmpf oge, %add3A_309, %ge3A_311 : vector<512x64xf32>
    %mul3A_313 = arith.constant 0.00999999977 : f32
    %mul3A_314 = vector.broadcast %mul3A_313 : f32 to vector<512x64xf32>
    %mul3A_315 = arith.mulf %mul3A_314, %add3A_309 : vector<512x64xf32>
    %select_n3A_316 = arith.select %ge3A_312, %add3A_309, %mul3A_315 : vector<512x64xi1>, vector<512x64xf32>
    %dot_general3A_317 = arith.constant dense<0.000000e+00> : vector<512x64xf32>
    %dot_general3A_318 = tpu.matmul %select_n3A_316, %get3A_1, %dot_general3A_317 {dimension_numbers = #tpu.dot_dimension_numbers<[1], [0], [0], [1], [0, 0, 1, 1], [], []>, transpose_lhs_hint = false} : vector<512x64xf32>, vector<64x64xf32>, vector<512x64xf32> -> vector<512x64xf32>
    %add3A_319 = vector.broadcast %get3A_4 : vector<1x64xf32> to vector<512x64xf32>
    %add3A_320 = arith.addf %dot_general3A_318, %add3A_319 : vector<512x64xf32>
    %ge3A_321 = arith.constant 0.000000e+00 : f32
    %ge3A_322 = vector.broadcast %ge3A_321 : f32 to vector<512x64xf32>
    %ge3A_323 = arith.cmpf oge, %add3A_320, %ge3A_322 : vector<512x64xf32>
    %mul3A_324 = arith.constant 0.00999999977 : f32
    %mul3A_325 = vector.broadcast %mul3A_324 : f32 to vector<512x64xf32>
    %mul3A_326 = arith.mulf %mul3A_325, %add3A_320 : vector<512x64xf32>
    %select_n3A_327 = arith.select %ge3A_323, %add3A_320, %mul3A_326 : vector<512x64xi1>, vector<512x64xf32>
    %add3A_328 = arith.addf %add3A_281, %select_n3A_327 : vector<512x64xf32>
    %get3A_329 = arith.constant 7 : index
    %get3A_330 = arith.constant 0 : index
    %get3A_331 = arith.constant 0 : index
    %get3A_332 = vector.load %arg1[%get3A_329, %get3A_330, %get3A_331] : memref<14x512x128xf32, #tpu.memory_space<vmem>>, vector<1x512x128xf32>
    %get3A_333 = vector.shape_cast %get3A_332 : vector<1x512x128xf32> to vector<512x128xf32>
    %slice3A_334 = vector.extract_strided_slice %get3A_333 {offsets = [0, 0], sizes = [512, 64], strides = [1, 1]} : vector<512x128xf32> to vector<512x64xf32>
    %get3A_335 = arith.constant 8 : index
    %get3A_336 = arith.constant 0 : index
    %get3A_337 = arith.constant 0 : index
    %get3A_338 = vector.load %arg1[%get3A_335, %get3A_336, %get3A_337] : memref<14x512x128xf32, #tpu.memory_space<vmem>>, vector<1x512x128xf32>
    %get3A_339 = vector.shape_cast %get3A_338 : vector<1x512x128xf32> to vector<512x128xf32>
    %slice3A_340 = vector.extract_strided_slice %get3A_339 {offsets = [0, 64], sizes = [512, 64], strides = [1, 1]} : vector<512x128xf32> to vector<512x64xf32>
    %add3A_341 = arith.addf %slice3A_334, %slice3A_340 : vector<512x64xf32>
    %get3A_342 = arith.constant 0 : index
    %get3A_343 = arith.constant 7 : index
    %get3A_344 = vector.load %arg2[%get3A_342, %get3A_343] : memref<512x28xf32, #tpu.memory_space<vmem>>, vector<512x1xf32>
    %get3A_345 = arith.constant 0 : index
    %get3A_346 = arith.constant 0 : index
    %get3A_347 = vector.load %arg3[%get3A_345, %get3A_346] : memref<1x64xf32, #tpu.memory_space<vmem>>, vector<1x64xf32>
    %mul3A_348 = vector.broadcast %get3A_344 : vector<512x1xf32> to vector<512x64xf32>
    %mul3A_349 = vector.broadcast %get3A_347 : vector<1x64xf32> to vector<512x64xf32>
    %mul3A_350 = arith.mulf %mul3A_348, %mul3A_349 : vector<512x64xf32>
    %add3A_351 = arith.addf %add3A_341, %mul3A_350 : vector<512x64xf32>
    %get3A_352 = arith.constant 0 : index
    %get3A_353 = arith.constant 0 : index
    %get3A_354 = vector.load %arg4[%get3A_352, %get3A_353] : memref<1x64xf32, #tpu.memory_space<vmem>>, vector<1x64xf32>
    %add3A_355 = vector.broadcast %get3A_354 : vector<1x64xf32> to vector<512x64xf32>
    %add3A_356 = arith.addf %add3A_351, %add3A_355 : vector<512x64xf32>
    %ge3A_357 = arith.constant 0.000000e+00 : f32
    %ge3A_358 = vector.broadcast %ge3A_357 : f32 to vector<512x64xf32>
    %ge3A_359 = arith.cmpf oge, %add3A_356, %ge3A_358 : vector<512x64xf32>
    %mul3A_360 = arith.constant 0.00999999977 : f32
    %mul3A_361 = vector.broadcast %mul3A_360 : f32 to vector<512x64xf32>
    %mul3A_362 = arith.mulf %mul3A_361, %add3A_356 : vector<512x64xf32>
    %select_n3A_363 = arith.select %ge3A_359, %add3A_356, %mul3A_362 : vector<512x64xi1>, vector<512x64xf32>
    %dot_general3A_364 = arith.constant dense<0.000000e+00> : vector<512x64xf32>
    %dot_general3A_365 = tpu.matmul %select_n3A_363, %get3A_1, %dot_general3A_364 {dimension_numbers = #tpu.dot_dimension_numbers<[1], [0], [0], [1], [0, 0, 1, 1], [], []>, transpose_lhs_hint = false} : vector<512x64xf32>, vector<64x64xf32>, vector<512x64xf32> -> vector<512x64xf32>
    %add3A_366 = vector.broadcast %get3A_4 : vector<1x64xf32> to vector<512x64xf32>
    %add3A_367 = arith.addf %dot_general3A_365, %add3A_366 : vector<512x64xf32>
    %ge3A_368 = arith.constant 0.000000e+00 : f32
    %ge3A_369 = vector.broadcast %ge3A_368 : f32 to vector<512x64xf32>
    %ge3A_370 = arith.cmpf oge, %add3A_367, %ge3A_369 : vector<512x64xf32>
    %mul3A_371 = arith.constant 0.00999999977 : f32
    %mul3A_372 = vector.broadcast %mul3A_371 : f32 to vector<512x64xf32>
    %mul3A_373 = arith.mulf %mul3A_372, %add3A_367 : vector<512x64xf32>
    %select_n3A_374 = arith.select %ge3A_370, %add3A_367, %mul3A_373 : vector<512x64xi1>, vector<512x64xf32>
    %add3A_375 = arith.addf %add3A_328, %select_n3A_374 : vector<512x64xf32>
    %get3A_376 = arith.constant 8 : index
    %get3A_377 = arith.constant 0 : index
    %get3A_378 = arith.constant 0 : index
    %get3A_379 = vector.load %arg1[%get3A_376, %get3A_377, %get3A_378] : memref<14x512x128xf32, #tpu.memory_space<vmem>>, vector<1x512x128xf32>
    %get3A_380 = vector.shape_cast %get3A_379 : vector<1x512x128xf32> to vector<512x128xf32>
    %slice3A_381 = vector.extract_strided_slice %get3A_380 {offsets = [0, 0], sizes = [512, 64], strides = [1, 1]} : vector<512x128xf32> to vector<512x64xf32>
    %get3A_382 = arith.constant 9 : index
    %get3A_383 = arith.constant 0 : index
    %get3A_384 = arith.constant 0 : index
    %get3A_385 = vector.load %arg1[%get3A_382, %get3A_383, %get3A_384] : memref<14x512x128xf32, #tpu.memory_space<vmem>>, vector<1x512x128xf32>
    %get3A_386 = vector.shape_cast %get3A_385 : vector<1x512x128xf32> to vector<512x128xf32>
    %slice3A_387 = vector.extract_strided_slice %get3A_386 {offsets = [0, 64], sizes = [512, 64], strides = [1, 1]} : vector<512x128xf32> to vector<512x64xf32>
    %add3A_388 = arith.addf %slice3A_381, %slice3A_387 : vector<512x64xf32>
    %get3A_389 = arith.constant 0 : index
    %get3A_390 = arith.constant 8 : index
    %get3A_391 = vector.load %arg2[%get3A_389, %get3A_390] : memref<512x28xf32, #tpu.memory_space<vmem>>, vector<512x1xf32>
    %get3A_392 = arith.constant 0 : index
    %get3A_393 = arith.constant 0 : index
    %get3A_394 = vector.load %arg3[%get3A_392, %get3A_393] : memref<1x64xf32, #tpu.memory_space<vmem>>, vector<1x64xf32>
    %mul3A_395 = vector.broadcast %get3A_391 : vector<512x1xf32> to vector<512x64xf32>
    %mul3A_396 = vector.broadcast %get3A_394 : vector<1x64xf32> to vector<512x64xf32>
    %mul3A_397 = arith.mulf %mul3A_395, %mul3A_396 : vector<512x64xf32>
    %add3A_398 = arith.addf %add3A_388, %mul3A_397 : vector<512x64xf32>
    %get3A_399 = arith.constant 0 : index
    %get3A_400 = arith.constant 0 : index
    %get3A_401 = vector.load %arg4[%get3A_399, %get3A_400] : memref<1x64xf32, #tpu.memory_space<vmem>>, vector<1x64xf32>
    %add3A_402 = vector.broadcast %get3A_401 : vector<1x64xf32> to vector<512x64xf32>
    %add3A_403 = arith.addf %add3A_398, %add3A_402 : vector<512x64xf32>
    %ge3A_404 = arith.constant 0.000000e+00 : f32
    %ge3A_405 = vector.broadcast %ge3A_404 : f32 to vector<512x64xf32>
    %ge3A_406 = arith.cmpf oge, %add3A_403, %ge3A_405 : vector<512x64xf32>
    %mul3A_407 = arith.constant 0.00999999977 : f32
    %mul3A_408 = vector.broadcast %mul3A_407 : f32 to vector<512x64xf32>
    %mul3A_409 = arith.mulf %mul3A_408, %add3A_403 : vector<512x64xf32>
    %select_n3A_410 = arith.select %ge3A_406, %add3A_403, %mul3A_409 : vector<512x64xi1>, vector<512x64xf32>
    %dot_general3A_411 = arith.constant dense<0.000000e+00> : vector<512x64xf32>
    %dot_general3A_412 = tpu.matmul %select_n3A_410, %get3A_1, %dot_general3A_411 {dimension_numbers = #tpu.dot_dimension_numbers<[1], [0], [0], [1], [0, 0, 1, 1], [], []>, transpose_lhs_hint = false} : vector<512x64xf32>, vector<64x64xf32>, vector<512x64xf32> -> vector<512x64xf32>
    %add3A_413 = vector.broadcast %get3A_4 : vector<1x64xf32> to vector<512x64xf32>
    %add3A_414 = arith.addf %dot_general3A_412, %add3A_413 : vector<512x64xf32>
    %ge3A_415 = arith.constant 0.000000e+00 : f32
    %ge3A_416 = vector.broadcast %ge3A_415 : f32 to vector<512x64xf32>
    %ge3A_417 = arith.cmpf oge, %add3A_414, %ge3A_416 : vector<512x64xf32>
    %mul3A_418 = arith.constant 0.00999999977 : f32
    %mul3A_419 = vector.broadcast %mul3A_418 : f32 to vector<512x64xf32>
    %mul3A_420 = arith.mulf %mul3A_419, %add3A_414 : vector<512x64xf32>
    %select_n3A_421 = arith.select %ge3A_417, %add3A_414, %mul3A_420 : vector<512x64xi1>, vector<512x64xf32>
    %add3A_422 = arith.addf %add3A_375, %select_n3A_421 : vector<512x64xf32>
    %get3A_423 = arith.constant 9 : index
    %get3A_424 = arith.constant 0 : index
    %get3A_425 = arith.constant 0 : index
    %get3A_426 = vector.load %arg1[%get3A_423, %get3A_424, %get3A_425] : memref<14x512x128xf32, #tpu.memory_space<vmem>>, vector<1x512x128xf32>
    %get3A_427 = vector.shape_cast %get3A_426 : vector<1x512x128xf32> to vector<512x128xf32>
    %slice3A_428 = vector.extract_strided_slice %get3A_427 {offsets = [0, 0], sizes = [512, 64], strides = [1, 1]} : vector<512x128xf32> to vector<512x64xf32>
    %get3A_429 = arith.constant 10 : index
    %get3A_430 = arith.constant 0 : index
    %get3A_431 = arith.constant 0 : index
    %get3A_432 = vector.load %arg1[%get3A_429, %get3A_430, %get3A_431] : memref<14x512x128xf32, #tpu.memory_space<vmem>>, vector<1x512x128xf32>
    %get3A_433 = vector.shape_cast %get3A_432 : vector<1x512x128xf32> to vector<512x128xf32>
    %slice3A_434 = vector.extract_strided_slice %get3A_433 {offsets = [0, 64], sizes = [512, 64], strides = [1, 1]} : vector<512x128xf32> to vector<512x64xf32>
    %add3A_435 = arith.addf %slice3A_428, %slice3A_434 : vector<512x64xf32>
    %get3A_436 = arith.constant 0 : index
    %get3A_437 = arith.constant 9 : index
    %get3A_438 = vector.load %arg2[%get3A_436, %get3A_437] : memref<512x28xf32, #tpu.memory_space<vmem>>, vector<512x1xf32>
    %get3A_439 = arith.constant 0 : index
    %get3A_440 = arith.constant 0 : index
    %get3A_441 = vector.load %arg3[%get3A_439, %get3A_440] : memref<1x64xf32, #tpu.memory_space<vmem>>, vector<1x64xf32>
    %mul3A_442 = vector.broadcast %get3A_438 : vector<512x1xf32> to vector<512x64xf32>
    %mul3A_443 = vector.broadcast %get3A_441 : vector<1x64xf32> to vector<512x64xf32>
    %mul3A_444 = arith.mulf %mul3A_442, %mul3A_443 : vector<512x64xf32>
    %add3A_445 = arith.addf %add3A_435, %mul3A_444 : vector<512x64xf32>
    %get3A_446 = arith.constant 0 : index
    %get3A_447 = arith.constant 0 : index
    %get3A_448 = vector.load %arg4[%get3A_446, %get3A_447] : memref<1x64xf32, #tpu.memory_space<vmem>>, vector<1x64xf32>
    %add3A_449 = vector.broadcast %get3A_448 : vector<1x64xf32> to vector<512x64xf32>
    %add3A_450 = arith.addf %add3A_445, %add3A_449 : vector<512x64xf32>
    %ge3A_451 = arith.constant 0.000000e+00 : f32
    %ge3A_452 = vector.broadcast %ge3A_451 : f32 to vector<512x64xf32>
    %ge3A_453 = arith.cmpf oge, %add3A_450, %ge3A_452 : vector<512x64xf32>
    %mul3A_454 = arith.constant 0.00999999977 : f32
    %mul3A_455 = vector.broadcast %mul3A_454 : f32 to vector<512x64xf32>
    %mul3A_456 = arith.mulf %mul3A_455, %add3A_450 : vector<512x64xf32>
    %select_n3A_457 = arith.select %ge3A_453, %add3A_450, %mul3A_456 : vector<512x64xi1>, vector<512x64xf32>
    %dot_general3A_458 = arith.constant dense<0.000000e+00> : vector<512x64xf32>
    %dot_general3A_459 = tpu.matmul %select_n3A_457, %get3A_1, %dot_general3A_458 {dimension_numbers = #tpu.dot_dimension_numbers<[1], [0], [0], [1], [0, 0, 1, 1], [], []>, transpose_lhs_hint = false} : vector<512x64xf32>, vector<64x64xf32>, vector<512x64xf32> -> vector<512x64xf32>
    %add3A_460 = vector.broadcast %get3A_4 : vector<1x64xf32> to vector<512x64xf32>
    %add3A_461 = arith.addf %dot_general3A_459, %add3A_460 : vector<512x64xf32>
    %ge3A_462 = arith.constant 0.000000e+00 : f32
    %ge3A_463 = vector.broadcast %ge3A_462 : f32 to vector<512x64xf32>
    %ge3A_464 = arith.cmpf oge, %add3A_461, %ge3A_463 : vector<512x64xf32>
    %mul3A_465 = arith.constant 0.00999999977 : f32
    %mul3A_466 = vector.broadcast %mul3A_465 : f32 to vector<512x64xf32>
    %mul3A_467 = arith.mulf %mul3A_466, %add3A_461 : vector<512x64xf32>
    %select_n3A_468 = arith.select %ge3A_464, %add3A_461, %mul3A_467 : vector<512x64xi1>, vector<512x64xf32>
    %add3A_469 = arith.addf %add3A_422, %select_n3A_468 : vector<512x64xf32>
    %get3A_470 = arith.constant 10 : index
    %get3A_471 = arith.constant 0 : index
    %get3A_472 = arith.constant 0 : index
    %get3A_473 = vector.load %arg1[%get3A_470, %get3A_471, %get3A_472] : memref<14x512x128xf32, #tpu.memory_space<vmem>>, vector<1x512x128xf32>
    %get3A_474 = vector.shape_cast %get3A_473 : vector<1x512x128xf32> to vector<512x128xf32>
    %slice3A_475 = vector.extract_strided_slice %get3A_474 {offsets = [0, 0], sizes = [512, 64], strides = [1, 1]} : vector<512x128xf32> to vector<512x64xf32>
    %get3A_476 = arith.constant 11 : index
    %get3A_477 = arith.constant 0 : index
    %get3A_478 = arith.constant 0 : index
    %get3A_479 = vector.load %arg1[%get3A_476, %get3A_477, %get3A_478] : memref<14x512x128xf32, #tpu.memory_space<vmem>>, vector<1x512x128xf32>
    %get3A_480 = vector.shape_cast %get3A_479 : vector<1x512x128xf32> to vector<512x128xf32>
    %slice3A_481 = vector.extract_strided_slice %get3A_480 {offsets = [0, 64], sizes = [512, 64], strides = [1, 1]} : vector<512x128xf32> to vector<512x64xf32>
    %add3A_482 = arith.addf %slice3A_475, %slice3A_481 : vector<512x64xf32>
    %get3A_483 = arith.constant 0 : index
    %get3A_484 = arith.constant 10 : index
    %get3A_485 = vector.load %arg2[%get3A_483, %get3A_484] : memref<512x28xf32, #tpu.memory_space<vmem>>, vector<512x1xf32>
    %get3A_486 = arith.constant 0 : index
    %get3A_487 = arith.constant 0 : index
    %get3A_488 = vector.load %arg3[%get3A_486, %get3A_487] : memref<1x64xf32, #tpu.memory_space<vmem>>, vector<1x64xf32>
    %mul3A_489 = vector.broadcast %get3A_485 : vector<512x1xf32> to vector<512x64xf32>
    %mul3A_490 = vector.broadcast %get3A_488 : vector<1x64xf32> to vector<512x64xf32>
    %mul3A_491 = arith.mulf %mul3A_489, %mul3A_490 : vector<512x64xf32>
    %add3A_492 = arith.addf %add3A_482, %mul3A_491 : vector<512x64xf32>
    %get3A_493 = arith.constant 0 : index
    %get3A_494 = arith.constant 0 : index
    %get3A_495 = vector.load %arg4[%get3A_493, %get3A_494] : memref<1x64xf32, #tpu.memory_space<vmem>>, vector<1x64xf32>
    %add3A_496 = vector.broadcast %get3A_495 : vector<1x64xf32> to vector<512x64xf32>
    %add3A_497 = arith.addf %add3A_492, %add3A_496 : vector<512x64xf32>
    %ge3A_498 = arith.constant 0.000000e+00 : f32
    %ge3A_499 = vector.broadcast %ge3A_498 : f32 to vector<512x64xf32>
    %ge3A_500 = arith.cmpf oge, %add3A_497, %ge3A_499 : vector<512x64xf32>
    %mul3A_501 = arith.constant 0.00999999977 : f32
    %mul3A_502 = vector.broadcast %mul3A_501 : f32 to vector<512x64xf32>
    %mul3A_503 = arith.mulf %mul3A_502, %add3A_497 : vector<512x64xf32>
    %select_n3A_504 = arith.select %ge3A_500, %add3A_497, %mul3A_503 : vector<512x64xi1>, vector<512x64xf32>
    %dot_general3A_505 = arith.constant dense<0.000000e+00> : vector<512x64xf32>
    %dot_general3A_506 = tpu.matmul %select_n3A_504, %get3A_1, %dot_general3A_505 {dimension_numbers = #tpu.dot_dimension_numbers<[1], [0], [0], [1], [0, 0, 1, 1], [], []>, transpose_lhs_hint = false} : vector<512x64xf32>, vector<64x64xf32>, vector<512x64xf32> -> vector<512x64xf32>
    %add3A_507 = vector.broadcast %get3A_4 : vector<1x64xf32> to vector<512x64xf32>
    %add3A_508 = arith.addf %dot_general3A_506, %add3A_507 : vector<512x64xf32>
    %ge3A_509 = arith.constant 0.000000e+00 : f32
    %ge3A_510 = vector.broadcast %ge3A_509 : f32 to vector<512x64xf32>
    %ge3A_511 = arith.cmpf oge, %add3A_508, %ge3A_510 : vector<512x64xf32>
    %mul3A_512 = arith.constant 0.00999999977 : f32
    %mul3A_513 = vector.broadcast %mul3A_512 : f32 to vector<512x64xf32>
    %mul3A_514 = arith.mulf %mul3A_513, %add3A_508 : vector<512x64xf32>
    %select_n3A_515 = arith.select %ge3A_511, %add3A_508, %mul3A_514 : vector<512x64xi1>, vector<512x64xf32>
    %add3A_516 = arith.addf %add3A_469, %select_n3A_515 : vector<512x64xf32>
    %get3A_517 = arith.constant 11 : index
    %get3A_518 = arith.constant 0 : index
    %get3A_519 = arith.constant 0 : index
    %get3A_520 = vector.load %arg1[%get3A_517, %get3A_518, %get3A_519] : memref<14x512x128xf32, #tpu.memory_space<vmem>>, vector<1x512x128xf32>
    %get3A_521 = vector.shape_cast %get3A_520 : vector<1x512x128xf32> to vector<512x128xf32>
    %slice3A_522 = vector.extract_strided_slice %get3A_521 {offsets = [0, 0], sizes = [512, 64], strides = [1, 1]} : vector<512x128xf32> to vector<512x64xf32>
    %get3A_523 = arith.constant 12 : index
    %get3A_524 = arith.constant 0 : index
    %get3A_525 = arith.constant 0 : index
    %get3A_526 = vector.load %arg1[%get3A_523, %get3A_524, %get3A_525] : memref<14x512x128xf32, #tpu.memory_space<vmem>>, vector<1x512x128xf32>
    %get3A_527 = vector.shape_cast %get3A_526 : vector<1x512x128xf32> to vector<512x128xf32>
    %slice3A_528 = vector.extract_strided_slice %get3A_527 {offsets = [0, 64], sizes = [512, 64], strides = [1, 1]} : vector<512x128xf32> to vector<512x64xf32>
    %add3A_529 = arith.addf %slice3A_522, %slice3A_528 : vector<512x64xf32>
    %get3A_530 = arith.constant 0 : index
    %get3A_531 = arith.constant 11 : index
    %get3A_532 = vector.load %arg2[%get3A_530, %get3A_531] : memref<512x28xf32, #tpu.memory_space<vmem>>, vector<512x1xf32>
    %get3A_533 = arith.constant 0 : index
    %get3A_534 = arith.constant 0 : index
    %get3A_535 = vector.load %arg3[%get3A_533, %get3A_534] : memref<1x64xf32, #tpu.memory_space<vmem>>, vector<1x64xf32>
    %mul3A_536 = vector.broadcast %get3A_532 : vector<512x1xf32> to vector<512x64xf32>
    %mul3A_537 = vector.broadcast %get3A_535 : vector<1x64xf32> to vector<512x64xf32>
    %mul3A_538 = arith.mulf %mul3A_536, %mul3A_537 : vector<512x64xf32>
    %add3A_539 = arith.addf %add3A_529, %mul3A_538 : vector<512x64xf32>
    %get3A_540 = arith.constant 0 : index
    %get3A_541 = arith.constant 0 : index
    %get3A_542 = vector.load %arg4[%get3A_540, %get3A_541] : memref<1x64xf32, #tpu.memory_space<vmem>>, vector<1x64xf32>
    %add3A_543 = vector.broadcast %get3A_542 : vector<1x64xf32> to vector<512x64xf32>
    %add3A_544 = arith.addf %add3A_539, %add3A_543 : vector<512x64xf32>
    %ge3A_545 = arith.constant 0.000000e+00 : f32
    %ge3A_546 = vector.broadcast %ge3A_545 : f32 to vector<512x64xf32>
    %ge3A_547 = arith.cmpf oge, %add3A_544, %ge3A_546 : vector<512x64xf32>
    %mul3A_548 = arith.constant 0.00999999977 : f32
    %mul3A_549 = vector.broadcast %mul3A_548 : f32 to vector<512x64xf32>
    %mul3A_550 = arith.mulf %mul3A_549, %add3A_544 : vector<512x64xf32>
    %select_n3A_551 = arith.select %ge3A_547, %add3A_544, %mul3A_550 : vector<512x64xi1>, vector<512x64xf32>
    %dot_general3A_552 = arith.constant dense<0.000000e+00> : vector<512x64xf32>
    %dot_general3A_553 = tpu.matmul %select_n3A_551, %get3A_1, %dot_general3A_552 {dimension_numbers = #tpu.dot_dimension_numbers<[1], [0], [0], [1], [0, 0, 1, 1], [], []>, transpose_lhs_hint = false} : vector<512x64xf32>, vector<64x64xf32>, vector<512x64xf32> -> vector<512x64xf32>
    %add3A_554 = vector.broadcast %get3A_4 : vector<1x64xf32> to vector<512x64xf32>
    %add3A_555 = arith.addf %dot_general3A_553, %add3A_554 : vector<512x64xf32>
    %ge3A_556 = arith.constant 0.000000e+00 : f32
    %ge3A_557 = vector.broadcast %ge3A_556 : f32 to vector<512x64xf32>
    %ge3A_558 = arith.cmpf oge, %add3A_555, %ge3A_557 : vector<512x64xf32>
    %mul3A_559 = arith.constant 0.00999999977 : f32
    %mul3A_560 = vector.broadcast %mul3A_559 : f32 to vector<512x64xf32>
    %mul3A_561 = arith.mulf %mul3A_560, %add3A_555 : vector<512x64xf32>
    %select_n3A_562 = arith.select %ge3A_558, %add3A_555, %mul3A_561 : vector<512x64xi1>, vector<512x64xf32>
    %add3A_563 = arith.addf %add3A_516, %select_n3A_562 : vector<512x64xf32>
    %get3A_564 = arith.constant 12 : index
    %get3A_565 = arith.constant 0 : index
    %get3A_566 = arith.constant 0 : index
    %get3A_567 = vector.load %arg1[%get3A_564, %get3A_565, %get3A_566] : memref<14x512x128xf32, #tpu.memory_space<vmem>>, vector<1x512x128xf32>
    %get3A_568 = vector.shape_cast %get3A_567 : vector<1x512x128xf32> to vector<512x128xf32>
    %slice3A_569 = vector.extract_strided_slice %get3A_568 {offsets = [0, 0], sizes = [512, 64], strides = [1, 1]} : vector<512x128xf32> to vector<512x64xf32>
    %get3A_570 = arith.constant 13 : index
    %get3A_571 = arith.constant 0 : index
    %get3A_572 = arith.constant 0 : index
    %get3A_573 = vector.load %arg1[%get3A_570, %get3A_571, %get3A_572] : memref<14x512x128xf32, #tpu.memory_space<vmem>>, vector<1x512x128xf32>
    %get3A_574 = vector.shape_cast %get3A_573 : vector<1x512x128xf32> to vector<512x128xf32>
    %slice3A_575 = vector.extract_strided_slice %get3A_574 {offsets = [0, 64], sizes = [512, 64], strides = [1, 1]} : vector<512x128xf32> to vector<512x64xf32>
    %add3A_576 = arith.addf %slice3A_569, %slice3A_575 : vector<512x64xf32>
    %get3A_577 = arith.constant 0 : index
    %get3A_578 = arith.constant 12 : index
    %get3A_579 = vector.load %arg2[%get3A_577, %get3A_578] : memref<512x28xf32, #tpu.memory_space<vmem>>, vector<512x1xf32>
    %get3A_580 = arith.constant 0 : index
    %get3A_581 = arith.constant 0 : index
    %get3A_582 = vector.load %arg3[%get3A_580, %get3A_581] : memref<1x64xf32, #tpu.memory_space<vmem>>, vector<1x64xf32>
    %mul3A_583 = vector.broadcast %get3A_579 : vector<512x1xf32> to vector<512x64xf32>
    %mul3A_584 = vector.broadcast %get3A_582 : vector<1x64xf32> to vector<512x64xf32>
    %mul3A_585 = arith.mulf %mul3A_583, %mul3A_584 : vector<512x64xf32>
    %add3A_586 = arith.addf %add3A_576, %mul3A_585 : vector<512x64xf32>
    %get3A_587 = arith.constant 0 : index
    %get3A_588 = arith.constant 0 : index
    %get3A_589 = vector.load %arg4[%get3A_587, %get3A_588] : memref<1x64xf32, #tpu.memory_space<vmem>>, vector<1x64xf32>
    %add3A_590 = vector.broadcast %get3A_589 : vector<1x64xf32> to vector<512x64xf32>
    %add3A_591 = arith.addf %add3A_586, %add3A_590 : vector<512x64xf32>
    %ge3A_592 = arith.constant 0.000000e+00 : f32
    %ge3A_593 = vector.broadcast %ge3A_592 : f32 to vector<512x64xf32>
    %ge3A_594 = arith.cmpf oge, %add3A_591, %ge3A_593 : vector<512x64xf32>
    %mul3A_595 = arith.constant 0.00999999977 : f32
    %mul3A_596 = vector.broadcast %mul3A_595 : f32 to vector<512x64xf32>
    %mul3A_597 = arith.mulf %mul3A_596, %add3A_591 : vector<512x64xf32>
    %select_n3A_598 = arith.select %ge3A_594, %add3A_591, %mul3A_597 : vector<512x64xi1>, vector<512x64xf32>
    %dot_general3A_599 = arith.constant dense<0.000000e+00> : vector<512x64xf32>
    %dot_general3A_600 = tpu.matmul %select_n3A_598, %get3A_1, %dot_general3A_599 {dimension_numbers = #tpu.dot_dimension_numbers<[1], [0], [0], [1], [0, 0, 1, 1], [], []>, transpose_lhs_hint = false} : vector<512x64xf32>, vector<64x64xf32>, vector<512x64xf32> -> vector<512x64xf32>
    %add3A_601 = vector.broadcast %get3A_4 : vector<1x64xf32> to vector<512x64xf32>
    %add3A_602 = arith.addf %dot_general3A_600, %add3A_601 : vector<512x64xf32>
    %ge3A_603 = arith.constant 0.000000e+00 : f32
    %ge3A_604 = vector.broadcast %ge3A_603 : f32 to vector<512x64xf32>
    %ge3A_605 = arith.cmpf oge, %add3A_602, %ge3A_604 : vector<512x64xf32>
    %mul3A_606 = arith.constant 0.00999999977 : f32
    %mul3A_607 = vector.broadcast %mul3A_606 : f32 to vector<512x64xf32>
    %mul3A_608 = arith.mulf %mul3A_607, %add3A_602 : vector<512x64xf32>
    %select_n3A_609 = arith.select %ge3A_605, %add3A_602, %mul3A_608 : vector<512x64xi1>, vector<512x64xf32>
    %add3A_610 = arith.addf %add3A_563, %select_n3A_609 : vector<512x64xf32>
    %get3A_611 = arith.constant 13 : index
    %get3A_612 = arith.constant 0 : index
    %get3A_613 = arith.constant 0 : index
    %get3A_614 = vector.load %arg1[%get3A_611, %get3A_612, %get3A_613] : memref<14x512x128xf32, #tpu.memory_space<vmem>>, vector<1x512x128xf32>
    %get3A_615 = vector.shape_cast %get3A_614 : vector<1x512x128xf32> to vector<512x128xf32>
    %slice3A_616 = vector.extract_strided_slice %get3A_615 {offsets = [0, 0], sizes = [512, 64], strides = [1, 1]} : vector<512x128xf32> to vector<512x64xf32>
    %get3A_617 = arith.constant 0 : index
    %get3A_618 = arith.constant 0 : index
    %get3A_619 = arith.constant 0 : index
    %get3A_620 = vector.load %arg1[%get3A_617, %get3A_618, %get3A_619] : memref<14x512x128xf32, #tpu.memory_space<vmem>>, vector<1x512x128xf32>
    %get3A_621 = vector.shape_cast %get3A_620 : vector<1x512x128xf32> to vector<512x128xf32>
    %slice3A_622 = vector.extract_strided_slice %get3A_621 {offsets = [0, 64], sizes = [512, 64], strides = [1, 1]} : vector<512x128xf32> to vector<512x64xf32>
    %add3A_623 = arith.addf %slice3A_616, %slice3A_622 : vector<512x64xf32>
    %get3A_624 = arith.constant 0 : index
    %get3A_625 = arith.constant 13 : index
    %get3A_626 = vector.load %arg2[%get3A_624, %get3A_625] : memref<512x28xf32, #tpu.memory_space<vmem>>, vector<512x1xf32>
    %get3A_627 = arith.constant 0 : index
    %get3A_628 = arith.constant 0 : index
    %get3A_629 = vector.load %arg3[%get3A_627, %get3A_628] : memref<1x64xf32, #tpu.memory_space<vmem>>, vector<1x64xf32>
    %mul3A_630 = vector.broadcast %get3A_626 : vector<512x1xf32> to vector<512x64xf32>
    %mul3A_631 = vector.broadcast %get3A_629 : vector<1x64xf32> to vector<512x64xf32>
    %mul3A_632 = arith.mulf %mul3A_630, %mul3A_631 : vector<512x64xf32>
    %add3A_633 = arith.addf %add3A_623, %mul3A_632 : vector<512x64xf32>
    %get3A_634 = arith.constant 0 : index
    %get3A_635 = arith.constant 0 : index
    %get3A_636 = vector.load %arg4[%get3A_634, %get3A_635] : memref<1x64xf32, #tpu.memory_space<vmem>>, vector<1x64xf32>
    %add3A_637 = vector.broadcast %get3A_636 : vector<1x64xf32> to vector<512x64xf32>
    %add3A_638 = arith.addf %add3A_633, %add3A_637 : vector<512x64xf32>
    %ge3A_639 = arith.constant 0.000000e+00 : f32
    %ge3A_640 = vector.broadcast %ge3A_639 : f32 to vector<512x64xf32>
    %ge3A_641 = arith.cmpf oge, %add3A_638, %ge3A_640 : vector<512x64xf32>
    %mul3A_642 = arith.constant 0.00999999977 : f32
    %mul3A_643 = vector.broadcast %mul3A_642 : f32 to vector<512x64xf32>
    %mul3A_644 = arith.mulf %mul3A_643, %add3A_638 : vector<512x64xf32>
    %select_n3A_645 = arith.select %ge3A_641, %add3A_638, %mul3A_644 : vector<512x64xi1>, vector<512x64xf32>
    %dot_general3A_646 = arith.constant dense<0.000000e+00> : vector<512x64xf32>
    %dot_general3A_647 = tpu.matmul %select_n3A_645, %get3A_1, %dot_general3A_646 {dimension_numbers = #tpu.dot_dimension_numbers<[1], [0], [0], [1], [0, 0, 1, 1], [], []>, transpose_lhs_hint = false} : vector<512x64xf32>, vector<64x64xf32>, vector<512x64xf32> -> vector<512x64xf32>
    %add3A_648 = vector.broadcast %get3A_4 : vector<1x64xf32> to vector<512x64xf32>
    %add3A_649 = arith.addf %dot_general3A_647, %add3A_648 : vector<512x64xf32>
    %ge3A_650 = arith.constant 0.000000e+00 : f32
    %ge3A_651 = vector.broadcast %ge3A_650 : f32 to vector<512x64xf32>
    %ge3A_652 = arith.cmpf oge, %add3A_649, %ge3A_651 : vector<512x64xf32>
    %mul3A_653 = arith.constant 0.00999999977 : f32
    %mul3A_654 = vector.broadcast %mul3A_653 : f32 to vector<512x64xf32>
    %mul3A_655 = arith.mulf %mul3A_654, %add3A_649 : vector<512x64xf32>
    %select_n3A_656 = arith.select %ge3A_652, %add3A_649, %mul3A_655 : vector<512x64xi1>, vector<512x64xf32>
    %add3A_657 = arith.addf %add3A_610, %select_n3A_656 : vector<512x64xf32>
    %get3A_658 = arith.constant 0 : index
    %get3A_659 = arith.constant 0 : index
    %get3A_660 = arith.constant 0 : index
    %get3A_661 = vector.load %arg1[%get3A_658, %get3A_659, %get3A_660] : memref<14x512x128xf32, #tpu.memory_space<vmem>>, vector<1x512x128xf32>
    %get3A_662 = vector.shape_cast %get3A_661 : vector<1x512x128xf32> to vector<512x128xf32>
    %slice3A_663 = vector.extract_strided_slice %get3A_662 {offsets = [0, 0], sizes = [512, 64], strides = [1, 1]} : vector<512x128xf32> to vector<512x64xf32>
    %get3A_664 = arith.constant 2 : index
    %get3A_665 = arith.constant 0 : index
    %get3A_666 = arith.constant 0 : index
    %get3A_667 = vector.load %arg1[%get3A_664, %get3A_665, %get3A_666] : memref<14x512x128xf32, #tpu.memory_space<vmem>>, vector<1x512x128xf32>
    %get3A_668 = vector.shape_cast %get3A_667 : vector<1x512x128xf32> to vector<512x128xf32>
    %slice3A_669 = vector.extract_strided_slice %get3A_668 {offsets = [0, 64], sizes = [512, 64], strides = [1, 1]} : vector<512x128xf32> to vector<512x64xf32>
    %add3A_670 = arith.addf %slice3A_663, %slice3A_669 : vector<512x64xf32>
    %get3A_671 = arith.constant 0 : index
    %get3A_672 = arith.constant 14 : index
    %get3A_673 = vector.load %arg2[%get3A_671, %get3A_672] : memref<512x28xf32, #tpu.memory_space<vmem>>, vector<512x1xf32>
    %get3A_674 = arith.constant 0 : index
    %get3A_675 = arith.constant 0 : index
    %get3A_676 = vector.load %arg3[%get3A_674, %get3A_675] : memref<1x64xf32, #tpu.memory_space<vmem>>, vector<1x64xf32>
    %mul3A_677 = vector.broadcast %get3A_673 : vector<512x1xf32> to vector<512x64xf32>
    %mul3A_678 = vector.broadcast %get3A_676 : vector<1x64xf32> to vector<512x64xf32>
    %mul3A_679 = arith.mulf %mul3A_677, %mul3A_678 : vector<512x64xf32>
    %add3A_680 = arith.addf %add3A_670, %mul3A_679 : vector<512x64xf32>
    %get3A_681 = arith.constant 0 : index
    %get3A_682 = arith.constant 0 : index
    %get3A_683 = vector.load %arg4[%get3A_681, %get3A_682] : memref<1x64xf32, #tpu.memory_space<vmem>>, vector<1x64xf32>
    %add3A_684 = vector.broadcast %get3A_683 : vector<1x64xf32> to vector<512x64xf32>
    %add3A_685 = arith.addf %add3A_680, %add3A_684 : vector<512x64xf32>
    %ge3A_686 = arith.constant 0.000000e+00 : f32
    %ge3A_687 = vector.broadcast %ge3A_686 : f32 to vector<512x64xf32>
    %ge3A_688 = arith.cmpf oge, %add3A_685, %ge3A_687 : vector<512x64xf32>
    %mul3A_689 = arith.constant 0.00999999977 : f32
    %mul3A_690 = vector.broadcast %mul3A_689 : f32 to vector<512x64xf32>
    %mul3A_691 = arith.mulf %mul3A_690, %add3A_685 : vector<512x64xf32>
    %select_n3A_692 = arith.select %ge3A_688, %add3A_685, %mul3A_691 : vector<512x64xi1>, vector<512x64xf32>
    %dot_general3A_693 = arith.constant dense<0.000000e+00> : vector<512x64xf32>
    %dot_general3A_694 = tpu.matmul %select_n3A_692, %get3A_1, %dot_general3A_693 {dimension_numbers = #tpu.dot_dimension_numbers<[1], [0], [0], [1], [0, 0, 1, 1], [], []>, transpose_lhs_hint = false} : vector<512x64xf32>, vector<64x64xf32>, vector<512x64xf32> -> vector<512x64xf32>
    %add3A_695 = vector.broadcast %get3A_4 : vector<1x64xf32> to vector<512x64xf32>
    %add3A_696 = arith.addf %dot_general3A_694, %add3A_695 : vector<512x64xf32>
    %ge3A_697 = arith.constant 0.000000e+00 : f32
    %ge3A_698 = vector.broadcast %ge3A_697 : f32 to vector<512x64xf32>
    %ge3A_699 = arith.cmpf oge, %add3A_696, %ge3A_698 : vector<512x64xf32>
    %mul3A_700 = arith.constant 0.00999999977 : f32
    %mul3A_701 = vector.broadcast %mul3A_700 : f32 to vector<512x64xf32>
    %mul3A_702 = arith.mulf %mul3A_701, %add3A_696 : vector<512x64xf32>
    %select_n3A_703 = arith.select %ge3A_699, %add3A_696, %mul3A_702 : vector<512x64xi1>, vector<512x64xf32>
    %add3A_704 = arith.addf %add3A_657, %select_n3A_703 : vector<512x64xf32>
    %get3A_705 = arith.constant 1 : index
    %get3A_706 = arith.constant 0 : index
    %get3A_707 = arith.constant 0 : index
    %get3A_708 = vector.load %arg1[%get3A_705, %get3A_706, %get3A_707] : memref<14x512x128xf32, #tpu.memory_space<vmem>>, vector<1x512x128xf32>
    %get3A_709 = vector.shape_cast %get3A_708 : vector<1x512x128xf32> to vector<512x128xf32>
    %slice3A_710 = vector.extract_strided_slice %get3A_709 {offsets = [0, 0], sizes = [512, 64], strides = [1, 1]} : vector<512x128xf32> to vector<512x64xf32>
    %get3A_711 = arith.constant 3 : index
    %get3A_712 = arith.constant 0 : index
    %get3A_713 = arith.constant 0 : index
    %get3A_714 = vector.load %arg1[%get3A_711, %get3A_712, %get3A_713] : memref<14x512x128xf32, #tpu.memory_space<vmem>>, vector<1x512x128xf32>
    %get3A_715 = vector.shape_cast %get3A_714 : vector<1x512x128xf32> to vector<512x128xf32>
    %slice3A_716 = vector.extract_strided_slice %get3A_715 {offsets = [0, 64], sizes = [512, 64], strides = [1, 1]} : vector<512x128xf32> to vector<512x64xf32>
    %add3A_717 = arith.addf %slice3A_710, %slice3A_716 : vector<512x64xf32>
    %get3A_718 = arith.constant 0 : index
    %get3A_719 = arith.constant 15 : index
    %get3A_720 = vector.load %arg2[%get3A_718, %get3A_719] : memref<512x28xf32, #tpu.memory_space<vmem>>, vector<512x1xf32>
    %get3A_721 = arith.constant 0 : index
    %get3A_722 = arith.constant 0 : index
    %get3A_723 = vector.load %arg3[%get3A_721, %get3A_722] : memref<1x64xf32, #tpu.memory_space<vmem>>, vector<1x64xf32>
    %mul3A_724 = vector.broadcast %get3A_720 : vector<512x1xf32> to vector<512x64xf32>
    %mul3A_725 = vector.broadcast %get3A_723 : vector<1x64xf32> to vector<512x64xf32>
    %mul3A_726 = arith.mulf %mul3A_724, %mul3A_725 : vector<512x64xf32>
    %add3A_727 = arith.addf %add3A_717, %mul3A_726 : vector<512x64xf32>
    %get3A_728 = arith.constant 0 : index
    %get3A_729 = arith.constant 0 : index
    %get3A_730 = vector.load %arg4[%get3A_728, %get3A_729] : memref<1x64xf32, #tpu.memory_space<vmem>>, vector<1x64xf32>
    %add3A_731 = vector.broadcast %get3A_730 : vector<1x64xf32> to vector<512x64xf32>
    %add3A_732 = arith.addf %add3A_727, %add3A_731 : vector<512x64xf32>
    %ge3A_733 = arith.constant 0.000000e+00 : f32
    %ge3A_734 = vector.broadcast %ge3A_733 : f32 to vector<512x64xf32>
    %ge3A_735 = arith.cmpf oge, %add3A_732, %ge3A_734 : vector<512x64xf32>
    %mul3A_736 = arith.constant 0.00999999977 : f32
    %mul3A_737 = vector.broadcast %mul3A_736 : f32 to vector<512x64xf32>
    %mul3A_738 = arith.mulf %mul3A_737, %add3A_732 : vector<512x64xf32>
    %select_n3A_739 = arith.select %ge3A_735, %add3A_732, %mul3A_738 : vector<512x64xi1>, vector<512x64xf32>
    %dot_general3A_740 = arith.constant dense<0.000000e+00> : vector<512x64xf32>
    %dot_general3A_741 = tpu.matmul %select_n3A_739, %get3A_1, %dot_general3A_740 {dimension_numbers = #tpu.dot_dimension_numbers<[1], [0], [0], [1], [0, 0, 1, 1], [], []>, transpose_lhs_hint = false} : vector<512x64xf32>, vector<64x64xf32>, vector<512x64xf32> -> vector<512x64xf32>
    %add3A_742 = vector.broadcast %get3A_4 : vector<1x64xf32> to vector<512x64xf32>
    %add3A_743 = arith.addf %dot_general3A_741, %add3A_742 : vector<512x64xf32>
    %ge3A_744 = arith.constant 0.000000e+00 : f32
    %ge3A_745 = vector.broadcast %ge3A_744 : f32 to vector<512x64xf32>
    %ge3A_746 = arith.cmpf oge, %add3A_743, %ge3A_745 : vector<512x64xf32>
    %mul3A_747 = arith.constant 0.00999999977 : f32
    %mul3A_748 = vector.broadcast %mul3A_747 : f32 to vector<512x64xf32>
    %mul3A_749 = arith.mulf %mul3A_748, %add3A_743 : vector<512x64xf32>
    %select_n3A_750 = arith.select %ge3A_746, %add3A_743, %mul3A_749 : vector<512x64xi1>, vector<512x64xf32>
    %add3A_751 = arith.addf %add3A_704, %select_n3A_750 : vector<512x64xf32>
    %get3A_752 = arith.constant 2 : index
    %get3A_753 = arith.constant 0 : index
    %get3A_754 = arith.constant 0 : index
    %get3A_755 = vector.load %arg1[%get3A_752, %get3A_753, %get3A_754] : memref<14x512x128xf32, #tpu.memory_space<vmem>>, vector<1x512x128xf32>
    %get3A_756 = vector.shape_cast %get3A_755 : vector<1x512x128xf32> to vector<512x128xf32>
    %slice3A_757 = vector.extract_strided_slice %get3A_756 {offsets = [0, 0], sizes = [512, 64], strides = [1, 1]} : vector<512x128xf32> to vector<512x64xf32>
    %get3A_758 = arith.constant 4 : index
    %get3A_759 = arith.constant 0 : index
    %get3A_760 = arith.constant 0 : index
    %get3A_761 = vector.load %arg1[%get3A_758, %get3A_759, %get3A_760] : memref<14x512x128xf32, #tpu.memory_space<vmem>>, vector<1x512x128xf32>
    %get3A_762 = vector.shape_cast %get3A_761 : vector<1x512x128xf32> to vector<512x128xf32>
    %slice3A_763 = vector.extract_strided_slice %get3A_762 {offsets = [0, 64], sizes = [512, 64], strides = [1, 1]} : vector<512x128xf32> to vector<512x64xf32>
    %add3A_764 = arith.addf %slice3A_757, %slice3A_763 : vector<512x64xf32>
    %get3A_765 = arith.constant 0 : index
    %get3A_766 = arith.constant 16 : index
    %get3A_767 = vector.load %arg2[%get3A_765, %get3A_766] : memref<512x28xf32, #tpu.memory_space<vmem>>, vector<512x1xf32>
    %get3A_768 = arith.constant 0 : index
    %get3A_769 = arith.constant 0 : index
    %get3A_770 = vector.load %arg3[%get3A_768, %get3A_769] : memref<1x64xf32, #tpu.memory_space<vmem>>, vector<1x64xf32>
    %mul3A_771 = vector.broadcast %get3A_767 : vector<512x1xf32> to vector<512x64xf32>
    %mul3A_772 = vector.broadcast %get3A_770 : vector<1x64xf32> to vector<512x64xf32>
    %mul3A_773 = arith.mulf %mul3A_771, %mul3A_772 : vector<512x64xf32>
    %add3A_774 = arith.addf %add3A_764, %mul3A_773 : vector<512x64xf32>
    %get3A_775 = arith.constant 0 : index
    %get3A_776 = arith.constant 0 : index
    %get3A_777 = vector.load %arg4[%get3A_775, %get3A_776] : memref<1x64xf32, #tpu.memory_space<vmem>>, vector<1x64xf32>
    %add3A_778 = vector.broadcast %get3A_777 : vector<1x64xf32> to vector<512x64xf32>
    %add3A_779 = arith.addf %add3A_774, %add3A_778 : vector<512x64xf32>
    %ge3A_780 = arith.constant 0.000000e+00 : f32
    %ge3A_781 = vector.broadcast %ge3A_780 : f32 to vector<512x64xf32>
    %ge3A_782 = arith.cmpf oge, %add3A_779, %ge3A_781 : vector<512x64xf32>
    %mul3A_783 = arith.constant 0.00999999977 : f32
    %mul3A_784 = vector.broadcast %mul3A_783 : f32 to vector<512x64xf32>
    %mul3A_785 = arith.mulf %mul3A_784, %add3A_779 : vector<512x64xf32>
    %select_n3A_786 = arith.select %ge3A_782, %add3A_779, %mul3A_785 : vector<512x64xi1>, vector<512x64xf32>
    %dot_general3A_787 = arith.constant dense<0.000000e+00> : vector<512x64xf32>
    %dot_general3A_788 = tpu.matmul %select_n3A_786, %get3A_1, %dot_general3A_787 {dimension_numbers = #tpu.dot_dimension_numbers<[1], [0], [0], [1], [0, 0, 1, 1], [], []>, transpose_lhs_hint = false} : vector<512x64xf32>, vector<64x64xf32>, vector<512x64xf32> -> vector<512x64xf32>
    %add3A_789 = vector.broadcast %get3A_4 : vector<1x64xf32> to vector<512x64xf32>
    %add3A_790 = arith.addf %dot_general3A_788, %add3A_789 : vector<512x64xf32>
    %ge3A_791 = arith.constant 0.000000e+00 : f32
    %ge3A_792 = vector.broadcast %ge3A_791 : f32 to vector<512x64xf32>
    %ge3A_793 = arith.cmpf oge, %add3A_790, %ge3A_792 : vector<512x64xf32>
    %mul3A_794 = arith.constant 0.00999999977 : f32
    %mul3A_795 = vector.broadcast %mul3A_794 : f32 to vector<512x64xf32>
    %mul3A_796 = arith.mulf %mul3A_795, %add3A_790 : vector<512x64xf32>
    %select_n3A_797 = arith.select %ge3A_793, %add3A_790, %mul3A_796 : vector<512x64xi1>, vector<512x64xf32>
    %add3A_798 = arith.addf %add3A_751, %select_n3A_797 : vector<512x64xf32>
    %get3A_799 = arith.constant 3 : index
    %get3A_800 = arith.constant 0 : index
    %get3A_801 = arith.constant 0 : index
    %get3A_802 = vector.load %arg1[%get3A_799, %get3A_800, %get3A_801] : memref<14x512x128xf32, #tpu.memory_space<vmem>>, vector<1x512x128xf32>
    %get3A_803 = vector.shape_cast %get3A_802 : vector<1x512x128xf32> to vector<512x128xf32>
    %slice3A_804 = vector.extract_strided_slice %get3A_803 {offsets = [0, 0], sizes = [512, 64], strides = [1, 1]} : vector<512x128xf32> to vector<512x64xf32>
    %get3A_805 = arith.constant 5 : index
    %get3A_806 = arith.constant 0 : index
    %get3A_807 = arith.constant 0 : index
    %get3A_808 = vector.load %arg1[%get3A_805, %get3A_806, %get3A_807] : memref<14x512x128xf32, #tpu.memory_space<vmem>>, vector<1x512x128xf32>
    %get3A_809 = vector.shape_cast %get3A_808 : vector<1x512x128xf32> to vector<512x128xf32>
    %slice3A_810 = vector.extract_strided_slice %get3A_809 {offsets = [0, 64], sizes = [512, 64], strides = [1, 1]} : vector<512x128xf32> to vector<512x64xf32>
    %add3A_811 = arith.addf %slice3A_804, %slice3A_810 : vector<512x64xf32>
    %get3A_812 = arith.constant 0 : index
    %get3A_813 = arith.constant 17 : index
    %get3A_814 = vector.load %arg2[%get3A_812, %get3A_813] : memref<512x28xf32, #tpu.memory_space<vmem>>, vector<512x1xf32>
    %get3A_815 = arith.constant 0 : index
    %get3A_816 = arith.constant 0 : index
    %get3A_817 = vector.load %arg3[%get3A_815, %get3A_816] : memref<1x64xf32, #tpu.memory_space<vmem>>, vector<1x64xf32>
    %mul3A_818 = vector.broadcast %get3A_814 : vector<512x1xf32> to vector<512x64xf32>
    %mul3A_819 = vector.broadcast %get3A_817 : vector<1x64xf32> to vector<512x64xf32>
    %mul3A_820 = arith.mulf %mul3A_818, %mul3A_819 : vector<512x64xf32>
    %add3A_821 = arith.addf %add3A_811, %mul3A_820 : vector<512x64xf32>
    %get3A_822 = arith.constant 0 : index
    %get3A_823 = arith.constant 0 : index
    %get3A_824 = vector.load %arg4[%get3A_822, %get3A_823] : memref<1x64xf32, #tpu.memory_space<vmem>>, vector<1x64xf32>
    %add3A_825 = vector.broadcast %get3A_824 : vector<1x64xf32> to vector<512x64xf32>
    %add3A_826 = arith.addf %add3A_821, %add3A_825 : vector<512x64xf32>
    %ge3A_827 = arith.constant 0.000000e+00 : f32
    %ge3A_828 = vector.broadcast %ge3A_827 : f32 to vector<512x64xf32>
    %ge3A_829 = arith.cmpf oge, %add3A_826, %ge3A_828 : vector<512x64xf32>
    %mul3A_830 = arith.constant 0.00999999977 : f32
    %mul3A_831 = vector.broadcast %mul3A_830 : f32 to vector<512x64xf32>
    %mul3A_832 = arith.mulf %mul3A_831, %add3A_826 : vector<512x64xf32>
    %select_n3A_833 = arith.select %ge3A_829, %add3A_826, %mul3A_832 : vector<512x64xi1>, vector<512x64xf32>
    %dot_general3A_834 = arith.constant dense<0.000000e+00> : vector<512x64xf32>
    %dot_general3A_835 = tpu.matmul %select_n3A_833, %get3A_1, %dot_general3A_834 {dimension_numbers = #tpu.dot_dimension_numbers<[1], [0], [0], [1], [0, 0, 1, 1], [], []>, transpose_lhs_hint = false} : vector<512x64xf32>, vector<64x64xf32>, vector<512x64xf32> -> vector<512x64xf32>
    %add3A_836 = vector.broadcast %get3A_4 : vector<1x64xf32> to vector<512x64xf32>
    %add3A_837 = arith.addf %dot_general3A_835, %add3A_836 : vector<512x64xf32>
    %ge3A_838 = arith.constant 0.000000e+00 : f32
    %ge3A_839 = vector.broadcast %ge3A_838 : f32 to vector<512x64xf32>
    %ge3A_840 = arith.cmpf oge, %add3A_837, %ge3A_839 : vector<512x64xf32>
    %mul3A_841 = arith.constant 0.00999999977 : f32
    %mul3A_842 = vector.broadcast %mul3A_841 : f32 to vector<512x64xf32>
    %mul3A_843 = arith.mulf %mul3A_842, %add3A_837 : vector<512x64xf32>
    %select_n3A_844 = arith.select %ge3A_840, %add3A_837, %mul3A_843 : vector<512x64xi1>, vector<512x64xf32>
    %add3A_845 = arith.addf %add3A_798, %select_n3A_844 : vector<512x64xf32>
    %get3A_846 = arith.constant 4 : index
    %get3A_847 = arith.constant 0 : index
    %get3A_848 = arith.constant 0 : index
    %get3A_849 = vector.load %arg1[%get3A_846, %get3A_847, %get3A_848] : memref<14x512x128xf32, #tpu.memory_space<vmem>>, vector<1x512x128xf32>
    %get3A_850 = vector.shape_cast %get3A_849 : vector<1x512x128xf32> to vector<512x128xf32>
    %slice3A_851 = vector.extract_strided_slice %get3A_850 {offsets = [0, 0], sizes = [512, 64], strides = [1, 1]} : vector<512x128xf32> to vector<512x64xf32>
    %get3A_852 = arith.constant 6 : index
    %get3A_853 = arith.constant 0 : index
    %get3A_854 = arith.constant 0 : index
    %get3A_855 = vector.load %arg1[%get3A_852, %get3A_853, %get3A_854] : memref<14x512x128xf32, #tpu.memory_space<vmem>>, vector<1x512x128xf32>
    %get3A_856 = vector.shape_cast %get3A_855 : vector<1x512x128xf32> to vector<512x128xf32>
    %slice3A_857 = vector.extract_strided_slice %get3A_856 {offsets = [0, 64], sizes = [512, 64], strides = [1, 1]} : vector<512x128xf32> to vector<512x64xf32>
    %add3A_858 = arith.addf %slice3A_851, %slice3A_857 : vector<512x64xf32>
    %get3A_859 = arith.constant 0 : index
    %get3A_860 = arith.constant 18 : index
    %get3A_861 = vector.load %arg2[%get3A_859, %get3A_860] : memref<512x28xf32, #tpu.memory_space<vmem>>, vector<512x1xf32>
    %get3A_862 = arith.constant 0 : index
    %get3A_863 = arith.constant 0 : index
    %get3A_864 = vector.load %arg3[%get3A_862, %get3A_863] : memref<1x64xf32, #tpu.memory_space<vmem>>, vector<1x64xf32>
    %mul3A_865 = vector.broadcast %get3A_861 : vector<512x1xf32> to vector<512x64xf32>
    %mul3A_866 = vector.broadcast %get3A_864 : vector<1x64xf32> to vector<512x64xf32>
    %mul3A_867 = arith.mulf %mul3A_865, %mul3A_866 : vector<512x64xf32>
    %add3A_868 = arith.addf %add3A_858, %mul3A_867 : vector<512x64xf32>
    %get3A_869 = arith.constant 0 : index
    %get3A_870 = arith.constant 0 : index
    %get3A_871 = vector.load %arg4[%get3A_869, %get3A_870] : memref<1x64xf32, #tpu.memory_space<vmem>>, vector<1x64xf32>
    %add3A_872 = vector.broadcast %get3A_871 : vector<1x64xf32> to vector<512x64xf32>
    %add3A_873 = arith.addf %add3A_868, %add3A_872 : vector<512x64xf32>
    %ge3A_874 = arith.constant 0.000000e+00 : f32
    %ge3A_875 = vector.broadcast %ge3A_874 : f32 to vector<512x64xf32>
    %ge3A_876 = arith.cmpf oge, %add3A_873, %ge3A_875 : vector<512x64xf32>
    %mul3A_877 = arith.constant 0.00999999977 : f32
    %mul3A_878 = vector.broadcast %mul3A_877 : f32 to vector<512x64xf32>
    %mul3A_879 = arith.mulf %mul3A_878, %add3A_873 : vector<512x64xf32>
    %select_n3A_880 = arith.select %ge3A_876, %add3A_873, %mul3A_879 : vector<512x64xi1>, vector<512x64xf32>
    %dot_general3A_881 = arith.constant dense<0.000000e+00> : vector<512x64xf32>
    %dot_general3A_882 = tpu.matmul %select_n3A_880, %get3A_1, %dot_general3A_881 {dimension_numbers = #tpu.dot_dimension_numbers<[1], [0], [0], [1], [0, 0, 1, 1], [], []>, transpose_lhs_hint = false} : vector<512x64xf32>, vector<64x64xf32>, vector<512x64xf32> -> vector<512x64xf32>
    %add3A_883 = vector.broadcast %get3A_4 : vector<1x64xf32> to vector<512x64xf32>
    %add3A_884 = arith.addf %dot_general3A_882, %add3A_883 : vector<512x64xf32>
    %ge3A_885 = arith.constant 0.000000e+00 : f32
    %ge3A_886 = vector.broadcast %ge3A_885 : f32 to vector<512x64xf32>
    %ge3A_887 = arith.cmpf oge, %add3A_884, %ge3A_886 : vector<512x64xf32>
    %mul3A_888 = arith.constant 0.00999999977 : f32
    %mul3A_889 = vector.broadcast %mul3A_888 : f32 to vector<512x64xf32>
    %mul3A_890 = arith.mulf %mul3A_889, %add3A_884 : vector<512x64xf32>
    %select_n3A_891 = arith.select %ge3A_887, %add3A_884, %mul3A_890 : vector<512x64xi1>, vector<512x64xf32>
    %add3A_892 = arith.addf %add3A_845, %select_n3A_891 : vector<512x64xf32>
    %get3A_893 = arith.constant 5 : index
    %get3A_894 = arith.constant 0 : index
    %get3A_895 = arith.constant 0 : index
    %get3A_896 = vector.load %arg1[%get3A_893, %get3A_894, %get3A_895] : memref<14x512x128xf32, #tpu.memory_space<vmem>>, vector<1x512x128xf32>
    %get3A_897 = vector.shape_cast %get3A_896 : vector<1x512x128xf32> to vector<512x128xf32>
    %slice3A_898 = vector.extract_strided_slice %get3A_897 {offsets = [0, 0], sizes = [512, 64], strides = [1, 1]} : vector<512x128xf32> to vector<512x64xf32>
    %get3A_899 = arith.constant 7 : index
    %get3A_900 = arith.constant 0 : index
    %get3A_901 = arith.constant 0 : index
    %get3A_902 = vector.load %arg1[%get3A_899, %get3A_900, %get3A_901] : memref<14x512x128xf32, #tpu.memory_space<vmem>>, vector<1x512x128xf32>
    %get3A_903 = vector.shape_cast %get3A_902 : vector<1x512x128xf32> to vector<512x128xf32>
    %slice3A_904 = vector.extract_strided_slice %get3A_903 {offsets = [0, 64], sizes = [512, 64], strides = [1, 1]} : vector<512x128xf32> to vector<512x64xf32>
    %add3A_905 = arith.addf %slice3A_898, %slice3A_904 : vector<512x64xf32>
    %get3A_906 = arith.constant 0 : index
    %get3A_907 = arith.constant 19 : index
    %get3A_908 = vector.load %arg2[%get3A_906, %get3A_907] : memref<512x28xf32, #tpu.memory_space<vmem>>, vector<512x1xf32>
    %get3A_909 = arith.constant 0 : index
    %get3A_910 = arith.constant 0 : index
    %get3A_911 = vector.load %arg3[%get3A_909, %get3A_910] : memref<1x64xf32, #tpu.memory_space<vmem>>, vector<1x64xf32>
    %mul3A_912 = vector.broadcast %get3A_908 : vector<512x1xf32> to vector<512x64xf32>
    %mul3A_913 = vector.broadcast %get3A_911 : vector<1x64xf32> to vector<512x64xf32>
    %mul3A_914 = arith.mulf %mul3A_912, %mul3A_913 : vector<512x64xf32>
    %add3A_915 = arith.addf %add3A_905, %mul3A_914 : vector<512x64xf32>
    %get3A_916 = arith.constant 0 : index
    %get3A_917 = arith.constant 0 : index
    %get3A_918 = vector.load %arg4[%get3A_916, %get3A_917] : memref<1x64xf32, #tpu.memory_space<vmem>>, vector<1x64xf32>
    %add3A_919 = vector.broadcast %get3A_918 : vector<1x64xf32> to vector<512x64xf32>
    %add3A_920 = arith.addf %add3A_915, %add3A_919 : vector<512x64xf32>
    %ge3A_921 = arith.constant 0.000000e+00 : f32
    %ge3A_922 = vector.broadcast %ge3A_921 : f32 to vector<512x64xf32>
    %ge3A_923 = arith.cmpf oge, %add3A_920, %ge3A_922 : vector<512x64xf32>
    %mul3A_924 = arith.constant 0.00999999977 : f32
    %mul3A_925 = vector.broadcast %mul3A_924 : f32 to vector<512x64xf32>
    %mul3A_926 = arith.mulf %mul3A_925, %add3A_920 : vector<512x64xf32>
    %select_n3A_927 = arith.select %ge3A_923, %add3A_920, %mul3A_926 : vector<512x64xi1>, vector<512x64xf32>
    %dot_general3A_928 = arith.constant dense<0.000000e+00> : vector<512x64xf32>
    %dot_general3A_929 = tpu.matmul %select_n3A_927, %get3A_1, %dot_general3A_928 {dimension_numbers = #tpu.dot_dimension_numbers<[1], [0], [0], [1], [0, 0, 1, 1], [], []>, transpose_lhs_hint = false} : vector<512x64xf32>, vector<64x64xf32>, vector<512x64xf32> -> vector<512x64xf32>
    %add3A_930 = vector.broadcast %get3A_4 : vector<1x64xf32> to vector<512x64xf32>
    %add3A_931 = arith.addf %dot_general3A_929, %add3A_930 : vector<512x64xf32>
    %ge3A_932 = arith.constant 0.000000e+00 : f32
    %ge3A_933 = vector.broadcast %ge3A_932 : f32 to vector<512x64xf32>
    %ge3A_934 = arith.cmpf oge, %add3A_931, %ge3A_933 : vector<512x64xf32>
    %mul3A_935 = arith.constant 0.00999999977 : f32
    %mul3A_936 = vector.broadcast %mul3A_935 : f32 to vector<512x64xf32>
    %mul3A_937 = arith.mulf %mul3A_936, %add3A_931 : vector<512x64xf32>
    %select_n3A_938 = arith.select %ge3A_934, %add3A_931, %mul3A_937 : vector<512x64xi1>, vector<512x64xf32>
    %add3A_939 = arith.addf %add3A_892, %select_n3A_938 : vector<512x64xf32>
    %get3A_940 = arith.constant 6 : index
    %get3A_941 = arith.constant 0 : index
    %get3A_942 = arith.constant 0 : index
    %get3A_943 = vector.load %arg1[%get3A_940, %get3A_941, %get3A_942] : memref<14x512x128xf32, #tpu.memory_space<vmem>>, vector<1x512x128xf32>
    %get3A_944 = vector.shape_cast %get3A_943 : vector<1x512x128xf32> to vector<512x128xf32>
    %slice3A_945 = vector.extract_strided_slice %get3A_944 {offsets = [0, 0], sizes = [512, 64], strides = [1, 1]} : vector<512x128xf32> to vector<512x64xf32>
    %get3A_946 = arith.constant 8 : index
    %get3A_947 = arith.constant 0 : index
    %get3A_948 = arith.constant 0 : index
    %get3A_949 = vector.load %arg1[%get3A_946, %get3A_947, %get3A_948] : memref<14x512x128xf32, #tpu.memory_space<vmem>>, vector<1x512x128xf32>
    %get3A_950 = vector.shape_cast %get3A_949 : vector<1x512x128xf32> to vector<512x128xf32>
    %slice3A_951 = vector.extract_strided_slice %get3A_950 {offsets = [0, 64], sizes = [512, 64], strides = [1, 1]} : vector<512x128xf32> to vector<512x64xf32>
    %add3A_952 = arith.addf %slice3A_945, %slice3A_951 : vector<512x64xf32>
    %get3A_953 = arith.constant 0 : index
    %get3A_954 = arith.constant 20 : index
    %get3A_955 = vector.load %arg2[%get3A_953, %get3A_954] : memref<512x28xf32, #tpu.memory_space<vmem>>, vector<512x1xf32>
    %get3A_956 = arith.constant 0 : index
    %get3A_957 = arith.constant 0 : index
    %get3A_958 = vector.load %arg3[%get3A_956, %get3A_957] : memref<1x64xf32, #tpu.memory_space<vmem>>, vector<1x64xf32>
    %mul3A_959 = vector.broadcast %get3A_955 : vector<512x1xf32> to vector<512x64xf32>
    %mul3A_960 = vector.broadcast %get3A_958 : vector<1x64xf32> to vector<512x64xf32>
    %mul3A_961 = arith.mulf %mul3A_959, %mul3A_960 : vector<512x64xf32>
    %add3A_962 = arith.addf %add3A_952, %mul3A_961 : vector<512x64xf32>
    %get3A_963 = arith.constant 0 : index
    %get3A_964 = arith.constant 0 : index
    %get3A_965 = vector.load %arg4[%get3A_963, %get3A_964] : memref<1x64xf32, #tpu.memory_space<vmem>>, vector<1x64xf32>
    %add3A_966 = vector.broadcast %get3A_965 : vector<1x64xf32> to vector<512x64xf32>
    %add3A_967 = arith.addf %add3A_962, %add3A_966 : vector<512x64xf32>
    %ge3A_968 = arith.constant 0.000000e+00 : f32
    %ge3A_969 = vector.broadcast %ge3A_968 : f32 to vector<512x64xf32>
    %ge3A_970 = arith.cmpf oge, %add3A_967, %ge3A_969 : vector<512x64xf32>
    %mul3A_971 = arith.constant 0.00999999977 : f32
    %mul3A_972 = vector.broadcast %mul3A_971 : f32 to vector<512x64xf32>
    %mul3A_973 = arith.mulf %mul3A_972, %add3A_967 : vector<512x64xf32>
    %select_n3A_974 = arith.select %ge3A_970, %add3A_967, %mul3A_973 : vector<512x64xi1>, vector<512x64xf32>
    %dot_general3A_975 = arith.constant dense<0.000000e+00> : vector<512x64xf32>
    %dot_general3A_976 = tpu.matmul %select_n3A_974, %get3A_1, %dot_general3A_975 {dimension_numbers = #tpu.dot_dimension_numbers<[1], [0], [0], [1], [0, 0, 1, 1], [], []>, transpose_lhs_hint = false} : vector<512x64xf32>, vector<64x64xf32>, vector<512x64xf32> -> vector<512x64xf32>
    %add3A_977 = vector.broadcast %get3A_4 : vector<1x64xf32> to vector<512x64xf32>
    %add3A_978 = arith.addf %dot_general3A_976, %add3A_977 : vector<512x64xf32>
    %ge3A_979 = arith.constant 0.000000e+00 : f32
    %ge3A_980 = vector.broadcast %ge3A_979 : f32 to vector<512x64xf32>
    %ge3A_981 = arith.cmpf oge, %add3A_978, %ge3A_980 : vector<512x64xf32>
    %mul3A_982 = arith.constant 0.00999999977 : f32
    %mul3A_983 = vector.broadcast %mul3A_982 : f32 to vector<512x64xf32>
    %mul3A_984 = arith.mulf %mul3A_983, %add3A_978 : vector<512x64xf32>
    %select_n3A_985 = arith.select %ge3A_981, %add3A_978, %mul3A_984 : vector<512x64xi1>, vector<512x64xf32>
    %add3A_986 = arith.addf %add3A_939, %select_n3A_985 : vector<512x64xf32>
    %get3A_987 = arith.constant 7 : index
    %get3A_988 = arith.constant 0 : index
    %get3A_989 = arith.constant 0 : index
    %get3A_990 = vector.load %arg1[%get3A_987, %get3A_988, %get3A_989] : memref<14x512x128xf32, #tpu.memory_space<vmem>>, vector<1x512x128xf32>
    %get3A_991 = vector.shape_cast %get3A_990 : vector<1x512x128xf32> to vector<512x128xf32>
    %slice3A_992 = vector.extract_strided_slice %get3A_991 {offsets = [0, 0], sizes = [512, 64], strides = [1, 1]} : vector<512x128xf32> to vector<512x64xf32>
    %get3A_993 = arith.constant 9 : index
    %get3A_994 = arith.constant 0 : index
    %get3A_995 = arith.constant 0 : index
    %get3A_996 = vector.load %arg1[%get3A_993, %get3A_994, %get3A_995] : memref<14x512x128xf32, #tpu.memory_space<vmem>>, vector<1x512x128xf32>
    %get3A_997 = vector.shape_cast %get3A_996 : vector<1x512x128xf32> to vector<512x128xf32>
    %slice3A_998 = vector.extract_strided_slice %get3A_997 {offsets = [0, 64], sizes = [512, 64], strides = [1, 1]} : vector<512x128xf32> to vector<512x64xf32>
    %add3A_999 = arith.addf %slice3A_992, %slice3A_998 : vector<512x64xf32>
    %get3A_1000 = arith.constant 0 : index
    %get3A_1001 = arith.constant 21 : index
    %get3A_1002 = vector.load %arg2[%get3A_1000, %get3A_1001] : memref<512x28xf32, #tpu.memory_space<vmem>>, vector<512x1xf32>
    %get3A_1003 = arith.constant 0 : index
    %get3A_1004 = arith.constant 0 : index
    %get3A_1005 = vector.load %arg3[%get3A_1003, %get3A_1004] : memref<1x64xf32, #tpu.memory_space<vmem>>, vector<1x64xf32>
    %mul3A_1006 = vector.broadcast %get3A_1002 : vector<512x1xf32> to vector<512x64xf32>
    %mul3A_1007 = vector.broadcast %get3A_1005 : vector<1x64xf32> to vector<512x64xf32>
    %mul3A_1008 = arith.mulf %mul3A_1006, %mul3A_1007 : vector<512x64xf32>
    %add3A_1009 = arith.addf %add3A_999, %mul3A_1008 : vector<512x64xf32>
    %get3A_1010 = arith.constant 0 : index
    %get3A_1011 = arith.constant 0 : index
    %get3A_1012 = vector.load %arg4[%get3A_1010, %get3A_1011] : memref<1x64xf32, #tpu.memory_space<vmem>>, vector<1x64xf32>
    %add3A_1013 = vector.broadcast %get3A_1012 : vector<1x64xf32> to vector<512x64xf32>
    %add3A_1014 = arith.addf %add3A_1009, %add3A_1013 : vector<512x64xf32>
    %ge3A_1015 = arith.constant 0.000000e+00 : f32
    %ge3A_1016 = vector.broadcast %ge3A_1015 : f32 to vector<512x64xf32>
    %ge3A_1017 = arith.cmpf oge, %add3A_1014, %ge3A_1016 : vector<512x64xf32>
    %mul3A_1018 = arith.constant 0.00999999977 : f32
    %mul3A_1019 = vector.broadcast %mul3A_1018 : f32 to vector<512x64xf32>
    %mul3A_1020 = arith.mulf %mul3A_1019, %add3A_1014 : vector<512x64xf32>
    %select_n3A_1021 = arith.select %ge3A_1017, %add3A_1014, %mul3A_1020 : vector<512x64xi1>, vector<512x64xf32>
    %dot_general3A_1022 = arith.constant dense<0.000000e+00> : vector<512x64xf32>
    %dot_general3A_1023 = tpu.matmul %select_n3A_1021, %get3A_1, %dot_general3A_1022 {dimension_numbers = #tpu.dot_dimension_numbers<[1], [0], [0], [1], [0, 0, 1, 1], [], []>, transpose_lhs_hint = false} : vector<512x64xf32>, vector<64x64xf32>, vector<512x64xf32> -> vector<512x64xf32>
    %add3A_1024 = vector.broadcast %get3A_4 : vector<1x64xf32> to vector<512x64xf32>
    %add3A_1025 = arith.addf %dot_general3A_1023, %add3A_1024 : vector<512x64xf32>
    %ge3A_1026 = arith.constant 0.000000e+00 : f32
    %ge3A_1027 = vector.broadcast %ge3A_1026 : f32 to vector<512x64xf32>
    %ge3A_1028 = arith.cmpf oge, %add3A_1025, %ge3A_1027 : vector<512x64xf32>
    %mul3A_1029 = arith.constant 0.00999999977 : f32
    %mul3A_1030 = vector.broadcast %mul3A_1029 : f32 to vector<512x64xf32>
    %mul3A_1031 = arith.mulf %mul3A_1030, %add3A_1025 : vector<512x64xf32>
    %select_n3A_1032 = arith.select %ge3A_1028, %add3A_1025, %mul3A_1031 : vector<512x64xi1>, vector<512x64xf32>
    %add3A_1033 = arith.addf %add3A_986, %select_n3A_1032 : vector<512x64xf32>
    %get3A_1034 = arith.constant 8 : index
    %get3A_1035 = arith.constant 0 : index
    %get3A_1036 = arith.constant 0 : index
    %get3A_1037 = vector.load %arg1[%get3A_1034, %get3A_1035, %get3A_1036] : memref<14x512x128xf32, #tpu.memory_space<vmem>>, vector<1x512x128xf32>
    %get3A_1038 = vector.shape_cast %get3A_1037 : vector<1x512x128xf32> to vector<512x128xf32>
    %slice3A_1039 = vector.extract_strided_slice %get3A_1038 {offsets = [0, 0], sizes = [512, 64], strides = [1, 1]} : vector<512x128xf32> to vector<512x64xf32>
    %get3A_1040 = arith.constant 10 : index
    %get3A_1041 = arith.constant 0 : index
    %get3A_1042 = arith.constant 0 : index
    %get3A_1043 = vector.load %arg1[%get3A_1040, %get3A_1041, %get3A_1042] : memref<14x512x128xf32, #tpu.memory_space<vmem>>, vector<1x512x128xf32>
    %get3A_1044 = vector.shape_cast %get3A_1043 : vector<1x512x128xf32> to vector<512x128xf32>
    %slice3A_1045 = vector.extract_strided_slice %get3A_1044 {offsets = [0, 64], sizes = [512, 64], strides = [1, 1]} : vector<512x128xf32> to vector<512x64xf32>
    %add3A_1046 = arith.addf %slice3A_1039, %slice3A_1045 : vector<512x64xf32>
    %get3A_1047 = arith.constant 0 : index
    %get3A_1048 = arith.constant 22 : index
    %get3A_1049 = vector.load %arg2[%get3A_1047, %get3A_1048] : memref<512x28xf32, #tpu.memory_space<vmem>>, vector<512x1xf32>
    %get3A_1050 = arith.constant 0 : index
    %get3A_1051 = arith.constant 0 : index
    %get3A_1052 = vector.load %arg3[%get3A_1050, %get3A_1051] : memref<1x64xf32, #tpu.memory_space<vmem>>, vector<1x64xf32>
    %mul3A_1053 = vector.broadcast %get3A_1049 : vector<512x1xf32> to vector<512x64xf32>
    %mul3A_1054 = vector.broadcast %get3A_1052 : vector<1x64xf32> to vector<512x64xf32>
    %mul3A_1055 = arith.mulf %mul3A_1053, %mul3A_1054 : vector<512x64xf32>
    %add3A_1056 = arith.addf %add3A_1046, %mul3A_1055 : vector<512x64xf32>
    %get3A_1057 = arith.constant 0 : index
    %get3A_1058 = arith.constant 0 : index
    %get3A_1059 = vector.load %arg4[%get3A_1057, %get3A_1058] : memref<1x64xf32, #tpu.memory_space<vmem>>, vector<1x64xf32>
    %add3A_1060 = vector.broadcast %get3A_1059 : vector<1x64xf32> to vector<512x64xf32>
    %add3A_1061 = arith.addf %add3A_1056, %add3A_1060 : vector<512x64xf32>
    %ge3A_1062 = arith.constant 0.000000e+00 : f32
    %ge3A_1063 = vector.broadcast %ge3A_1062 : f32 to vector<512x64xf32>
    %ge3A_1064 = arith.cmpf oge, %add3A_1061, %ge3A_1063 : vector<512x64xf32>
    %mul3A_1065 = arith.constant 0.00999999977 : f32
    %mul3A_1066 = vector.broadcast %mul3A_1065 : f32 to vector<512x64xf32>
    %mul3A_1067 = arith.mulf %mul3A_1066, %add3A_1061 : vector<512x64xf32>
    %select_n3A_1068 = arith.select %ge3A_1064, %add3A_1061, %mul3A_1067 : vector<512x64xi1>, vector<512x64xf32>
    %dot_general3A_1069 = arith.constant dense<0.000000e+00> : vector<512x64xf32>
    %dot_general3A_1070 = tpu.matmul %select_n3A_1068, %get3A_1, %dot_general3A_1069 {dimension_numbers = #tpu.dot_dimension_numbers<[1], [0], [0], [1], [0, 0, 1, 1], [], []>, transpose_lhs_hint = false} : vector<512x64xf32>, vector<64x64xf32>, vector<512x64xf32> -> vector<512x64xf32>
    %add3A_1071 = vector.broadcast %get3A_4 : vector<1x64xf32> to vector<512x64xf32>
    %add3A_1072 = arith.addf %dot_general3A_1070, %add3A_1071 : vector<512x64xf32>
    %ge3A_1073 = arith.constant 0.000000e+00 : f32
    %ge3A_1074 = vector.broadcast %ge3A_1073 : f32 to vector<512x64xf32>
    %ge3A_1075 = arith.cmpf oge, %add3A_1072, %ge3A_1074 : vector<512x64xf32>
    %mul3A_1076 = arith.constant 0.00999999977 : f32
    %mul3A_1077 = vector.broadcast %mul3A_1076 : f32 to vector<512x64xf32>
    %mul3A_1078 = arith.mulf %mul3A_1077, %add3A_1072 : vector<512x64xf32>
    %select_n3A_1079 = arith.select %ge3A_1075, %add3A_1072, %mul3A_1078 : vector<512x64xi1>, vector<512x64xf32>
    %add3A_1080 = arith.addf %add3A_1033, %select_n3A_1079 : vector<512x64xf32>
    %get3A_1081 = arith.constant 9 : index
    %get3A_1082 = arith.constant 0 : index
    %get3A_1083 = arith.constant 0 : index
    %get3A_1084 = vector.load %arg1[%get3A_1081, %get3A_1082, %get3A_1083] : memref<14x512x128xf32, #tpu.memory_space<vmem>>, vector<1x512x128xf32>
    %get3A_1085 = vector.shape_cast %get3A_1084 : vector<1x512x128xf32> to vector<512x128xf32>
    %slice3A_1086 = vector.extract_strided_slice %get3A_1085 {offsets = [0, 0], sizes = [512, 64], strides = [1, 1]} : vector<512x128xf32> to vector<512x64xf32>
    %get3A_1087 = arith.constant 11 : index
    %get3A_1088 = arith.constant 0 : index
    %get3A_1089 = arith.constant 0 : index
    %get3A_1090 = vector.load %arg1[%get3A_1087, %get3A_1088, %get3A_1089] : memref<14x512x128xf32, #tpu.memory_space<vmem>>, vector<1x512x128xf32>
    %get3A_1091 = vector.shape_cast %get3A_1090 : vector<1x512x128xf32> to vector<512x128xf32>
    %slice3A_1092 = vector.extract_strided_slice %get3A_1091 {offsets = [0, 64], sizes = [512, 64], strides = [1, 1]} : vector<512x128xf32> to vector<512x64xf32>
    %add3A_1093 = arith.addf %slice3A_1086, %slice3A_1092 : vector<512x64xf32>
    %get3A_1094 = arith.constant 0 : index
    %get3A_1095 = arith.constant 23 : index
    %get3A_1096 = vector.load %arg2[%get3A_1094, %get3A_1095] : memref<512x28xf32, #tpu.memory_space<vmem>>, vector<512x1xf32>
    %get3A_1097 = arith.constant 0 : index
    %get3A_1098 = arith.constant 0 : index
    %get3A_1099 = vector.load %arg3[%get3A_1097, %get3A_1098] : memref<1x64xf32, #tpu.memory_space<vmem>>, vector<1x64xf32>
    %mul3A_1100 = vector.broadcast %get3A_1096 : vector<512x1xf32> to vector<512x64xf32>
    %mul3A_1101 = vector.broadcast %get3A_1099 : vector<1x64xf32> to vector<512x64xf32>
    %mul3A_1102 = arith.mulf %mul3A_1100, %mul3A_1101 : vector<512x64xf32>
    %add3A_1103 = arith.addf %add3A_1093, %mul3A_1102 : vector<512x64xf32>
    %get3A_1104 = arith.constant 0 : index
    %get3A_1105 = arith.constant 0 : index
    %get3A_1106 = vector.load %arg4[%get3A_1104, %get3A_1105] : memref<1x64xf32, #tpu.memory_space<vmem>>, vector<1x64xf32>
    %add3A_1107 = vector.broadcast %get3A_1106 : vector<1x64xf32> to vector<512x64xf32>
    %add3A_1108 = arith.addf %add3A_1103, %add3A_1107 : vector<512x64xf32>
    %ge3A_1109 = arith.constant 0.000000e+00 : f32
    %ge3A_1110 = vector.broadcast %ge3A_1109 : f32 to vector<512x64xf32>
    %ge3A_1111 = arith.cmpf oge, %add3A_1108, %ge3A_1110 : vector<512x64xf32>
    %mul3A_1112 = arith.constant 0.00999999977 : f32
    %mul3A_1113 = vector.broadcast %mul3A_1112 : f32 to vector<512x64xf32>
    %mul3A_1114 = arith.mulf %mul3A_1113, %add3A_1108 : vector<512x64xf32>
    %select_n3A_1115 = arith.select %ge3A_1111, %add3A_1108, %mul3A_1114 : vector<512x64xi1>, vector<512x64xf32>
    %dot_general3A_1116 = arith.constant dense<0.000000e+00> : vector<512x64xf32>
    %dot_general3A_1117 = tpu.matmul %select_n3A_1115, %get3A_1, %dot_general3A_1116 {dimension_numbers = #tpu.dot_dimension_numbers<[1], [0], [0], [1], [0, 0, 1, 1], [], []>, transpose_lhs_hint = false} : vector<512x64xf32>, vector<64x64xf32>, vector<512x64xf32> -> vector<512x64xf32>
    %add3A_1118 = vector.broadcast %get3A_4 : vector<1x64xf32> to vector<512x64xf32>
    %add3A_1119 = arith.addf %dot_general3A_1117, %add3A_1118 : vector<512x64xf32>
    %ge3A_1120 = arith.constant 0.000000e+00 : f32
    %ge3A_1121 = vector.broadcast %ge3A_1120 : f32 to vector<512x64xf32>
    %ge3A_1122 = arith.cmpf oge, %add3A_1119, %ge3A_1121 : vector<512x64xf32>
    %mul3A_1123 = arith.constant 0.00999999977 : f32
    %mul3A_1124 = vector.broadcast %mul3A_1123 : f32 to vector<512x64xf32>
    %mul3A_1125 = arith.mulf %mul3A_1124, %add3A_1119 : vector<512x64xf32>
    %select_n3A_1126 = arith.select %ge3A_1122, %add3A_1119, %mul3A_1125 : vector<512x64xi1>, vector<512x64xf32>
    %add3A_1127 = arith.addf %add3A_1080, %select_n3A_1126 : vector<512x64xf32>
    %get3A_1128 = arith.constant 10 : index
    %get3A_1129 = arith.constant 0 : index
    %get3A_1130 = arith.constant 0 : index
    %get3A_1131 = vector.load %arg1[%get3A_1128, %get3A_1129, %get3A_1130] : memref<14x512x128xf32, #tpu.memory_space<vmem>>, vector<1x512x128xf32>
    %get3A_1132 = vector.shape_cast %get3A_1131 : vector<1x512x128xf32> to vector<512x128xf32>
    %slice3A_1133 = vector.extract_strided_slice %get3A_1132 {offsets = [0, 0], sizes = [512, 64], strides = [1, 1]} : vector<512x128xf32> to vector<512x64xf32>
    %get3A_1134 = arith.constant 12 : index
    %get3A_1135 = arith.constant 0 : index
    %get3A_1136 = arith.constant 0 : index
    %get3A_1137 = vector.load %arg1[%get3A_1134, %get3A_1135, %get3A_1136] : memref<14x512x128xf32, #tpu.memory_space<vmem>>, vector<1x512x128xf32>
    %get3A_1138 = vector.shape_cast %get3A_1137 : vector<1x512x128xf32> to vector<512x128xf32>
    %slice3A_1139 = vector.extract_strided_slice %get3A_1138 {offsets = [0, 64], sizes = [512, 64], strides = [1, 1]} : vector<512x128xf32> to vector<512x64xf32>
    %add3A_1140 = arith.addf %slice3A_1133, %slice3A_1139 : vector<512x64xf32>
    %get3A_1141 = arith.constant 0 : index
    %get3A_1142 = arith.constant 24 : index
    %get3A_1143 = vector.load %arg2[%get3A_1141, %get3A_1142] : memref<512x28xf32, #tpu.memory_space<vmem>>, vector<512x1xf32>
    %get3A_1144 = arith.constant 0 : index
    %get3A_1145 = arith.constant 0 : index
    %get3A_1146 = vector.load %arg3[%get3A_1144, %get3A_1145] : memref<1x64xf32, #tpu.memory_space<vmem>>, vector<1x64xf32>
    %mul3A_1147 = vector.broadcast %get3A_1143 : vector<512x1xf32> to vector<512x64xf32>
    %mul3A_1148 = vector.broadcast %get3A_1146 : vector<1x64xf32> to vector<512x64xf32>
    %mul3A_1149 = arith.mulf %mul3A_1147, %mul3A_1148 : vector<512x64xf32>
    %add3A_1150 = arith.addf %add3A_1140, %mul3A_1149 : vector<512x64xf32>
    %get3A_1151 = arith.constant 0 : index
    %get3A_1152 = arith.constant 0 : index
    %get3A_1153 = vector.load %arg4[%get3A_1151, %get3A_1152] : memref<1x64xf32, #tpu.memory_space<vmem>>, vector<1x64xf32>
    %add3A_1154 = vector.broadcast %get3A_1153 : vector<1x64xf32> to vector<512x64xf32>
    %add3A_1155 = arith.addf %add3A_1150, %add3A_1154 : vector<512x64xf32>
    %ge3A_1156 = arith.constant 0.000000e+00 : f32
    %ge3A_1157 = vector.broadcast %ge3A_1156 : f32 to vector<512x64xf32>
    %ge3A_1158 = arith.cmpf oge, %add3A_1155, %ge3A_1157 : vector<512x64xf32>
    %mul3A_1159 = arith.constant 0.00999999977 : f32
    %mul3A_1160 = vector.broadcast %mul3A_1159 : f32 to vector<512x64xf32>
    %mul3A_1161 = arith.mulf %mul3A_1160, %add3A_1155 : vector<512x64xf32>
    %select_n3A_1162 = arith.select %ge3A_1158, %add3A_1155, %mul3A_1161 : vector<512x64xi1>, vector<512x64xf32>
    %dot_general3A_1163 = arith.constant dense<0.000000e+00> : vector<512x64xf32>
    %dot_general3A_1164 = tpu.matmul %select_n3A_1162, %get3A_1, %dot_general3A_1163 {dimension_numbers = #tpu.dot_dimension_numbers<[1], [0], [0], [1], [0, 0, 1, 1], [], []>, transpose_lhs_hint = false} : vector<512x64xf32>, vector<64x64xf32>, vector<512x64xf32> -> vector<512x64xf32>
    %add3A_1165 = vector.broadcast %get3A_4 : vector<1x64xf32> to vector<512x64xf32>
    %add3A_1166 = arith.addf %dot_general3A_1164, %add3A_1165 : vector<512x64xf32>
    %ge3A_1167 = arith.constant 0.000000e+00 : f32
    %ge3A_1168 = vector.broadcast %ge3A_1167 : f32 to vector<512x64xf32>
    %ge3A_1169 = arith.cmpf oge, %add3A_1166, %ge3A_1168 : vector<512x64xf32>
    %mul3A_1170 = arith.constant 0.00999999977 : f32
    %mul3A_1171 = vector.broadcast %mul3A_1170 : f32 to vector<512x64xf32>
    %mul3A_1172 = arith.mulf %mul3A_1171, %add3A_1166 : vector<512x64xf32>
    %select_n3A_1173 = arith.select %ge3A_1169, %add3A_1166, %mul3A_1172 : vector<512x64xi1>, vector<512x64xf32>
    %add3A_1174 = arith.addf %add3A_1127, %select_n3A_1173 : vector<512x64xf32>
    %get3A_1175 = arith.constant 11 : index
    %get3A_1176 = arith.constant 0 : index
    %get3A_1177 = arith.constant 0 : index
    %get3A_1178 = vector.load %arg1[%get3A_1175, %get3A_1176, %get3A_1177] : memref<14x512x128xf32, #tpu.memory_space<vmem>>, vector<1x512x128xf32>
    %get3A_1179 = vector.shape_cast %get3A_1178 : vector<1x512x128xf32> to vector<512x128xf32>
    %slice3A_1180 = vector.extract_strided_slice %get3A_1179 {offsets = [0, 0], sizes = [512, 64], strides = [1, 1]} : vector<512x128xf32> to vector<512x64xf32>
    %get3A_1181 = arith.constant 13 : index
    %get3A_1182 = arith.constant 0 : index
    %get3A_1183 = arith.constant 0 : index
    %get3A_1184 = vector.load %arg1[%get3A_1181, %get3A_1182, %get3A_1183] : memref<14x512x128xf32, #tpu.memory_space<vmem>>, vector<1x512x128xf32>
    %get3A_1185 = vector.shape_cast %get3A_1184 : vector<1x512x128xf32> to vector<512x128xf32>
    %slice3A_1186 = vector.extract_strided_slice %get3A_1185 {offsets = [0, 64], sizes = [512, 64], strides = [1, 1]} : vector<512x128xf32> to vector<512x64xf32>
    %add3A_1187 = arith.addf %slice3A_1180, %slice3A_1186 : vector<512x64xf32>
    %get3A_1188 = arith.constant 0 : index
    %get3A_1189 = arith.constant 25 : index
    %get3A_1190 = vector.load %arg2[%get3A_1188, %get3A_1189] : memref<512x28xf32, #tpu.memory_space<vmem>>, vector<512x1xf32>
    %get3A_1191 = arith.constant 0 : index
    %get3A_1192 = arith.constant 0 : index
    %get3A_1193 = vector.load %arg3[%get3A_1191, %get3A_1192] : memref<1x64xf32, #tpu.memory_space<vmem>>, vector<1x64xf32>
    %mul3A_1194 = vector.broadcast %get3A_1190 : vector<512x1xf32> to vector<512x64xf32>
    %mul3A_1195 = vector.broadcast %get3A_1193 : vector<1x64xf32> to vector<512x64xf32>
    %mul3A_1196 = arith.mulf %mul3A_1194, %mul3A_1195 : vector<512x64xf32>
    %add3A_1197 = arith.addf %add3A_1187, %mul3A_1196 : vector<512x64xf32>
    %get3A_1198 = arith.constant 0 : index
    %get3A_1199 = arith.constant 0 : index
    %get3A_1200 = vector.load %arg4[%get3A_1198, %get3A_1199] : memref<1x64xf32, #tpu.memory_space<vmem>>, vector<1x64xf32>
    %add3A_1201 = vector.broadcast %get3A_1200 : vector<1x64xf32> to vector<512x64xf32>
    %add3A_1202 = arith.addf %add3A_1197, %add3A_1201 : vector<512x64xf32>
    %ge3A_1203 = arith.constant 0.000000e+00 : f32
    %ge3A_1204 = vector.broadcast %ge3A_1203 : f32 to vector<512x64xf32>
    %ge3A_1205 = arith.cmpf oge, %add3A_1202, %ge3A_1204 : vector<512x64xf32>
    %mul3A_1206 = arith.constant 0.00999999977 : f32
    %mul3A_1207 = vector.broadcast %mul3A_1206 : f32 to vector<512x64xf32>
    %mul3A_1208 = arith.mulf %mul3A_1207, %add3A_1202 : vector<512x64xf32>
    %select_n3A_1209 = arith.select %ge3A_1205, %add3A_1202, %mul3A_1208 : vector<512x64xi1>, vector<512x64xf32>
    %dot_general3A_1210 = arith.constant dense<0.000000e+00> : vector<512x64xf32>
    %dot_general3A_1211 = tpu.matmul %select_n3A_1209, %get3A_1, %dot_general3A_1210 {dimension_numbers = #tpu.dot_dimension_numbers<[1], [0], [0], [1], [0, 0, 1, 1], [], []>, transpose_lhs_hint = false} : vector<512x64xf32>, vector<64x64xf32>, vector<512x64xf32> -> vector<512x64xf32>
    %add3A_1212 = vector.broadcast %get3A_4 : vector<1x64xf32> to vector<512x64xf32>
    %add3A_1213 = arith.addf %dot_general3A_1211, %add3A_1212 : vector<512x64xf32>
    %ge3A_1214 = arith.constant 0.000000e+00 : f32
    %ge3A_1215 = vector.broadcast %ge3A_1214 : f32 to vector<512x64xf32>
    %ge3A_1216 = arith.cmpf oge, %add3A_1213, %ge3A_1215 : vector<512x64xf32>
    %mul3A_1217 = arith.constant 0.00999999977 : f32
    %mul3A_1218 = vector.broadcast %mul3A_1217 : f32 to vector<512x64xf32>
    %mul3A_1219 = arith.mulf %mul3A_1218, %add3A_1213 : vector<512x64xf32>
    %select_n3A_1220 = arith.select %ge3A_1216, %add3A_1213, %mul3A_1219 : vector<512x64xi1>, vector<512x64xf32>
    %add3A_1221 = arith.addf %add3A_1174, %select_n3A_1220 : vector<512x64xf32>
    %get3A_1222 = arith.constant 12 : index
    %get3A_1223 = arith.constant 0 : index
    %get3A_1224 = arith.constant 0 : index
    %get3A_1225 = vector.load %arg1[%get3A_1222, %get3A_1223, %get3A_1224] : memref<14x512x128xf32, #tpu.memory_space<vmem>>, vector<1x512x128xf32>
    %get3A_1226 = vector.shape_cast %get3A_1225 : vector<1x512x128xf32> to vector<512x128xf32>
    %slice3A_1227 = vector.extract_strided_slice %get3A_1226 {offsets = [0, 0], sizes = [512, 64], strides = [1, 1]} : vector<512x128xf32> to vector<512x64xf32>
    %get3A_1228 = arith.constant 0 : index
    %get3A_1229 = arith.constant 0 : index
    %get3A_1230 = arith.constant 0 : index
    %get3A_1231 = vector.load %arg1[%get3A_1228, %get3A_1229, %get3A_1230] : memref<14x512x128xf32, #tpu.memory_space<vmem>>, vector<1x512x128xf32>
    %get3A_1232 = vector.shape_cast %get3A_1231 : vector<1x512x128xf32> to vector<512x128xf32>
    %slice3A_1233 = vector.extract_strided_slice %get3A_1232 {offsets = [0, 64], sizes = [512, 64], strides = [1, 1]} : vector<512x128xf32> to vector<512x64xf32>
    %add3A_1234 = arith.addf %slice3A_1227, %slice3A_1233 : vector<512x64xf32>
    %get3A_1235 = arith.constant 0 : index
    %get3A_1236 = arith.constant 26 : index
    %get3A_1237 = vector.load %arg2[%get3A_1235, %get3A_1236] : memref<512x28xf32, #tpu.memory_space<vmem>>, vector<512x1xf32>
    %get3A_1238 = arith.constant 0 : index
    %get3A_1239 = arith.constant 0 : index
    %get3A_1240 = vector.load %arg3[%get3A_1238, %get3A_1239] : memref<1x64xf32, #tpu.memory_space<vmem>>, vector<1x64xf32>
    %mul3A_1241 = vector.broadcast %get3A_1237 : vector<512x1xf32> to vector<512x64xf32>
    %mul3A_1242 = vector.broadcast %get3A_1240 : vector<1x64xf32> to vector<512x64xf32>
    %mul3A_1243 = arith.mulf %mul3A_1241, %mul3A_1242 : vector<512x64xf32>
    %add3A_1244 = arith.addf %add3A_1234, %mul3A_1243 : vector<512x64xf32>
    %get3A_1245 = arith.constant 0 : index
    %get3A_1246 = arith.constant 0 : index
    %get3A_1247 = vector.load %arg4[%get3A_1245, %get3A_1246] : memref<1x64xf32, #tpu.memory_space<vmem>>, vector<1x64xf32>
    %add3A_1248 = vector.broadcast %get3A_1247 : vector<1x64xf32> to vector<512x64xf32>
    %add3A_1249 = arith.addf %add3A_1244, %add3A_1248 : vector<512x64xf32>
    %ge3A_1250 = arith.constant 0.000000e+00 : f32
    %ge3A_1251 = vector.broadcast %ge3A_1250 : f32 to vector<512x64xf32>
    %ge3A_1252 = arith.cmpf oge, %add3A_1249, %ge3A_1251 : vector<512x64xf32>
    %mul3A_1253 = arith.constant 0.00999999977 : f32
    %mul3A_1254 = vector.broadcast %mul3A_1253 : f32 to vector<512x64xf32>
    %mul3A_1255 = arith.mulf %mul3A_1254, %add3A_1249 : vector<512x64xf32>
    %select_n3A_1256 = arith.select %ge3A_1252, %add3A_1249, %mul3A_1255 : vector<512x64xi1>, vector<512x64xf32>
    %dot_general3A_1257 = arith.constant dense<0.000000e+00> : vector<512x64xf32>
    %dot_general3A_1258 = tpu.matmul %select_n3A_1256, %get3A_1, %dot_general3A_1257 {dimension_numbers = #tpu.dot_dimension_numbers<[1], [0], [0], [1], [0, 0, 1, 1], [], []>, transpose_lhs_hint = false} : vector<512x64xf32>, vector<64x64xf32>, vector<512x64xf32> -> vector<512x64xf32>
    %add3A_1259 = vector.broadcast %get3A_4 : vector<1x64xf32> to vector<512x64xf32>
    %add3A_1260 = arith.addf %dot_general3A_1258, %add3A_1259 : vector<512x64xf32>
    %ge3A_1261 = arith.constant 0.000000e+00 : f32
    %ge3A_1262 = vector.broadcast %ge3A_1261 : f32 to vector<512x64xf32>
    %ge3A_1263 = arith.cmpf oge, %add3A_1260, %ge3A_1262 : vector<512x64xf32>
    %mul3A_1264 = arith.constant 0.00999999977 : f32
    %mul3A_1265 = vector.broadcast %mul3A_1264 : f32 to vector<512x64xf32>
    %mul3A_1266 = arith.mulf %mul3A_1265, %add3A_1260 : vector<512x64xf32>
    %select_n3A_1267 = arith.select %ge3A_1263, %add3A_1260, %mul3A_1266 : vector<512x64xi1>, vector<512x64xf32>
    %add3A_1268 = arith.addf %add3A_1221, %select_n3A_1267 : vector<512x64xf32>
    %get3A_1269 = arith.constant 13 : index
    %get3A_1270 = arith.constant 0 : index
    %get3A_1271 = arith.constant 0 : index
    %get3A_1272 = vector.load %arg1[%get3A_1269, %get3A_1270, %get3A_1271] : memref<14x512x128xf32, #tpu.memory_space<vmem>>, vector<1x512x128xf32>
    %get3A_1273 = vector.shape_cast %get3A_1272 : vector<1x512x128xf32> to vector<512x128xf32>
    %slice3A_1274 = vector.extract_strided_slice %get3A_1273 {offsets = [0, 0], sizes = [512, 64], strides = [1, 1]} : vector<512x128xf32> to vector<512x64xf32>
    %get3A_1275 = arith.constant 1 : index
    %get3A_1276 = arith.constant 0 : index
    %get3A_1277 = arith.constant 0 : index
    %get3A_1278 = vector.load %arg1[%get3A_1275, %get3A_1276, %get3A_1277] : memref<14x512x128xf32, #tpu.memory_space<vmem>>, vector<1x512x128xf32>
    %get3A_1279 = vector.shape_cast %get3A_1278 : vector<1x512x128xf32> to vector<512x128xf32>
    %slice3A_1280 = vector.extract_strided_slice %get3A_1279 {offsets = [0, 64], sizes = [512, 64], strides = [1, 1]} : vector<512x128xf32> to vector<512x64xf32>
    %add3A_1281 = arith.addf %slice3A_1274, %slice3A_1280 : vector<512x64xf32>
    %get3A_1282 = arith.constant 0 : index
    %get3A_1283 = arith.constant 27 : index
    %get3A_1284 = vector.load %arg2[%get3A_1282, %get3A_1283] : memref<512x28xf32, #tpu.memory_space<vmem>>, vector<512x1xf32>
    %get3A_1285 = arith.constant 0 : index
    %get3A_1286 = arith.constant 0 : index
    %get3A_1287 = vector.load %arg3[%get3A_1285, %get3A_1286] : memref<1x64xf32, #tpu.memory_space<vmem>>, vector<1x64xf32>
    %mul3A_1288 = vector.broadcast %get3A_1284 : vector<512x1xf32> to vector<512x64xf32>
    %mul3A_1289 = vector.broadcast %get3A_1287 : vector<1x64xf32> to vector<512x64xf32>
    %mul3A_1290 = arith.mulf %mul3A_1288, %mul3A_1289 : vector<512x64xf32>
    %add3A_1291 = arith.addf %add3A_1281, %mul3A_1290 : vector<512x64xf32>
    %get3A_1292 = arith.constant 0 : index
    %get3A_1293 = arith.constant 0 : index
    %get3A_1294 = vector.load %arg4[%get3A_1292, %get3A_1293] : memref<1x64xf32, #tpu.memory_space<vmem>>, vector<1x64xf32>
    %add3A_1295 = vector.broadcast %get3A_1294 : vector<1x64xf32> to vector<512x64xf32>
    %add3A_1296 = arith.addf %add3A_1291, %add3A_1295 : vector<512x64xf32>
    %ge3A_1297 = arith.constant 0.000000e+00 : f32
    %ge3A_1298 = vector.broadcast %ge3A_1297 : f32 to vector<512x64xf32>
    %ge3A_1299 = arith.cmpf oge, %add3A_1296, %ge3A_1298 : vector<512x64xf32>
    %mul3A_1300 = arith.constant 0.00999999977 : f32
    %mul3A_1301 = vector.broadcast %mul3A_1300 : f32 to vector<512x64xf32>
    %mul3A_1302 = arith.mulf %mul3A_1301, %add3A_1296 : vector<512x64xf32>
    %select_n3A_1303 = arith.select %ge3A_1299, %add3A_1296, %mul3A_1302 : vector<512x64xi1>, vector<512x64xf32>
    %dot_general3A_1304 = arith.constant dense<0.000000e+00> : vector<512x64xf32>
    %dot_general3A_1305 = tpu.matmul %select_n3A_1303, %get3A_1, %dot_general3A_1304 {dimension_numbers = #tpu.dot_dimension_numbers<[1], [0], [0], [1], [0, 0, 1, 1], [], []>, transpose_lhs_hint = false} : vector<512x64xf32>, vector<64x64xf32>, vector<512x64xf32> -> vector<512x64xf32>
    %add3A_1306 = vector.broadcast %get3A_4 : vector<1x64xf32> to vector<512x64xf32>
    %add3A_1307 = arith.addf %dot_general3A_1305, %add3A_1306 : vector<512x64xf32>
    %ge3A_1308 = arith.constant 0.000000e+00 : f32
    %ge3A_1309 = vector.broadcast %ge3A_1308 : f32 to vector<512x64xf32>
    %ge3A_1310 = arith.cmpf oge, %add3A_1307, %ge3A_1309 : vector<512x64xf32>
    %mul3A_1311 = arith.constant 0.00999999977 : f32
    %mul3A_1312 = vector.broadcast %mul3A_1311 : f32 to vector<512x64xf32>
    %mul3A_1313 = arith.mulf %mul3A_1312, %add3A_1307 : vector<512x64xf32>
    %select_n3A_1314 = arith.select %ge3A_1310, %add3A_1307, %mul3A_1313 : vector<512x64xi1>, vector<512x64xf32>
    %add3A_1315 = arith.addf %add3A_1268, %select_n3A_1314 : vector<512x64xf32>
    %get3A_1316 = arith.constant 0 : index
    %get3A_1317 = arith.constant 0 : index
    %get3A_1318 = vector.load %arg7[%get3A_1316, %get3A_1317] : memref<64x1xf32, #tpu.memory_space<vmem>>, vector<64x1xf32>
    %dot_general3A_1319 = arith.constant dense<0.000000e+00> : vector<512x1xf32>
    %dot_general3A_1320 = tpu.matmul %add3A_1315, %get3A_1318, %dot_general3A_1319 {dimension_numbers = #tpu.dot_dimension_numbers<[1], [0], [0], [1], [0, 0, 1, 1], [], []>, transpose_lhs_hint = false} : vector<512x64xf32>, vector<64x1xf32>, vector<512x1xf32> -> vector<512x1xf32>
    %get3A_1321 = arith.constant 0 : index
    %get3A_1322 = arith.constant 0 : index
    %get3A_1323 = vector.load %arg8[%get3A_1321, %get3A_1322] : memref<1x1xf32, #tpu.memory_space<vmem>>, vector<1x1xf32>
    %add3A_1324 = vector.broadcast %get3A_1323 : vector<1x1xf32> to vector<512x1xf32>
    %add3A_1325 = arith.addf %dot_general3A_1320, %add3A_1324 : vector<512x1xf32>
    %swap3A = arith.constant 0 : index
    %swap3A_1326 = arith.constant 0 : index
    %swap3A_1327 = vector.load %arg9[%swap3A, %swap3A_1326] : memref<512x1xf32, #tpu.memory_space<vmem>>, vector<512x1xf32>
    tpu.vector_store %arg9[%swap3A, %swap3A_1326], %add3A_1325 {strides = array<i32>} : memref<512x1xf32, #tpu.memory_space<vmem>>, vector<512x1xf32>,
    return
  }
  func.func @transform_0(%arg0: i32) -> (i32, i32, i32) {
    %c0_i32 = arith.constant 0 : i32
    %c0_i32_0 = arith.constant 0 : i32
    %c0_i32_1 = arith.constant 0 : i32
    return %c0_i32, %arg0, %c0_i32_0 : i32, i32, i32
  }
  func.func @transform_1(%arg0: i32) -> (i32, i32) {
    %c0_i32 = arith.constant 0 : i32
    %c0_i32_0 = arith.constant 0 : i32
    return %arg0, %c0_i32 : i32, i32
  }
  func.func @transform_2(%arg0: i32) -> (i32, i32) {
    %c0_i32 = arith.constant 0 : i32
    %c0_i32_0 = arith.constant 0 : i32
    %c0_i32_1 = arith.constant 0 : i32
    return %c0_i32, %c0_i32_0 : i32, i32
  }
  func.func @transform_3(%arg0: i32) -> (i32, i32) {
    %c0_i32 = arith.constant 0 : i32
    %c0_i32_0 = arith.constant 0 : i32
    %c0_i32_1 = arith.constant 0 : i32
    return %c0_i32, %c0_i32_0 : i32, i32
  }
  func.func @transform_4(%arg0: i32) -> (i32, i32) {
    %c0_i32 = arith.constant 0 : i32
    %c0_i32_0 = arith.constant 0 : i32
    %c0_i32_1 = arith.constant 0 : i32
    return %c0_i32, %c0_i32_0 : i32, i32
  }
  func.func @transform_5(%arg0: i32) -> (i32, i32) {
    %c0_i32 = arith.constant 0 : i32
    %c0_i32_0 = arith.constant 0 : i32
    %c0_i32_1 = arith.constant 0 : i32
    return %c0_i32, %c0_i32_0 : i32, i32
  }
  func.func @transform_6(%arg0: i32) -> (i32, i32) {
    %c0_i32 = arith.constant 0 : i32
    %c0_i32_0 = arith.constant 0 : i32
    %c0_i32_1 = arith.constant 0 : i32
    return %c0_i32, %c0_i32_0 : i32, i32
  }
  func.func @transform_7(%arg0: i32) -> (i32, i32) {
    %c0_i32 = arith.constant 0 : i32
    %c0_i32_0 = arith.constant 0 : i32
    %c0_i32_1 = arith.constant 0 : i32
    return %c0_i32, %c0_i32_0 : i32, i32
  }
  func.func @transform_8(%arg0: i32) -> (i32, i32) {
    %c0_i32 = arith.constant 0 : i32
    %c0_i32_0 = arith.constant 0 : i32
    return %arg0, %c0_i32 : i32, i32
  }
}

</mosaic_0001>

<sc_bundles>
// kernel: kernel.10.cloned.1.call-start
scs
__scs_entry_jumppad:
0x0: {  	(pc) =	sbr.rel $0x88, $3  }
0x1: {  	(tag) =	ssettag $0x0;
	lr =	simm.s32 $0x1  }
0x2: {  	[smem:$0x3F96] =	sst lr;
	_ =	strace $0xD0000000  }
0x3: {  	_ = 	snop  }
0x4: {  	_ = 	snop  }
0x5: {  	_ = 	snop  }
0x6: {  	_ = 	snop  }
0x7: {  	_ = 	snop  }
__scs_overlays_trampoline_lowered:
0x8: {  	[smem:$0x3FA5] =	sst s0  }
0x9: {  	[smem:$0x3FA6] =	sst s1  }
0xa: {  	[smem:$0x3FA7] =	sst s2  }
0xb: {  	[smem:$0x3FA8] =	sst s3  }
0xc: {  	[smem:$0x3FA9] =	sst s4  }
0xd: {  	[smem:$0x3FAA] =	sst s5  }
0xe: {  	[smem:$0x3FAB] =	sst s6  }
0xf: {  	[smem:$0x3FAC] =	sst s7  }
0x10: {  	[smem:$0x3FAD] =	sst s8  }
0x11: {  	[smem:$0x3FAE] =	sst s9;
	s0 =	simm.s32 @!p0 $0x0  }
0x12: {  	s1 =	sld [smem:$0x3F94];
	s0 =	simm.s32 @p0 $0x1  }
0x13: {  	[smem:$0x3FAF] =	sst s0;
	s0 =	simm.s32 @!p1 $0x0  }
0x14: {  	s2 =	sld [smem:$0x3F93];
	s0 =	simm.s32 @p1 $0x1  }
0x15: {  	[smem:$0x3FB0] =	sst s0;
	s0 =	simm.s32 @!p2 $0x0  }
0x16: {  	s3 =	sld [smem:$0x3FDB];
	s0 =	simm.s32 @p2 $0x1  }
0x17: {  	s4 =	simm.s32 $0x1BF5;
	[smem:$0x3FB2] =	sst s0  }
0x18: {  	s0 =	sld [smem:$0x3F95];
	_ =	swait.ge [sflag:s4], $0x0  }
0x19: {  	s7 =	sld [smem:$0x3F96]  }
0x1a: {  	s8 =	sadd.s32 $0xFFFFE003, lr  }
0x1b: {  	s9 =	sadd.s32 $0xFFFFFEF7, lr;
	s5 =	simm.s32 $0xFFFFFFFF;
	p2 =	slt.u32 s8, $0xFFFFF086  }
0x1c: {  	p1 =	slt.u32 s9, $0xF7A;
	s5 =	simm.s32 @!p2 $0x0  }
0x1d: {  	s5 =	simm.s32 @p1 $0x1;
	p0 =	seq.s32 s7, s2  }
0x1e: {  	s7 =	smul.u32 @!p0 $0xF7A, s2;
	p2 =	seq.s32 @!p0 s5, $0x0  }
0x1f: {  	s9 =	smul.u32 $0xF7A, s1;
	s8 =	simm.s32 @!p0 $0x1BF5;
	p2 =	por !p2, p0  }
0x20: {  	[sflag:s8] =	ssyncset.s32 @!p0 $0xFFFFF086;
	s6 =	sadd.s32 @!p0 s3, s7;
	s7 =	simm.s32 @!p0 $0x108  }
0x21: {  	s3 =	sadd.s32 s3, s9;
	s6 =	sadd.s32 @!p0 $0x88, s6;
	s7 =	simm.s32 @p2 $0x1082  }
0x22: {  	[simem:s7], [sflag:s8] =	dma.local @!p0 [hbm:s6], $0xF7A  }
0x23: {  	s9 =	sor.u32 $0xD0000000, s2;
	s6 =	simm.s32 $0x108;
	_ =	swait.ge @!p0 [sflag:s8], $0x0  }
0x24: {  	s3 =	sadd.s32 $0x88, s3;
	s6 =	simm.s32 @!p1 $0x1082;
	[sflag:s4] =	ssyncset.s32 $0xFFFFF086  }
0x25: {  	[simem:s6], [sflag:s4] =	dma.local [hbm:s3], $0xF7A  }
0x26: {  	[smem:$0x3F96] =	sst s1;
	(tag) =	ssettag s2;
	_ =	strace s9  }
0x27: {  	s1 =	sld [smem:$0x3FA6]  }
0x28: {  	s2 =	sld [smem:$0x3FA7]  }
0x29: {  	s4 =	sld [smem:$0x3FA9]  }
0x2a: {  	p0 =	seq.s32 s5, $0x0;
	s5 =	sld [smem:$0x3FAA]  }
0x2b: {  	s6 =	sld [smem:$0x3FAB]  }
0x2c: {  	s7 =	sld [smem:$0x3FAC]  }
0x2d: {  	s3 =	simm.s32 $0x108;
	s8 =	sld [smem:$0x3FAD]  }
0x2e: {  	s3 =	simm.s32 @!p0 $0x1082;
	s9 =	sld [smem:$0x3FAE]  }
0x2f: {  	lr =	sadd.s32 s0, s3;
	s0 =	sld [smem:$0x3FA5]  }
0x30: {  	s3 =	sld [smem:$0x3FA8]  }
0x31: {  	[smem:$0x3FB1] =	sst s10  }
0x32: {  	s10 =	sld [smem:$0x3FAF];
	_ =	sdelay $0x3  }
0x33: {  	p0 =	seq.s32 s10, $0x1;
	s10 =	sld [smem:$0x3FB1];
	_ =	sdelay $0x3  }
0x34: {  	[smem:$0x3FB1] =	sst s10  }
0x35: {  	s10 =	sld [smem:$0x3FB0];
	_ =	sdelay $0x3  }
0x36: {  	p1 =	seq.s32 s10, $0x1;
	s10 =	sld [smem:$0x3FB1];
	_ =	sdelay $0x3  }
0x37: {  	[smem:$0x3FB1] =	sst s10  }
0x38: {  	s10 =	sld [smem:$0x3FB2]  }
0x39: {  	_ = 	snop;
	(pc) =	sbr.ind lr, $3  }
0x3a: {  	_ = 	snop  }
0x3b: {  	_ = 	snop  }
0x3c: {  	p2 =	seq.s32 s10, $0x1;
	s10 =	sld [smem:$0x3FB1]  }
0x3d: {  	_ =	shalt  }
0x3e: {  	_ =	shalt  }
0x3f: {  	_ =	shalt  }
0x40: {  	_ =	shalt  }
0x41: {  	_ =	shalt  }
0x42: {  	_ =	shalt  }
0x43: {  	_ =	shalt  }
0x44: {  	_ =	shalt  }
0x45: {  	_ =	shalt  }
0x46: {  	_ =	shalt  }
0x47: {  	_ =	shalt  }
0x48: {  	_ =	shalt  }
0x49: {  	_ =	shalt  }
0x4a: {  	_ =	shalt  }
0x4b: {  	_ =	shalt  }
0x4c: {  	_ =	shalt  }
0x4d: {  	_ =	shalt  }
0x4e: {  	_ =	shalt  }
0x4f: {  	_ =	shalt  }
0x50: {  	_ =	shalt  }
0x51: {  	_ =	shalt  }
0x52: {  	_ =	shalt  }
0x53: {  	_ =	shalt  }
0x54: {  	_ =	shalt  }
0x55: {  	_ =	shalt  }
0x56: {  	_ =	shalt  }
0x57: {  	_ =	shalt  }
0x58: {  	_ =	shalt  }
0x59: {  	_ =	shalt  }
0x5a: {  	_ =	shalt  }
0x5b: {  	_ =	shalt  }
0x5c: {  	_ =	shalt  }
0x5d: {  	_ =	shalt  }
0x5e: {  	_ =	shalt  }
0x5f: {  	_ =	shalt  }
0x60: {  	_ =	shalt  }
0x61: {  	_ =	shalt  }
0x62: {  	_ =	shalt  }
0x63: {  	_ =	shalt  }
0x64: {  	_ =	shalt  }
0x65: {  	_ =	shalt  }
0x66: {  	_ =	shalt  }
0x67: {  	_ =	shalt  }
0x68: {  	_ =	shalt  }
0x69: {  	_ =	shalt  }
0x6a: {  	_ =	shalt  }
0x6b: {  	_ =	shalt  }
0x6c: {  	_ =	shalt  }
0x6d: {  	_ =	shalt  }
0x6e: {  	_ =	shalt  }
0x6f: {  	_ =	shalt  }
0x70: {  	_ =	shalt  }
0x71: {  	_ =	shalt  }
0x72: {  	_ =	shalt  }
0x73: {  	_ =	shalt  }
0x74: {  	_ =	shalt  }
0x75: {  	_ =	shalt  }
0x76: {  	_ =	shalt  }
0x77: {  	_ =	shalt  }
0x78: {  	_ =	shalt  }
0x79: {  	_ =	shalt  }
0x7a: {  	_ =	shalt  }
0x7b: {  	_ =	shalt  }
0x7c: {  	_ =	shalt  }
0x7d: {  	_ =	shalt  }
0x7e: {  	_ =	shalt  }
0x7f: {  	_ =	shalt  }
0x80: {  	_ =	shalt  }
0x81: {  	_ =	shalt  }
0x82: {  	_ =	shalt  }
0x83: {  	_ =	shalt  }
0x84: {  	_ =	shalt  }
0x85: {  	_ =	shalt  }
0x86: {  	_ =	shalt  }
0x87: {  	_ =	shalt  }
.Lfunc_end0:
.L_simem_size_0:
called_computation.1_lowered:
.L_overlay_start_0:
0x88: {  	s2 =	sld [smem:$0x3FD9]  }
0x89: {  	s3 =	sld [smem:$0x3FFE];
	_ =	sdelay $0x1  }
0x8a: {  	s1 =	srdreg.scid  }
0x8b: {  	s0 =	sand.u32 $0x1, s1  }
0x8c: {  	s16 =	sshll.u32 s0, $0xA;
	s2 =	sadd.s32 s3, s2  }
0x8d: {  	s2 =	sadd.s32 s2, s16  }
0x8e: {  	[smem:$0x3FBD] =	sst s2  }
0x8f: {  	_ = 	snop  }
0x90: {  	(tm) =	ssettm $0x1  }
0x91: {  	s17 =	sld [smem:$0x3FFB];
	_ =	sdelay $0x3  }
0x92: {  	_ =	strace s17  }
0x93: {  	s2 =	sld [smem:$0x3FFC];
	_ =	sdelay $0x3  }
0x94: {  	_ =	strace s2  }
0x95: {  	s2 =	sld [smem:$0x3FFD];
	_ =	sdelay $0x3  }
0x96: {  	_ =	strace s2  }
0x97: {  	_ =	strace $0x8FFFFFFF  }
0x98: {  	s18 =	sld [smem:$0x3FDB];
	_ =	sdelay $0x1  }
0x99: {  	s19 =	simm.s32 $_scs_section_size  }
0x9a: {  	s4 =	simm.s32 $_size__tile_overlayer_lowered;
	s5 =	simm.s32 $_tile_overlayer_lowered  }
0x9b: {  	s22 =	simm.s32 $0x1BFF;
	s21 =	sshll.u32 s5, $0x1;
	s2 =	sadd.s32 s19, s18  }
0x9c: {  	s6 =	simm.s32 $0x0;
	s20 =	sshll.u32 s4, $0x1;
	s4 =	sadd.s32 s21, s2  }
0x9d: {  	[timem:s6], [sflag:s22] =	dma.local [hbm:s4], s20  }
0x9e: {  	_ =	swait.ge [sflag:s22], s20  }
0x9f: {  	s3 =	ssub.s32 $0x0, s20;
	[sflag:s22] =	ssyncset.done $0x0  }
0xa0: {  	[sflag:s22] =	ssyncadd.s32 s3;
	_ =	sdelay $0x1  }
0xa1: {  	s23 =	simm.s32 $0x1B8B  }
0xa2: {  	_ =	swait.ge [sflag:s23], $0x1  }
0xa3: {  	[sflag:s23] =	ssyncset.done $0x0  }
0xa4: {  	s25 =	simm.s32 $0x1B8E;
	s24 =	sld [smem:$0x3FFE];
	[sflag:s23] =	ssyncadd.s32 $0xFFFFFFFF  }
0xa5: {  	s26 =	simm.s32 $execute0_lowered;
	[smem:$0x3FD2] =	sst s25  }
0xa6: {  	s4 =	sshll.u32 s26, $0x1;
	_ =	strace $0x80000049;
	[dreg:$0x1] =	wrdreg $0xFFFFFFFF  }
0xa7: {  	s28 =	simm.s32 $_size_execute0_lowered;
	s2 =	sadd.s32 s2, s4;
	[dreg:$0x0] =	wrdreg $0x0  }
0xa8: {  	s4 =	sshll.u32 s28, $0x1;
	[dreg:$0x2] =	wrdreg s2  }
0xa9: {  	[dreg:$0x3] =	wrdreg s4  }
0xaa: {  	[dreg:$0x4] =	wrdreg $0xC0  }
0xab: {  	_ =	task [dreg:s6], $0x5FFFF  }
0xac: {  	[dreg:$0x1] =	wrdreg $0xFFFFFFFF  }
0xad: {  	[dreg:$0x0] =	wrdreg $0x60  }
0xae: {  	[dreg:$0x2] =	wrdreg s24  }
0xaf: {  	[dreg:$0x3] =	wrdreg $0xF0000  }
0xb0: {  	[dreg:$0x4] =	wrdreg $0x9  }
0xb1: {  	_ =	task.clear_ibuf [dreg:s6], $0x5FFFF;
	_ =	strace $0x90000049  }
0xb2: {  	s29 =	simm.s32 $0x9;
	_ =	strace $0x8000004B  }
0xb3: {  	_ =	swait.ge [sflag:s29], $0x1  }
0xb4: {  	[sflag:s29] =	ssyncadd.s32 $0xFFFFFFFF  }
0xb5: {  	_ =	strace $0x9000004B  }
0xb6: {  	_ =	sfence  }
0xb7: {  	s30 =	sld [smem:$0x0];
	_ =	sdelay $0x2  }
0xb8: {  	s31 =	sshll.u32 s1, $0xD;
	s1 =	sshrl.u32 s1, $0x2  }
0xb9: {  	s3 =	sand.u32 $0x4000, s31;
	s1 =	sadd.s32 s1, s30  }
0xba: {  	s0 =	sor.u32 s3, s0;
	s1 =	sshll.u32 s1, $0x11  }
0xbb: {  	s0 =	sor.u32 s1, s0  }
0xbc: {  	s0 =	sadd.s32 $0x8F2B, s0  }
0xbd: {  	[sflag:s0] =	ssyncadd.remote.s32 $0x1  }
0xbe: {  	_ =	sfence.sel $0xFFFF  }
0xbf: {  	[dreg:$0x0] =	wrdreg $0xFFFFFFFF;
	(pc) =	sbr.abs _section_cstart, $3  }
0xc0: {  	[dreg:$0x1] =	wrdreg $0xFFFFFFFF  }
0xc1: {  	_ =	task.clear_ibuf [dreg:s6], $0x2FFFF;
	_ =	strace $0x9FFFFFFF  }
0xc2: {  	(tm) =	ssettm $0x7FFFFFFF  }
0xc3: {  	_ =	shalt  }
tec
execute0_lowered:
.L_overlay_start_1:
0x0: {  	(tag) =	ssettag $0x1  }
0x1: {  	s0 =	srdreg.scid  }
0x2: {  	s1 =	rddreg [dreg:$0x0];
	s8 =	stileid.u32  }
0x3: {  	s2 =	rddreg [dreg:$0x1];
	s4 =	simm.s32 $0x0;
	s18 =	simm.s32 $0x9  }
0x4: {  	s19 =	simm.s32 $0x3800;
	s20 =	simm.s32 $0x7000;
	s21 =	simm.s32 $0x80  }
0x5: {  	s22 =	simm.s32 $0x9000;
	s28 =	simm.s32 $0xD000;
	s29 =	simm.s32 $0x2  }
0x6: {  	s31 =	simm.s32 $0x5;
	s15 =	simm.s32 $0x7;
	s16 =	simm.s32 $0x8  }
0x7: {  	s30 =	simm.s32 $0x0;
	s0 =	sand.u32 $0x1, s0;
	[smem:$0x7FF] =	sst s4  }
0x8: {  	s6 =	smul.u32 $0xE000, s8;
	s4 =	sadd.s32 $0xB8A00, s1;
	s5 =	sadd.s32 $0x2A00, s1  }
0x9: {  	s3 =	sshll.u32 s0, $0x4;
	_ =	strace $0x8000004A;
	s7 =	smul.u32 $0xE0000, s0  }
0xa: {  	s0 =	ssub.s32 $0x2, s0;
	s3 =	sor.u32 s8, s3;
	s8 =	smul.u32 $0x38000, s8  }
0xb: {  	s9 =	sshrl.u32 s0, $0x1;
	s3 =	smul.u32 $0x3800, s3;
	s7 =	sadd.s32 s6, s7  }
0xc: {  	s0 =	ssub.s32 s0, s9;
	s7 =	sshrl.u32 s7, $0x3;
	s23 =	sshrl.u32 s8, $0x2  }
0xd: {  	s8 =	sadd.s32 s6, s2;
	s0 =	smax.u32 s0, $0x1;
	s6 =	simm.s32 $0x6  }
0xe: {  	s3 =	sshrl.u32 s3, $0x3;
	s25 =	sadd.s32 s23, s2;
	[dreg:$0x7] =	wrdreg s0  }
0xf: {  	s0 =	simm.s32 $0x3;
	s23 =	simm.s32 $0x4;
	s3 =	sadd.s32 s3, s1  }
0x10: {  	s1 =	sadd.s32 s7, s1;
	s9 =	sadd.s32 $0x2000, s25;
	s10 =	sadd.s32 $0x4000, s25  }
0x11: {  	s11 =	sadd.s32 $0x6000, s25;
	s12 =	sadd.s32 $0x8000, s25;
	s24 =	sadd.s32 $0x64A00, s3  }
0x12: {  	s13 =	sadd.s32 $0xA000, s25;
	s3 =	sadd.s32 $0x72A00, s3;
	[dreg:$0x3] =	wrdreg s24  }
0x13: {  	s14 =	sadd.s32 $0xC000, s25;
	s26 =	sadd.s32 $0xD4A00, s1;
	[dreg:$0x4] =	wrdreg s3  }
0x14: {  	s25 =	simm.s32 $0x1;
	s1 =	sadd.s32 $0x10CA00, s1;
	[dreg:$0x5] =	wrdreg s26  }
0x15: {  	v0 =	vimm.f32 $0.0e+00;
	[dreg:$0x6] =	wrdreg s1;
	s24 =	simm.s32 $0xB000;
	s26 =	simm.s32 $0x3700  }
.LBB2_1:
0x16: {  	s1 =	simm.s32 $0x0;
	s3 =	rddreg [dreg:$0x3]  }
0x17: {  	[tilespmem:s1], [sflag:$0x9] =	stream.linear.gather [hbm4b:s3+s1], $0x3800, $0x38;
	[tilespmem:$0x1D000] =	vst v63  }
0x18: {  	_ =	swait.ge [sflag:s18], $0x3800  }
0x19: {  	[sflag:s18] =	ssyncset.done $0x0  }
0x1a: {  	s17 =	rddreg [dreg:$0x4];
	[sflag:s18] =	ssyncadd.s32 $0xFFFFC800  }
0x1b: {  	[tilespmem:s19], [sflag:$0x9] =	stream.linear.gather [hbm4b:s17+s1], $0x3800, $0x38;
	[tilespmem:$0x1D000] =	vst v63  }
0x1c: {  	_ =	swait.ge [sflag:s18], $0x3800  }
0x1d: {  	[sflag:s18] =	ssyncset.done $0x0  }
0x1e: {  	s17 =	simm.s32 $0x0;
	[sflag:s18] =	ssyncadd.s32 $0xFFFFC800  }
0x1f: {  	v8 =	vld [tilespmem:s17+$0x3840]  }
0x20: {  	v5 =	vld [tilespmem:s17+$0x3830]  }
0x21: {  	v6 =	vld [tilespmem:s17+$0x3820]  }
0x22: {  	v12 =	vld [tilespmem:s17+$0x3810]  }
0x23: {  	v13 =	vld [tilespmem:s17+$0x3860]  }
0x24: {  	v4 =	vld [tilespmem:s17+$0x3800]  }
0x25: {  	v3 =	vld [tilespmem:s17+$0x60]  }
0x26: {  	v15 =	vld [tilespmem:s17+$0x3870];
	_ =	sdelay $0x1  }
0x27: {  	v2 =	vld [tilespmem:s17+$0x40];
	v7 =	vmul.u32 $0x12493, v6  }
0x28: {  	v9 =	vmul.u32 $0x12493, v12;
	v11 =	vmul.u32 $0x12493, v13;
	v10 =	vmul.u32 $0x12493, v5  }
0x29: {  	v1 =	vld [tilespmem:s17+$0x3850];
	v14 =	vmul.u32 $0x12493, v4;
	v18 =	vmul.u32 $0x12493, v8;
	v20 =	vmul.u32 $0x12493, v3  }
0x2a: {  	v25 =	vmul.u32 $0x12493, v15;
	v17 =	vshrl.u32 v7, $0x14;
	v19 =	vshrl.u32 v9, $0x14  }
0x2b: {  	v9 =	vshrl.u32 v14, $0x14;
	v22 =	vshrl.u32 v10, $0x14;
	v24 =	vshrl.u32 v18, $0x14  }
0x2c: {  	v14 =	vmul.u32 $0x12493, v2;
	v28 =	vshrl.u32 v11, $0x14;
	v16 =	vmul.u32 $0x3FFFF2, v17  }
0x2d: {  	v7 =	vld [tilespmem:s17+$0x20];
	v21 =	vmul.u32 $0x3FFFF2, v19;
	v10 =	vmul.u32 $0x3FFFF2, v22;
	v18 =	vmul.u32 $0x3FFFF2, v24  }
0x2e: {  	v23 =	vadd.s32 v6, v16;
	v6 =	vshrl.u32 v20, $0x14;
	v16 =	vmul.u32 $0x12493, v1  }
0x2f: {  	v27 =	vld [tilespmem:s17+$0x70];
	v20 =	vadd.s32 v5, v10;
	v29 =	vadd.s32 v8, v18;
	v8 =	vshrl.u32 v25, $0x14  }
0x30: {  	v11 =	vld [tilespmem:s17+$0x50];
	v12 =	vadd.s32 v12, v21;
	v18 =	vshll.u32 v23, $0xA;
	v23 =	vmul.u32 $0x3FFFF2, v28  }
0x31: {  	v25 =	vmul.u32 $0x3FFFF2, v8;
	v20 =	vshll.u32 v20, $0xA;
	v30 =	vshll.u32 v12, $0xA  }
0x32: {  	v5 =	vld [tilespmem:s17+$0x10];
	v26 =	vmul.u32 $0x12493, v7;
	v10 =	vshrl.u32 v16, $0x14;
	v16 =	vmul.u32 $0x3FFFF2, v6  }
0x33: {  	v17 =	vadd.s32 v17, v18;
	v22 =	vadd.s32 v22, v20;
	v20 =	vshll.u32 v29, $0xA  }
0x34: {  	v12 =	vadd.s32 v13, v23;
	v13 =	vadd.s32 v15, v25;
	[tilespmem:s17+$0x3820] =	vst v17;
	v17 =	vmul.u32 $0x12493, v27  }
0x35: {  	v15 =	vld [tilespmem:s17+$0x30];
	v25 =	vmul.u32 $0x12493, v11;
	v12 =	vshll.u32 v12, $0xA;
	v13 =	vshll.u32 v13, $0xA  }
0x36: {  	v21 =	vmul.u32 $0x3FFFF2, v10;
	v23 =	vadd.s32 v28, v12;
	v13 =	vadd.s32 v8, v13;
	v8 =	vld [tilespmem:s17+$0x0]  }
0x37: {  	v18 =	vmul.u32 $0x12493, v5;
	v12 =	vshrl.u32 v17, $0x14;
	v17 =	vshrl.u32 v26, $0x14;
	[tilespmem:s17+$0x3860] =	vst v23  }
0x38: {  	v26 =	vadd.s32 v24, v20;
	v63 =	vmul.u32 $0x3FFFF2, v12;
	[tilespmem:s17+$0x3870] =	vst v13;
	v13 =	vshrl.u32 v25, $0x14  }
0x39: {  	v23 =	vmul.u32 $0x3FFFF2, v9;
	v25 =	vadd.s32 v19, v30;
	[tilespmem:s17+$0x3840] =	vst v26;
	v19 =	vmul.u32 $0x3FFFF2, v13  }
0x3a: {  	s1 =	simm.s32 $0x200;
	[tilespmem:s17+$0x3810] =	vst v25;
	v25 =	vmul.u32 $0x3FFFF2, v17;
	v24 =	vmul.u32 $0x12493, v15;
	v20 =	vadd.s32 v27, v63  }
.LBB2_2:
0x3b: {  	s3 =	sshra.s32 s1, $0x2;
	p0 =	sne.s32 s1, $0xDE00;
	s1 =	sadd.s32 $0x200, s1;
	v26 =	vmul.u32 $0x12493, v8;
	v14 =	vshrl.u32 v14, $0x14;
	v4 =	vadd.s32 v4, v23  }
0x3c: {  	v23 =	vld [tilespmem:s3+$0x3870];
	v7 =	vadd.s32 v7, v25;
	v24 =	vshrl.u32 v24, $0x14;
	v4 =	vshll.u32 v4, $0xA;
	[tilespmem:s17+$0x3830] =	vst v22  }
0x3d: {  	v3 =	vadd.s32 v3, v16;
	v1 =	vadd.s32 v1, v21;
	v22 =	vld [tilespmem:s3+$0x3840];
	v4 =	vadd.s32 v9, v4  }
0x3e: {  	v18 =	vshrl.u32 v18, $0x14;
	v21 =	vmul.u32 $0x3FFFF2, v14;
	v9 =	vmul.u32 $0x3FFFF2, v24;
	v16 =	vld [tilespmem:s3+$0x3830];
	[tilespmem:s17+$0x3800] =	vst v4  }
0x3f: {  	v20 =	vshll.u32 v20, $0xA;
	v1 =	vshll.u32 v1, $0xA;
	v26 =	vshrl.u32 v26, $0x14;
	v25 =	vld [tilespmem:s3+$0x3860]  }
0x40: {  	v3 =	vshll.u32 v3, $0xA;
	v1 =	vadd.s32 v10, v1;
	v2 =	vadd.s32 v2, v21;
	v27 =	vld [tilespmem:s3+$0x3820]  }
0x41: {  	v11 =	vadd.s32 v11, v19;
	v10 =	vmul.u32 $0x3FFFF2, v26;
	v9 =	vadd.s32 v15, v9;
	v21 =	vld [tilespmem:s3+$0x3810];
	[tilespmem:s17+$0x3850] =	vst v1  }
0x42: {  	v3 =	vadd.s32 v6, v3;
	v15 =	vmul.u32 $0x3FFFF2, v18;
	v2 =	vshll.u32 v2, $0xA;
	v4 =	vld [tilespmem:s3+$0x3800]  }
0x43: {  	v6 =	vshll.u32 v7, $0xA;
	v9 =	vshll.u32 v9, $0xA;
	v2 =	vadd.s32 v14, v2;
	v1 =	vld [tilespmem:s3+$0x3850];
	[tilespmem:s17+$0x60] =	vst v3  }
0x44: {  	v12 =	vadd.s32 v12, v20;
	v6 =	vadd.s32 v17, v6;
	v5 =	vadd.s32 v5, v15;
	v3 =	vld [tilespmem:s3+$0x60]  }
0x45: {  	v15 =	vmul.u32 $0x12493, v25;
	v14 =	vmul.u32 $0x12493, v27;
	[tilespmem:s17+$0x20] =	vst v6;
	v6 =	vshll.u32 v11, $0xA  }
0x46: {  	v17 =	vmul.u32 $0x12493, v16;
	v7 =	vld [tilespmem:s3+$0x20];
	v11 =	vmul.u32 $0x12493, v21;
	[tilespmem:s17+$0x40] =	vst v2;
	v6 =	vadd.s32 v13, v6  }
0x47: {  	v9 =	vadd.s32 v24, v9;
	v2 =	vld [tilespmem:s3+$0x40];
	v13 =	vmul.u32 $0x12493, v4;
	v19 =	vshrl.u32 v14, $0x14;
	[tilespmem:s17+$0x50] =	vst v6  }
0x48: {  	v20 =	vshrl.u32 v11, $0x14;
	v6 =	vmul.u32 $0x3FFFF2, v19;
	v11 =	vmul.u32 $0x12493, v22;
	[tilespmem:s17+$0x30] =	vst v9  }
0x49: {  	v8 =	vadd.s32 v8, v10;
	v14 =	vmul.u32 $0x12493, v3;
	v24 =	vmul.u32 $0x3FFFF2, v20;
	[tilespmem:s17+$0x70] =	vst v12  }
0x4a: {  	v8 =	vshll.u32 v8, $0xA;
	v5 =	vshll.u32 v5, $0xA;
	v9 =	vshrl.u32 v13, $0x14  }
0x4b: {  	v13 =	vshrl.u32 v17, $0x14;
	v12 =	vadd.s32 v27, v6;
	v6 =	vadd.s32 v26, v8  }
0x4c: {  	v5 =	vadd.s32 v18, v5;
	v8 =	vmul.u32 $0x3FFFF2, v13;
	v26 =	vshrl.u32 v11, $0x14;
	[tilespmem:s17+$0x0] =	vst v6  }
0x4d: {  	v10 =	vmul.u32 $0x12493, v1;
	v11 =	vmul.u32 $0x3FFFF2, v26;
	v6 =	vshrl.u32 v14, $0x14;
	[tilespmem:s17+$0x10] =	vst v5;
	s17 =	smov.u32 s3  }
0x4e: {  	v17 =	vmul.u32 $0x12493, v23;
	v14 =	vmul.u32 $0x12493, v2;
	v8 =	vadd.s32 v16, v8  }
0x4f: {  	v29 =	vshrl.u32 v15, $0x14;
	v10 =	vshrl.u32 v10, $0x14;
	v27 =	vmul.u32 $0x12493, v7;
	v28 =	vld [tilespmem:s17+$0x70]  }
0x50: {  	v17 =	vshrl.u32 v17, $0x14;
	v16 =	vmul.u32 $0x3FFFF2, v6;
	v30 =	vadd.s32 v22, v11;
	v5 =	vld [tilespmem:s17+$0x10]  }
0x51: {  	v15 =	vmul.u32 $0x3FFFF2, v29;
	v12 =	vshll.u32 v12, $0xA;
	v18 =	vmul.u32 $0x3FFFF2, v17;
	v11 =	vld [tilespmem:s17+$0x50]  }
0x52: {  	v21 =	vadd.s32 v21, v24;
	v12 =	vadd.s32 v19, v12;
	v19 =	vshll.u32 v8, $0xA  }
0x53: {  	v24 =	vshll.u32 v21, $0xA;
	v8 =	vadd.s32 v25, v15;
	[tilespmem:s17+$0x3820] =	vst v12;
	v12 =	vadd.s32 v23, v18  }
0x54: {  	v8 =	vshll.u32 v8, $0xA;
	v21 =	vmul.u32 $0x12493, v28;
	v12 =	vshll.u32 v12, $0xA  }
0x55: {  	v22 =	vadd.s32 v29, v8;
	v18 =	vmul.u32 $0x12493, v5;
	v15 =	vld [tilespmem:s17+$0x30];
	v17 =	vadd.s32 v17, v12  }
.Ltmp0:
0x56: {  	v8 =	vld [tilespmem:s17+$0x0];
	v23 =	vmul.u32 $0x12493, v11;
	v12 =	vshrl.u32 v21, $0x14;
	v21 =	vmul.u32 $0x3FFFF2, v10;
	[tilespmem:s17+$0x3860] =	vst v22;
	(pc) =	sbr.rel @p0 .LBB2_2-.Ltmp0, $4  }
0x57: {  	v25 =	vshll.u32 v30, $0xA;
	v22 =	vadd.s32 v13, v19;
	v29 =	vmul.u32 $0x3FFFF2, v12;
	[tilespmem:s17+$0x3870] =	vst v17  }
0x58: {  	v20 =	vadd.s32 v20, v24;
	v13 =	vshrl.u32 v23, $0x14;
	v23 =	vmul.u32 $0x3FFFF2, v9  }
0x59: {  	v26 =	vadd.s32 v26, v25;
	v17 =	vshrl.u32 v27, $0x14;
	v19 =	vmul.u32 $0x3FFFF2, v13;
	[tilespmem:s17+$0x3810] =	vst v20  }
0x5a: {  	v25 =	vmul.u32 $0x3FFFF2, v17;
	v20 =	vadd.s32 v28, v29;
	v24 =	vmul.u32 $0x12493, v15;
	[tilespmem:s17+$0x3840] =	vst v26  }
0x5b: {  	v26 =	vmul.u32 $0x12493, v8;
	v4 =	vadd.s32 v4, v23  }
0x5c: {  	v14 =	vshrl.u32 v14, $0x14;
	v3 =	vadd.s32 v3, v16;
	v1 =	vadd.s32 v1, v21  }
0x5d: {  	v56 =	vshrl.u32 v18, $0x14;
	v61 =	vadd.s32 v11, v19;
	v7 =	vadd.s32 v7, v25  }
0x5e: {  	v4 =	vshll.u32 v4, $0xA;
	v55 =	vshrl.u32 v24, $0x14;
	v57 =	vmul.u32 $0x3FFFF2, v14  }
0x5f: {  	[tilespmem:s17+$0x3830] =	vst v22;
	v1 =	vshll.u32 v1, $0xA;
	v3 =	vshll.u32 v3, $0xA;
	v4 =	vadd.s32 v9, v4  }
0x60: {  	v58 =	vmul.u32 $0x3FFFF2, v55;
	v59 =	vshrl.u32 v26, $0x14;
	v1 =	vadd.s32 v10, v1;
	[tilespmem:s17+$0x3800] =	vst v4  }
0x61: {  	v2 =	vadd.s32 v2, v57;
	[tilespmem:s17+$0x3850] =	vst v1;
	v1 =	vadd.s32 v6, v3;
	v3 =	vshll.u32 v7, $0xA  }
0x62: {  	v60 =	vmul.u32 $0x3FFFF2, v59;
	v2 =	vshll.u32 v2, $0xA;
	[tilespmem:s17+$0x60] =	vst v1;
	v1 =	vadd.s32 v17, v3  }
0x63: {  	v3 =	vadd.s32 v15, v58;
	v2 =	vadd.s32 v14, v2;
	[tilespmem:s17+$0x20] =	vst v1;
	v1 =	vshll.u32 v61, $0xA  }
0x64: {  	v62 =	vmul.u32 $0x3FFFF2, v56;
	v3 =	vshll.u32 v3, $0xA;
	[tilespmem:s17+$0x40] =	vst v2;
	v1 =	vadd.s32 v13, v1  }
0x65: {  	v2 =	vshll.u32 v20, $0xA;
	v3 =	vadd.s32 v55, v3;
	[tilespmem:s17+$0x50] =	vst v1;
	v1 =	vadd.s32 v8, v60  }
0x66: {  	v63 =	vadd.s32 v5, v62;
	v2 =	vadd.s32 v12, v2;
	[tilespmem:s17+$0x30] =	vst v3;
	v1 =	vshll.u32 v1, $0xA  }
0x67: {  	[tilespmem:s17+$0x70] =	vst v2;
	v2 =	vshll.u32 v63, $0xA;
	v1 =	vadd.s32 v59, v1  }
0x68: {  	[tilespmem:s17+$0x0] =	vst v1;
	v1 =	vadd.s32 v56, v2  }
0x69: {  	s3 =	simm.s32 $0x100;
	s1 =	simm.s32 $0x0;
	[tilespmem:s17+$0x10] =	vst v1  }
.LBB2_4:
0x6a: {  	p0 =	sne.s32 s3, $0x7F00;
	[tilespmem:s1+$0x7030] =	vst v0;
	s7 =	smov.u32 s3;
	s3 =	sadd.s32 $0x100, s3  }
.Ltmp1:
0x6b: {  	[tilespmem:s1+$0x7020] =	vst v0;
	(pc) =	sbr.rel @p0 .LBB2_4-.Ltmp1, $3  }
0x6c: {  	[tilespmem:s1+$0x7000] =	vst v0  }
0x6d: {  	[tilespmem:s1+$0x7010] =	vst v0;
	_ =	sdelay $0x1  }
0x6e: {  	s1 =	sshra.s32 s7, $0x2  }
0x6f: {  	[tilespmem:s1+$0x7030] =	vst v0  }
0x70: {  	[tilespmem:s1+$0x7020] =	vst v0  }
0x71: {  	[tilespmem:s1+$0x7000] =	vst v0  }
0x72: {  	[tilespmem:s1+$0x7010] =	vst v0  }
0x73: {  	[spmem:s8] =	stream.linear.scatter [tilespmem:s20], [sflag:$0x9], $0x2000, $0x38;
	[tilespmem:$0x1D000] =	vst v63  }
0x74: {  	_ =	swait.ge [sflag:s18], $0x2000  }
0x75: {  	[sflag:s18] =	ssyncset.done $0x0  }
0x76: {  	[sflag:s18] =	ssyncadd.s32 $0xFFFFE000  }
0x77: {  	[spmem:s9] =	stream.linear.scatter [tilespmem:s20], [sflag:$0x9], $0x2000, $0x38;
	[tilespmem:$0x1D000] =	vst v63  }
0x78: {  	_ =	swait.ge [sflag:s18], $0x2000  }
0x79: {  	[sflag:s18] =	ssyncset.done $0x0  }
0x7a: {  	[sflag:s18] =	ssyncadd.s32 $0xFFFFE000  }
0x7b: {  	[spmem:s10] =	stream.linear.scatter [tilespmem:s20], [sflag:$0x9], $0x2000, $0x38;
	[tilespmem:$0x1D000] =	vst v63  }
0x7c: {  	_ =	swait.ge [sflag:s18], $0x2000  }
0x7d: {  	[sflag:s18] =	ssyncset.done $0x0  }
0x7e: {  	[sflag:s18] =	ssyncadd.s32 $0xFFFFE000  }
0x7f: {  	[spmem:s11] =	stream.linear.scatter [tilespmem:s20], [sflag:$0x9], $0x2000, $0x38;
	[tilespmem:$0x1D000] =	vst v63  }
0x80: {  	_ =	swait.ge [sflag:s18], $0x2000  }
0x81: {  	[sflag:s18] =	ssyncset.done $0x0  }
0x82: {  	[sflag:s18] =	ssyncadd.s32 $0xFFFFE000  }
0x83: {  	[spmem:s12] =	stream.linear.scatter [tilespmem:s20], [sflag:$0x9], $0x2000, $0x38;
	[tilespmem:$0x1D000] =	vst v63  }
0x84: {  	_ =	swait.ge [sflag:s18], $0x2000  }
0x85: {  	[sflag:s18] =	ssyncset.done $0x0  }
0x86: {  	[sflag:s18] =	ssyncadd.s32 $0xFFFFE000  }
0x87: {  	[spmem:s13] =	stream.linear.scatter [tilespmem:s20], [sflag:$0x9], $0x2000, $0x38;
	[tilespmem:$0x1D000] =	vst v63  }
0x88: {  	_ =	swait.ge [sflag:s18], $0x2000  }
0x89: {  	[sflag:s18] =	ssyncset.done $0x0  }
0x8a: {  	[sflag:s18] =	ssyncadd.s32 $0xFFFFE000  }
0x8b: {  	[spmem:s14] =	stream.linear.scatter [tilespmem:s20], [sflag:$0x9], $0x2000, $0x38;
	[tilespmem:$0x1D000] =	vst v63  }
0x8c: {  	_ =	swait.ge [sflag:s18], $0x2000  }
0x8d: {  	[sflag:s18] =	ssyncset.done $0x0  }
0x8e: {  	[sflag:s18] =	ssyncadd.s32 $0xFFFFE000  }
0x8f: {  	s3 =	simm.s32 $0x0;
	[bflag:$0x0] =	sbarrier.arrive $0xFFFF  }
0x90: {  	[tilespmem:s20], [sflag:$0x1] =	stream.indirect.gather [hbm4b:s4+s21], $0x40, s3, s21, $0xb8;
	[tilespmem:$0x1D000] =	vst v63  }
0x91: {  	_ = 	snop  }
0x92: {  	[tilespmem:s22], [sflag:$0x2] =	stream.indirect.gather [hbm4b:s4+s21], $0x40, s21, s21, $0xb8;
	[tilespmem:$0x1D000] =	vst v63  }
0x93: {  	s7 =	simm.s32 $0x100  }
0x94: {  	[tilespmem:s24], [sflag:$0x3] =	stream.indirect.gather [hbm4b:s4+s21], $0x40, s7, s21, $0xb8;
	[tilespmem:$0x1D000] =	vst v63  }
0x95: {  	_ =	swait.ge [sflag:s25], $0x2000  }
0x96: {  	[sflag:s25] =	ssyncset.done $0x0  }
0x97: {  	[sflag:s25] =	ssyncadd.s32 $0xFFFFE000  }
0x98: {  	[spmem:s2] =	stream.indirect.scatter.add.f32 [tilespmem:s20], [sflag:$0x5], $0x40, s19, s21, $0xb8;
	[tilespmem:$0x1D000] =	vst v63  }
0x99: {  	s17 =	simm.s32 $0x180  }
0x9a: {  	[tilespmem:s28], [sflag:$0x4] =	stream.indirect.gather [hbm4b:s4+s21], $0x40, s17, s21, $0xb8;
	[tilespmem:$0x1D000] =	vst v63  }
0x9b: {  	_ =	swait.ge [sflag:s29], $0x2000  }
0x9c: {  	[sflag:s29] =	ssyncset.done $0x0  }
0x9d: {  	s3 =	simm.s32 $0x3880;
	[sflag:s29] =	ssyncadd.s32 $0xFFFFE000  }
0x9e: {  	[spmem:s2] =	stream.indirect.scatter.add.f32 [tilespmem:s22], [sflag:$0x6], $0x40, s3, s21, $0xb8;
	[tilespmem:$0x1D000] =	vst v63  }
0x9f: {  	_ =	swait.ge [sflag:s31], $0x2000  }
0xa0: {  	[sflag:s31] =	ssyncset.done $0x0  }
0xa1: {  	s7 =	simm.s32 $0x200;
	[sflag:s31] =	ssyncadd.s32 $0xFFFFE000  }
0xa2: {  	[tilespmem:s20], [sflag:$0x1] =	stream.indirect.gather [hbm4b:s4+s21], $0x40, s7, s21, $0xb8;
	[tilespmem:$0x1D000] =	vst v63  }
0xa3: {  	_ =	swait.ge [sflag:s0], $0x2000  }
0xa4: {  	[sflag:s0] =	ssyncset.done $0x0  }
0xa5: {  	s17 =	simm.s32 $0x3900;
	[sflag:s0] =	ssyncadd.s32 $0xFFFFE000  }
0xa6: {  	[spmem:s2] =	stream.indirect.scatter.add.f32 [tilespmem:s24], [sflag:$0x7], $0x40, s17, s21, $0xb8;
	[tilespmem:$0x1D000] =	vst v63  }
0xa7: {  	_ =	swait.ge [sflag:s6], $0x2000  }
0xa8: {  	[sflag:s6] =	ssyncset.done $0x0  }
0xa9: {  	s3 =	simm.s32 $0x280;
	[sflag:s6] =	ssyncadd.s32 $0xFFFFE000  }
0xaa: {  	[tilespmem:s22], [sflag:$0x2] =	stream.indirect.gather [hbm4b:s4+s21], $0x40, s3, s21, $0xb8;
	[tilespmem:$0x1D000] =	vst v63  }
0xab: {  	_ =	swait.ge [sflag:s23], $0x2000  }
0xac: {  	[sflag:s23] =	ssyncset.done $0x0  }
0xad: {  	s7 =	simm.s32 $0x3980;
	[sflag:s23] =	ssyncadd.s32 $0xFFFFE000  }
0xae: {  	[spmem:s2] =	stream.indirect.scatter.add.f32 [tilespmem:s28], [sflag:$0x8], $0x40, s7, s21, $0xb8;
	[tilespmem:$0x1D000] =	vst v63  }
0xaf: {  	_ =	swait.ge [sflag:s15], $0x2000  }
0xb0: {  	[sflag:s15] =	ssyncset.done $0x0  }
0xb1: {  	s17 =	simm.s32 $0x300;
	[sflag:s15] =	ssyncadd.s32 $0xFFFFE000  }
0xb2: {  	[tilespmem:s24], [sflag:$0x3] =	stream.indirect.gather [hbm4b:s4+s21], $0x40, s17, s21, $0xb8;
	[tilespmem:$0x1D000] =	vst v63  }
0xb3: {  	_ =	swait.ge [sflag:s25], $0x2000  }
0xb4: {  	[sflag:s25] =	ssyncset.done $0x0  }
0xb5: {  	s3 =	simm.s32 $0x3A00;
	[sflag:s25] =	ssyncadd.s32 $0xFFFFE000  }
0xb6: {  	[spmem:s2] =	stream.indirect.scatter.add.f32 [tilespmem:s20], [sflag:$0x5], $0x40, s3, s21, $0xb8;
	[tilespmem:$0x1D000] =	vst v63  }
0xb7: {  	_ =	swait.ge [sflag:s16], $0x2000  }
0xb8: {  	[sflag:s16] =	ssyncset.done $0x0  }
0xb9: {  	s7 =	simm.s32 $0x380;
	[sflag:s16] =	ssyncadd.s32 $0xFFFFE000  }
0xba: {  	[tilespmem:s28], [sflag:$0x4] =	stream.indirect.gather [hbm4b:s4+s21], $0x40, s7, s21, $0xb8;
	[tilespmem:$0x1D000] =	vst v63  }
0xbb: {  	_ =	swait.ge [sflag:s29], $0x2000  }
0xbc: {  	[sflag:s29] =	ssyncset.done $0x0  }
0xbd: {  	s17 =	simm.s32 $0x3A80;
	[sflag:s29] =	ssyncadd.s32 $0xFFFFE000  }
0xbe: {  	[spmem:s2] =	stream.indirect.scatter.add.f32 [tilespmem:s22], [sflag:$0x6], $0x40, s17, s21, $0xb8;
	[tilespmem:$0x1D000] =	vst v63  }
0xbf: {  	_ =	swait.ge [sflag:s31], $0x2000  }
0xc0: {  	[sflag:s31] =	ssyncset.done $0x0  }
0xc1: {  	s3 =	simm.s32 $0x400;
	[sflag:s31] =	ssyncadd.s32 $0xFFFFE000  }
0xc2: {  	[tilespmem:s20], [sflag:$0x1] =	stream.indirect.gather [hbm4b:s4+s21], $0x40, s3, s21, $0xb8;
	[tilespmem:$0x1D000] =	vst v63  }
0xc3: {  	_ =	swait.ge [sflag:s0], $0x2000  }
0xc4: {  	[sflag:s0] =	ssyncset.done $0x0  }
0xc5: {  	s7 =	simm.s32 $0x3B00;
	[sflag:s0] =	ssyncadd.s32 $0xFFFFE000  }
0xc6: {  	[spmem:s2] =	stream.indirect.scatter.add.f32 [tilespmem:s24], [sflag:$0x7], $0x40, s7, s21, $0xb8;
	[tilespmem:$0x1D000] =	vst v63  }
0xc7: {  	_ =	swait.ge [sflag:s6], $0x2000  }
0xc8: {  	[sflag:s6] =	ssyncset.done $0x0  }
0xc9: {  	s17 =	simm.s32 $0x480;
	[sflag:s6] =	ssyncadd.s32 $0xFFFFE000  }
0xca: {  	[tilespmem:s22], [sflag:$0x2] =	stream.indirect.gather [hbm4b:s4+s21], $0x40, s17, s21, $0xb8;
	[tilespmem:$0x1D000] =	vst v63  }
0xcb: {  	_ =	swait.ge [sflag:s23], $0x2000  }
0xcc: {  	[sflag:s23] =	ssyncset.done $0x0  }
0xcd: {  	s1 =	simm.s32 $0x800;
	s3 =	simm.s32 $0x3B80;
	[sflag:s23] =	ssyncadd.s32 $0xFFFFE000  }
.LBB2_6:
0xce: {  	[spmem:s2] =	stream.indirect.scatter.add.f32 [tilespmem:s28], [sflag:$0x8], $0x40, s3, s21, $0xb8;
	[tilespmem:$0x1D000] =	vst v63  }
0xcf: {  	s3 =	smov.u32 s1  }
0xd0: {  	p0 =	sne.s32 s1, $0xC800;
	s1 =	sadd.s32 $0x800, s1;
	_ =	swait.ge [sflag:s15], $0x2000  }
0xd1: {  	s3 =	sshra.s32 s3, $0x2;
	[sflag:s15] =	ssyncset.done $0x0  }
0xd2: {  	s7 =	sadd.s32 $0x300, s3;
	[sflag:s15] =	ssyncadd.s32 $0xFFFFE000  }
0xd3: {  	[tilespmem:s24], [sflag:$0x3] =	stream.indirect.gather [hbm4b:s4+s21], $0x40, s7, s21, $0xb8;
	[tilespmem:$0x1D000] =	vst v63  }
0xd4: {  	_ =	swait.ge [sflag:s25], $0x2000  }
0xd5: {  	[sflag:s25] =	ssyncset.done $0x0  }
0xd6: {  	s7 =	sadd.s32 $0x3A00, s3;
	[sflag:s25] =	ssyncadd.s32 $0xFFFFE000  }
0xd7: {  	[spmem:s2] =	stream.indirect.scatter.add.f32 [tilespmem:s20], [sflag:$0x5], $0x40, s7, s21, $0xb8;
	[tilespmem:$0x1D000] =	vst v63  }
0xd8: {  	_ =	swait.ge [sflag:s16], $0x2000  }
0xd9: {  	[sflag:s16] =	ssyncset.done $0x0  }
0xda: {  	s7 =	sadd.s32 $0x380, s3;
	[sflag:s16] =	ssyncadd.s32 $0xFFFFE000  }
0xdb: {  	[tilespmem:s28], [sflag:$0x4] =	stream.indirect.gather [hbm4b:s4+s21], $0x40, s7, s21, $0xb8;
	[tilespmem:$0x1D000] =	vst v63  }
0xdc: {  	_ =	swait.ge [sflag:s29], $0x2000  }
0xdd: {  	[sflag:s29] =	ssyncset.done $0x0  }
0xde: {  	s7 =	sadd.s32 $0x3A80, s3;
	[sflag:s29] =	ssyncadd.s32 $0xFFFFE000  }
0xdf: {  	[spmem:s2] =	stream.indirect.scatter.add.f32 [tilespmem:s22], [sflag:$0x6], $0x40, s7, s21, $0xb8;
	[tilespmem:$0x1D000] =	vst v63  }
0xe0: {  	_ =	swait.ge [sflag:s31], $0x2000  }
0xe1: {  	[sflag:s31] =	ssyncset.done $0x0  }
0xe2: {  	s7 =	sadd.s32 $0x400, s3;
	[sflag:s31] =	ssyncadd.s32 $0xFFFFE000  }
0xe3: {  	[tilespmem:s20], [sflag:$0x1] =	stream.indirect.gather [hbm4b:s4+s21], $0x40, s7, s21, $0xb8;
	[tilespmem:$0x1D000] =	vst v63  }
0xe4: {  	_ =	swait.ge [sflag:s0], $0x2000  }
0xe5: {  	[sflag:s0] =	ssyncset.done $0x0  }
0xe6: {  	s7 =	sadd.s32 $0x3B00, s3;
	[sflag:s0] =	ssyncadd.s32 $0xFFFFE000  }
0xe7: {  	[spmem:s2] =	stream.indirect.scatter.add.f32 [tilespmem:s24], [sflag:$0x7], $0x40, s7, s21, $0xb8;
	[tilespmem:$0x1D000] =	vst v63  }
0xe8: {  	_ =	swait.ge [sflag:s6], $0x2000  }
0xe9: {  	[sflag:s6] =	ssyncset.done $0x0  }
.Ltmp2:
0xea: {  	s7 =	sadd.s32 $0x480, s3;
	[sflag:s6] =	ssyncadd.s32 $0xFFFFE000;
	(pc) =	sbr.rel @p0 .LBB2_6-.Ltmp2, $4  }
0xeb: {  	[tilespmem:s22], [sflag:$0x2] =	stream.indirect.gather [hbm4b:s4+s21], $0x40, s7, s21, $0xb8;
	[tilespmem:$0x1D000] =	vst v63  }
0xec: {  	_ =	swait.ge [sflag:s23], $0x2000  }
0xed: {  	[sflag:s23] =	ssyncset.done $0x0  }
0xee: {  	s3 =	sadd.s32 $0x3B80, s3;
	[sflag:s23] =	ssyncadd.s32 $0xFFFFE000  }
0xef: {  	[spmem:s2] =	stream.indirect.scatter.add.f32 [tilespmem:s28], [sflag:$0x8], $0x40, s3, s21, $0xb8;
	[tilespmem:$0x1D000] =	vst v63  }
0xf0: {  	_ =	swait.ge [sflag:s15], $0x2000  }
0xf1: {  	[sflag:s15] =	ssyncset.done $0x0  }
0xf2: {  	[sflag:s15] =	ssyncadd.s32 $0xFFFFE000  }
0xf3: {  	[tilespmem:s24], [sflag:$0x3] =	stream.indirect.gather [hbm4b:s4+s21], $0x40, s26, s21, $0xb8;
	[tilespmem:$0x1D000] =	vst v63  }
0xf4: {  	_ =	swait.ge [sflag:s25], $0x2000  }
0xf5: {  	[sflag:s25] =	ssyncset.done $0x0  }
0xf6: {  	s1 =	simm.s32 $0x6E00;
	[sflag:s25] =	ssyncadd.s32 $0xFFFFE000  }
0xf7: {  	[spmem:s2] =	stream.indirect.scatter.add.f32 [tilespmem:s20], [sflag:$0x5], $0x40, s1, s21, $0xb8;
	[tilespmem:$0x1D000] =	vst v63  }
0xf8: {  	_ =	swait.ge [sflag:s16], $0x2000  }
0xf9: {  	[sflag:s16] =	ssyncset.done $0x0  }
0xfa: {  	s17 =	simm.s32 $0x3780;
	[sflag:s16] =	ssyncadd.s32 $0xFFFFE000  }
0xfb: {  	[tilespmem:s28], [sflag:$0x4] =	stream.indirect.gather [hbm4b:s4+s21], $0x40, s17, s21, $0xb8;
	[tilespmem:$0x1D000] =	vst v63  }
0xfc: {  	_ =	swait.ge [sflag:s29], $0x2000  }
0xfd: {  	[sflag:s29] =	ssyncset.done $0x0  }
0xfe: {  	s26 =	simm.s32 $0x6E80;
	[sflag:s29] =	ssyncadd.s32 $0xFFFFE000  }
0xff: {  	[spmem:s2] =	stream.indirect.scatter.add.f32 [tilespmem:s22], [sflag:$0x6], $0x40, s26, s21, $0xb8;
	[tilespmem:$0x1D000] =	vst v63  }
0x100: {  	_ =	swait.ge [sflag:s0], $0x2000  }
0x101: {  	[sflag:s0] =	ssyncset.done $0x0  }
0x102: {  	s3 =	simm.s32 $0x6F00;
	[sflag:s0] =	ssyncadd.s32 $0xFFFFE000  }
0x103: {  	[spmem:s2] =	stream.indirect.scatter.add.f32 [tilespmem:s24], [sflag:$0x7], $0x40, s3, s21, $0xb8;
	[tilespmem:$0x1D000] =	vst v63  }
0x104: {  	_ =	swait.ge [sflag:s23], $0x2000  }
0x105: {  	[sflag:s23] =	ssyncset.done $0x0  }
0x106: {  	s7 =	simm.s32 $0x6F80;
	[sflag:s23] =	ssyncadd.s32 $0xFFFFE000  }
0x107: {  	[spmem:s2] =	stream.indirect.scatter.add.f32 [tilespmem:s28], [sflag:$0x8], $0x40, s7, s21, $0xb8;
	[tilespmem:$0x1D000] =	vst v63  }
0x108: {  	_ =	swait.ge [sflag:s31], $0x2000  }
0x109: {  	[sflag:s31] =	ssyncset.done $0x0  }
0x10a: {  	[sflag:s31] =	ssyncadd.s32 $0xFFFFE000  }
0x10b: {  	_ =	swait.ge [sflag:s6], $0x2000  }
0x10c: {  	[sflag:s6] =	ssyncset.done $0x0  }
0x10d: {  	[sflag:s6] =	ssyncadd.s32 $0xFFFFE000  }
0x10e: {  	_ =	swait.ge [sflag:s15], $0x2000  }
0x10f: {  	[sflag:s15] =	ssyncset.done $0x0  }
0x110: {  	[sflag:s15] =	ssyncadd.s32 $0xFFFFE000  }
0x111: {  	_ =	swait.ge [sflag:s16], $0x2000  }
0x112: {  	[sflag:s16] =	ssyncset.done $0x0  }
0x113: {  	s17 =	stileid.u32;
	[sflag:s16] =	ssyncadd.s32 $0xFFFFE000  }
0x114: {  	s1 =	sshll.u32 s17, $0x6;
	[bflag:$0x0] =	sbarrier.arrive $0xFFFF  }
0x115: {  	s17 =	sor.u32 $0x1C09, s1;
	s1 =	sshrl.u32 s8, $0x3;
	s26 =	rddreg [dreg:$0x5]  }
0x116: {  	[hbm:s26], [sflag:s17] =	dma.local [spmem:s1], $0x1C00  }
0x117: {  	_ =	swait.ge [sflag:s18], $0x1C00  }
0x118: {  	[sflag:s18] =	ssyncset.done $0x0  }
0x119: {  	s3 =	simm.s32 $0x0;
	s7 =	simm.s32 $0x100;
	[sflag:s18] =	ssyncadd.s32 $0xFFFFE400  }
.LBB2_8:
0x11a: {  	p0 =	sne.s32 s7, $0x7F00;
	[tilespmem:s3+$0x7030] =	vst v0;
	s26 =	smov.u32 s7;
	s7 =	sadd.s32 $0x100, s7  }
.Ltmp3:
0x11b: {  	[tilespmem:s3+$0x7020] =	vst v0;
	(pc) =	sbr.rel @p0 .LBB2_8-.Ltmp3, $3  }
0x11c: {  	[tilespmem:s3+$0x7000] =	vst v0  }
0x11d: {  	[tilespmem:s3+$0x7010] =	vst v0;
	_ =	sdelay $0x1  }
0x11e: {  	s3 =	sshra.s32 s26, $0x2  }
0x11f: {  	[tilespmem:s3+$0x7030] =	vst v0  }
0x120: {  	[tilespmem:s3+$0x7020] =	vst v0  }
0x121: {  	[tilespmem:s3+$0x7000] =	vst v0  }
0x122: {  	[tilespmem:s3+$0x7010] =	vst v0  }
0x123: {  	[spmem:s8] =	stream.linear.scatter [tilespmem:s20], [sflag:$0x9], $0x2000, $0x38;
	[tilespmem:$0x1D000] =	vst v63  }
0x124: {  	_ =	swait.ge [sflag:s18], $0x2000  }
0x125: {  	[sflag:s18] =	ssyncset.done $0x0  }
0x126: {  	[sflag:s18] =	ssyncadd.s32 $0xFFFFE000  }
0x127: {  	[spmem:s9] =	stream.linear.scatter [tilespmem:s20], [sflag:$0x9], $0x2000, $0x38;
	[tilespmem:$0x1D000] =	vst v63  }
0x128: {  	_ =	swait.ge [sflag:s18], $0x2000  }
0x129: {  	[sflag:s18] =	ssyncset.done $0x0  }
0x12a: {  	[sflag:s18] =	ssyncadd.s32 $0xFFFFE000  }
0x12b: {  	[spmem:s10] =	stream.linear.scatter [tilespmem:s20], [sflag:$0x9], $0x2000, $0x38;
	[tilespmem:$0x1D000] =	vst v63  }
0x12c: {  	_ =	swait.ge [sflag:s18], $0x2000  }
0x12d: {  	[sflag:s18] =	ssyncset.done $0x0  }
0x12e: {  	[sflag:s18] =	ssyncadd.s32 $0xFFFFE000  }
0x12f: {  	[spmem:s11] =	stream.linear.scatter [tilespmem:s20], [sflag:$0x9], $0x2000, $0x38;
	[tilespmem:$0x1D000] =	vst v63  }
0x130: {  	_ =	swait.ge [sflag:s18], $0x2000  }
0x131: {  	[sflag:s18] =	ssyncset.done $0x0  }
0x132: {  	[sflag:s18] =	ssyncadd.s32 $0xFFFFE000  }
0x133: {  	[spmem:s12] =	stream.linear.scatter [tilespmem:s20], [sflag:$0x9], $0x2000, $0x38;
	[tilespmem:$0x1D000] =	vst v63  }
0x134: {  	_ =	swait.ge [sflag:s18], $0x2000  }
0x135: {  	[sflag:s18] =	ssyncset.done $0x0  }
0x136: {  	[sflag:s18] =	ssyncadd.s32 $0xFFFFE000  }
0x137: {  	[spmem:s13] =	stream.linear.scatter [tilespmem:s20], [sflag:$0x9], $0x2000, $0x38;
	[tilespmem:$0x1D000] =	vst v63  }
0x138: {  	_ =	swait.ge [sflag:s18], $0x2000  }
0x139: {  	[sflag:s18] =	ssyncset.done $0x0  }
0x13a: {  	[sflag:s18] =	ssyncadd.s32 $0xFFFFE000  }
0x13b: {  	[spmem:s14] =	stream.linear.scatter [tilespmem:s20], [sflag:$0x9], $0x2000, $0x38;
	[tilespmem:$0x1D000] =	vst v63  }
0x13c: {  	_ =	swait.ge [sflag:s18], $0x2000  }
0x13d: {  	[sflag:s18] =	ssyncset.done $0x0  }
0x13e: {  	[sflag:s18] =	ssyncadd.s32 $0xFFFFE000  }
0x13f: {  	s26 =	simm.s32 $0x0;
	[bflag:$0x0] =	sbarrier.arrive $0xFFFF  }
0x140: {  	[tilespmem:s20], [sflag:$0x1] =	stream.indirect.gather [hbm4b:s5+s21], $0x40, s26, s21, $0xb8;
	[tilespmem:$0x1D000] =	vst v63  }
0x141: {  	_ = 	snop  }
0x142: {  	[tilespmem:s22], [sflag:$0x2] =	stream.indirect.gather [hbm4b:s5+s21], $0x40, s21, s21, $0xb8;
	[tilespmem:$0x1D000] =	vst v63  }
0x143: {  	s7 =	simm.s32 $0x100  }
0x144: {  	[tilespmem:s24], [sflag:$0x3] =	stream.indirect.gather [hbm4b:s5+s21], $0x40, s7, s21, $0xb8;
	[tilespmem:$0x1D000] =	vst v63  }
0x145: {  	_ =	swait.ge [sflag:s25], $0x2000  }
0x146: {  	[sflag:s25] =	ssyncset.done $0x0  }
0x147: {  	[sflag:s25] =	ssyncadd.s32 $0xFFFFE000  }
0x148: {  	[spmem:s2] =	stream.indirect.scatter.add.f32 [tilespmem:s20], [sflag:$0x5], $0x40, s19, s21, $0xb8;
	[tilespmem:$0x1D000] =	vst v63  }
0x149: {  	s26 =	simm.s32 $0x180  }
0x14a: {  	[tilespmem:s28], [sflag:$0x4] =	stream.indirect.gather [hbm4b:s5+s21], $0x40, s26, s21, $0xb8;
	[tilespmem:$0x1D000] =	vst v63  }
0x14b: {  	_ =	swait.ge [sflag:s29], $0x2000  }
0x14c: {  	[sflag:s29] =	ssyncset.done $0x0  }
0x14d: {  	s7 =	simm.s32 $0x3880;
	[sflag:s29] =	ssyncadd.s32 $0xFFFFE000  }
0x14e: {  	[spmem:s2] =	stream.indirect.scatter.add.f32 [tilespmem:s22], [sflag:$0x6], $0x40, s7, s21, $0xb8;
	[tilespmem:$0x1D000] =	vst v63  }
0x14f: {  	_ =	swait.ge [sflag:s31], $0x2000  }
0x150: {  	[sflag:s31] =	ssyncset.done $0x0  }
0x151: {  	s26 =	simm.s32 $0x200;
	[sflag:s31] =	ssyncadd.s32 $0xFFFFE000  }
0x152: {  	[tilespmem:s20], [sflag:$0x1] =	stream.indirect.gather [hbm4b:s5+s21], $0x40, s26, s21, $0xb8;
	[tilespmem:$0x1D000] =	vst v63  }
0x153: {  	_ =	swait.ge [sflag:s0], $0x2000  }
0x154: {  	[sflag:s0] =	ssyncset.done $0x0  }
0x155: {  	s7 =	simm.s32 $0x3900;
	[sflag:s0] =	ssyncadd.s32 $0xFFFFE000  }
0x156: {  	[spmem:s2] =	stream.indirect.scatter.add.f32 [tilespmem:s24], [sflag:$0x7], $0x40, s7, s21, $0xb8;
	[tilespmem:$0x1D000] =	vst v63  }
0x157: {  	_ =	swait.ge [sflag:s6], $0x2000  }
0x158: {  	[sflag:s6] =	ssyncset.done $0x0  }
0x159: {  	s26 =	simm.s32 $0x280;
	[sflag:s6] =	ssyncadd.s32 $0xFFFFE000  }
0x15a: {  	[tilespmem:s22], [sflag:$0x2] =	stream.indirect.gather [hbm4b:s5+s21], $0x40, s26, s21, $0xb8;
	[tilespmem:$0x1D000] =	vst v63  }
0x15b: {  	_ =	swait.ge [sflag:s23], $0x2000  }
0x15c: {  	[sflag:s23] =	ssyncset.done $0x0  }
0x15d: {  	s7 =	simm.s32 $0x3980;
	[sflag:s23] =	ssyncadd.s32 $0xFFFFE000  }
0x15e: {  	[spmem:s2] =	stream.indirect.scatter.add.f32 [tilespmem:s28], [sflag:$0x8], $0x40, s7, s21, $0xb8;
	[tilespmem:$0x1D000] =	vst v63  }
0x15f: {  	_ =	swait.ge [sflag:s15], $0x2000  }
0x160: {  	[sflag:s15] =	ssyncset.done $0x0  }
0x161: {  	s26 =	simm.s32 $0x300;
	[sflag:s15] =	ssyncadd.s32 $0xFFFFE000  }
0x162: {  	[tilespmem:s24], [sflag:$0x3] =	stream.indirect.gather [hbm4b:s5+s21], $0x40, s26, s21, $0xb8;
	[tilespmem:$0x1D000] =	vst v63  }
0x163: {  	_ =	swait.ge [sflag:s25], $0x2000  }
0x164: {  	[sflag:s25] =	ssyncset.done $0x0  }
0x165: {  	s7 =	simm.s32 $0x3A00;
	[sflag:s25] =	ssyncadd.s32 $0xFFFFE000  }
0x166: {  	[spmem:s2] =	stream.indirect.scatter.add.f32 [tilespmem:s20], [sflag:$0x5], $0x40, s7, s21, $0xb8;
	[tilespmem:$0x1D000] =	vst v63  }
0x167: {  	_ =	swait.ge [sflag:s16], $0x2000  }
0x168: {  	[sflag:s16] =	ssyncset.done $0x0  }
0x169: {  	s26 =	simm.s32 $0x380;
	[sflag:s16] =	ssyncadd.s32 $0xFFFFE000  }
0x16a: {  	[tilespmem:s28], [sflag:$0x4] =	stream.indirect.gather [hbm4b:s5+s21], $0x40, s26, s21, $0xb8;
	[tilespmem:$0x1D000] =	vst v63  }
0x16b: {  	_ =	swait.ge [sflag:s29], $0x2000  }
0x16c: {  	[sflag:s29] =	ssyncset.done $0x0  }
0x16d: {  	s7 =	simm.s32 $0x3A80;
	[sflag:s29] =	ssyncadd.s32 $0xFFFFE000  }
0x16e: {  	[spmem:s2] =	stream.indirect.scatter.add.f32 [tilespmem:s22], [sflag:$0x6], $0x40, s7, s21, $0xb8;
	[tilespmem:$0x1D000] =	vst v63  }
0x16f: {  	_ =	swait.ge [sflag:s31], $0x2000  }
0x170: {  	[sflag:s31] =	ssyncset.done $0x0  }
0x171: {  	s26 =	simm.s32 $0x400;
	[sflag:s31] =	ssyncadd.s32 $0xFFFFE000  }
0x172: {  	[tilespmem:s20], [sflag:$0x1] =	stream.indirect.gather [hbm4b:s5+s21], $0x40, s26, s21, $0xb8;
	[tilespmem:$0x1D000] =	vst v63  }
0x173: {  	_ =	swait.ge [sflag:s0], $0x2000  }
0x174: {  	[sflag:s0] =	ssyncset.done $0x0  }
0x175: {  	s7 =	simm.s32 $0x3B00;
	[sflag:s0] =	ssyncadd.s32 $0xFFFFE000  }
0x176: {  	[spmem:s2] =	stream.indirect.scatter.add.f32 [tilespmem:s24], [sflag:$0x7], $0x40, s7, s21, $0xb8;
	[tilespmem:$0x1D000] =	vst v63  }
0x177: {  	_ =	swait.ge [sflag:s6], $0x2000  }
0x178: {  	[sflag:s6] =	ssyncset.done $0x0  }
0x179: {  	s26 =	simm.s32 $0x480;
	[sflag:s6] =	ssyncadd.s32 $0xFFFFE000  }
0x17a: {  	[tilespmem:s22], [sflag:$0x2] =	stream.indirect.gather [hbm4b:s5+s21], $0x40, s26, s21, $0xb8;
	[tilespmem:$0x1D000] =	vst v63  }
0x17b: {  	_ =	swait.ge [sflag:s23], $0x2000  }
0x17c: {  	[sflag:s23] =	ssyncset.done $0x0  }
0x17d: {  	s3 =	simm.s32 $0x800;
	s7 =	simm.s32 $0x3B80;
	[sflag:s23] =	ssyncadd.s32 $0xFFFFE000  }
.LBB2_10:
0x17e: {  	[spmem:s2] =	stream.indirect.scatter.add.f32 [tilespmem:s28], [sflag:$0x8], $0x40, s7, s21, $0xb8;
	[tilespmem:$0x1D000] =	vst v63  }
0x17f: {  	s7 =	smov.u32 s3  }
0x180: {  	p0 =	sne.s32 s3, $0xC800;
	s3 =	sadd.s32 $0x800, s3;
	_ =	swait.ge [sflag:s15], $0x2000  }
0x181: {  	s7 =	sshra.s32 s7, $0x2;
	[sflag:s15] =	ssyncset.done $0x0  }
0x182: {  	s26 =	sadd.s32 $0x300, s7;
	[sflag:s15] =	ssyncadd.s32 $0xFFFFE000  }
0x183: {  	[tilespmem:s24], [sflag:$0x3] =	stream.indirect.gather [hbm4b:s5+s21], $0x40, s26, s21, $0xb8;
	[tilespmem:$0x1D000] =	vst v63  }
0x184: {  	_ =	swait.ge [sflag:s25], $0x2000  }
0x185: {  	[sflag:s25] =	ssyncset.done $0x0  }
0x186: {  	s26 =	sadd.s32 $0x3A00, s7;
	[sflag:s25] =	ssyncadd.s32 $0xFFFFE000  }
0x187: {  	[spmem:s2] =	stream.indirect.scatter.add.f32 [tilespmem:s20], [sflag:$0x5], $0x40, s26, s21, $0xb8;
	[tilespmem:$0x1D000] =	vst v63  }
0x188: {  	_ =	swait.ge [sflag:s16], $0x2000  }
0x189: {  	[sflag:s16] =	ssyncset.done $0x0  }
0x18a: {  	s26 =	sadd.s32 $0x380, s7;
	[sflag:s16] =	ssyncadd.s32 $0xFFFFE000  }
0x18b: {  	[tilespmem:s28], [sflag:$0x4] =	stream.indirect.gather [hbm4b:s5+s21], $0x40, s26, s21, $0xb8;
	[tilespmem:$0x1D000] =	vst v63  }
0x18c: {  	_ =	swait.ge [sflag:s29], $0x2000  }
0x18d: {  	[sflag:s29] =	ssyncset.done $0x0  }
0x18e: {  	s26 =	sadd.s32 $0x3A80, s7;
	[sflag:s29] =	ssyncadd.s32 $0xFFFFE000  }
0x18f: {  	[spmem:s2] =	stream.indirect.scatter.add.f32 [tilespmem:s22], [sflag:$0x6], $0x40, s26, s21, $0xb8;
	[tilespmem:$0x1D000] =	vst v63  }
0x190: {  	_ =	swait.ge [sflag:s31], $0x2000  }
0x191: {  	[sflag:s31] =	ssyncset.done $0x0  }
0x192: {  	s26 =	sadd.s32 $0x400, s7;
	[sflag:s31] =	ssyncadd.s32 $0xFFFFE000  }
0x193: {  	[tilespmem:s20], [sflag:$0x1] =	stream.indirect.gather [hbm4b:s5+s21], $0x40, s26, s21, $0xb8;
	[tilespmem:$0x1D000] =	vst v63  }
0x194: {  	_ =	swait.ge [sflag:s0], $0x2000  }
0x195: {  	[sflag:s0] =	ssyncset.done $0x0  }
0x196: {  	s26 =	sadd.s32 $0x3B00, s7;
	[sflag:s0] =	ssyncadd.s32 $0xFFFFE000  }
0x197: {  	[spmem:s2] =	stream.indirect.scatter.add.f32 [tilespmem:s24], [sflag:$0x7], $0x40, s26, s21, $0xb8;
	[tilespmem:$0x1D000] =	vst v63  }
0x198: {  	_ =	swait.ge [sflag:s6], $0x2000  }
0x199: {  	[sflag:s6] =	ssyncset.done $0x0  }
.Ltmp4:
0x19a: {  	s26 =	sadd.s32 $0x480, s7;
	[sflag:s6] =	ssyncadd.s32 $0xFFFFE000;
	(pc) =	sbr.rel @p0 .LBB2_10-.Ltmp4, $4  }
0x19b: {  	[tilespmem:s22], [sflag:$0x2] =	stream.indirect.gather [hbm4b:s5+s21], $0x40, s26, s21, $0xb8;
	[tilespmem:$0x1D000] =	vst v63  }
0x19c: {  	_ =	swait.ge [sflag:s23], $0x2000  }
0x19d: {  	[sflag:s23] =	ssyncset.done $0x0  }
0x19e: {  	s7 =	sadd.s32 $0x3B80, s7;
	[sflag:s23] =	ssyncadd.s32 $0xFFFFE000  }
0x19f: {  	[spmem:s2] =	stream.indirect.scatter.add.f32 [tilespmem:s28], [sflag:$0x8], $0x40, s7, s21, $0xb8;
	[tilespmem:$0x1D000] =	vst v63  }
0x1a0: {  	_ =	swait.ge [sflag:s15], $0x2000  }
0x1a1: {  	[sflag:s15] =	ssyncset.done $0x0  }
0x1a2: {  	s26 =	simm.s32 $0x3700;
	[sflag:s15] =	ssyncadd.s32 $0xFFFFE000  }
0x1a3: {  	[tilespmem:s24], [sflag:$0x3] =	stream.indirect.gather [hbm4b:s5+s21], $0x40, s26, s21, $0xb8;
	[tilespmem:$0x1D000] =	vst v63  }
0x1a4: {  	_ =	swait.ge [sflag:s25], $0x2000  }
0x1a5: {  	[sflag:s25] =	ssyncset.done $0x0  }
0x1a6: {  	s3 =	simm.s32 $0x6E00;
	[sflag:s25] =	ssyncadd.s32 $0xFFFFE000  }
0x1a7: {  	[spmem:s2] =	stream.indirect.scatter.add.f32 [tilespmem:s20], [sflag:$0x5], $0x40, s3, s21, $0xb8;
	[tilespmem:$0x1D000] =	vst v63  }
0x1a8: {  	_ =	swait.ge [sflag:s16], $0x2000  }
0x1a9: {  	[sflag:s16] =	ssyncset.done $0x0  }
0x1aa: {  	s7 =	simm.s32 $0x3780;
	[sflag:s16] =	ssyncadd.s32 $0xFFFFE000  }
0x1ab: {  	[tilespmem:s28], [sflag:$0x4] =	stream.indirect.gather [hbm4b:s5+s21], $0x40, s7, s21, $0xb8;
	[tilespmem:$0x1D000] =	vst v63  }
0x1ac: {  	_ =	swait.ge [sflag:s29], $0x2000  }
0x1ad: {  	[sflag:s29] =	ssyncset.done $0x0  }
0x1ae: {  	s7 =	simm.s32 $0x6E80;
	[sflag:s29] =	ssyncadd.s32 $0xFFFFE000  }
0x1af: {  	[spmem:s2] =	stream.indirect.scatter.add.f32 [tilespmem:s22], [sflag:$0x6], $0x40, s7, s21, $0xb8;
	[tilespmem:$0x1D000] =	vst v63  }
0x1b0: {  	_ =	swait.ge [sflag:s0], $0x2000  }
0x1b1: {  	[sflag:s0] =	ssyncset.done $0x0  }
0x1b2: {  	s7 =	simm.s32 $0x6F00;
	[sflag:s0] =	ssyncadd.s32 $0xFFFFE000  }
0x1b3: {  	[spmem:s2] =	stream.indirect.scatter.add.f32 [tilespmem:s24], [sflag:$0x7], $0x40, s7, s21, $0xb8;
	[tilespmem:$0x1D000] =	vst v63  }
0x1b4: {  	_ =	swait.ge [sflag:s23], $0x2000  }
0x1b5: {  	[sflag:s23] =	ssyncset.done $0x0  }
0x1b6: {  	s7 =	simm.s32 $0x6F80;
	[sflag:s23] =	ssyncadd.s32 $0xFFFFE000  }
0x1b7: {  	[spmem:s2] =	stream.indirect.scatter.add.f32 [tilespmem:s28], [sflag:$0x8], $0x40, s7, s21, $0xb8;
	[tilespmem:$0x1D000] =	vst v63  }
0x1b8: {  	_ =	swait.ge [sflag:s31], $0x2000  }
0x1b9: {  	[sflag:s31] =	ssyncset.done $0x0  }
0x1ba: {  	[sflag:s31] =	ssyncadd.s32 $0xFFFFE000  }
0x1bb: {  	_ =	swait.ge [sflag:s6], $0x2000  }
0x1bc: {  	[sflag:s6] =	ssyncset.done $0x0  }
0x1bd: {  	[sflag:s6] =	ssyncadd.s32 $0xFFFFE000  }
0x1be: {  	_ =	swait.ge [sflag:s15], $0x2000  }
0x1bf: {  	[sflag:s15] =	ssyncset.done $0x0  }
0x1c0: {  	[sflag:s15] =	ssyncadd.s32 $0xFFFFE000  }
0x1c1: {  	_ =	swait.ge [sflag:s16], $0x2000  }
0x1c2: {  	[sflag:s16] =	ssyncset.done $0x0  }
0x1c3: {  	[sflag:s16] =	ssyncadd.s32 $0xFFFFE000  }
0x1c4: {  	[bflag:$0x0] =	sbarrier.arrive $0xFFFF  }
0x1c5: {  	s7 =	rddreg [dreg:$0x6]  }
0x1c6: {  	[hbm:s7], [sflag:s17] =	dma.local [spmem:s1], $0x1C00  }
0x1c7: {  	_ =	swait.ge [sflag:s18], $0x1C00  }
0x1c8: {  	s30 =	sadd.s32 $0x1, s30;
	s17 =	rddreg [dreg:$0x7]  }
0x1c9: {  	p0 =	sne.s32 s30, s17  }
.Ltmp5:
0x1ca: {  	_ = 	snop;
	(pc) =	sbr.rel @p0 .LBB2_1-.Ltmp5, $3  }
0x1cb: {  	_ =	sdelay $0x1  }
0x1cc: {  	[sflag:s18] =	ssyncset.done $0x0  }
0x1cd: {  	[sflag:s18] =	ssyncadd.s32 $0xFFFFE400  }
0x1ce: {  	_ =	sfence.sel $0x180000  }
0x1cf: {  	[bflag:$0x0] =	sbarrier.arrive $0xFFFF  }
0x1d0: {  	_ =	strace $0x9000004A  }
0x1d1: {  	s0 =	stileid.u32;
	[bflag:$0x2] =	sbarrier.arrive $0xFFFF  }
0x1d2: {  	p0 =	sne.s32 s0, $0x0;
	s0 =	rddreg [dreg:$0x2]  }
0x1d3: {  	s0 =	sadd.s32 @!p0 $0x100000, s0  }
0x1d4: {  	[sflag:s0] =	ssyncadd.tile.s32 @!p0 $0x1;
	_ =	shalt  }
.Lfunc_end2:
_tile_overlayer_lowered:
.L_overlay_start_2:
0x1d5: {  	(tag) =	ssettag $0x2  }
0x1d6: {  	s0 =	rddreg [dreg:$0x0];
	s2 =	stileid.u32  }
0x1d7: {  	s1 =	rddreg [dreg:$0x1];
	p0 =	sne.s32 s2, $0x0  }
0x1d8: {  	s3 =	rddreg [dreg:$0x2];
	[bflag:$0x3] =	sbarrier.arrive $0xFFFF;
	s2 =	simm.s32 @!p0 $0x1C09  }
0x1d9: {  	[timem:s3], [sflag:s2] =	dma.local @!p0 [hbm:s0], s1  }
0x1da: {  	s0 =	simm.s32 @!p0 $0x9  }
0x1db: {  	_ =	swait.ge @!p0 [sflag:s0], s1  }
0x1dc: {  	s1 =	ssub.s32 @!p0 $0x0, s1;
	[sflag:s0] =	ssyncset.done @!p0 $0x0  }
0x1dd: {  	[sflag:s0] =	ssyncadd.s32 @!p0 s1  }
0x1de: {  	[bflag:$0x3] =	sbarrier.arrive $0xFFFF  }
0x1df: {  	_ =	shalt  }

// kernel: kernel.7.cloned.1.call-start
scs
__scs_entry_jumppad:
0x0: {  	(pc) =	sbr.rel $0x88, $3  }
0x1: {  	(tag) =	ssettag $0x0;
	lr =	simm.s32 $0x1  }
0x2: {  	[smem:$0x3F96] =	sst lr;
	_ =	strace $0xD0000000  }
0x3: {  	_ = 	snop  }
0x4: {  	_ = 	snop  }
0x5: {  	_ = 	snop  }
0x6: {  	_ = 	snop  }
0x7: {  	_ = 	snop  }
__scs_overlays_trampoline_lowered:
0x8: {  	[smem:$0x3FA5] =	sst s0  }
0x9: {  	[smem:$0x3FA6] =	sst s1  }
0xa: {  	[smem:$0x3FA7] =	sst s2  }
0xb: {  	[smem:$0x3FA8] =	sst s3  }
0xc: {  	[smem:$0x3FA9] =	sst s4  }
0xd: {  	[smem:$0x3FAA] =	sst s5  }
0xe: {  	[smem:$0x3FAB] =	sst s6  }
0xf: {  	[smem:$0x3FAC] =	sst s7  }
0x10: {  	[smem:$0x3FAD] =	sst s8  }
0x11: {  	[smem:$0x3FAE] =	sst s9;
	s0 =	simm.s32 @!p0 $0x0  }
0x12: {  	s1 =	sld [smem:$0x3F94];
	s0 =	simm.s32 @p0 $0x1  }
0x13: {  	[smem:$0x3FAF] =	sst s0;
	s0 =	simm.s32 @!p1 $0x0  }
0x14: {  	s2 =	sld [smem:$0x3F93];
	s0 =	simm.s32 @p1 $0x1  }
0x15: {  	[smem:$0x3FB0] =	sst s0;
	s0 =	simm.s32 @!p2 $0x0  }
0x16: {  	s3 =	sld [smem:$0x3FDB];
	s0 =	simm.s32 @p2 $0x1  }
0x17: {  	s4 =	simm.s32 $0x1BF5;
	[smem:$0x3FB2] =	sst s0  }
0x18: {  	s0 =	sld [smem:$0x3F95];
	_ =	swait.ge [sflag:s4], $0x0  }
0x19: {  	s7 =	sld [smem:$0x3F96]  }
0x1a: {  	s8 =	sadd.s32 $0xFFFFE003, lr  }
0x1b: {  	s9 =	sadd.s32 $0xFFFFFEF7, lr;
	s5 =	simm.s32 $0xFFFFFFFF;
	p2 =	slt.u32 s8, $0xFFFFF086  }
0x1c: {  	p1 =	slt.u32 s9, $0xF7A;
	s5 =	simm.s32 @!p2 $0x0  }
0x1d: {  	s5 =	simm.s32 @p1 $0x1;
	p0 =	seq.s32 s7, s2  }
0x1e: {  	s7 =	smul.u32 @!p0 $0xF7A, s2;
	p2 =	seq.s32 @!p0 s5, $0x0  }
0x1f: {  	s9 =	smul.u32 $0xF7A, s1;
	s8 =	simm.s32 @!p0 $0x1BF5;
	p2 =	por !p2, p0  }
0x20: {  	[sflag:s8] =	ssyncset.s32 @!p0 $0xFFFFF086;
	s6 =	sadd.s32 @!p0 s3, s7;
	s7 =	simm.s32 @!p0 $0x108  }
0x21: {  	s3 =	sadd.s32 s3, s9;
	s6 =	sadd.s32 @!p0 $0x88, s6;
	s7 =	simm.s32 @p2 $0x1082  }
0x22: {  	[simem:s7], [sflag:s8] =	dma.local @!p0 [hbm:s6], $0xF7A  }
0x23: {  	s9 =	sor.u32 $0xD0000000, s2;
	s6 =	simm.s32 $0x108;
	_ =	swait.ge @!p0 [sflag:s8], $0x0  }
0x24: {  	s3 =	sadd.s32 $0x88, s3;
	s6 =	simm.s32 @!p1 $0x1082;
	[sflag:s4] =	ssyncset.s32 $0xFFFFF086  }
0x25: {  	[simem:s6], [sflag:s4] =	dma.local [hbm:s3], $0xF7A  }
0x26: {  	[smem:$0x3F96] =	sst s1;
	(tag) =	ssettag s2;
	_ =	strace s9  }
0x27: {  	s1 =	sld [smem:$0x3FA6]  }
0x28: {  	s2 =	sld [smem:$0x3FA7]  }
0x29: {  	s4 =	sld [smem:$0x3FA9]  }
0x2a: {  	p0 =	seq.s32 s5, $0x0;
	s5 =	sld [smem:$0x3FAA]  }
0x2b: {  	s6 =	sld [smem:$0x3FAB]  }
0x2c: {  	s7 =	sld [smem:$0x3FAC]  }
0x2d: {  	s3 =	simm.s32 $0x108;
	s8 =	sld [smem:$0x3FAD]  }
0x2e: {  	s3 =	simm.s32 @!p0 $0x1082;
	s9 =	sld [smem:$0x3FAE]  }
0x2f: {  	lr =	sadd.s32 s0, s3;
	s0 =	sld [smem:$0x3FA5]  }
0x30: {  	s3 =	sld [smem:$0x3FA8]  }
0x31: {  	[smem:$0x3FB1] =	sst s10  }
0x32: {  	s10 =	sld [smem:$0x3FAF];
	_ =	sdelay $0x3  }
0x33: {  	p0 =	seq.s32 s10, $0x1;
	s10 =	sld [smem:$0x3FB1];
	_ =	sdelay $0x3  }
0x34: {  	[smem:$0x3FB1] =	sst s10  }
0x35: {  	s10 =	sld [smem:$0x3FB0];
	_ =	sdelay $0x3  }
0x36: {  	p1 =	seq.s32 s10, $0x1;
	s10 =	sld [smem:$0x3FB1];
	_ =	sdelay $0x3  }
0x37: {  	[smem:$0x3FB1] =	sst s10  }
0x38: {  	s10 =	sld [smem:$0x3FB2]  }
0x39: {  	_ = 	snop;
	(pc) =	sbr.ind lr, $3  }
0x3a: {  	_ = 	snop  }
0x3b: {  	_ = 	snop  }
0x3c: {  	p2 =	seq.s32 s10, $0x1;
	s10 =	sld [smem:$0x3FB1]  }
0x3d: {  	_ =	shalt  }
0x3e: {  	_ =	shalt  }
0x3f: {  	_ =	shalt  }
0x40: {  	_ =	shalt  }
0x41: {  	_ =	shalt  }
0x42: {  	_ =	shalt  }
0x43: {  	_ =	shalt  }
0x44: {  	_ =	shalt  }
0x45: {  	_ =	shalt  }
0x46: {  	_ =	shalt  }
0x47: {  	_ =	shalt  }
0x48: {  	_ =	shalt  }
0x49: {  	_ =	shalt  }
0x4a: {  	_ =	shalt  }
0x4b: {  	_ =	shalt  }
0x4c: {  	_ =	shalt  }
0x4d: {  	_ =	shalt  }
0x4e: {  	_ =	shalt  }
0x4f: {  	_ =	shalt  }
0x50: {  	_ =	shalt  }
0x51: {  	_ =	shalt  }
0x52: {  	_ =	shalt  }
0x53: {  	_ =	shalt  }
0x54: {  	_ =	shalt  }
0x55: {  	_ =	shalt  }
0x56: {  	_ =	shalt  }
0x57: {  	_ =	shalt  }
0x58: {  	_ =	shalt  }
0x59: {  	_ =	shalt  }
0x5a: {  	_ =	shalt  }
0x5b: {  	_ =	shalt  }
0x5c: {  	_ =	shalt  }
0x5d: {  	_ =	shalt  }
0x5e: {  	_ =	shalt  }
0x5f: {  	_ =	shalt  }
0x60: {  	_ =	shalt  }
0x61: {  	_ =	shalt  }
0x62: {  	_ =	shalt  }
0x63: {  	_ =	shalt  }
0x64: {  	_ =	shalt  }
0x65: {  	_ =	shalt  }
0x66: {  	_ =	shalt  }
0x67: {  	_ =	shalt  }
0x68: {  	_ =	shalt  }
0x69: {  	_ =	shalt  }
0x6a: {  	_ =	shalt  }
0x6b: {  	_ =	shalt  }
0x6c: {  	_ =	shalt  }
0x6d: {  	_ =	shalt  }
0x6e: {  	_ =	shalt  }
0x6f: {  	_ =	shalt  }
0x70: {  	_ =	shalt  }
0x71: {  	_ =	shalt  }
0x72: {  	_ =	shalt  }
0x73: {  	_ =	shalt  }
0x74: {  	_ =	shalt  }
0x75: {  	_ =	shalt  }
0x76: {  	_ =	shalt  }
0x77: {  	_ =	shalt  }
0x78: {  	_ =	shalt  }
0x79: {  	_ =	shalt  }
0x7a: {  	_ =	shalt  }
0x7b: {  	_ =	shalt  }
0x7c: {  	_ =	shalt  }
0x7d: {  	_ =	shalt  }
0x7e: {  	_ =	shalt  }
0x7f: {  	_ =	shalt  }
0x80: {  	_ =	shalt  }
0x81: {  	_ =	shalt  }
0x82: {  	_ =	shalt  }
0x83: {  	_ =	shalt  }
0x84: {  	_ =	shalt  }
0x85: {  	_ =	shalt  }
0x86: {  	_ =	shalt  }
0x87: {  	_ =	shalt  }
.Lfunc_end0:
.L_simem_size_0:
called_computation_lowered:
.L_overlay_start_0:
0x88: {  	s2 =	sld [smem:$0x3FD9]  }
0x89: {  	s3 =	sld [smem:$0x3FFE];
	_ =	sdelay $0x1  }
0x8a: {  	s1 =	srdreg.scid  }
0x8b: {  	s0 =	sand.u32 $0x1, s1  }
0x8c: {  	s16 =	sshll.u32 s0, $0xA;
	s2 =	sadd.s32 s3, s2  }
0x8d: {  	s2 =	sadd.s32 s2, s16  }
0x8e: {  	[smem:$0x3FBD] =	sst s2  }
0x8f: {  	_ = 	snop  }
0x90: {  	(tm) =	ssettm $0x1  }
0x91: {  	s17 =	sld [smem:$0x3FFB];
	_ =	sdelay $0x3  }
0x92: {  	_ =	strace s17  }
0x93: {  	s2 =	sld [smem:$0x3FFC];
	_ =	sdelay $0x3  }
0x94: {  	_ =	strace s2  }
0x95: {  	s2 =	sld [smem:$0x3FFD];
	_ =	sdelay $0x3  }
0x96: {  	_ =	strace s2  }
0x97: {  	_ =	strace $0x8FFFFFFF  }
0x98: {  	s18 =	sld [smem:$0x3FDB];
	_ =	sdelay $0x1  }
0x99: {  	s19 =	simm.s32 $_scs_section_size  }
0x9a: {  	s4 =	simm.s32 $_size__tile_overlayer_lowered;
	s5 =	simm.s32 $_tile_overlayer_lowered  }
0x9b: {  	s22 =	simm.s32 $0x1BFF;
	s21 =	sshll.u32 s5, $0x1;
	s2 =	sadd.s32 s19, s18  }
0x9c: {  	s6 =	simm.s32 $0x0;
	s20 =	sshll.u32 s4, $0x1;
	s4 =	sadd.s32 s21, s2  }
0x9d: {  	[timem:s6], [sflag:s22] =	dma.local [hbm:s4], s20  }
0x9e: {  	_ =	swait.ge [sflag:s22], s20  }
0x9f: {  	s3 =	ssub.s32 $0x0, s20;
	[sflag:s22] =	ssyncset.done $0x0  }
0xa0: {  	[sflag:s22] =	ssyncadd.s32 s3;
	_ =	sdelay $0x1  }
0xa1: {  	s23 =	simm.s32 $0x1B8B  }
0xa2: {  	_ =	swait.ge [sflag:s23], $0x1  }
0xa3: {  	[sflag:s23] =	ssyncset.done $0x0  }
0xa4: {  	s25 =	simm.s32 $0x1B8E;
	s24 =	sld [smem:$0x3FFE];
	[sflag:s23] =	ssyncadd.s32 $0xFFFFFFFF  }
0xa5: {  	s26 =	simm.s32 $execute0_lowered;
	[smem:$0x3FD2] =	sst s25  }
0xa6: {  	s4 =	sshll.u32 s26, $0x1;
	_ =	strace $0x80000046;
	[dreg:$0x1] =	wrdreg $0xFFFFFFFF  }
0xa7: {  	s28 =	simm.s32 $_size_execute0_lowered;
	s2 =	sadd.s32 s2, s4;
	[dreg:$0x0] =	wrdreg $0x0  }
0xa8: {  	s4 =	sshll.u32 s28, $0x1;
	[dreg:$0x2] =	wrdreg s2  }
0xa9: {  	[dreg:$0x3] =	wrdreg s4  }
0xaa: {  	[dreg:$0x4] =	wrdreg $0xC0  }
0xab: {  	_ =	task [dreg:s6], $0x5FFFF  }
0xac: {  	[dreg:$0x1] =	wrdreg $0xFFFFFFFF  }
0xad: {  	[dreg:$0x0] =	wrdreg $0x60  }
0xae: {  	[dreg:$0x2] =	wrdreg s24  }
0xaf: {  	[dreg:$0x3] =	wrdreg $0x9  }
0xb0: {  	_ =	task.clear_ibuf [dreg:s6], $0x4FFFF;
	_ =	strace $0x90000046  }
0xb1: {  	s29 =	simm.s32 $0x9;
	_ =	strace $0x80000048  }
0xb2: {  	_ =	swait.ge [sflag:s29], $0x1  }
0xb3: {  	[sflag:s29] =	ssyncadd.s32 $0xFFFFFFFF  }
0xb4: {  	_ =	strace $0x90000048  }
0xb5: {  	_ =	sfence  }
0xb6: {  	s30 =	sld [smem:$0x0];
	_ =	sdelay $0x2  }
0xb7: {  	s31 =	sshll.u32 s1, $0xD;
	s1 =	sshrl.u32 s1, $0x2  }
0xb8: {  	s3 =	sand.u32 $0x4000, s31;
	s1 =	sadd.s32 s1, s30  }
0xb9: {  	s0 =	sor.u32 s3, s0;
	s1 =	sshll.u32 s1, $0x11  }
0xba: {  	s0 =	sor.u32 s1, s0  }
0xbb: {  	s0 =	sadd.s32 $0x8F2B, s0  }
0xbc: {  	[sflag:s0] =	ssyncadd.remote.s32 $0x1  }
0xbd: {  	_ =	sfence.sel $0xFFFF  }
0xbe: {  	[dreg:$0x0] =	wrdreg $0xFFFFFFFF;
	(pc) =	sbr.abs _section_cstart, $3  }
0xbf: {  	[dreg:$0x1] =	wrdreg $0xFFFFFFFF  }
0xc0: {  	_ =	task.clear_ibuf [dreg:s6], $0x2FFFF;
	_ =	strace $0x9FFFFFFF  }
0xc1: {  	(tm) =	ssettm $0x7FFFFFFF  }
tec
execute0_lowered:
.L_overlay_start_1:
0x0: {  	(tag) =	ssettag $0x1  }
0x1: {  	s0 =	srdreg.scid  }
0x2: {  	s4 =	rddreg [dreg:$0x0];
	s2 =	simm.s32 $0x0;
	s3 =	sand.u32 $0x1, s0  }
0x3: {  	s8 =	simm.s32 $0x80;
	s0 =	stileid.u32;
	s1 =	sshll.u32 s3, $0x4  }
0x4: {  	s9 =	simm.s32 $0x400;
	s10 =	simm.s32 $0x0;
	s5 =	sor.u32 s0, s1  }
0x5: {  	[smem:$0x7FF] =	sst s2;
	s7 =	sshll.u32 s0, $0x7;
	s6 =	sshrl.u32 s5, $0x3  }
0x6: {  	s3 =	ssub.s32 $0x2, s3;
	s1 =	rddreg [dreg:$0x1];
	s6 =	smul.u32 $0x1C000, s6  }
0x7: {  	s7 =	sand.u32 $0x380, s7;
	s30 =	sshrl.u32 s3, $0x1;
	s5 =	smul.u32 $0x3800, s5  }
0x8: {  	_ =	strace $0x80000047;
	s31 =	ssub.s32 s3, s30;
	s6 =	sor.u32 s7, s6  }
0x9: {  	s5 =	sshrl.u32 s5, $0x3;
	s7 =	simm.s32 $0x3800;
	s6 =	sshrl.u32 s6, $0x3  }
0xa: {  	s6 =	sadd.s32 s6, s4;
	s4 =	sadd.s32 s4, s5;
	s5 =	smax.u32 s31, $0x1  }
0xb: {  	v0 =	vimm.f32 $0.0e+00;
	v1 =	vimm.f32 $1.000000000e+00;
	s3 =	sadd.s32 $0x10A00, s4;
	s4 =	sadd.s32 $0x1EA00, s6;
	s6 =	simm.s32 $0x1  }
.LBB2_1:
0xc: {  	[tilespmem:s2], [sflag:$0x1] =	stream.linear.gather [hbm4b:s3+s2], $0x3800, $0x38;
	[tilespmem:$0x7000] =	vst v63  }
0xd: {  	_ =	swait.ge [sflag:s6], $0x3800  }
0xe: {  	[sflag:s6] =	ssyncset.done $0x0  }
0xf: {  	s13 =	simm.s32 $0x3840;
	[sflag:s6] =	ssyncadd.s32 $0xFFFFC800  }
0x10: {  	[tilespmem:s13+$0xFFFFFFC0] =	vst v0  }
0x11: {  	[tilespmem:s13+$0x30] =	vst v0  }
0x12: {  	[tilespmem:s13+$0x20] =	vst v0  }
0x13: {  	[tilespmem:s13+$0x10] =	vst v0  }
0x14: {  	[tilespmem:s13+$0x0] =	vst v0  }
0x15: {  	[tilespmem:s13+$0xFFFFFFF0] =	vst v0  }
0x16: {  	s14 =	simm.s32 $0x0;
	s11 =	simm.s32 $0x100;
	[tilespmem:s13+$0xFFFFFFE0] =	vst v0  }
.LBB2_2:
0x17: {  	s14 =	sadd.s32 $0x8, s14;
	[tilespmem:s13+$0xFFFFFFD0] =	vst v0;
	s13 =	sadd.s32 $0x80, s13;
	s12 =	simm.s32 $0xFFFFFFFC  }
0x18: {  	[tilespmem:s13+$0xFFFFFFC0] =	vst v0;
	p0 =	slt.u32 s14, $0x378  }
0x19: {  	[tilespmem:s13+$0x30] =	vst v0  }
.Ltmp0:
0x1a: {  	[tilespmem:s13+$0x20] =	vst v0;
	(pc) =	sbr.rel @p0 .LBB2_2-.Ltmp0, $4  }
0x1b: {  	[tilespmem:s13+$0x10] =	vst v0  }
0x1c: {  	[tilespmem:s13+$0x0] =	vst v0  }
0x1d: {  	[tilespmem:s13+$0xFFFFFFF0] =	vst v0  }
0x1e: {  	[tilespmem:s13+$0xFFFFFFE0] =	vst v0  }
0x1f: {  	[tilespmem:s13+$0xFFFFFFD0] =	vst v0  }
.LBB2_4:
0x20: {  	v2 =	vld [tilespmem:s11+$0xFFFFFF00];
	_ =	sdelay $0x4  }
0x21: {  	v3 =	vmul.u32 $0x12493, v2;
	_ =	sdelay $0x1  }
0x22: {  	v3 =	vshrl.u32 v3, $0x14  }
0x23: {  	v4 =	vmul.u32 $0x3FFFF2, v3;
	_ =	sdelay $0x1  }
0x24: {  	v2 =	vadd.s32 v2, v4  }
0x25: {  	v2 =	vshll.u32 v2, $0xA  }
0x26: {  	v2 =	vadd.s32 v3, v2;
	_ =	sdelay $0x4  }
0x27: {  	[tilespmem:v2+s7+$0x0] =	vst.idx.add.f32.msk $0xffff, v1  }
0x28: {  	v2 =	vld [tilespmem:s11+$0xFFFFFF10];
	_ =	sdelay $0x4  }
0x29: {  	v3 =	vmul.u32 $0x12493, v2;
	_ =	sdelay $0x1  }
0x2a: {  	v3 =	vshrl.u32 v3, $0x14  }
0x2b: {  	v33 =	vmul.u32 $0x3FFFF2, v3;
	_ =	sdelay $0x1  }
0x2c: {  	v2 =	vadd.s32 v2, v33  }
0x2d: {  	v2 =	vshll.u32 v2, $0xA  }
0x2e: {  	v2 =	vadd.s32 v3, v2;
	_ =	sdelay $0x4  }
0x2f: {  	[tilespmem:v2+s7+$0x0] =	vst.idx.add.f32.msk $0xffff, v1  }
0x30: {  	v2 =	vld [tilespmem:s11+$0xFFFFFF20];
	_ =	sdelay $0x4  }
0x31: {  	v3 =	vmul.u32 $0x12493, v2;
	_ =	sdelay $0x1  }
0x32: {  	v3 =	vshrl.u32 v3, $0x14  }
0x33: {  	v34 =	vmul.u32 $0x3FFFF2, v3;
	_ =	sdelay $0x1  }
0x34: {  	v2 =	vadd.s32 v2, v34  }
0x35: {  	v2 =	vshll.u32 v2, $0xA  }
0x36: {  	v2 =	vadd.s32 v3, v2;
	_ =	sdelay $0x4  }
0x37: {  	[tilespmem:v2+s7+$0x0] =	vst.idx.add.f32.msk $0xffff, v1  }
0x38: {  	v2 =	vld [tilespmem:s11+$0xFFFFFF30];
	_ =	sdelay $0x4  }
0x39: {  	v3 =	vmul.u32 $0x12493, v2;
	_ =	sdelay $0x1  }
0x3a: {  	v3 =	vshrl.u32 v3, $0x14  }
0x3b: {  	v35 =	vmul.u32 $0x3FFFF2, v3;
	_ =	sdelay $0x1  }
0x3c: {  	v2 =	vadd.s32 v2, v35  }
0x3d: {  	v2 =	vshll.u32 v2, $0xA  }
0x3e: {  	v2 =	vadd.s32 v3, v2;
	_ =	sdelay $0x4  }
0x3f: {  	[tilespmem:v2+s7+$0x0] =	vst.idx.add.f32.msk $0xffff, v1  }
0x40: {  	v2 =	vld [tilespmem:s11+$0xFFFFFF40];
	_ =	sdelay $0x4  }
0x41: {  	v3 =	vmul.u32 $0x12493, v2;
	_ =	sdelay $0x1  }
0x42: {  	v3 =	vshrl.u32 v3, $0x14  }
0x43: {  	v36 =	vmul.u32 $0x3FFFF2, v3;
	_ =	sdelay $0x1  }
0x44: {  	v2 =	vadd.s32 v2, v36  }
0x45: {  	v2 =	vshll.u32 v2, $0xA  }
0x46: {  	v2 =	vadd.s32 v3, v2;
	_ =	sdelay $0x4  }
0x47: {  	[tilespmem:v2+s7+$0x0] =	vst.idx.add.f32.msk $0xffff, v1  }
0x48: {  	v2 =	vld [tilespmem:s11+$0xFFFFFF50];
	_ =	sdelay $0x4  }
0x49: {  	v3 =	vmul.u32 $0x12493, v2;
	_ =	sdelay $0x1  }
0x4a: {  	v3 =	vshrl.u32 v3, $0x14  }
0x4b: {  	v37 =	vmul.u32 $0x3FFFF2, v3;
	_ =	sdelay $0x1  }
0x4c: {  	v2 =	vadd.s32 v2, v37  }
0x4d: {  	v2 =	vshll.u32 v2, $0xA  }
0x4e: {  	v2 =	vadd.s32 v3, v2;
	_ =	sdelay $0x4  }
0x4f: {  	[tilespmem:v2+s7+$0x0] =	vst.idx.add.f32.msk $0xffff, v1  }
0x50: {  	v2 =	vld [tilespmem:s11+$0xFFFFFF60];
	_ =	sdelay $0x4  }
0x51: {  	v3 =	vmul.u32 $0x12493, v2;
	_ =	sdelay $0x1  }
0x52: {  	v3 =	vshrl.u32 v3, $0x14  }
0x53: {  	v38 =	vmul.u32 $0x3FFFF2, v3;
	_ =	sdelay $0x1  }
0x54: {  	v2 =	vadd.s32 v2, v38  }
0x55: {  	v2 =	vshll.u32 v2, $0xA  }
0x56: {  	v2 =	vadd.s32 v3, v2;
	_ =	sdelay $0x4  }
0x57: {  	[tilespmem:v2+s7+$0x0] =	vst.idx.add.f32.msk $0xffff, v1  }
0x58: {  	v2 =	vld [tilespmem:s11+$0xFFFFFF70];
	_ =	sdelay $0x4  }
0x59: {  	v3 =	vmul.u32 $0x12493, v2;
	_ =	sdelay $0x1  }
0x5a: {  	v3 =	vshrl.u32 v3, $0x14  }
0x5b: {  	v39 =	vmul.u32 $0x3FFFF2, v3;
	_ =	sdelay $0x1  }
0x5c: {  	v2 =	vadd.s32 v2, v39  }
0x5d: {  	v2 =	vshll.u32 v2, $0xA  }
0x5e: {  	v2 =	vadd.s32 v3, v2;
	_ =	sdelay $0x4  }
0x5f: {  	[tilespmem:v2+s7+$0x0] =	vst.idx.add.f32.msk $0xffff, v1  }
0x60: {  	v2 =	vld [tilespmem:s11+$0xFFFFFF80];
	_ =	sdelay $0x4  }
0x61: {  	v3 =	vmul.u32 $0x12493, v2;
	_ =	sdelay $0x1  }
0x62: {  	v3 =	vshrl.u32 v3, $0x14  }
0x63: {  	v40 =	vmul.u32 $0x3FFFF2, v3;
	_ =	sdelay $0x1  }
0x64: {  	v2 =	vadd.s32 v2, v40  }
0x65: {  	v2 =	vshll.u32 v2, $0xA  }
0x66: {  	v2 =	vadd.s32 v3, v2;
	_ =	sdelay $0x4  }
0x67: {  	[tilespmem:v2+s7+$0x0] =	vst.idx.add.f32.msk $0xffff, v1  }
0x68: {  	v2 =	vld [tilespmem:s11+$0xFFFFFF90];
	_ =	sdelay $0x4  }
0x69: {  	v3 =	vmul.u32 $0x12493, v2;
	_ =	sdelay $0x1  }
0x6a: {  	v3 =	vshrl.u32 v3, $0x14  }
0x6b: {  	v41 =	vmul.u32 $0x3FFFF2, v3;
	_ =	sdelay $0x1  }
0x6c: {  	v2 =	vadd.s32 v2, v41  }
0x6d: {  	v2 =	vshll.u32 v2, $0xA  }
0x6e: {  	v2 =	vadd.s32 v3, v2;
	_ =	sdelay $0x4  }
0x6f: {  	[tilespmem:v2+s7+$0x0] =	vst.idx.add.f32.msk $0xffff, v1  }
0x70: {  	v2 =	vld [tilespmem:s11+$0xFFFFFFA0];
	_ =	sdelay $0x4  }
0x71: {  	v3 =	vmul.u32 $0x12493, v2;
	_ =	sdelay $0x1  }
0x72: {  	v3 =	vshrl.u32 v3, $0x14  }
0x73: {  	v42 =	vmul.u32 $0x3FFFF2, v3;
	_ =	sdelay $0x1  }
0x74: {  	v2 =	vadd.s32 v2, v42  }
0x75: {  	v2 =	vshll.u32 v2, $0xA  }
0x76: {  	v2 =	vadd.s32 v3, v2;
	_ =	sdelay $0x4  }
0x77: {  	[tilespmem:v2+s7+$0x0] =	vst.idx.add.f32.msk $0xffff, v1  }
0x78: {  	v2 =	vld [tilespmem:s11+$0xFFFFFFB0];
	_ =	sdelay $0x4  }
0x79: {  	v3 =	vmul.u32 $0x12493, v2;
	_ =	sdelay $0x1  }
0x7a: {  	v3 =	vshrl.u32 v3, $0x14  }
0x7b: {  	v43 =	vmul.u32 $0x3FFFF2, v3;
	_ =	sdelay $0x1  }
0x7c: {  	v2 =	vadd.s32 v2, v43  }
0x7d: {  	v2 =	vshll.u32 v2, $0xA  }
0x7e: {  	v2 =	vadd.s32 v3, v2;
	_ =	sdelay $0x4  }
0x7f: {  	[tilespmem:v2+s7+$0x0] =	vst.idx.add.f32.msk $0xffff, v1  }
0x80: {  	v2 =	vld [tilespmem:s11+$0xFFFFFFC0];
	_ =	sdelay $0x4  }
0x81: {  	v3 =	vmul.u32 $0x12493, v2;
	_ =	sdelay $0x1  }
0x82: {  	v3 =	vshrl.u32 v3, $0x14  }
0x83: {  	v44 =	vmul.u32 $0x3FFFF2, v3;
	_ =	sdelay $0x1  }
0x84: {  	v2 =	vadd.s32 v2, v44  }
0x85: {  	v2 =	vshll.u32 v2, $0xA  }
0x86: {  	v2 =	vadd.s32 v3, v2;
	_ =	sdelay $0x4  }
0x87: {  	[tilespmem:v2+s7+$0x0] =	vst.idx.add.f32.msk $0xffff, v1  }
0x88: {  	v2 =	vld [tilespmem:s11+$0xFFFFFFD0];
	_ =	sdelay $0x4  }
0x89: {  	v3 =	vmul.u32 $0x12493, v2;
	_ =	sdelay $0x1  }
0x8a: {  	v3 =	vshrl.u32 v3, $0x14  }
0x8b: {  	v45 =	vmul.u32 $0x3FFFF2, v3;
	_ =	sdelay $0x1  }
0x8c: {  	v2 =	vadd.s32 v2, v45  }
0x8d: {  	v2 =	vshll.u32 v2, $0xA  }
0x8e: {  	v2 =	vadd.s32 v3, v2;
	_ =	sdelay $0x4  }
0x8f: {  	[tilespmem:v2+s7+$0x0] =	vst.idx.add.f32.msk $0xffff, v1  }
0x90: {  	v2 =	vld [tilespmem:s11+$0xFFFFFFE0];
	_ =	sdelay $0x4  }
0x91: {  	v3 =	vmul.u32 $0x12493, v2;
	_ =	sdelay $0x1  }
0x92: {  	v3 =	vshrl.u32 v3, $0x14  }
0x93: {  	v46 =	vmul.u32 $0x3FFFF2, v3;
	_ =	sdelay $0x1  }
0x94: {  	v2 =	vadd.s32 v2, v46  }
0x95: {  	v2 =	vshll.u32 v2, $0xA  }
0x96: {  	v2 =	vadd.s32 v3, v2;
	_ =	sdelay $0x4  }
0x97: {  	[tilespmem:v2+s7+$0x0] =	vst.idx.add.f32.msk $0xffff, v1  }
0x98: {  	v2 =	vld [tilespmem:s11+$0xFFFFFFF0];
	_ =	sdelay $0x4  }
0x99: {  	v3 =	vmul.u32 $0x12493, v2;
	_ =	sdelay $0x1  }
0x9a: {  	v3 =	vshrl.u32 v3, $0x14  }
0x9b: {  	v47 =	vmul.u32 $0x3FFFF2, v3;
	_ =	sdelay $0x1  }
0x9c: {  	v2 =	vadd.s32 v2, v47  }
0x9d: {  	v2 =	vshll.u32 v2, $0xA  }
0x9e: {  	v2 =	vadd.s32 v3, v2;
	_ =	sdelay $0x4  }
0x9f: {  	[tilespmem:v2+s7+$0x0] =	vst.idx.add.f32.msk $0xffff, v1  }
0xa0: {  	v2 =	vld [tilespmem:s11+$0x0];
	_ =	sdelay $0x4  }
0xa1: {  	v3 =	vmul.u32 $0x12493, v2;
	_ =	sdelay $0x1  }
0xa2: {  	v3 =	vshrl.u32 v3, $0x14  }
0xa3: {  	v48 =	vmul.u32 $0x3FFFF2, v3;
	_ =	sdelay $0x1  }
0xa4: {  	v2 =	vadd.s32 v2, v48  }
0xa5: {  	v2 =	vshll.u32 v2, $0xA  }
0xa6: {  	v2 =	vadd.s32 v3, v2;
	_ =	sdelay $0x4  }
0xa7: {  	[tilespmem:v2+s7+$0x0] =	vst.idx.add.f32.msk $0xffff, v1  }
0xa8: {  	v2 =	vld [tilespmem:s11+$0x10];
	_ =	sdelay $0x4  }
0xa9: {  	v3 =	vmul.u32 $0x12493, v2;
	_ =	sdelay $0x1  }
0xaa: {  	v3 =	vshrl.u32 v3, $0x14  }
0xab: {  	v49 =	vmul.u32 $0x3FFFF2, v3;
	_ =	sdelay $0x1  }
0xac: {  	v2 =	vadd.s32 v2, v49  }
0xad: {  	v2 =	vshll.u32 v2, $0xA  }
0xae: {  	v2 =	vadd.s32 v3, v2;
	_ =	sdelay $0x4  }
0xaf: {  	[tilespmem:v2+s7+$0x0] =	vst.idx.add.f32.msk $0xffff, v1  }
0xb0: {  	v2 =	vld [tilespmem:s11+$0x20];
	_ =	sdelay $0x4  }
0xb1: {  	v3 =	vmul.u32 $0x12493, v2;
	_ =	sdelay $0x1  }
0xb2: {  	v3 =	vshrl.u32 v3, $0x14  }
0xb3: {  	v50 =	vmul.u32 $0x3FFFF2, v3;
	_ =	sdelay $0x1  }
0xb4: {  	v2 =	vadd.s32 v2, v50  }
0xb5: {  	v2 =	vshll.u32 v2, $0xA  }
0xb6: {  	v2 =	vadd.s32 v3, v2;
	_ =	sdelay $0x4  }
0xb7: {  	[tilespmem:v2+s7+$0x0] =	vst.idx.add.f32.msk $0xffff, v1  }
0xb8: {  	v2 =	vld [tilespmem:s11+$0x30];
	_ =	sdelay $0x4  }
0xb9: {  	v3 =	vmul.u32 $0x12493, v2;
	_ =	sdelay $0x1  }
0xba: {  	v3 =	vshrl.u32 v3, $0x14  }
0xbb: {  	v51 =	vmul.u32 $0x3FFFF2, v3;
	_ =	sdelay $0x1  }
0xbc: {  	v2 =	vadd.s32 v2, v51  }
0xbd: {  	v2 =	vshll.u32 v2, $0xA  }
0xbe: {  	v2 =	vadd.s32 v3, v2;
	_ =	sdelay $0x4  }
0xbf: {  	[tilespmem:v2+s7+$0x0] =	vst.idx.add.f32.msk $0xffff, v1  }
0xc0: {  	v2 =	vld [tilespmem:s11+$0x40];
	_ =	sdelay $0x4  }
0xc1: {  	v3 =	vmul.u32 $0x12493, v2;
	_ =	sdelay $0x1  }
0xc2: {  	v3 =	vshrl.u32 v3, $0x14  }
0xc3: {  	v52 =	vmul.u32 $0x3FFFF2, v3;
	_ =	sdelay $0x1  }
0xc4: {  	v2 =	vadd.s32 v2, v52  }
0xc5: {  	v2 =	vshll.u32 v2, $0xA  }
0xc6: {  	v2 =	vadd.s32 v3, v2;
	_ =	sdelay $0x4  }
0xc7: {  	[tilespmem:v2+s7+$0x0] =	vst.idx.add.f32.msk $0xffff, v1  }
0xc8: {  	v2 =	vld [tilespmem:s11+$0x50];
	_ =	sdelay $0x4  }
0xc9: {  	v3 =	vmul.u32 $0x12493, v2;
	_ =	sdelay $0x1  }
0xca: {  	v3 =	vshrl.u32 v3, $0x14  }
0xcb: {  	v53 =	vmul.u32 $0x3FFFF2, v3;
	_ =	sdelay $0x1  }
0xcc: {  	v2 =	vadd.s32 v2, v53  }
0xcd: {  	v2 =	vshll.u32 v2, $0xA  }
0xce: {  	v2 =	vadd.s32 v3, v2;
	_ =	sdelay $0x4  }
0xcf: {  	[tilespmem:v2+s7+$0x0] =	vst.idx.add.f32.msk $0xffff, v1  }
0xd0: {  	v2 =	vld [tilespmem:s11+$0x60];
	_ =	sdelay $0x4  }
0xd1: {  	v3 =	vmul.u32 $0x12493, v2;
	_ =	sdelay $0x1  }
0xd2: {  	v3 =	vshrl.u32 v3, $0x14  }
0xd3: {  	v54 =	vmul.u32 $0x3FFFF2, v3;
	_ =	sdelay $0x1  }
0xd4: {  	v2 =	vadd.s32 v2, v54  }
0xd5: {  	v2 =	vshll.u32 v2, $0xA  }
0xd6: {  	v2 =	vadd.s32 v3, v2;
	_ =	sdelay $0x4  }
0xd7: {  	[tilespmem:v2+s7+$0x0] =	vst.idx.add.f32.msk $0xffff, v1  }
0xd8: {  	v2 =	vld [tilespmem:s11+$0x70];
	_ =	sdelay $0x4  }
0xd9: {  	v3 =	vmul.u32 $0x12493, v2;
	_ =	sdelay $0x1  }
0xda: {  	v3 =	vshrl.u32 v3, $0x14  }
0xdb: {  	v55 =	vmul.u32 $0x3FFFF2, v3;
	_ =	sdelay $0x1  }
0xdc: {  	v2 =	vadd.s32 v2, v55  }
0xdd: {  	v2 =	vshll.u32 v2, $0xA  }
0xde: {  	v2 =	vadd.s32 v3, v2;
	_ =	sdelay $0x4  }
0xdf: {  	[tilespmem:v2+s7+$0x0] =	vst.idx.add.f32.msk $0xffff, v1  }
0xe0: {  	v2 =	vld [tilespmem:s11+$0x80];
	_ =	sdelay $0x4  }
0xe1: {  	v3 =	vmul.u32 $0x12493, v2;
	_ =	sdelay $0x1  }
0xe2: {  	v3 =	vshrl.u32 v3, $0x14  }
0xe3: {  	v56 =	vmul.u32 $0x3FFFF2, v3;
	_ =	sdelay $0x1  }
0xe4: {  	v2 =	vadd.s32 v2, v56  }
0xe5: {  	v2 =	vshll.u32 v2, $0xA  }
0xe6: {  	v2 =	vadd.s32 v3, v2;
	_ =	sdelay $0x4  }
0xe7: {  	[tilespmem:v2+s7+$0x0] =	vst.idx.add.f32.msk $0xffff, v1  }
0xe8: {  	v2 =	vld [tilespmem:s11+$0x90];
	_ =	sdelay $0x4  }
0xe9: {  	v3 =	vmul.u32 $0x12493, v2;
	_ =	sdelay $0x1  }
0xea: {  	v3 =	vshrl.u32 v3, $0x14  }
0xeb: {  	v57 =	vmul.u32 $0x3FFFF2, v3;
	_ =	sdelay $0x1  }
0xec: {  	v2 =	vadd.s32 v2, v57  }
0xed: {  	v2 =	vshll.u32 v2, $0xA  }
0xee: {  	v2 =	vadd.s32 v3, v2;
	_ =	sdelay $0x4  }
0xef: {  	[tilespmem:v2+s7+$0x0] =	vst.idx.add.f32.msk $0xffff, v1  }
0xf0: {  	v2 =	vld [tilespmem:s11+$0xA0];
	_ =	sdelay $0x4  }
0xf1: {  	v3 =	vmul.u32 $0x12493, v2;
	_ =	sdelay $0x1  }
0xf2: {  	v3 =	vshrl.u32 v3, $0x14  }
0xf3: {  	v58 =	vmul.u32 $0x3FFFF2, v3;
	_ =	sdelay $0x1  }
0xf4: {  	v2 =	vadd.s32 v2, v58  }
0xf5: {  	v2 =	vshll.u32 v2, $0xA  }
0xf6: {  	v2 =	vadd.s32 v3, v2;
	_ =	sdelay $0x4  }
0xf7: {  	[tilespmem:v2+s7+$0x0] =	vst.idx.add.f32.msk $0xffff, v1  }
0xf8: {  	v2 =	vld [tilespmem:s11+$0xB0];
	_ =	sdelay $0x4  }
0xf9: {  	v3 =	vmul.u32 $0x12493, v2;
	_ =	sdelay $0x1  }
0xfa: {  	v3 =	vshrl.u32 v3, $0x14  }
0xfb: {  	v59 =	vmul.u32 $0x3FFFF2, v3;
	_ =	sdelay $0x1  }
0xfc: {  	v2 =	vadd.s32 v2, v59  }
0xfd: {  	v2 =	vshll.u32 v2, $0xA  }
0xfe: {  	v2 =	vadd.s32 v3, v2;
	_ =	sdelay $0x4  }
0xff: {  	[tilespmem:v2+s7+$0x0] =	vst.idx.add.f32.msk $0xffff, v1  }
0x100: {  	v2 =	vld [tilespmem:s11+$0xC0];
	_ =	sdelay $0x4  }
0x101: {  	v3 =	vmul.u32 $0x12493, v2;
	_ =	sdelay $0x1  }
0x102: {  	v3 =	vshrl.u32 v3, $0x14  }
0x103: {  	v60 =	vmul.u32 $0x3FFFF2, v3;
	_ =	sdelay $0x1  }
0x104: {  	v2 =	vadd.s32 v2, v60  }
0x105: {  	v2 =	vshll.u32 v2, $0xA  }
0x106: {  	v2 =	vadd.s32 v3, v2;
	_ =	sdelay $0x4  }
0x107: {  	[tilespmem:v2+s7+$0x0] =	vst.idx.add.f32.msk $0xffff, v1  }
0x108: {  	v2 =	vld [tilespmem:s11+$0xD0];
	_ =	sdelay $0x4  }
0x109: {  	v3 =	vmul.u32 $0x12493, v2;
	_ =	sdelay $0x1  }
0x10a: {  	v3 =	vshrl.u32 v3, $0x14  }
0x10b: {  	v61 =	vmul.u32 $0x3FFFF2, v3;
	_ =	sdelay $0x1  }
0x10c: {  	v2 =	vadd.s32 v2, v61  }
0x10d: {  	v2 =	vshll.u32 v2, $0xA  }
0x10e: {  	v2 =	vadd.s32 v3, v2;
	_ =	sdelay $0x4  }
0x10f: {  	[tilespmem:v2+s7+$0x0] =	vst.idx.add.f32.msk $0xffff, v1  }
0x110: {  	v2 =	vld [tilespmem:s11+$0xE0];
	_ =	sdelay $0x4  }
0x111: {  	v3 =	vmul.u32 $0x12493, v2;
	_ =	sdelay $0x1  }
0x112: {  	v3 =	vshrl.u32 v3, $0x14  }
0x113: {  	v62 =	vmul.u32 $0x3FFFF2, v3;
	_ =	sdelay $0x1  }
0x114: {  	v2 =	vadd.s32 v2, v62  }
0x115: {  	v2 =	vshll.u32 v2, $0xA  }
0x116: {  	v2 =	vadd.s32 v3, v2;
	_ =	sdelay $0x4  }
0x117: {  	[tilespmem:v2+s7+$0x0] =	vst.idx.add.f32.msk $0xffff, v1  }
0x118: {  	v2 =	vld [tilespmem:s11+$0xF0];
	_ =	sdelay $0x4  }
0x119: {  	v3 =	vmul.u32 $0x12493, v2;
	_ =	sdelay $0x1  }
0x11a: {  	v3 =	vshrl.u32 v3, $0x14  }
0x11b: {  	v63 =	vmul.u32 $0x3FFFF2, v3;
	_ =	sdelay $0x1  }
0x11c: {  	v2 =	vadd.s32 v2, v63  }
0x11d: {  	s12 =	sadd.s32 $0x4, s12;
	v2 =	vshll.u32 v2, $0xA  }
0x11e: {  	p0 =	slt.u32 s12, $0x6C;
	v2 =	vadd.s32 v3, v2  }
.Ltmp1:
0x11f: {  	_ = 	snop;
	(pc) =	sbr.rel @p0 .LBB2_4-.Ltmp1, $2  }
0x120: {  	_ =	sdelay $0x2  }
0x121: {  	s11 =	sadd.s32 $0x200, s11;
	[tilespmem:v2+s7+$0x0] =	vst.idx.add.f32.msk $0xffff, v1  }
0x122: {  	s10 =	sadd.s32 $0x1, s10  }
0x123: {  	p0 =	sne.s32 s10, s5  }
.Ltmp2:
0x124: {  	_ = 	snop;
	(pc) =	sbr.rel @p0 .LBB2_1-.Ltmp2, $4  }
0x125: {  	[hbm4b:s4+s8] =	stream.strided.scatter [tilespmem:s7], [sflag:$0x1], $0x3800, s9, s8, $0x38;
	[tilespmem:$0x7000] =	vst v63  }
0x126: {  	_ =	swait.ge [sflag:s6], $0x3800  }
0x127: {  	[sflag:s6] =	ssyncset.done $0x0  }
0x128: {  	[sflag:s6] =	ssyncadd.s32 $0xFFFFC800  }
0x129: {  	_ =	sfence.sel $0x180000  }
0x12a: {  	[bflag:$0x0] =	sbarrier.arrive $0xFFFF  }
0x12b: {  	p0 =	sne.s32 s0, $0x0;
	_ =	strace $0x90000047  }
0x12c: {  	s0 =	sadd.s32 @!p0 $0x100000, s1;
	[bflag:$0x2] =	sbarrier.arrive $0xFFFF  }
0x12d: {  	[sflag:s0] =	ssyncadd.tile.s32 @!p0 $0x1;
	_ =	shalt  }
.Lfunc_end2:
_tile_overlayer_lowered:
.L_overlay_start_2:
0x12e: {  	(tag) =	ssettag $0x2  }
0x12f: {  	s0 =	rddreg [dreg:$0x0];
	s2 =	stileid.u32  }
0x130: {  	s1 =	rddreg [dreg:$0x1];
	p0 =	sne.s32 s2, $0x0  }
0x131: {  	s3 =	rddreg [dreg:$0x2];
	[bflag:$0x3] =	sbarrier.arrive $0xFFFF;
	s2 =	simm.s32 @!p0 $0x1C01  }
0x132: {  	[timem:s3], [sflag:s2] =	dma.local @!p0 [hbm:s0], s1  }
0x133: {  	s0 =	simm.s32 @!p0 $0x1  }
0x134: {  	_ =	swait.ge @!p0 [sflag:s0], s1  }
0x135: {  	s1 =	ssub.s32 @!p0 $0x0, s1;
	[sflag:s0] =	ssyncset.done @!p0 $0x0  }
0x136: {  	[sflag:s0] =	ssyncadd.s32 @!p0 s1  }
0x137: {  	[bflag:$0x3] =	sbarrier.arrive $0xFFFF  }
0x138: {  	_ =	shalt  }

</sc_bundles>
